<compile_context>
chip_gen: v7x
topology: tpu7x:2x2x1
jax: 0.10.2.dev20260603
libtpu: 0.0.44.dev20260713+nightly
codegen_flags: <defaults>
</compile_context>

<pallas_src>
import functools

import jax
import jax.numpy as jnp
from jax import lax
from jax.experimental import pallas as pl
from jax.experimental.pallas import tpu as pltpu
from jax.experimental.pallas import tpu_sc as plsc

NT = 512
NW = 32
GC = 128


def _k0_body(p2_ref, wb_ref, out_ref):
    p2 = p2_ref[0]
    out_ref[0] = lax.dot_general(
        p2, wb_ref[...], (((0,), (1,)), ((), ())),
        preferred_element_type=jnp.float32)


def _k1_body(x1_ref, x2_ref, p1_ref, wa_ref, fb_ref,
             y1a_ref, gi0_ref, gi1_ref, gi2_ref,
             w0_ref, w1_ref, w2_ref, *, S):
    b = pl.program_id(0)
    x1 = x1_ref[0]
    x2 = x2_ref[0]
    dist_nt = -2.0 * lax.dot_general(
        x1, x2, (((1,), (1,)), ((), ())), preferred_element_type=jnp.float32)
    dist_nt = dist_nt + jnp.sum(x1 * x1, axis=1, keepdims=True)
    dist_nt = dist_nt + jnp.sum(x2 * x2, axis=1)[None, :]
    dist = dist_nt.T

    iota = lax.broadcasted_iota(jnp.int32, (S, NT), 0)
    cur = dist
    recips = []
    idxs = []
    for _ in range(3):
        mn = jnp.min(cur, axis=0)
        idxk = jnp.min(jnp.where(cur == mn[None, :], iota, S),
                       axis=0)
        cur = jnp.where(iota == idxk[None, :], jnp.inf, cur)
        recips.append(1.0 / (mn + 1e-8))
        idxs.append(idxk)
    norm = recips[0] + recips[1] + recips[2]
    for gi_ref, w_ref, idxk, r in zip(
            (gi0_ref, gi1_ref, gi2_ref), (w0_ref, w1_ref, w2_ref),
            idxs, recips):
        gi_ref[...] = idxk + b * S
        w_ref[...] = r / norm

    y1a_ref[...] = lax.dot_general(
        p1_ref[0], wa_ref[...], (((0,), (1,)), ((), ())),
        preferred_element_type=jnp.float32) + fb_ref[...]


def _sc_gather_body(y1a_hbm, gi0_hbm, gi1_hbm, gi2_hbm,
                    w0_hbm, w1_hbm, w2_hbm, p2w_hbm, y1_hbm,
                    iv0, iv1, iv2, wv0, wv1, wv2,
                    r0v, r1v, r2v, yav, outv, sem, *, rows_per_worker):
    wid = lax.axis_index("s") * 2 + lax.axis_index("c")
    base = wid * rows_per_worker
    nchunks = rows_per_worker // GC

    def chunk(g, _):
        row0 = base + g * GC
        pltpu.sync_copy(gi0_hbm.at[pl.ds(row0, GC)], iv0)
        pltpu.sync_copy(gi1_hbm.at[pl.ds(row0, GC)], iv1)
        pltpu.sync_copy(gi2_hbm.at[pl.ds(row0, GC)], iv2)
        pltpu.sync_copy(w0_hbm.at[pl.ds(row0, GC)], wv0)
        pltpu.sync_copy(w1_hbm.at[pl.ds(row0, GC)], wv1)
        pltpu.sync_copy(w2_hbm.at[pl.ds(row0, GC)], wv2)
        pltpu.sync_copy(y1a_hbm.at[pl.ds(row0, GC)], yav)
        c0 = pltpu.async_copy(p2w_hbm.at[iv0], r0v, sem)
        c1 = pltpu.async_copy(p2w_hbm.at[iv1], r1v, sem)
        c2 = pltpu.async_copy(p2w_hbm.at[iv2], r2v, sem)
        c0.wait()
        c1.wait()
        c2.wait()

        def group(gg, _):
            w0g = wv0[pl.ds(gg * 16, 16)]
            w1g = wv1[pl.ds(gg * 16, 16)]
            w2g = wv2[pl.ds(gg * 16, 16)]
            for l in range(16):
                w0s = jnp.full((16,), w0g[l], jnp.float32)
                w1s = jnp.full((16,), w1g[l], jnp.float32)
                w2s = jnp.full((16,), w2g[l], jnp.float32)
                p = gg * 16 + l
                for c in range(8):
                    sl = pl.ds(c * 16, 16)
                    y = (yav[p, sl] + w0s * r0v[p, sl]
                         + w1s * r1v[p, sl] + w2s * r2v[p, sl])
                    outv[p, sl] = y
            return _

        lax.fori_loop(0, GC // 16, group, 0)
        pltpu.sync_copy(outv, y1_hbm.at[pl.ds(row0, GC)])
        return _

    lax.fori_loop(0, nchunks, chunk, 0)


def _kst_body(y_ref, stats_ref):
    @pl.when(pl.program_id(0) == 0)
    def _():
        stats_ref[...] = jnp.zeros_like(stats_ref)

    y = y_ref[...]
    stats_ref[0:1, :] = stats_ref[0:1, :] + jnp.sum(y, axis=0, keepdims=True)
    stats_ref[1:2, :] = stats_ref[1:2, :] + jnp.sum(y * y, axis=0,
                                                    keepdims=True)


def _bn_coeffs(stats, g, beta, count):
    mean = stats[0:1, :] / count
    var = stats[1:2, :] / count - mean * mean
    a = g / jnp.sqrt(var + 1e-5)
    c = beta - mean * a
    return a, c


def _k2_body(y1_ref, stats_ref, g_ref, beta_ref, w_ref, bb_ref,
             z_ref, y2_ref, stats2_ref, *, count):
    a, c = _bn_coeffs(stats_ref[...], g_ref[...], beta_ref[...], count)
    z = jnp.maximum(y1_ref[...] * a + c, 0.0)
    z_ref[...] = z
    y2 = lax.dot_general(z, w_ref[...], (((1,), (1,)), ((), ())),
                         preferred_element_type=jnp.float32) + bb_ref[...]
    y2_ref[...] = y2

    @pl.when(pl.program_id(0) == 0)
    def _():
        stats2_ref[...] = jnp.zeros_like(stats2_ref)

    stats2_ref[0:1, :] = stats2_ref[0:1, :] + jnp.sum(y2, axis=0,
                                                      keepdims=True)
    stats2_ref[1:2, :] = stats2_ref[1:2, :] + jnp.sum(y2 * y2, axis=0,
                                                      keepdims=True)


def _k3_body(y2_ref, stats_ref, g_ref, beta_ref, w_ref, bb_ref,
             y3_ref, stats3_ref, *, count):
    a, c = _bn_coeffs(stats_ref[...], g_ref[...], beta_ref[...], count)
    z2 = jnp.maximum(y2_ref[...] * a + c, 0.0)
    y3 = lax.dot_general(z2, w_ref[...], (((1,), (1,)), ((), ())),
                         preferred_element_type=jnp.float32) + bb_ref[...]
    y3_ref[...] = y3

    @pl.when(pl.program_id(0) == 0)
    def _():
        stats3_ref[...] = jnp.zeros_like(stats3_ref)

    stats3_ref[0:1, :] = stats3_ref[0:1, :] + jnp.sum(y3, axis=0,
                                                      keepdims=True)
    stats3_ref[1:2, :] = stats3_ref[1:2, :] + jnp.sum(y3 * y3, axis=0,
                                                      keepdims=True)


def _k4_body(y3_ref, z_ref, stats_ref, g_ref, beta_ref, out_ref, *, count):
    a, c = _bn_coeffs(stats_ref[...], g_ref[...], beta_ref[...], count)
    o = jnp.maximum(y3_ref[...] * a + c + z_ref[...], 0.0)
    out_ref[0] = o.T


def kernel(xyz1, xyz2, points1, points2, fuse_W, fuse_b, fuse_g, fuse_beta,
           w1, b1, g1, be1, w2, b2, g2, be2):
    B, _, N = xyz1.shape
    S = xyz2.shape[2]
    D1 = points1.shape[1]
    O = fuse_W.shape[0]
    NBLK = N // NT
    ROWS = B * N
    RBLK = ROWS // NT
    count = float(ROWS)

    x1t = jnp.transpose(xyz1, (0, 2, 1))
    x2t = jnp.transpose(xyz2, (0, 2, 1))
    wa = fuse_W[:, :D1]
    wb = fuse_W[:, D1:]
    fb = fuse_b[None, :]
    f32 = jnp.float32

    p2w = pl.pallas_call(
        _k0_body,
        grid=(B,),
        in_specs=[
            pl.BlockSpec((1, points2.shape[1], S), lambda b: (b, 0, 0)),
            pl.BlockSpec((O, points2.shape[1]), lambda b: (0, 0)),
        ],
        out_specs=pl.BlockSpec((1, S, O), lambda b: (b, 0, 0)),
        out_shape=jax.ShapeDtypeStruct((B, S, O), f32),
    )(points2, wb)

    vec_spec = pl.BlockSpec((NT,), lambda b, i: (b * NBLK + i,))
    y1a, gi0, gi1, gi2, w0v, w1v, w2v = pl.pallas_call(
        functools.partial(_k1_body, S=S),
        grid=(B, NBLK),
        in_specs=[
            pl.BlockSpec((1, NT, 3), lambda b, i: (b, i, 0)),
            pl.BlockSpec((1, S, 3), lambda b, i: (b, 0, 0)),
            pl.BlockSpec((1, D1, NT), lambda b, i: (b, 0, i)),
            pl.BlockSpec((O, D1), lambda b, i: (0, 0)),
            pl.BlockSpec((1, O), lambda b, i: (0, 0)),
        ],
        out_specs=[
            pl.BlockSpec((NT, O), lambda b, i: (b * NBLK + i, 0)),
            vec_spec, vec_spec, vec_spec, vec_spec, vec_spec, vec_spec,
        ],
        out_shape=[
            jax.ShapeDtypeStruct((ROWS, O), f32),
            jax.ShapeDtypeStruct((ROWS,), jnp.int32),
            jax.ShapeDtypeStruct((ROWS,), jnp.int32),
            jax.ShapeDtypeStruct((ROWS,), jnp.int32),
            jax.ShapeDtypeStruct((ROWS,), f32),
            jax.ShapeDtypeStruct((ROWS,), f32),
            jax.ShapeDtypeStruct((ROWS,), f32),
        ],
    )(x1t, x2t, points1, wa, fb)

    rpw = ROWS // NW
    p2w_flat = p2w.reshape(B * S, O)
    sc_gather = functools.partial(
        pl.kernel,
        mesh=plsc.VectorSubcoreMesh(core_axis_name="c", subcore_axis_name="s"),
        out_type=jax.ShapeDtypeStruct((ROWS, O), f32),
        scratch_types=[
            pltpu.VMEM((GC,), jnp.int32), pltpu.VMEM((GC,), jnp.int32),
            pltpu.VMEM((GC,), jnp.int32),
            pltpu.VMEM((GC,), f32), pltpu.VMEM((GC,), f32),
            pltpu.VMEM((GC,), f32),
            pltpu.VMEM((GC, O), f32), pltpu.VMEM((GC, O), f32),
            pltpu.VMEM((GC, O), f32), pltpu.VMEM((GC, O), f32),
            pltpu.VMEM((GC, O), f32),
            pltpu.SemaphoreType.DMA,
        ],
    )(functools.partial(_sc_gather_body, rows_per_worker=rpw))
    y1 = sc_gather(y1a, gi0, gi1, gi2, w0v, w1v, w2v, p2w_flat)

    stats1 = pl.pallas_call(
        _kst_body,
        grid=(RBLK,),
        in_specs=[pl.BlockSpec((NT, O), lambda i: (i, 0))],
        out_specs=pl.BlockSpec((8, O), lambda i: (0, 0)),
        out_shape=jax.ShapeDtypeStruct((8, O), f32),
    )(y1)

    row_specs = [
        pl.BlockSpec((NT, O), lambda i: (i, 0)),
        pl.BlockSpec((8, O), lambda i: (0, 0)),
        pl.BlockSpec((1, O), lambda i: (0, 0)),
        pl.BlockSpec((1, O), lambda i: (0, 0)),
        pl.BlockSpec((O, O), lambda i: (0, 0)),
        pl.BlockSpec((1, O), lambda i: (0, 0)),
    ]
    z, y2, stats2 = pl.pallas_call(
        functools.partial(_k2_body, count=count),
        grid=(RBLK,),
        in_specs=row_specs,
        out_specs=[
            pl.BlockSpec((NT, O), lambda i: (i, 0)),
            pl.BlockSpec((NT, O), lambda i: (i, 0)),
            pl.BlockSpec((8, O), lambda i: (0, 0)),
        ],
        out_shape=[
            jax.ShapeDtypeStruct((ROWS, O), f32),
            jax.ShapeDtypeStruct((ROWS, O), f32),
            jax.ShapeDtypeStruct((8, O), f32),
        ],
    )(y1, stats1, fuse_g[None, :], fuse_beta[None, :], w1, b1[None, :])

    y3, stats3 = pl.pallas_call(
        functools.partial(_k3_body, count=count),
        grid=(RBLK,),
        in_specs=row_specs,
        out_specs=[
            pl.BlockSpec((NT, O), lambda i: (i, 0)),
            pl.BlockSpec((8, O), lambda i: (0, 0)),
        ],
        out_shape=[
            jax.ShapeDtypeStruct((ROWS, O), f32),
            jax.ShapeDtypeStruct((8, O), f32),
        ],
    )(y2, stats2, g1[None, :], be1[None, :], w2, b2[None, :])

    out = pl.pallas_call(
        functools.partial(_k4_body, count=count),
        grid=(B, NBLK),
        in_specs=[
            pl.BlockSpec((NT, O), lambda b, i: (b * NBLK + i, 0)),
            pl.BlockSpec((NT, O), lambda b, i: (b * NBLK + i, 0)),
            pl.BlockSpec((8, O), lambda b, i: (0, 0)),
            pl.BlockSpec((1, O), lambda b, i: (0, 0)),
            pl.BlockSpec((1, O), lambda b, i: (0, 0)),
        ],
        out_specs=pl.BlockSpec((1, O, NT), lambda b, i: (b, 0, i)),
        out_shape=jax.ShapeDtypeStruct((B, O, N), f32),
    )(y3, z, stats3, g2[None, :], be2[None, :])
    return out

# --- scband reference (transcript-rebuilt; emitter-appended) ---
"""Pipeline reference for scband-apf-36120674959459 (READ-ONLY COPY).

The authoritative reference and input builder live on the scoring server;
editing this copy changes nothing except your own understanding.
"""

import jax, jax.numpy as jnp
import numpy as np


def _bn(x, g, b, eps=1e-5):
    mean = jnp.mean(x, axis=(0, 2), keepdims=True)
    var = jnp.var(x, axis=(0, 2), keepdims=True)
    return g[None, :, None] * (x - mean) / jnp.sqrt(var + eps) + b[None, :, None]


def _conv1d(x, W, b=None):
    y = jnp.einsum('bcn,oc->bon', x, W)
    if b is not None:
        y = y + b[None, :, None]
    return y


def _square_distance(src, dst):
    dist = -2.0 * jnp.einsum('bnc,bmc->bnm', src, dst)
    dist = dist + jnp.sum(src ** 2, axis=-1)[:, :, None]
    dist = dist + jnp.sum(dst ** 2, axis=-1)[:, None, :]
    return dist


def setup_inputs(seed: int = 0):
    key = jax.random.key(seed)
    ks = [jax.random.fold_in(key, i) for i in range(8)]
    B, N, S = 16, 4096, 1024
    D1, D2 = 128, 256
    Cin, Cout = 384, 128
    inp = {}
    inp['xyz1'] = jax.random.normal(ks[0], (B, 3, N), dtype=jnp.float32)
    inp['xyz2'] = jax.random.normal(ks[1], (B, 3, S), dtype=jnp.float32)
    inp['points1'] = jax.random.normal(ks[2], (B, D1, N), dtype=jnp.float32)
    inp['points2'] = jax.random.normal(ks[3], (B, D2, S), dtype=jnp.float32)
    inp['fuse_W'] = jax.random.normal(ks[4], (Cout, Cin), dtype=jnp.float32) * 0.02
    inp['fuse_b'] = jnp.zeros((Cout,), dtype=jnp.float32)
    inp['fuse_g'] = jnp.ones((Cout,), dtype=jnp.float32)
    inp['fuse_beta'] = jnp.zeros((Cout,), dtype=jnp.float32)
    inp['w1'] = jax.random.normal(ks[5], (Cout, Cout), dtype=jnp.float32) * 0.02
    inp['b1'] = jnp.zeros((Cout,), dtype=jnp.float32)
    inp['g1'] = jnp.ones((Cout,), dtype=jnp.float32)
    inp['be1'] = jnp.zeros((Cout,), dtype=jnp.float32)
    inp['w2'] = jax.random.normal(ks[6], (Cout, Cout), dtype=jnp.float32) * 0.02
    inp['b2'] = jnp.zeros((Cout,), dtype=jnp.float32)
    inp['g2'] = jnp.ones((Cout,), dtype=jnp.float32)
    inp['be2'] = jnp.zeros((Cout,), dtype=jnp.float32)
    return inp


def reference(xyz1, xyz2, points1, points2, fuse_W, fuse_b, fuse_g, fuse_beta, w1, b1, g1, be1, w2, b2, g2, be2):
    # PointNet_FeaturePropagation.forward
    x1 = jnp.transpose(xyz1, (0, 2, 1))   # [B, N, 3]
    x2 = jnp.transpose(xyz2, (0, 2, 1))   # [B, S, 3]
    p2 = jnp.transpose(points2, (0, 2, 1))  # [B, S, D2]
    B, N, _ = x1.shape
    dists = _square_distance(x1, x2)      # [B, N, S]
    neg_vals, idx = jax.lax.top_k(-dists, 3)  # 3 smallest distances
    d3 = -neg_vals                        # [B, N, 3]
    dist_recip = 1.0 / (d3 + 1e-8)
    norm = jnp.sum(dist_recip, axis=2, keepdims=True)
    weight = dist_recip / norm            # [B, N, 3]
    bidx = jnp.arange(B)[:, None, None]
    gathered = p2[bidx, idx]              # [B, N, 3, D2] gather (index_points)
    interpolated = jnp.sum(gathered * weight[..., None], axis=2)  # [B, N, D2]
    p1 = jnp.transpose(points1, (0, 2, 1))  # [B, N, D1]
    new_points = jnp.concatenate([p1, interpolated], axis=-1)     # [B, N, D1+D2]
    new_points = jnp.transpose(new_points, (0, 2, 1))             # [B, Cin, N]
    # fuse: ConvBNReLU1D (BatchNorm1d in training mode -> batch stats)
    y = jax.nn.relu(_bn(_conv1d(new_points, fuse_W, fuse_b), fuse_g, fuse_beta))
    # extraction: one ConvBNReLURes1D (res_expansion=1.0, groups=1)
    h = jax.nn.relu(_bn(_conv1d(y, w1, b1), g1, be1))
    h = _bn(_conv1d(h, w2, b2), g2, be2)
    out = jax.nn.relu(h + y)
    return out

if __name__ == "__main__":
    import jax
    _d = setup_inputs()
    print(jax.jit(kernel)(*tuple(_d.values())))

</pallas_src>

<mosaic_0001>
#map = affine_map<(d0, d1) -> (0, 0)>
#map1 = affine_map<(d0, d1) -> (0)>
module attributes {stable_mosaic.version = 14 : i64} {
  func.func @_sc_gather_body(%arg0: i32, %arg1: i32, %arg2: memref<65536x128xf32, #tpu.memory_space<hbm>>, %arg3: memref<65536xi32, #tpu.memory_space<hbm>>, %arg4: memref<65536xi32, #tpu.memory_space<hbm>>, %arg5: memref<65536xi32, #tpu.memory_space<hbm>>, %arg6: memref<65536xf32, #tpu.memory_space<hbm>>, %arg7: memref<65536xf32, #tpu.memory_space<hbm>>, %arg8: memref<65536xf32, #tpu.memory_space<hbm>>, %arg9: memref<16384x128xf32, #tpu.memory_space<hbm>>, %arg10: memref<65536x128xf32, #tpu.memory_space<hbm>>, %arg11: memref<128xi32, #tpu.memory_space<vmem>>, %arg12: memref<128xi32, #tpu.memory_space<vmem>>, %arg13: memref<128xi32, #tpu.memory_space<vmem>>, %arg14: memref<128xf32, #tpu.memory_space<vmem>>, %arg15: memref<128xf32, #tpu.memory_space<vmem>>, %arg16: memref<128xf32, #tpu.memory_space<vmem>>, %arg17: memref<128x128xf32, #tpu.memory_space<vmem>>, %arg18: memref<128x128xf32, #tpu.memory_space<vmem>>, %arg19: memref<128x128xf32, #tpu.memory_space<vmem>>, %arg20: memref<128x128xf32, #tpu.memory_space<vmem>>, %arg21: memref<128x128xf32, #tpu.memory_space<vmem>>, %arg22: memref<!tpu.dma_semaphore, #tpu.memory_space<semaphore_mem>>) attributes {dimension_semantics = [#tpu.dimension_semantics<core_parallel>, #tpu.dimension_semantics<subcore_parallel>], iteration_bounds = array<i64: 2, 16>, scalar_prefetch = 0 : i64, scratch_operands = 12 : i64, tpu.core_type = #tpu.core_type<sc_vector_subcore>, window_params = [{transform_indices = #map}, {transform_indices = #map1}, {transform_indices = #map1}, {transform_indices = #map1}, {transform_indices = #map1}, {transform_indices = #map1}, {transform_indices = #map1}, {transform_indices = #map}, {transform_indices = #map}]} {
    %mul3A = arith.constant 2 : i32
    %mul3A_0 = arith.muli %arg1, %mul3A : i32
    %add3A = arith.addi %mul3A_0, %arg0 : i32
    %mul3A_1 = arith.constant 2048 : i32
    %mul3A_2 = arith.muli %add3A, %mul3A_1 : i32
    %scan3A = arith.constant 0 : i32
    %scan3A_3 = arith.constant 0 : i32
    %scan3A_4 = arith.constant 16 : i32
    %scan3A_5 = arith.addi %scan3A_3, %scan3A_4 : i32
    %scan3A_6 = arith.constant 1 : i32
    scf.for %scan3A_8 = %scan3A_3 to %scan3A_5 step %scan3A_6  : i32 {
      %mul3A_9 = arith.constant 128 : i32
      %mul3A_10 = arith.muli %scan3A_8, %mul3A_9 : i32
      %add3A_11 = arith.addi %mul3A_2, %mul3A_10 : i32
      "tpu.region"() ({
        %run_scoped3A = tpu.sem_alloc : memref<!tpu.dma_semaphore, #tpu.memory_space<semaphore_mem>>
        %dma_start3A_34 = tpu.memref_slice %arg3[%add3A_11] : memref<65536xi32, #tpu.memory_space<hbm>> -> memref<128xi32, #tpu.memory_space<hbm>>
        %dma_start3A_35 = tpu.memref_slice %arg3[%add3A_11] : memref<65536xi32, #tpu.memory_space<hbm>> -> memref<128xi32, #tpu.memory_space<hbm>>
        tpu.enqueue_dma source(%dma_start3A_35 : memref<128xi32, #tpu.memory_space<hbm>>) target(%arg11 : memref<128xi32, #tpu.memory_space<vmem>>) target_semaphore(%run_scoped3A : memref<!tpu.dma_semaphore, #tpu.memory_space<semaphore_mem>>)
        %dma_wait3A_36 = tpu.memref_slice %arg3[%add3A_11] : memref<65536xi32, #tpu.memory_space<hbm>> -> memref<128xi32, #tpu.memory_space<hbm>>
        %dma_wait3A_37 = tpu.memref_slice %arg3[%add3A_11] : memref<65536xi32, #tpu.memory_space<hbm>> -> memref<128xi32, #tpu.memory_space<hbm>>
        tpu.wait_dma2 semaphore(%run_scoped3A : memref<!tpu.dma_semaphore, #tpu.memory_space<semaphore_mem>>) src(%dma_wait3A_37 : memref<128xi32, #tpu.memory_space<hbm>>) dst(%arg11 : memref<128xi32, #tpu.memory_space<vmem>>)
        tpu.yield
      }) : () -> ()
      "tpu.region"() ({
        %run_scoped3A = tpu.sem_alloc : memref<!tpu.dma_semaphore, #tpu.memory_space<semaphore_mem>>
        %dma_start3A_34 = tpu.memref_slice %arg4[%add3A_11] : memref<65536xi32, #tpu.memory_space<hbm>> -> memref<128xi32, #tpu.memory_space<hbm>>
        %dma_start3A_35 = tpu.memref_slice %arg4[%add3A_11] : memref<65536xi32, #tpu.memory_space<hbm>> -> memref<128xi32, #tpu.memory_space<hbm>>
        tpu.enqueue_dma source(%dma_start3A_35 : memref<128xi32, #tpu.memory_space<hbm>>) target(%arg12 : memref<128xi32, #tpu.memory_space<vmem>>) target_semaphore(%run_scoped3A : memref<!tpu.dma_semaphore, #tpu.memory_space<semaphore_mem>>)
        %dma_wait3A_36 = tpu.memref_slice %arg4[%add3A_11] : memref<65536xi32, #tpu.memory_space<hbm>> -> memref<128xi32, #tpu.memory_space<hbm>>
        %dma_wait3A_37 = tpu.memref_slice %arg4[%add3A_11] : memref<65536xi32, #tpu.memory_space<hbm>> -> memref<128xi32, #tpu.memory_space<hbm>>
        tpu.wait_dma2 semaphore(%run_scoped3A : memref<!tpu.dma_semaphore, #tpu.memory_space<semaphore_mem>>) src(%dma_wait3A_37 : memref<128xi32, #tpu.memory_space<hbm>>) dst(%arg12 : memref<128xi32, #tpu.memory_space<vmem>>)
        tpu.yield
      }) : () -> ()
      "tpu.region"() ({
        %run_scoped3A = tpu.sem_alloc : memref<!tpu.dma_semaphore, #tpu.memory_space<semaphore_mem>>
        %dma_start3A_34 = tpu.memref_slice %arg5[%add3A_11] : memref<65536xi32, #tpu.memory_space<hbm>> -> memref<128xi32, #tpu.memory_space<hbm>>
        %dma_start3A_35 = tpu.memref_slice %arg5[%add3A_11] : memref<65536xi32, #tpu.memory_space<hbm>> -> memref<128xi32, #tpu.memory_space<hbm>>
        tpu.enqueue_dma source(%dma_start3A_35 : memref<128xi32, #tpu.memory_space<hbm>>) target(%arg13 : memref<128xi32, #tpu.memory_space<vmem>>) target_semaphore(%run_scoped3A : memref<!tpu.dma_semaphore, #tpu.memory_space<semaphore_mem>>)
        %dma_wait3A_36 = tpu.memref_slice %arg5[%add3A_11] : memref<65536xi32, #tpu.memory_space<hbm>> -> memref<128xi32, #tpu.memory_space<hbm>>
        %dma_wait3A_37 = tpu.memref_slice %arg5[%add3A_11] : memref<65536xi32, #tpu.memory_space<hbm>> -> memref<128xi32, #tpu.memory_space<hbm>>
        tpu.wait_dma2 semaphore(%run_scoped3A : memref<!tpu.dma_semaphore, #tpu.memory_space<semaphore_mem>>) src(%dma_wait3A_37 : memref<128xi32, #tpu.memory_space<hbm>>) dst(%arg13 : memref<128xi32, #tpu.memory_space<vmem>>)
        tpu.yield
      }) : () -> ()
      "tpu.region"() ({
        %run_scoped3A = tpu.sem_alloc : memref<!tpu.dma_semaphore, #tpu.memory_space<semaphore_mem>>
        %dma_start3A_34 = tpu.memref_slice %arg6[%add3A_11] : memref<65536xf32, #tpu.memory_space<hbm>> -> memref<128xf32, #tpu.memory_space<hbm>>
        %dma_start3A_35 = tpu.memref_slice %arg6[%add3A_11] : memref<65536xf32, #tpu.memory_space<hbm>> -> memref<128xf32, #tpu.memory_space<hbm>>
        tpu.enqueue_dma source(%dma_start3A_35 : memref<128xf32, #tpu.memory_space<hbm>>) target(%arg14 : memref<128xf32, #tpu.memory_space<vmem>>) target_semaphore(%run_scoped3A : memref<!tpu.dma_semaphore, #tpu.memory_space<semaphore_mem>>)
        %dma_wait3A_36 = tpu.memref_slice %arg6[%add3A_11] : memref<65536xf32, #tpu.memory_space<hbm>> -> memref<128xf32, #tpu.memory_space<hbm>>
        %dma_wait3A_37 = tpu.memref_slice %arg6[%add3A_11] : memref<65536xf32, #tpu.memory_space<hbm>> -> memref<128xf32, #tpu.memory_space<hbm>>
        tpu.wait_dma2 semaphore(%run_scoped3A : memref<!tpu.dma_semaphore, #tpu.memory_space<semaphore_mem>>) src(%dma_wait3A_37 : memref<128xf32, #tpu.memory_space<hbm>>) dst(%arg14 : memref<128xf32, #tpu.memory_space<vmem>>)
        tpu.yield
      }) : () -> ()
      "tpu.region"() ({
        %run_scoped3A = tpu.sem_alloc : memref<!tpu.dma_semaphore, #tpu.memory_space<semaphore_mem>>
        %dma_start3A_34 = tpu.memref_slice %arg7[%add3A_11] : memref<65536xf32, #tpu.memory_space<hbm>> -> memref<128xf32, #tpu.memory_space<hbm>>
        %dma_start3A_35 = tpu.memref_slice %arg7[%add3A_11] : memref<65536xf32, #tpu.memory_space<hbm>> -> memref<128xf32, #tpu.memory_space<hbm>>
        tpu.enqueue_dma source(%dma_start3A_35 : memref<128xf32, #tpu.memory_space<hbm>>) target(%arg15 : memref<128xf32, #tpu.memory_space<vmem>>) target_semaphore(%run_scoped3A : memref<!tpu.dma_semaphore, #tpu.memory_space<semaphore_mem>>)
        %dma_wait3A_36 = tpu.memref_slice %arg7[%add3A_11] : memref<65536xf32, #tpu.memory_space<hbm>> -> memref<128xf32, #tpu.memory_space<hbm>>
        %dma_wait3A_37 = tpu.memref_slice %arg7[%add3A_11] : memref<65536xf32, #tpu.memory_space<hbm>> -> memref<128xf32, #tpu.memory_space<hbm>>
        tpu.wait_dma2 semaphore(%run_scoped3A : memref<!tpu.dma_semaphore, #tpu.memory_space<semaphore_mem>>) src(%dma_wait3A_37 : memref<128xf32, #tpu.memory_space<hbm>>) dst(%arg15 : memref<128xf32, #tpu.memory_space<vmem>>)
        tpu.yield
      }) : () -> ()
      "tpu.region"() ({
        %run_scoped3A = tpu.sem_alloc : memref<!tpu.dma_semaphore, #tpu.memory_space<semaphore_mem>>
        %dma_start3A_34 = tpu.memref_slice %arg8[%add3A_11] : memref<65536xf32, #tpu.memory_space<hbm>> -> memref<128xf32, #tpu.memory_space<hbm>>
        %dma_start3A_35 = tpu.memref_slice %arg8[%add3A_11] : memref<65536xf32, #tpu.memory_space<hbm>> -> memref<128xf32, #tpu.memory_space<hbm>>
        tpu.enqueue_dma source(%dma_start3A_35 : memref<128xf32, #tpu.memory_space<hbm>>) target(%arg16 : memref<128xf32, #tpu.memory_space<vmem>>) target_semaphore(%run_scoped3A : memref<!tpu.dma_semaphore, #tpu.memory_space<semaphore_mem>>)
        %dma_wait3A_36 = tpu.memref_slice %arg8[%add3A_11] : memref<65536xf32, #tpu.memory_space<hbm>> -> memref<128xf32, #tpu.memory_space<hbm>>
        %dma_wait3A_37 = tpu.memref_slice %arg8[%add3A_11] : memref<65536xf32, #tpu.memory_space<hbm>> -> memref<128xf32, #tpu.memory_space<hbm>>
        tpu.wait_dma2 semaphore(%run_scoped3A : memref<!tpu.dma_semaphore, #tpu.memory_space<semaphore_mem>>) src(%dma_wait3A_37 : memref<128xf32, #tpu.memory_space<hbm>>) dst(%arg16 : memref<128xf32, #tpu.memory_space<vmem>>)
        tpu.yield
      }) : () -> ()
      "tpu.region"() ({
        %run_scoped3A = tpu.sem_alloc : memref<!tpu.dma_semaphore, #tpu.memory_space<semaphore_mem>>
        %dma_start3A_34 = arith.constant 0 : i32
        %dma_start3A_35 = tpu.memref_slice %arg2[%add3A_11, %dma_start3A_34] : memref<65536x128xf32, #tpu.memory_space<hbm>> -> memref<128x128xf32, #tpu.memory_space<hbm>>
        %dma_start3A_36 = arith.constant 0 : i32
        %dma_start3A_37 = tpu.memref_slice %arg2[%add3A_11, %dma_start3A_36] : memref<65536x128xf32, #tpu.memory_space<hbm>> -> memref<128x128xf32, #tpu.memory_space<hbm>>
        tpu.enqueue_dma source(%dma_start3A_37 : memref<128x128xf32, #tpu.memory_space<hbm>>) target(%arg20 : memref<128x128xf32, #tpu.memory_space<vmem>>) target_semaphore(%run_scoped3A : memref<!tpu.dma_semaphore, #tpu.memory_space<semaphore_mem>>)
        %dma_wait3A_38 = arith.constant 0 : i32
        %dma_wait3A_39 = tpu.memref_slice %arg2[%add3A_11, %dma_wait3A_38] : memref<65536x128xf32, #tpu.memory_space<hbm>> -> memref<128x128xf32, #tpu.memory_space<hbm>>
        %dma_wait3A_40 = arith.constant 0 : i32
        %dma_wait3A_41 = tpu.memref_slice %arg2[%add3A_11, %dma_wait3A_40] : memref<65536x128xf32, #tpu.memory_space<hbm>> -> memref<128x128xf32, #tpu.memory_space<hbm>>
        tpu.wait_dma2 semaphore(%run_scoped3A : memref<!tpu.dma_semaphore, #tpu.memory_space<semaphore_mem>>) src(%dma_wait3A_41 : memref<128x128xf32, #tpu.memory_space<hbm>>) dst(%arg20 : memref<128x128xf32, #tpu.memory_space<vmem>>)
        tpu.yield
      }) : () -> ()
      %dma_start3A = arith.constant 0 : i32
      %dma_start3A_12 = arith.constant 0 : i32
      %dma_start3A_13 = tpu.memref_slice %arg9[%dma_start3A, %dma_start3A_12] : memref<16384x128xf32, #tpu.memory_space<hbm>> -> memref<16384x128xf32, #tpu.memory_space<hbm>>
      tpu.enqueue_indirect_dma source(%dma_start3A_13 : memref<16384x128xf32, #tpu.memory_space<hbm>>) target(%arg17 : memref<128x128xf32, #tpu.memory_space<vmem>>) offsets(%arg11 : memref<128xi32, #tpu.memory_space<vmem>>) semaphore(%arg22 : memref<!tpu.dma_semaphore, #tpu.memory_space<semaphore_mem>>)
      %dma_start3A_14 = arith.constant 0 : i32
      %dma_start3A_15 = arith.constant 0 : i32
      %dma_start3A_16 = tpu.memref_slice %arg9[%dma_start3A_14, %dma_start3A_15] : memref<16384x128xf32, #tpu.memory_space<hbm>> -> memref<16384x128xf32, #tpu.memory_space<hbm>>
      tpu.enqueue_indirect_dma source(%dma_start3A_16 : memref<16384x128xf32, #tpu.memory_space<hbm>>) target(%arg18 : memref<128x128xf32, #tpu.memory_space<vmem>>) offsets(%arg12 : memref<128xi32, #tpu.memory_space<vmem>>) semaphore(%arg22 : memref<!tpu.dma_semaphore, #tpu.memory_space<semaphore_mem>>)
      %dma_start3A_17 = arith.constant 0 : i32
      %dma_start3A_18 = arith.constant 0 : i32
      %dma_start3A_19 = tpu.memref_slice %arg9[%dma_start3A_17, %dma_start3A_18] : memref<16384x128xf32, #tpu.memory_space<hbm>> -> memref<16384x128xf32, #tpu.memory_space<hbm>>
      tpu.enqueue_indirect_dma source(%dma_start3A_19 : memref<16384x128xf32, #tpu.memory_space<hbm>>) target(%arg19 : memref<128x128xf32, #tpu.memory_space<vmem>>) offsets(%arg13 : memref<128xi32, #tpu.memory_space<vmem>>) semaphore(%arg22 : memref<!tpu.dma_semaphore, #tpu.memory_space<semaphore_mem>>)
      %dma_wait3A = arith.constant 0 : i32
      %dma_wait3A_20 = arith.constant 0 : i32
      %dma_wait3A_21 = tpu.memref_slice %arg9[%dma_wait3A, %dma_wait3A_20] : memref<16384x128xf32, #tpu.memory_space<hbm>> -> memref<16384x128xf32, #tpu.memory_space<hbm>>
      tpu.wait_indirect_dma semaphore(%arg22 : memref<!tpu.dma_semaphore, #tpu.memory_space<semaphore_mem>>) src(%dma_wait3A_21 : memref<16384x128xf32, #tpu.memory_space<hbm>>) dst(%arg17 : memref<128x128xf32, #tpu.memory_space<vmem>>)
      %dma_wait3A_22 = arith.constant 0 : i32
      %dma_wait3A_23 = arith.constant 0 : i32
      %dma_wait3A_24 = tpu.memref_slice %arg9[%dma_wait3A_22, %dma_wait3A_23] : memref<16384x128xf32, #tpu.memory_space<hbm>> -> memref<16384x128xf32, #tpu.memory_space<hbm>>
      tpu.wait_indirect_dma semaphore(%arg22 : memref<!tpu.dma_semaphore, #tpu.memory_space<semaphore_mem>>) src(%dma_wait3A_24 : memref<16384x128xf32, #tpu.memory_space<hbm>>) dst(%arg18 : memref<128x128xf32, #tpu.memory_space<vmem>>)
      %dma_wait3A_25 = arith.constant 0 : i32
      %dma_wait3A_26 = arith.constant 0 : i32
      %dma_wait3A_27 = tpu.memref_slice %arg9[%dma_wait3A_25, %dma_wait3A_26] : memref<16384x128xf32, #tpu.memory_space<hbm>> -> memref<16384x128xf32, #tpu.memory_space<hbm>>
      tpu.wait_indirect_dma semaphore(%arg22 : memref<!tpu.dma_semaphore, #tpu.memory_space<semaphore_mem>>) src(%dma_wait3A_27 : memref<16384x128xf32, #tpu.memory_space<hbm>>) dst(%arg19 : memref<128x128xf32, #tpu.memory_space<vmem>>)
      %scan3A_28 = arith.constant 0 : i32
      %scan3A_29 = arith.constant 0 : i32
      %scan3A_30 = arith.constant 8 : i32
      %scan3A_31 = arith.addi %scan3A_29, %scan3A_30 : i32
      %scan3A_32 = arith.constant 1 : i32
      scf.for %scan3A_34 = %scan3A_29 to %scan3A_31 step %scan3A_32  : i32 {
        %mul3A_35 = arith.constant 16 : i32
        %mul3A_36 = arith.muli %scan3A_34, %mul3A_35 : i32
        %get3A = arith.index_cast %mul3A_36 : i32 to index
        %get3A_37 = tpu.vector_load %arg14[%get3A] {strides = array<i32>} : memref<128xf32, #tpu.memory_space<vmem>>, vector<16xf32>,
        %get3A_38 = vector.shape_cast %get3A_37 : vector<16xf32> to vector<16xf32>
        %mul3A_39 = arith.constant 16 : i32
        %mul3A_40 = arith.muli %scan3A_34, %mul3A_39 : i32
        %get3A_41 = arith.index_cast %mul3A_40 : i32 to index
        %get3A_42 = tpu.vector_load %arg15[%get3A_41] {strides = array<i32>} : memref<128xf32, #tpu.memory_space<vmem>>, vector<16xf32>,
        %get3A_43 = vector.shape_cast %get3A_42 : vector<16xf32> to vector<16xf32>
        %mul3A_44 = arith.constant 16 : i32
        %mul3A_45 = arith.muli %scan3A_34, %mul3A_44 : i32
        %get3A_46 = arith.index_cast %mul3A_45 : i32 to index
        %get3A_47 = tpu.vector_load %arg16[%get3A_46] {strides = array<i32>} : memref<128xf32, #tpu.memory_space<vmem>>, vector<16xf32>,
        %get3A_48 = vector.shape_cast %get3A_47 : vector<16xf32> to vector<16xf32>
        %slice3A = vector.extract_strided_slice %get3A_38 {offsets = [0], sizes = [1], strides = [1]} : vector<16xf32> to vector<1xf32>
        %squeeze3A = vector.extract %slice3A[0] : f32 from vector<1xf32>
        %broadcast_in_dim3A = vector.broadcast %squeeze3A : f32 to vector<16xf32>
        %slice3A_49 = vector.extract_strided_slice %get3A_43 {offsets = [0], sizes = [1], strides = [1]} : vector<16xf32> to vector<1xf32>
        %squeeze3A_50 = vector.extract %slice3A_49[0] : f32 from vector<1xf32>
        %broadcast_in_dim3A_51 = vector.broadcast %squeeze3A_50 : f32 to vector<16xf32>
        %slice3A_52 = vector.extract_strided_slice %get3A_48 {offsets = [0], sizes = [1], strides = [1]} : vector<16xf32> to vector<1xf32>
        %squeeze3A_53 = vector.extract %slice3A_52[0] : f32 from vector<1xf32>
        %broadcast_in_dim3A_54 = vector.broadcast %squeeze3A_53 : f32 to vector<16xf32>
        %mul3A_55 = arith.constant 16 : i32
        %mul3A_56 = arith.muli %scan3A_34, %mul3A_55 : i32
        %add3A_57 = arith.constant 0 : i32
        %add3A_58 = arith.addi %mul3A_56, %add3A_57 : i32
        %get3A_59 = arith.index_cast %add3A_58 : i32 to index
        %get3A_60 = arith.constant 0 : index
        %get3A_61 = tpu.vector_load %arg20[%get3A_59, %get3A_60] {strides = array<i32>} : memref<128x128xf32, #tpu.memory_space<vmem>>, vector<1x16xf32>,
        %get3A_62 = vector.shape_cast %get3A_61 : vector<1x16xf32> to vector<16xf32>
        %get3A_63 = arith.index_cast %add3A_58 : i32 to index
        %get3A_64 = arith.constant 0 : index
        %get3A_65 = tpu.vector_load %arg17[%get3A_63, %get3A_64] {strides = array<i32>} : memref<128x128xf32, #tpu.memory_space<vmem>>, vector<1x16xf32>,
        %get3A_66 = vector.shape_cast %get3A_65 : vector<1x16xf32> to vector<16xf32>
        %mul3A_67 = arith.mulf %broadcast_in_dim3A, %get3A_66 : vector<16xf32>
        %add3A_68 = arith.addf %get3A_62, %mul3A_67 : vector<16xf32>
        %get3A_69 = arith.index_cast %add3A_58 : i32 to index
        %get3A_70 = arith.constant 0 : index
        %get3A_71 = tpu.vector_load %arg18[%get3A_69, %get3A_70] {strides = array<i32>} : memref<128x128xf32, #tpu.memory_space<vmem>>, vector<1x16xf32>,
        %get3A_72 = vector.shape_cast %get3A_71 : vector<1x16xf32> to vector<16xf32>
        %mul3A_73 = arith.mulf %broadcast_in_dim3A_51, %get3A_72 : vector<16xf32>
        %add3A_74 = arith.addf %add3A_68, %mul3A_73 : vector<16xf32>
        %get3A_75 = arith.index_cast %add3A_58 : i32 to index
        %get3A_76 = arith.constant 0 : index
        %get3A_77 = tpu.vector_load %arg19[%get3A_75, %get3A_76] {strides = array<i32>} : memref<128x128xf32, #tpu.memory_space<vmem>>, vector<1x16xf32>,
        %get3A_78 = vector.shape_cast %get3A_77 : vector<1x16xf32> to vector<16xf32>
        %mul3A_79 = arith.mulf %broadcast_in_dim3A_54, %get3A_78 : vector<16xf32>
        %add3A_80 = arith.addf %add3A_74, %mul3A_79 : vector<16xf32>
        %swap3A = arith.index_cast %add3A_58 : i32 to index
        %swap3A_81 = arith.constant 0 : index
        %swap3A_82 = tpu.vector_load %arg21[%swap3A, %swap3A_81] {strides = array<i32>} : memref<128x128xf32, #tpu.memory_space<vmem>>, vector<1x16xf32>,
        %swap3A_83 = vector.shape_cast %swap3A_82 : vector<1x16xf32> to vector<16xf32>
        %swap3A_84 = vector.shape_cast %add3A_80 : vector<16xf32> to vector<1x16xf32>
        tpu.vector_store %arg21[%swap3A, %swap3A_81], %swap3A_84 {strides = array<i32>} : memref<128x128xf32, #tpu.memory_space<vmem>>, vector<1x16xf32>,
        %get3A_85 = arith.index_cast %add3A_58 : i32 to index
        %get3A_86 = arith.constant 16 : index
        %get3A_87 = tpu.vector_load %arg20[%get3A_85, %get3A_86] {strides = array<i32>} : memref<128x128xf32, #tpu.memory_space<vmem>>, vector<1x16xf32>,
        %get3A_88 = vector.shape_cast %get3A_87 : vector<1x16xf32> to vector<16xf32>
        %get3A_89 = arith.index_cast %add3A_58 : i32 to index
        %get3A_90 = arith.constant 16 : index
        %get3A_91 = tpu.vector_load %arg17[%get3A_89, %get3A_90] {strides = array<i32>} : memref<128x128xf32, #tpu.memory_space<vmem>>, vector<1x16xf32>,
        %get3A_92 = vector.shape_cast %get3A_91 : vector<1x16xf32> to vector<16xf32>
        %mul3A_93 = arith.mulf %broadcast_in_dim3A, %get3A_92 : vector<16xf32>
        %add3A_94 = arith.addf %get3A_88, %mul3A_93 : vector<16xf32>
        %get3A_95 = arith.index_cast %add3A_58 : i32 to index
        %get3A_96 = arith.constant 16 : index
        %get3A_97 = tpu.vector_load %arg18[%get3A_95, %get3A_96] {strides = array<i32>} : memref<128x128xf32, #tpu.memory_space<vmem>>, vector<1x16xf32>,
        %get3A_98 = vector.shape_cast %get3A_97 : vector<1x16xf32> to vector<16xf32>
        %mul3A_99 = arith.mulf %broadcast_in_dim3A_51, %get3A_98 : vector<16xf32>
        %add3A_100 = arith.addf %add3A_94, %mul3A_99 : vector<16xf32>
        %get3A_101 = arith.index_cast %add3A_58 : i32 to index
        %get3A_102 = arith.constant 16 : index
        %get3A_103 = tpu.vector_load %arg19[%get3A_101, %get3A_102] {strides = array<i32>} : memref<128x128xf32, #tpu.memory_space<vmem>>, vector<1x16xf32>,
        %get3A_104 = vector.shape_cast %get3A_103 : vector<1x16xf32> to vector<16xf32>
        %mul3A_105 = arith.mulf %broadcast_in_dim3A_54, %get3A_104 : vector<16xf32>
        %add3A_106 = arith.addf %add3A_100, %mul3A_105 : vector<16xf32>
        %swap3A_107 = arith.index_cast %add3A_58 : i32 to index
        %swap3A_108 = arith.constant 16 : index
        %swap3A_109 = tpu.vector_load %arg21[%swap3A_107, %swap3A_108] {strides = array<i32>} : memref<128x128xf32, #tpu.memory_space<vmem>>, vector<1x16xf32>,
        %swap3A_110 = vector.shape_cast %swap3A_109 : vector<1x16xf32> to vector<16xf32>
        %swap3A_111 = vector.shape_cast %add3A_106 : vector<16xf32> to vector<1x16xf32>
        tpu.vector_store %arg21[%swap3A_107, %swap3A_108], %swap3A_111 {strides = array<i32>} : memref<128x128xf32, #tpu.memory_space<vmem>>, vector<1x16xf32>,
        %get3A_112 = arith.index_cast %add3A_58 : i32 to index
        %get3A_113 = arith.constant 32 : index
        %get3A_114 = tpu.vector_load %arg20[%get3A_112, %get3A_113] {strides = array<i32>} : memref<128x128xf32, #tpu.memory_space<vmem>>, vector<1x16xf32>,
        %get3A_115 = vector.shape_cast %get3A_114 : vector<1x16xf32> to vector<16xf32>
        %get3A_116 = arith.index_cast %add3A_58 : i32 to index
        %get3A_117 = arith.constant 32 : index
        %get3A_118 = tpu.vector_load %arg17[%get3A_116, %get3A_117] {strides = array<i32>} : memref<128x128xf32, #tpu.memory_space<vmem>>, vector<1x16xf32>,
        %get3A_119 = vector.shape_cast %get3A_118 : vector<1x16xf32> to vector<16xf32>
        %mul3A_120 = arith.mulf %broadcast_in_dim3A, %get3A_119 : vector<16xf32>
        %add3A_121 = arith.addf %get3A_115, %mul3A_120 : vector<16xf32>
        %get3A_122 = arith.index_cast %add3A_58 : i32 to index
        %get3A_123 = arith.constant 32 : index
        %get3A_124 = tpu.vector_load %arg18[%get3A_122, %get3A_123] {strides = array<i32>} : memref<128x128xf32, #tpu.memory_space<vmem>>, vector<1x16xf32>,
        %get3A_125 = vector.shape_cast %get3A_124 : vector<1x16xf32> to vector<16xf32>
        %mul3A_126 = arith.mulf %broadcast_in_dim3A_51, %get3A_125 : vector<16xf32>
        %add3A_127 = arith.addf %add3A_121, %mul3A_126 : vector<16xf32>
        %get3A_128 = arith.index_cast %add3A_58 : i32 to index
        %get3A_129 = arith.constant 32 : index
        %get3A_130 = tpu.vector_load %arg19[%get3A_128, %get3A_129] {strides = array<i32>} : memref<128x128xf32, #tpu.memory_space<vmem>>, vector<1x16xf32>,
        %get3A_131 = vector.shape_cast %get3A_130 : vector<1x16xf32> to vector<16xf32>
        %mul3A_132 = arith.mulf %broadcast_in_dim3A_54, %get3A_131 : vector<16xf32>
        %add3A_133 = arith.addf %add3A_127, %mul3A_132 : vector<16xf32>
        %swap3A_134 = arith.index_cast %add3A_58 : i32 to index
        %swap3A_135 = arith.constant 32 : index
        %swap3A_136 = tpu.vector_load %arg21[%swap3A_134, %swap3A_135] {strides = array<i32>} : memref<128x128xf32, #tpu.memory_space<vmem>>, vector<1x16xf32>,
        %swap3A_137 = vector.shape_cast %swap3A_136 : vector<1x16xf32> to vector<16xf32>
        %swap3A_138 = vector.shape_cast %add3A_133 : vector<16xf32> to vector<1x16xf32>
        tpu.vector_store %arg21[%swap3A_134, %swap3A_135], %swap3A_138 {strides = array<i32>} : memref<128x128xf32, #tpu.memory_space<vmem>>, vector<1x16xf32>,
        %get3A_139 = arith.index_cast %add3A_58 : i32 to index
        %get3A_140 = arith.constant 48 : index
        %get3A_141 = tpu.vector_load %arg20[%get3A_139, %get3A_140] {strides = array<i32>} : memref<128x128xf32, #tpu.memory_space<vmem>>, vector<1x16xf32>,
        %get3A_142 = vector.shape_cast %get3A_141 : vector<1x16xf32> to vector<16xf32>
        %get3A_143 = arith.index_cast %add3A_58 : i32 to index
        %get3A_144 = arith.constant 48 : index
        %get3A_145 = tpu.vector_load %arg17[%get3A_143, %get3A_144] {strides = array<i32>} : memref<128x128xf32, #tpu.memory_space<vmem>>, vector<1x16xf32>,
        %get3A_146 = vector.shape_cast %get3A_145 : vector<1x16xf32> to vector<16xf32>
        %mul3A_147 = arith.mulf %broadcast_in_dim3A, %get3A_146 : vector<16xf32>
        %add3A_148 = arith.addf %get3A_142, %mul3A_147 : vector<16xf32>
        %get3A_149 = arith.index_cast %add3A_58 : i32 to index
        %get3A_150 = arith.constant 48 : index
        %get3A_151 = tpu.vector_load %arg18[%get3A_149, %get3A_150] {strides = array<i32>} : memref<128x128xf32, #tpu.memory_space<vmem>>, vector<1x16xf32>,
        %get3A_152 = vector.shape_cast %get3A_151 : vector<1x16xf32> to vector<16xf32>
        %mul3A_153 = arith.mulf %broadcast_in_dim3A_51, %get3A_152 : vector<16xf32>
        %add3A_154 = arith.addf %add3A_148, %mul3A_153 : vector<16xf32>
        %get3A_155 = arith.index_cast %add3A_58 : i32 to index
        %get3A_156 = arith.constant 48 : index
        %get3A_157 = tpu.vector_load %arg19[%get3A_155, %get3A_156] {strides = array<i32>} : memref<128x128xf32, #tpu.memory_space<vmem>>, vector<1x16xf32>,
        %get3A_158 = vector.shape_cast %get3A_157 : vector<1x16xf32> to vector<16xf32>
        %mul3A_159 = arith.mulf %broadcast_in_dim3A_54, %get3A_158 : vector<16xf32>
        %add3A_160 = arith.addf %add3A_154, %mul3A_159 : vector<16xf32>
        %swap3A_161 = arith.index_cast %add3A_58 : i32 to index
        %swap3A_162 = arith.constant 48 : index
        %swap3A_163 = tpu.vector_load %arg21[%swap3A_161, %swap3A_162] {strides = array<i32>} : memref<128x128xf32, #tpu.memory_space<vmem>>, vector<1x16xf32>,
        %swap3A_164 = vector.shape_cast %swap3A_163 : vector<1x16xf32> to vector<16xf32>
        %swap3A_165 = vector.shape_cast %add3A_160 : vector<16xf32> to vector<1x16xf32>
        tpu.vector_store %arg21[%swap3A_161, %swap3A_162], %swap3A_165 {strides = array<i32>} : memref<128x128xf32, #tpu.memory_space<vmem>>, vector<1x16xf32>,
        %get3A_166 = arith.index_cast %add3A_58 : i32 to index
        %get3A_167 = arith.constant 64 : index
        %get3A_168 = tpu.vector_load %arg20[%get3A_166, %get3A_167] {strides = array<i32>} : memref<128x128xf32, #tpu.memory_space<vmem>>, vector<1x16xf32>,
        %get3A_169 = vector.shape_cast %get3A_168 : vector<1x16xf32> to vector<16xf32>
        %get3A_170 = arith.index_cast %add3A_58 : i32 to index
        %get3A_171 = arith.constant 64 : index
        %get3A_172 = tpu.vector_load %arg17[%get3A_170, %get3A_171] {strides = array<i32>} : memref<128x128xf32, #tpu.memory_space<vmem>>, vector<1x16xf32>,
        %get3A_173 = vector.shape_cast %get3A_172 : vector<1x16xf32> to vector<16xf32>
        %mul3A_174 = arith.mulf %broadcast_in_dim3A, %get3A_173 : vector<16xf32>
        %add3A_175 = arith.addf %get3A_169, %mul3A_174 : vector<16xf32>
        %get3A_176 = arith.index_cast %add3A_58 : i32 to index
        %get3A_177 = arith.constant 64 : index
        %get3A_178 = tpu.vector_load %arg18[%get3A_176, %get3A_177] {strides = array<i32>} : memref<128x128xf32, #tpu.memory_space<vmem>>, vector<1x16xf32>,
        %get3A_179 = vector.shape_cast %get3A_178 : vector<1x16xf32> to vector<16xf32>
        %mul3A_180 = arith.mulf %broadcast_in_dim3A_51, %get3A_179 : vector<16xf32>
        %add3A_181 = arith.addf %add3A_175, %mul3A_180 : vector<16xf32>
        %get3A_182 = arith.index_cast %add3A_58 : i32 to index
        %get3A_183 = arith.constant 64 : index
        %get3A_184 = tpu.vector_load %arg19[%get3A_182, %get3A_183] {strides = array<i32>} : memref<128x128xf32, #tpu.memory_space<vmem>>, vector<1x16xf32>,
        %get3A_185 = vector.shape_cast %get3A_184 : vector<1x16xf32> to vector<16xf32>
        %mul3A_186 = arith.mulf %broadcast_in_dim3A_54, %get3A_185 : vector<16xf32>
        %add3A_187 = arith.addf %add3A_181, %mul3A_186 : vector<16xf32>
        %swap3A_188 = arith.index_cast %add3A_58 : i32 to index
        %swap3A_189 = arith.constant 64 : index
        %swap3A_190 = tpu.vector_load %arg21[%swap3A_188, %swap3A_189] {strides = array<i32>} : memref<128x128xf32, #tpu.memory_space<vmem>>, vector<1x16xf32>,
        %swap3A_191 = vector.shape_cast %swap3A_190 : vector<1x16xf32> to vector<16xf32>
        %swap3A_192 = vector.shape_cast %add3A_187 : vector<16xf32> to vector<1x16xf32>
        tpu.vector_store %arg21[%swap3A_188, %swap3A_189], %swap3A_192 {strides = array<i32>} : memref<128x128xf32, #tpu.memory_space<vmem>>, vector<1x16xf32>,
        %get3A_193 = arith.index_cast %add3A_58 : i32 to index
        %get3A_194 = arith.constant 80 : index
        %get3A_195 = tpu.vector_load %arg20[%get3A_193, %get3A_194] {strides = array<i32>} : memref<128x128xf32, #tpu.memory_space<vmem>>, vector<1x16xf32>,
        %get3A_196 = vector.shape_cast %get3A_195 : vector<1x16xf32> to vector<16xf32>
        %get3A_197 = arith.index_cast %add3A_58 : i32 to index
        %get3A_198 = arith.constant 80 : index
        %get3A_199 = tpu.vector_load %arg17[%get3A_197, %get3A_198] {strides = array<i32>} : memref<128x128xf32, #tpu.memory_space<vmem>>, vector<1x16xf32>,
        %get3A_200 = vector.shape_cast %get3A_199 : vector<1x16xf32> to vector<16xf32>
        %mul3A_201 = arith.mulf %broadcast_in_dim3A, %get3A_200 : vector<16xf32>
        %add3A_202 = arith.addf %get3A_196, %mul3A_201 : vector<16xf32>
        %get3A_203 = arith.index_cast %add3A_58 : i32 to index
        %get3A_204 = arith.constant 80 : index
        %get3A_205 = tpu.vector_load %arg18[%get3A_203, %get3A_204] {strides = array<i32>} : memref<128x128xf32, #tpu.memory_space<vmem>>, vector<1x16xf32>,
        %get3A_206 = vector.shape_cast %get3A_205 : vector<1x16xf32> to vector<16xf32>
        %mul3A_207 = arith.mulf %broadcast_in_dim3A_51, %get3A_206 : vector<16xf32>
        %add3A_208 = arith.addf %add3A_202, %mul3A_207 : vector<16xf32>
        %get3A_209 = arith.index_cast %add3A_58 : i32 to index
        %get3A_210 = arith.constant 80 : index
        %get3A_211 = tpu.vector_load %arg19[%get3A_209, %get3A_210] {strides = array<i32>} : memref<128x128xf32, #tpu.memory_space<vmem>>, vector<1x16xf32>,
        %get3A_212 = vector.shape_cast %get3A_211 : vector<1x16xf32> to vector<16xf32>
        %mul3A_213 = arith.mulf %broadcast_in_dim3A_54, %get3A_212 : vector<16xf32>
        %add3A_214 = arith.addf %add3A_208, %mul3A_213 : vector<16xf32>
        %swap3A_215 = arith.index_cast %add3A_58 : i32 to index
        %swap3A_216 = arith.constant 80 : index
        %swap3A_217 = tpu.vector_load %arg21[%swap3A_215, %swap3A_216] {strides = array<i32>} : memref<128x128xf32, #tpu.memory_space<vmem>>, vector<1x16xf32>,
        %swap3A_218 = vector.shape_cast %swap3A_217 : vector<1x16xf32> to vector<16xf32>
        %swap3A_219 = vector.shape_cast %add3A_214 : vector<16xf32> to vector<1x16xf32>
        tpu.vector_store %arg21[%swap3A_215, %swap3A_216], %swap3A_219 {strides = array<i32>} : memref<128x128xf32, #tpu.memory_space<vmem>>, vector<1x16xf32>,
        %get3A_220 = arith.index_cast %add3A_58 : i32 to index
        %get3A_221 = arith.constant 96 : index
        %get3A_222 = tpu.vector_load %arg20[%get3A_220, %get3A_221] {strides = array<i32>} : memref<128x128xf32, #tpu.memory_space<vmem>>, vector<1x16xf32>,
        %get3A_223 = vector.shape_cast %get3A_222 : vector<1x16xf32> to vector<16xf32>
        %get3A_224 = arith.index_cast %add3A_58 : i32 to index
        %get3A_225 = arith.constant 96 : index
        %get3A_226 = tpu.vector_load %arg17[%get3A_224, %get3A_225] {strides = array<i32>} : memref<128x128xf32, #tpu.memory_space<vmem>>, vector<1x16xf32>,
        %get3A_227 = vector.shape_cast %get3A_226 : vector<1x16xf32> to vector<16xf32>
        %mul3A_228 = arith.mulf %broadcast_in_dim3A, %get3A_227 : vector<16xf32>
        %add3A_229 = arith.addf %get3A_223, %mul3A_228 : vector<16xf32>
        %get3A_230 = arith.index_cast %add3A_58 : i32 to index
        %get3A_231 = arith.constant 96 : index
        %get3A_232 = tpu.vector_load %arg18[%get3A_230, %get3A_231] {strides = array<i32>} : memref<128x128xf32, #tpu.memory_space<vmem>>, vector<1x16xf32>,
        %get3A_233 = vector.shape_cast %get3A_232 : vector<1x16xf32> to vector<16xf32>
        %mul3A_234 = arith.mulf %broadcast_in_dim3A_51, %get3A_233 : vector<16xf32>
        %add3A_235 = arith.addf %add3A_229, %mul3A_234 : vector<16xf32>
        %get3A_236 = arith.index_cast %add3A_58 : i32 to index
        %get3A_237 = arith.constant 96 : index
        %get3A_238 = tpu.vector_load %arg19[%get3A_236, %get3A_237] {strides = array<i32>} : memref<128x128xf32, #tpu.memory_space<vmem>>, vector<1x16xf32>,
        %get3A_239 = vector.shape_cast %get3A_238 : vector<1x16xf32> to vector<16xf32>
        %mul3A_240 = arith.mulf %broadcast_in_dim3A_54, %get3A_239 : vector<16xf32>
        %add3A_241 = arith.addf %add3A_235, %mul3A_240 : vector<16xf32>
        %swap3A_242 = arith.index_cast %add3A_58 : i32 to index
        %swap3A_243 = arith.constant 96 : index
        %swap3A_244 = tpu.vector_load %arg21[%swap3A_242, %swap3A_243] {strides = array<i32>} : memref<128x128xf32, #tpu.memory_space<vmem>>, vector<1x16xf32>,
        %swap3A_245 = vector.shape_cast %swap3A_244 : vector<1x16xf32> to vector<16xf32>
        %swap3A_246 = vector.shape_cast %add3A_241 : vector<16xf32> to vector<1x16xf32>
        tpu.vector_store %arg21[%swap3A_242, %swap3A_243], %swap3A_246 {strides = array<i32>} : memref<128x128xf32, #tpu.memory_space<vmem>>, vector<1x16xf32>,
        %get3A_247 = arith.index_cast %add3A_58 : i32 to index
        %get3A_248 = arith.constant 112 : index
        %get3A_249 = tpu.vector_load %arg20[%get3A_247, %get3A_248] {strides = array<i32>} : memref<128x128xf32, #tpu.memory_space<vmem>>, vector<1x16xf32>,
        %get3A_250 = vector.shape_cast %get3A_249 : vector<1x16xf32> to vector<16xf32>
        %get3A_251 = arith.index_cast %add3A_58 : i32 to index
        %get3A_252 = arith.constant 112 : index
        %get3A_253 = tpu.vector_load %arg17[%get3A_251, %get3A_252] {strides = array<i32>} : memref<128x128xf32, #tpu.memory_space<vmem>>, vector<1x16xf32>,
        %get3A_254 = vector.shape_cast %get3A_253 : vector<1x16xf32> to vector<16xf32>
        %mul3A_255 = arith.mulf %broadcast_in_dim3A, %get3A_254 : vector<16xf32>
        %add3A_256 = arith.addf %get3A_250, %mul3A_255 : vector<16xf32>
        %get3A_257 = arith.index_cast %add3A_58 : i32 to index
        %get3A_258 = arith.constant 112 : index
        %get3A_259 = tpu.vector_load %arg18[%get3A_257, %get3A_258] {strides = array<i32>} : memref<128x128xf32, #tpu.memory_space<vmem>>, vector<1x16xf32>,
        %get3A_260 = vector.shape_cast %get3A_259 : vector<1x16xf32> to vector<16xf32>
        %mul3A_261 = arith.mulf %broadcast_in_dim3A_51, %get3A_260 : vector<16xf32>
        %add3A_262 = arith.addf %add3A_256, %mul3A_261 : vector<16xf32>
        %get3A_263 = arith.index_cast %add3A_58 : i32 to index
        %get3A_264 = arith.constant 112 : index
        %get3A_265 = tpu.vector_load %arg19[%get3A_263, %get3A_264] {strides = array<i32>} : memref<128x128xf32, #tpu.memory_space<vmem>>, vector<1x16xf32>,
        %get3A_266 = vector.shape_cast %get3A_265 : vector<1x16xf32> to vector<16xf32>
        %mul3A_267 = arith.mulf %broadcast_in_dim3A_54, %get3A_266 : vector<16xf32>
        %add3A_268 = arith.addf %add3A_262, %mul3A_267 : vector<16xf32>
        %swap3A_269 = arith.index_cast %add3A_58 : i32 to index
        %swap3A_270 = arith.constant 112 : index
        %swap3A_271 = tpu.vector_load %arg21[%swap3A_269, %swap3A_270] {strides = array<i32>} : memref<128x128xf32, #tpu.memory_space<vmem>>, vector<1x16xf32>,
        %swap3A_272 = vector.shape_cast %swap3A_271 : vector<1x16xf32> to vector<16xf32>
        %swap3A_273 = vector.shape_cast %add3A_268 : vector<16xf32> to vector<1x16xf32>
        tpu.vector_store %arg21[%swap3A_269, %swap3A_270], %swap3A_273 {strides = array<i32>} : memref<128x128xf32, #tpu.memory_space<vmem>>, vector<1x16xf32>,
        %slice3A_274 = vector.extract_strided_slice %get3A_38 {offsets = [1], sizes = [1], strides = [1]} : vector<16xf32> to vector<1xf32>
        %squeeze3A_275 = vector.extract %slice3A_274[0] : f32 from vector<1xf32>
        %broadcast_in_dim3A_276 = vector.broadcast %squeeze3A_275 : f32 to vector<16xf32>
        %slice3A_277 = vector.extract_strided_slice %get3A_43 {offsets = [1], sizes = [1], strides = [1]} : vector<16xf32> to vector<1xf32>
        %squeeze3A_278 = vector.extract %slice3A_277[0] : f32 from vector<1xf32>
        %broadcast_in_dim3A_279 = vector.broadcast %squeeze3A_278 : f32 to vector<16xf32>
        %slice3A_280 = vector.extract_strided_slice %get3A_48 {offsets = [1], sizes = [1], strides = [1]} : vector<16xf32> to vector<1xf32>
        %squeeze3A_281 = vector.extract %slice3A_280[0] : f32 from vector<1xf32>
        %broadcast_in_dim3A_282 = vector.broadcast %squeeze3A_281 : f32 to vector<16xf32>
        %mul3A_283 = arith.constant 16 : i32
        %mul3A_284 = arith.muli %scan3A_34, %mul3A_283 : i32
        %add3A_285 = arith.constant 1 : i32
        %add3A_286 = arith.addi %mul3A_284, %add3A_285 : i32
        %get3A_287 = arith.index_cast %add3A_286 : i32 to index
        %get3A_288 = arith.constant 0 : index
        %get3A_289 = tpu.vector_load %arg20[%get3A_287, %get3A_288] {strides = array<i32>} : memref<128x128xf32, #tpu.memory_space<vmem>>, vector<1x16xf32>,
        %get3A_290 = vector.shape_cast %get3A_289 : vector<1x16xf32> to vector<16xf32>
        %get3A_291 = arith.index_cast %add3A_286 : i32 to index
        %get3A_292 = arith.constant 0 : index
        %get3A_293 = tpu.vector_load %arg17[%get3A_291, %get3A_292] {strides = array<i32>} : memref<128x128xf32, #tpu.memory_space<vmem>>, vector<1x16xf32>,
        %get3A_294 = vector.shape_cast %get3A_293 : vector<1x16xf32> to vector<16xf32>
        %mul3A_295 = arith.mulf %broadcast_in_dim3A_276, %get3A_294 : vector<16xf32>
        %add3A_296 = arith.addf %get3A_290, %mul3A_295 : vector<16xf32>
        %get3A_297 = arith.index_cast %add3A_286 : i32 to index
        %get3A_298 = arith.constant 0 : index
        %get3A_299 = tpu.vector_load %arg18[%get3A_297, %get3A_298] {strides = array<i32>} : memref<128x128xf32, #tpu.memory_space<vmem>>, vector<1x16xf32>,
        %get3A_300 = vector.shape_cast %get3A_299 : vector<1x16xf32> to vector<16xf32>
        %mul3A_301 = arith.mulf %broadcast_in_dim3A_279, %get3A_300 : vector<16xf32>
        %add3A_302 = arith.addf %add3A_296, %mul3A_301 : vector<16xf32>
        %get3A_303 = arith.index_cast %add3A_286 : i32 to index
        %get3A_304 = arith.constant 0 : index
        %get3A_305 = tpu.vector_load %arg19[%get3A_303, %get3A_304] {strides = array<i32>} : memref<128x128xf32, #tpu.memory_space<vmem>>, vector<1x16xf32>,
        %get3A_306 = vector.shape_cast %get3A_305 : vector<1x16xf32> to vector<16xf32>
        %mul3A_307 = arith.mulf %broadcast_in_dim3A_282, %get3A_306 : vector<16xf32>
        %add3A_308 = arith.addf %add3A_302, %mul3A_307 : vector<16xf32>
        %swap3A_309 = arith.index_cast %add3A_286 : i32 to index
        %swap3A_310 = arith.constant 0 : index
        %swap3A_311 = tpu.vector_load %arg21[%swap3A_309, %swap3A_310] {strides = array<i32>} : memref<128x128xf32, #tpu.memory_space<vmem>>, vector<1x16xf32>,
        %swap3A_312 = vector.shape_cast %swap3A_311 : vector<1x16xf32> to vector<16xf32>
        %swap3A_313 = vector.shape_cast %add3A_308 : vector<16xf32> to vector<1x16xf32>
        tpu.vector_store %arg21[%swap3A_309, %swap3A_310], %swap3A_313 {strides = array<i32>} : memref<128x128xf32, #tpu.memory_space<vmem>>, vector<1x16xf32>,
        %get3A_314 = arith.index_cast %add3A_286 : i32 to index
        %get3A_315 = arith.constant 16 : index
        %get3A_316 = tpu.vector_load %arg20[%get3A_314, %get3A_315] {strides = array<i32>} : memref<128x128xf32, #tpu.memory_space<vmem>>, vector<1x16xf32>,
        %get3A_317 = vector.shape_cast %get3A_316 : vector<1x16xf32> to vector<16xf32>
        %get3A_318 = arith.index_cast %add3A_286 : i32 to index
        %get3A_319 = arith.constant 16 : index
        %get3A_320 = tpu.vector_load %arg17[%get3A_318, %get3A_319] {strides = array<i32>} : memref<128x128xf32, #tpu.memory_space<vmem>>, vector<1x16xf32>,
        %get3A_321 = vector.shape_cast %get3A_320 : vector<1x16xf32> to vector<16xf32>
        %mul3A_322 = arith.mulf %broadcast_in_dim3A_276, %get3A_321 : vector<16xf32>
        %add3A_323 = arith.addf %get3A_317, %mul3A_322 : vector<16xf32>
        %get3A_324 = arith.index_cast %add3A_286 : i32 to index
        %get3A_325 = arith.constant 16 : index
        %get3A_326 = tpu.vector_load %arg18[%get3A_324, %get3A_325] {strides = array<i32>} : memref<128x128xf32, #tpu.memory_space<vmem>>, vector<1x16xf32>,
        %get3A_327 = vector.shape_cast %get3A_326 : vector<1x16xf32> to vector<16xf32>
        %mul3A_328 = arith.mulf %broadcast_in_dim3A_279, %get3A_327 : vector<16xf32>
        %add3A_329 = arith.addf %add3A_323, %mul3A_328 : vector<16xf32>
        %get3A_330 = arith.index_cast %add3A_286 : i32 to index
        %get3A_331 = arith.constant 16 : index
        %get3A_332 = tpu.vector_load %arg19[%get3A_330, %get3A_331] {strides = array<i32>} : memref<128x128xf32, #tpu.memory_space<vmem>>, vector<1x16xf32>,
        %get3A_333 = vector.shape_cast %get3A_332 : vector<1x16xf32> to vector<16xf32>
        %mul3A_334 = arith.mulf %broadcast_in_dim3A_282, %get3A_333 : vector<16xf32>
        %add3A_335 = arith.addf %add3A_329, %mul3A_334 : vector<16xf32>
        %swap3A_336 = arith.index_cast %add3A_286 : i32 to index
        %swap3A_337 = arith.constant 16 : index
        %swap3A_338 = tpu.vector_load %arg21[%swap3A_336, %swap3A_337] {strides = array<i32>} : memref<128x128xf32, #tpu.memory_space<vmem>>, vector<1x16xf32>,
        %swap3A_339 = vector.shape_cast %swap3A_338 : vector<1x16xf32> to vector<16xf32>
        %swap3A_340 = vector.shape_cast %add3A_335 : vector<16xf32> to vector<1x16xf32>
        tpu.vector_store %arg21[%swap3A_336, %swap3A_337], %swap3A_340 {strides = array<i32>} : memref<128x128xf32, #tpu.memory_space<vmem>>, vector<1x16xf32>,
        %get3A_341 = arith.index_cast %add3A_286 : i32 to index
        %get3A_342 = arith.constant 32 : index
        %get3A_343 = tpu.vector_load %arg20[%get3A_341, %get3A_342] {strides = array<i32>} : memref<128x128xf32, #tpu.memory_space<vmem>>, vector<1x16xf32>,
        %get3A_344 = vector.shape_cast %get3A_343 : vector<1x16xf32> to vector<16xf32>
        %get3A_345 = arith.index_cast %add3A_286 : i32 to index
        %get3A_346 = arith.constant 32 : index
        %get3A_347 = tpu.vector_load %arg17[%get3A_345, %get3A_346] {strides = array<i32>} : memref<128x128xf32, #tpu.memory_space<vmem>>, vector<1x16xf32>,
        %get3A_348 = vector.shape_cast %get3A_347 : vector<1x16xf32> to vector<16xf32>
        %mul3A_349 = arith.mulf %broadcast_in_dim3A_276, %get3A_348 : vector<16xf32>
        %add3A_350 = arith.addf %get3A_344, %mul3A_349 : vector<16xf32>
        %get3A_351 = arith.index_cast %add3A_286 : i32 to index
        %get3A_352 = arith.constant 32 : index
        %get3A_353 = tpu.vector_load %arg18[%get3A_351, %get3A_352] {strides = array<i32>} : memref<128x128xf32, #tpu.memory_space<vmem>>, vector<1x16xf32>,
        %get3A_354 = vector.shape_cast %get3A_353 : vector<1x16xf32> to vector<16xf32>
        %mul3A_355 = arith.mulf %broadcast_in_dim3A_279, %get3A_354 : vector<16xf32>
        %add3A_356 = arith.addf %add3A_350, %mul3A_355 : vector<16xf32>
        %get3A_357 = arith.index_cast %add3A_286 : i32 to index
        %get3A_358 = arith.constant 32 : index
        %get3A_359 = tpu.vector_load %arg19[%get3A_357, %get3A_358] {strides = array<i32>} : memref<128x128xf32, #tpu.memory_space<vmem>>, vector<1x16xf32>,
        %get3A_360 = vector.shape_cast %get3A_359 : vector<1x16xf32> to vector<16xf32>
        %mul3A_361 = arith.mulf %broadcast_in_dim3A_282, %get3A_360 : vector<16xf32>
        %add3A_362 = arith.addf %add3A_356, %mul3A_361 : vector<16xf32>
        %swap3A_363 = arith.index_cast %add3A_286 : i32 to index
        %swap3A_364 = arith.constant 32 : index
        %swap3A_365 = tpu.vector_load %arg21[%swap3A_363, %swap3A_364] {strides = array<i32>} : memref<128x128xf32, #tpu.memory_space<vmem>>, vector<1x16xf32>,
        %swap3A_366 = vector.shape_cast %swap3A_365 : vector<1x16xf32> to vector<16xf32>
        %swap3A_367 = vector.shape_cast %add3A_362 : vector<16xf32> to vector<1x16xf32>
        tpu.vector_store %arg21[%swap3A_363, %swap3A_364], %swap3A_367 {strides = array<i32>} : memref<128x128xf32, #tpu.memory_space<vmem>>, vector<1x16xf32>,
        %get3A_368 = arith.index_cast %add3A_286 : i32 to index
        %get3A_369 = arith.constant 48 : index
        %get3A_370 = tpu.vector_load %arg20[%get3A_368, %get3A_369] {strides = array<i32>} : memref<128x128xf32, #tpu.memory_space<vmem>>, vector<1x16xf32>,
        %get3A_371 = vector.shape_cast %get3A_370 : vector<1x16xf32> to vector<16xf32>
        %get3A_372 = arith.index_cast %add3A_286 : i32 to index
        %get3A_373 = arith.constant 48 : index
        %get3A_374 = tpu.vector_load %arg17[%get3A_372, %get3A_373] {strides = array<i32>} : memref<128x128xf32, #tpu.memory_space<vmem>>, vector<1x16xf32>,
        %get3A_375 = vector.shape_cast %get3A_374 : vector<1x16xf32> to vector<16xf32>
        %mul3A_376 = arith.mulf %broadcast_in_dim3A_276, %get3A_375 : vector<16xf32>
        %add3A_377 = arith.addf %get3A_371, %mul3A_376 : vector<16xf32>
        %get3A_378 = arith.index_cast %add3A_286 : i32 to index
        %get3A_379 = arith.constant 48 : index
        %get3A_380 = tpu.vector_load %arg18[%get3A_378, %get3A_379] {strides = array<i32>} : memref<128x128xf32, #tpu.memory_space<vmem>>, vector<1x16xf32>,
        %get3A_381 = vector.shape_cast %get3A_380 : vector<1x16xf32> to vector<16xf32>
        %mul3A_382 = arith.mulf %broadcast_in_dim3A_279, %get3A_381 : vector<16xf32>
        %add3A_383 = arith.addf %add3A_377, %mul3A_382 : vector<16xf32>
        %get3A_384 = arith.index_cast %add3A_286 : i32 to index
        %get3A_385 = arith.constant 48 : index
        %get3A_386 = tpu.vector_load %arg19[%get3A_384, %get3A_385] {strides = array<i32>} : memref<128x128xf32, #tpu.memory_space<vmem>>, vector<1x16xf32>,
        %get3A_387 = vector.shape_cast %get3A_386 : vector<1x16xf32> to vector<16xf32>
        %mul3A_388 = arith.mulf %broadcast_in_dim3A_282, %get3A_387 : vector<16xf32>
        %add3A_389 = arith.addf %add3A_383, %mul3A_388 : vector<16xf32>
        %swap3A_390 = arith.index_cast %add3A_286 : i32 to index
        %swap3A_391 = arith.constant 48 : index
        %swap3A_392 = tpu.vector_load %arg21[%swap3A_390, %swap3A_391] {strides = array<i32>} : memref<128x128xf32, #tpu.memory_space<vmem>>, vector<1x16xf32>,
        %swap3A_393 = vector.shape_cast %swap3A_392 : vector<1x16xf32> to vector<16xf32>
        %swap3A_394 = vector.shape_cast %add3A_389 : vector<16xf32> to vector<1x16xf32>
        tpu.vector_store %arg21[%swap3A_390, %swap3A_391], %swap3A_394 {strides = array<i32>} : memref<128x128xf32, #tpu.memory_space<vmem>>, vector<1x16xf32>,
        %get3A_395 = arith.index_cast %add3A_286 : i32 to index
        %get3A_396 = arith.constant 64 : index
        %get3A_397 = tpu.vector_load %arg20[%get3A_395, %get3A_396] {strides = array<i32>} : memref<128x128xf32, #tpu.memory_space<vmem>>, vector<1x16xf32>,
        %get3A_398 = vector.shape_cast %get3A_397 : vector<1x16xf32> to vector<16xf32>
        %get3A_399 = arith.index_cast %add3A_286 : i32 to index
        %get3A_400 = arith.constant 64 : index
        %get3A_401 = tpu.vector_load %arg17[%get3A_399, %get3A_400] {strides = array<i32>} : memref<128x128xf32, #tpu.memory_space<vmem>>, vector<1x16xf32>,
        %get3A_402 = vector.shape_cast %get3A_401 : vector<1x16xf32> to vector<16xf32>
        %mul3A_403 = arith.mulf %broadcast_in_dim3A_276, %get3A_402 : vector<16xf32>
        %add3A_404 = arith.addf %get3A_398, %mul3A_403 : vector<16xf32>
        %get3A_405 = arith.index_cast %add3A_286 : i32 to index
        %get3A_406 = arith.constant 64 : index
        %get3A_407 = tpu.vector_load %arg18[%get3A_405, %get3A_406] {strides = array<i32>} : memref<128x128xf32, #tpu.memory_space<vmem>>, vector<1x16xf32>,
        %get3A_408 = vector.shape_cast %get3A_407 : vector<1x16xf32> to vector<16xf32>
        %mul3A_409 = arith.mulf %broadcast_in_dim3A_279, %get3A_408 : vector<16xf32>
        %add3A_410 = arith.addf %add3A_404, %mul3A_409 : vector<16xf32>
        %get3A_411 = arith.index_cast %add3A_286 : i32 to index
        %get3A_412 = arith.constant 64 : index
        %get3A_413 = tpu.vector_load %arg19[%get3A_411, %get3A_412] {strides = array<i32>} : memref<128x128xf32, #tpu.memory_space<vmem>>, vector<1x16xf32>,
        %get3A_414 = vector.shape_cast %get3A_413 : vector<1x16xf32> to vector<16xf32>
        %mul3A_415 = arith.mulf %broadcast_in_dim3A_282, %get3A_414 : vector<16xf32>
        %add3A_416 = arith.addf %add3A_410, %mul3A_415 : vector<16xf32>
        %swap3A_417 = arith.index_cast %add3A_286 : i32 to index
        %swap3A_418 = arith.constant 64 : index
        %swap3A_419 = tpu.vector_load %arg21[%swap3A_417, %swap3A_418] {strides = array<i32>} : memref<128x128xf32, #tpu.memory_space<vmem>>, vector<1x16xf32>,
        %swap3A_420 = vector.shape_cast %swap3A_419 : vector<1x16xf32> to vector<16xf32>
        %swap3A_421 = vector.shape_cast %add3A_416 : vector<16xf32> to vector<1x16xf32>
        tpu.vector_store %arg21[%swap3A_417, %swap3A_418], %swap3A_421 {strides = array<i32>} : memref<128x128xf32, #tpu.memory_space<vmem>>, vector<1x16xf32>,
        %get3A_422 = arith.index_cast %add3A_286 : i32 to index
        %get3A_423 = arith.constant 80 : index
        %get3A_424 = tpu.vector_load %arg20[%get3A_422, %get3A_423] {strides = array<i32>} : memref<128x128xf32, #tpu.memory_space<vmem>>, vector<1x16xf32>,
        %get3A_425 = vector.shape_cast %get3A_424 : vector<1x16xf32> to vector<16xf32>
        %get3A_426 = arith.index_cast %add3A_286 : i32 to index
        %get3A_427 = arith.constant 80 : index
        %get3A_428 = tpu.vector_load %arg17[%get3A_426, %get3A_427] {strides = array<i32>} : memref<128x128xf32, #tpu.memory_space<vmem>>, vector<1x16xf32>,
        %get3A_429 = vector.shape_cast %get3A_428 : vector<1x16xf32> to vector<16xf32>
        %mul3A_430 = arith.mulf %broadcast_in_dim3A_276, %get3A_429 : vector<16xf32>
        %add3A_431 = arith.addf %get3A_425, %mul3A_430 : vector<16xf32>
        %get3A_432 = arith.index_cast %add3A_286 : i32 to index
        %get3A_433 = arith.constant 80 : index
        %get3A_434 = tpu.vector_load %arg18[%get3A_432, %get3A_433] {strides = array<i32>} : memref<128x128xf32, #tpu.memory_space<vmem>>, vector<1x16xf32>,
        %get3A_435 = vector.shape_cast %get3A_434 : vector<1x16xf32> to vector<16xf32>
        %mul3A_436 = arith.mulf %broadcast_in_dim3A_279, %get3A_435 : vector<16xf32>
        %add3A_437 = arith.addf %add3A_431, %mul3A_436 : vector<16xf32>
        %get3A_438 = arith.index_cast %add3A_286 : i32 to index
        %get3A_439 = arith.constant 80 : index
        %get3A_440 = tpu.vector_load %arg19[%get3A_438, %get3A_439] {strides = array<i32>} : memref<128x128xf32, #tpu.memory_space<vmem>>, vector<1x16xf32>,
        %get3A_441 = vector.shape_cast %get3A_440 : vector<1x16xf32> to vector<16xf32>
        %mul3A_442 = arith.mulf %broadcast_in_dim3A_282, %get3A_441 : vector<16xf32>
        %add3A_443 = arith.addf %add3A_437, %mul3A_442 : vector<16xf32>
        %swap3A_444 = arith.index_cast %add3A_286 : i32 to index
        %swap3A_445 = arith.constant 80 : index
        %swap3A_446 = tpu.vector_load %arg21[%swap3A_444, %swap3A_445] {strides = array<i32>} : memref<128x128xf32, #tpu.memory_space<vmem>>, vector<1x16xf32>,
        %swap3A_447 = vector.shape_cast %swap3A_446 : vector<1x16xf32> to vector<16xf32>
        %swap3A_448 = vector.shape_cast %add3A_443 : vector<16xf32> to vector<1x16xf32>
        tpu.vector_store %arg21[%swap3A_444, %swap3A_445], %swap3A_448 {strides = array<i32>} : memref<128x128xf32, #tpu.memory_space<vmem>>, vector<1x16xf32>,
        %get3A_449 = arith.index_cast %add3A_286 : i32 to index
        %get3A_450 = arith.constant 96 : index
        %get3A_451 = tpu.vector_load %arg20[%get3A_449, %get3A_450] {strides = array<i32>} : memref<128x128xf32, #tpu.memory_space<vmem>>, vector<1x16xf32>,
        %get3A_452 = vector.shape_cast %get3A_451 : vector<1x16xf32> to vector<16xf32>
        %get3A_453 = arith.index_cast %add3A_286 : i32 to index
        %get3A_454 = arith.constant 96 : index
        %get3A_455 = tpu.vector_load %arg17[%get3A_453, %get3A_454] {strides = array<i32>} : memref<128x128xf32, #tpu.memory_space<vmem>>, vector<1x16xf32>,
        %get3A_456 = vector.shape_cast %get3A_455 : vector<1x16xf32> to vector<16xf32>
        %mul3A_457 = arith.mulf %broadcast_in_dim3A_276, %get3A_456 : vector<16xf32>
        %add3A_458 = arith.addf %get3A_452, %mul3A_457 : vector<16xf32>
        %get3A_459 = arith.index_cast %add3A_286 : i32 to index
        %get3A_460 = arith.constant 96 : index
        %get3A_461 = tpu.vector_load %arg18[%get3A_459, %get3A_460] {strides = array<i32>} : memref<128x128xf32, #tpu.memory_space<vmem>>, vector<1x16xf32>,
        %get3A_462 = vector.shape_cast %get3A_461 : vector<1x16xf32> to vector<16xf32>
        %mul3A_463 = arith.mulf %broadcast_in_dim3A_279, %get3A_462 : vector<16xf32>
        %add3A_464 = arith.addf %add3A_458, %mul3A_463 : vector<16xf32>
        %get3A_465 = arith.index_cast %add3A_286 : i32 to index
        %get3A_466 = arith.constant 96 : index
        %get3A_467 = tpu.vector_load %arg19[%get3A_465, %get3A_466] {strides = array<i32>} : memref<128x128xf32, #tpu.memory_space<vmem>>, vector<1x16xf32>,
        %get3A_468 = vector.shape_cast %get3A_467 : vector<1x16xf32> to vector<16xf32>
        %mul3A_469 = arith.mulf %broadcast_in_dim3A_282, %get3A_468 : vector<16xf32>
        %add3A_470 = arith.addf %add3A_464, %mul3A_469 : vector<16xf32>
        %swap3A_471 = arith.index_cast %add3A_286 : i32 to index
        %swap3A_472 = arith.constant 96 : index
        %swap3A_473 = tpu.vector_load %arg21[%swap3A_471, %swap3A_472] {strides = array<i32>} : memref<128x128xf32, #tpu.memory_space<vmem>>, vector<1x16xf32>,
        %swap3A_474 = vector.shape_cast %swap3A_473 : vector<1x16xf32> to vector<16xf32>
        %swap3A_475 = vector.shape_cast %add3A_470 : vector<16xf32> to vector<1x16xf32>
        tpu.vector_store %arg21[%swap3A_471, %swap3A_472], %swap3A_475 {strides = array<i32>} : memref<128x128xf32, #tpu.memory_space<vmem>>, vector<1x16xf32>,
        %get3A_476 = arith.index_cast %add3A_286 : i32 to index
        %get3A_477 = arith.constant 112 : index
        %get3A_478 = tpu.vector_load %arg20[%get3A_476, %get3A_477] {strides = array<i32>} : memref<128x128xf32, #tpu.memory_space<vmem>>, vector<1x16xf32>,
        %get3A_479 = vector.shape_cast %get3A_478 : vector<1x16xf32> to vector<16xf32>
        %get3A_480 = arith.index_cast %add3A_286 : i32 to index
        %get3A_481 = arith.constant 112 : index
        %get3A_482 = tpu.vector_load %arg17[%get3A_480, %get3A_481] {strides = array<i32>} : memref<128x128xf32, #tpu.memory_space<vmem>>, vector<1x16xf32>,
        %get3A_483 = vector.shape_cast %get3A_482 : vector<1x16xf32> to vector<16xf32>
        %mul3A_484 = arith.mulf %broadcast_in_dim3A_276, %get3A_483 : vector<16xf32>
        %add3A_485 = arith.addf %get3A_479, %mul3A_484 : vector<16xf32>
        %get3A_486 = arith.index_cast %add3A_286 : i32 to index
        %get3A_487 = arith.constant 112 : index
        %get3A_488 = tpu.vector_load %arg18[%get3A_486, %get3A_487] {strides = array<i32>} : memref<128x128xf32, #tpu.memory_space<vmem>>, vector<1x16xf32>,
        %get3A_489 = vector.shape_cast %get3A_488 : vector<1x16xf32> to vector<16xf32>
        %mul3A_490 = arith.mulf %broadcast_in_dim3A_279, %get3A_489 : vector<16xf32>
        %add3A_491 = arith.addf %add3A_485, %mul3A_490 : vector<16xf32>
        %get3A_492 = arith.index_cast %add3A_286 : i32 to index
        %get3A_493 = arith.constant 112 : index
        %get3A_494 = tpu.vector_load %arg19[%get3A_492, %get3A_493] {strides = array<i32>} : memref<128x128xf32, #tpu.memory_space<vmem>>, vector<1x16xf32>,
        %get3A_495 = vector.shape_cast %get3A_494 : vector<1x16xf32> to vector<16xf32>
        %mul3A_496 = arith.mulf %broadcast_in_dim3A_282, %get3A_495 : vector<16xf32>
        %add3A_497 = arith.addf %add3A_491, %mul3A_496 : vector<16xf32>
        %swap3A_498 = arith.index_cast %add3A_286 : i32 to index
        %swap3A_499 = arith.constant 112 : index
        %swap3A_500 = tpu.vector_load %arg21[%swap3A_498, %swap3A_499] {strides = array<i32>} : memref<128x128xf32, #tpu.memory_space<vmem>>, vector<1x16xf32>,
        %swap3A_501 = vector.shape_cast %swap3A_500 : vector<1x16xf32> to vector<16xf32>
        %swap3A_502 = vector.shape_cast %add3A_497 : vector<16xf32> to vector<1x16xf32>
        tpu.vector_store %arg21[%swap3A_498, %swap3A_499], %swap3A_502 {strides = array<i32>} : memref<128x128xf32, #tpu.memory_space<vmem>>, vector<1x16xf32>,
        %slice3A_503 = vector.extract_strided_slice %get3A_38 {offsets = [2], sizes = [1], strides = [1]} : vector<16xf32> to vector<1xf32>
        %squeeze3A_504 = vector.extract %slice3A_503[0] : f32 from vector<1xf32>
        %broadcast_in_dim3A_505 = vector.broadcast %squeeze3A_504 : f32 to vector<16xf32>
        %slice3A_506 = vector.extract_strided_slice %get3A_43 {offsets = [2], sizes = [1], strides = [1]} : vector<16xf32> to vector<1xf32>
        %squeeze3A_507 = vector.extract %slice3A_506[0] : f32 from vector<1xf32>
        %broadcast_in_dim3A_508 = vector.broadcast %squeeze3A_507 : f32 to vector<16xf32>
        %slice3A_509 = vector.extract_strided_slice %get3A_48 {offsets = [2], sizes = [1], strides = [1]} : vector<16xf32> to vector<1xf32>
        %squeeze3A_510 = vector.extract %slice3A_509[0] : f32 from vector<1xf32>
        %broadcast_in_dim3A_511 = vector.broadcast %squeeze3A_510 : f32 to vector<16xf32>
        %mul3A_512 = arith.constant 16 : i32
        %mul3A_513 = arith.muli %scan3A_34, %mul3A_512 : i32
        %add3A_514 = arith.constant 2 : i32
        %add3A_515 = arith.addi %mul3A_513, %add3A_514 : i32
        %get3A_516 = arith.index_cast %add3A_515 : i32 to index
        %get3A_517 = arith.constant 0 : index
        %get3A_518 = tpu.vector_load %arg20[%get3A_516, %get3A_517] {strides = array<i32>} : memref<128x128xf32, #tpu.memory_space<vmem>>, vector<1x16xf32>,
        %get3A_519 = vector.shape_cast %get3A_518 : vector<1x16xf32> to vector<16xf32>
        %get3A_520 = arith.index_cast %add3A_515 : i32 to index
        %get3A_521 = arith.constant 0 : index
        %get3A_522 = tpu.vector_load %arg17[%get3A_520, %get3A_521] {strides = array<i32>} : memref<128x128xf32, #tpu.memory_space<vmem>>, vector<1x16xf32>,
        %get3A_523 = vector.shape_cast %get3A_522 : vector<1x16xf32> to vector<16xf32>
        %mul3A_524 = arith.mulf %broadcast_in_dim3A_505, %get3A_523 : vector<16xf32>
        %add3A_525 = arith.addf %get3A_519, %mul3A_524 : vector<16xf32>
        %get3A_526 = arith.index_cast %add3A_515 : i32 to index
        %get3A_527 = arith.constant 0 : index
        %get3A_528 = tpu.vector_load %arg18[%get3A_526, %get3A_527] {strides = array<i32>} : memref<128x128xf32, #tpu.memory_space<vmem>>, vector<1x16xf32>,
        %get3A_529 = vector.shape_cast %get3A_528 : vector<1x16xf32> to vector<16xf32>
        %mul3A_530 = arith.mulf %broadcast_in_dim3A_508, %get3A_529 : vector<16xf32>
        %add3A_531 = arith.addf %add3A_525, %mul3A_530 : vector<16xf32>
        %get3A_532 = arith.index_cast %add3A_515 : i32 to index
        %get3A_533 = arith.constant 0 : index
        %get3A_534 = tpu.vector_load %arg19[%get3A_532, %get3A_533] {strides = array<i32>} : memref<128x128xf32, #tpu.memory_space<vmem>>, vector<1x16xf32>,
        %get3A_535 = vector.shape_cast %get3A_534 : vector<1x16xf32> to vector<16xf32>
        %mul3A_536 = arith.mulf %broadcast_in_dim3A_511, %get3A_535 : vector<16xf32>
        %add3A_537 = arith.addf %add3A_531, %mul3A_536 : vector<16xf32>
        %swap3A_538 = arith.index_cast %add3A_515 : i32 to index
        %swap3A_539 = arith.constant 0 : index
        %swap3A_540 = tpu.vector_load %arg21[%swap3A_538, %swap3A_539] {strides = array<i32>} : memref<128x128xf32, #tpu.memory_space<vmem>>, vector<1x16xf32>,
        %swap3A_541 = vector.shape_cast %swap3A_540 : vector<1x16xf32> to vector<16xf32>
        %swap3A_542 = vector.shape_cast %add3A_537 : vector<16xf32> to vector<1x16xf32>
        tpu.vector_store %arg21[%swap3A_538, %swap3A_539], %swap3A_542 {strides = array<i32>} : memref<128x128xf32, #tpu.memory_space<vmem>>, vector<1x16xf32>,
        %get3A_543 = arith.index_cast %add3A_515 : i32 to index
        %get3A_544 = arith.constant 16 : index
        %get3A_545 = tpu.vector_load %arg20[%get3A_543, %get3A_544] {strides = array<i32>} : memref<128x128xf32, #tpu.memory_space<vmem>>, vector<1x16xf32>,
        %get3A_546 = vector.shape_cast %get3A_545 : vector<1x16xf32> to vector<16xf32>
        %get3A_547 = arith.index_cast %add3A_515 : i32 to index
        %get3A_548 = arith.constant 16 : index
        %get3A_549 = tpu.vector_load %arg17[%get3A_547, %get3A_548] {strides = array<i32>} : memref<128x128xf32, #tpu.memory_space<vmem>>, vector<1x16xf32>,
        %get3A_550 = vector.shape_cast %get3A_549 : vector<1x16xf32> to vector<16xf32>
        %mul3A_551 = arith.mulf %broadcast_in_dim3A_505, %get3A_550 : vector<16xf32>
        %add3A_552 = arith.addf %get3A_546, %mul3A_551 : vector<16xf32>
        %get3A_553 = arith.index_cast %add3A_515 : i32 to index
        %get3A_554 = arith.constant 16 : index
        %get3A_555 = tpu.vector_load %arg18[%get3A_553, %get3A_554] {strides = array<i32>} : memref<128x128xf32, #tpu.memory_space<vmem>>, vector<1x16xf32>,
        %get3A_556 = vector.shape_cast %get3A_555 : vector<1x16xf32> to vector<16xf32>
        %mul3A_557 = arith.mulf %broadcast_in_dim3A_508, %get3A_556 : vector<16xf32>
        %add3A_558 = arith.addf %add3A_552, %mul3A_557 : vector<16xf32>
        %get3A_559 = arith.index_cast %add3A_515 : i32 to index
        %get3A_560 = arith.constant 16 : index
        %get3A_561 = tpu.vector_load %arg19[%get3A_559, %get3A_560] {strides = array<i32>} : memref<128x128xf32, #tpu.memory_space<vmem>>, vector<1x16xf32>,
        %get3A_562 = vector.shape_cast %get3A_561 : vector<1x16xf32> to vector<16xf32>
        %mul3A_563 = arith.mulf %broadcast_in_dim3A_511, %get3A_562 : vector<16xf32>
        %add3A_564 = arith.addf %add3A_558, %mul3A_563 : vector<16xf32>
        %swap3A_565 = arith.index_cast %add3A_515 : i32 to index
        %swap3A_566 = arith.constant 16 : index
        %swap3A_567 = tpu.vector_load %arg21[%swap3A_565, %swap3A_566] {strides = array<i32>} : memref<128x128xf32, #tpu.memory_space<vmem>>, vector<1x16xf32>,
        %swap3A_568 = vector.shape_cast %swap3A_567 : vector<1x16xf32> to vector<16xf32>
        %swap3A_569 = vector.shape_cast %add3A_564 : vector<16xf32> to vector<1x16xf32>
        tpu.vector_store %arg21[%swap3A_565, %swap3A_566], %swap3A_569 {strides = array<i32>} : memref<128x128xf32, #tpu.memory_space<vmem>>, vector<1x16xf32>,
        %get3A_570 = arith.index_cast %add3A_515 : i32 to index
        %get3A_571 = arith.constant 32 : index
        %get3A_572 = tpu.vector_load %arg20[%get3A_570, %get3A_571] {strides = array<i32>} : memref<128x128xf32, #tpu.memory_space<vmem>>, vector<1x16xf32>,
        %get3A_573 = vector.shape_cast %get3A_572 : vector<1x16xf32> to vector<16xf32>
        %get3A_574 = arith.index_cast %add3A_515 : i32 to index
        %get3A_575 = arith.constant 32 : index
        %get3A_576 = tpu.vector_load %arg17[%get3A_574, %get3A_575] {strides = array<i32>} : memref<128x128xf32, #tpu.memory_space<vmem>>, vector<1x16xf32>,
        %get3A_577 = vector.shape_cast %get3A_576 : vector<1x16xf32> to vector<16xf32>
        %mul3A_578 = arith.mulf %broadcast_in_dim3A_505, %get3A_577 : vector<16xf32>
        %add3A_579 = arith.addf %get3A_573, %mul3A_578 : vector<16xf32>
        %get3A_580 = arith.index_cast %add3A_515 : i32 to index
        %get3A_581 = arith.constant 32 : index
        %get3A_582 = tpu.vector_load %arg18[%get3A_580, %get3A_581] {strides = array<i32>} : memref<128x128xf32, #tpu.memory_space<vmem>>, vector<1x16xf32>,
        %get3A_583 = vector.shape_cast %get3A_582 : vector<1x16xf32> to vector<16xf32>
        %mul3A_584 = arith.mulf %broadcast_in_dim3A_508, %get3A_583 : vector<16xf32>
        %add3A_585 = arith.addf %add3A_579, %mul3A_584 : vector<16xf32>
        %get3A_586 = arith.index_cast %add3A_515 : i32 to index
        %get3A_587 = arith.constant 32 : index
        %get3A_588 = tpu.vector_load %arg19[%get3A_586, %get3A_587] {strides = array<i32>} : memref<128x128xf32, #tpu.memory_space<vmem>>, vector<1x16xf32>,
        %get3A_589 = vector.shape_cast %get3A_588 : vector<1x16xf32> to vector<16xf32>
        %mul3A_590 = arith.mulf %broadcast_in_dim3A_511, %get3A_589 : vector<16xf32>
        %add3A_591 = arith.addf %add3A_585, %mul3A_590 : vector<16xf32>
        %swap3A_592 = arith.index_cast %add3A_515 : i32 to index
        %swap3A_593 = arith.constant 32 : index
        %swap3A_594 = tpu.vector_load %arg21[%swap3A_592, %swap3A_593] {strides = array<i32>} : memref<128x128xf32, #tpu.memory_space<vmem>>, vector<1x16xf32>,
        %swap3A_595 = vector.shape_cast %swap3A_594 : vector<1x16xf32> to vector<16xf32>
        %swap3A_596 = vector.shape_cast %add3A_591 : vector<16xf32> to vector<1x16xf32>
        tpu.vector_store %arg21[%swap3A_592, %swap3A_593], %swap3A_596 {strides = array<i32>} : memref<128x128xf32, #tpu.memory_space<vmem>>, vector<1x16xf32>,
        %get3A_597 = arith.index_cast %add3A_515 : i32 to index
        %get3A_598 = arith.constant 48 : index
        %get3A_599 = tpu.vector_load %arg20[%get3A_597, %get3A_598] {strides = array<i32>} : memref<128x128xf32, #tpu.memory_space<vmem>>, vector<1x16xf32>,
        %get3A_600 = vector.shape_cast %get3A_599 : vector<1x16xf32> to vector<16xf32>
        %get3A_601 = arith.index_cast %add3A_515 : i32 to index
        %get3A_602 = arith.constant 48 : index
        %get3A_603 = tpu.vector_load %arg17[%get3A_601, %get3A_602] {strides = array<i32>} : memref<128x128xf32, #tpu.memory_space<vmem>>, vector<1x16xf32>,
        %get3A_604 = vector.shape_cast %get3A_603 : vector<1x16xf32> to vector<16xf32>
        %mul3A_605 = arith.mulf %broadcast_in_dim3A_505, %get3A_604 : vector<16xf32>
        %add3A_606 = arith.addf %get3A_600, %mul3A_605 : vector<16xf32>
        %get3A_607 = arith.index_cast %add3A_515 : i32 to index
        %get3A_608 = arith.constant 48 : index
        %get3A_609 = tpu.vector_load %arg18[%get3A_607, %get3A_608] {strides = array<i32>} : memref<128x128xf32, #tpu.memory_space<vmem>>, vector<1x16xf32>,
        %get3A_610 = vector.shape_cast %get3A_609 : vector<1x16xf32> to vector<16xf32>
        %mul3A_611 = arith.mulf %broadcast_in_dim3A_508, %get3A_610 : vector<16xf32>
        %add3A_612 = arith.addf %add3A_606, %mul3A_611 : vector<16xf32>
        %get3A_613 = arith.index_cast %add3A_515 : i32 to index
        %get3A_614 = arith.constant 48 : index
        %get3A_615 = tpu.vector_load %arg19[%get3A_613, %get3A_614] {strides = array<i32>} : memref<128x128xf32, #tpu.memory_space<vmem>>, vector<1x16xf32>,
        %get3A_616 = vector.shape_cast %get3A_615 : vector<1x16xf32> to vector<16xf32>
        %mul3A_617 = arith.mulf %broadcast_in_dim3A_511, %get3A_616 : vector<16xf32>
        %add3A_618 = arith.addf %add3A_612, %mul3A_617 : vector<16xf32>
        %swap3A_619 = arith.index_cast %add3A_515 : i32 to index
        %swap3A_620 = arith.constant 48 : index
        %swap3A_621 = tpu.vector_load %arg21[%swap3A_619, %swap3A_620] {strides = array<i32>} : memref<128x128xf32, #tpu.memory_space<vmem>>, vector<1x16xf32>,
        %swap3A_622 = vector.shape_cast %swap3A_621 : vector<1x16xf32> to vector<16xf32>
        %swap3A_623 = vector.shape_cast %add3A_618 : vector<16xf32> to vector<1x16xf32>
        tpu.vector_store %arg21[%swap3A_619, %swap3A_620], %swap3A_623 {strides = array<i32>} : memref<128x128xf32, #tpu.memory_space<vmem>>, vector<1x16xf32>,
        %get3A_624 = arith.index_cast %add3A_515 : i32 to index
        %get3A_625 = arith.constant 64 : index
        %get3A_626 = tpu.vector_load %arg20[%get3A_624, %get3A_625] {strides = array<i32>} : memref<128x128xf32, #tpu.memory_space<vmem>>, vector<1x16xf32>,
        %get3A_627 = vector.shape_cast %get3A_626 : vector<1x16xf32> to vector<16xf32>
        %get3A_628 = arith.index_cast %add3A_515 : i32 to index
        %get3A_629 = arith.constant 64 : index
        %get3A_630 = tpu.vector_load %arg17[%get3A_628, %get3A_629] {strides = array<i32>} : memref<128x128xf32, #tpu.memory_space<vmem>>, vector<1x16xf32>,
        %get3A_631 = vector.shape_cast %get3A_630 : vector<1x16xf32> to vector<16xf32>
        %mul3A_632 = arith.mulf %broadcast_in_dim3A_505, %get3A_631 : vector<16xf32>
        %add3A_633 = arith.addf %get3A_627, %mul3A_632 : vector<16xf32>
        %get3A_634 = arith.index_cast %add3A_515 : i32 to index
        %get3A_635 = arith.constant 64 : index
        %get3A_636 = tpu.vector_load %arg18[%get3A_634, %get3A_635] {strides = array<i32>} : memref<128x128xf32, #tpu.memory_space<vmem>>, vector<1x16xf32>,
        %get3A_637 = vector.shape_cast %get3A_636 : vector<1x16xf32> to vector<16xf32>
        %mul3A_638 = arith.mulf %broadcast_in_dim3A_508, %get3A_637 : vector<16xf32>
        %add3A_639 = arith.addf %add3A_633, %mul3A_638 : vector<16xf32>
        %get3A_640 = arith.index_cast %add3A_515 : i32 to index
        %get3A_641 = arith.constant 64 : index
        %get3A_642 = tpu.vector_load %arg19[%get3A_640, %get3A_641] {strides = array<i32>} : memref<128x128xf32, #tpu.memory_space<vmem>>, vector<1x16xf32>,
        %get3A_643 = vector.shape_cast %get3A_642 : vector<1x16xf32> to vector<16xf32>
        %mul3A_644 = arith.mulf %broadcast_in_dim3A_511, %get3A_643 : vector<16xf32>
        %add3A_645 = arith.addf %add3A_639, %mul3A_644 : vector<16xf32>
        %swap3A_646 = arith.index_cast %add3A_515 : i32 to index
        %swap3A_647 = arith.constant 64 : index
        %swap3A_648 = tpu.vector_load %arg21[%swap3A_646, %swap3A_647] {strides = array<i32>} : memref<128x128xf32, #tpu.memory_space<vmem>>, vector<1x16xf32>,
        %swap3A_649 = vector.shape_cast %swap3A_648 : vector<1x16xf32> to vector<16xf32>
        %swap3A_650 = vector.shape_cast %add3A_645 : vector<16xf32> to vector<1x16xf32>
        tpu.vector_store %arg21[%swap3A_646, %swap3A_647], %swap3A_650 {strides = array<i32>} : memref<128x128xf32, #tpu.memory_space<vmem>>, vector<1x16xf32>,
        %get3A_651 = arith.index_cast %add3A_515 : i32 to index
        %get3A_652 = arith.constant 80 : index
        %get3A_653 = tpu.vector_load %arg20[%get3A_651, %get3A_652] {strides = array<i32>} : memref<128x128xf32, #tpu.memory_space<vmem>>, vector<1x16xf32>,
        %get3A_654 = vector.shape_cast %get3A_653 : vector<1x16xf32> to vector<16xf32>
        %get3A_655 = arith.index_cast %add3A_515 : i32 to index
        %get3A_656 = arith.constant 80 : index
        %get3A_657 = tpu.vector_load %arg17[%get3A_655, %get3A_656] {strides = array<i32>} : memref<128x128xf32, #tpu.memory_space<vmem>>, vector<1x16xf32>,
        %get3A_658 = vector.shape_cast %get3A_657 : vector<1x16xf32> to vector<16xf32>
        %mul3A_659 = arith.mulf %broadcast_in_dim3A_505, %get3A_658 : vector<16xf32>
        %add3A_660 = arith.addf %get3A_654, %mul3A_659 : vector<16xf32>
        %get3A_661 = arith.index_cast %add3A_515 : i32 to index
        %get3A_662 = arith.constant 80 : index
        %get3A_663 = tpu.vector_load %arg18[%get3A_661, %get3A_662] {strides = array<i32>} : memref<128x128xf32, #tpu.memory_space<vmem>>, vector<1x16xf32>,
        %get3A_664 = vector.shape_cast %get3A_663 : vector<1x16xf32> to vector<16xf32>
        %mul3A_665 = arith.mulf %broadcast_in_dim3A_508, %get3A_664 : vector<16xf32>
        %add3A_666 = arith.addf %add3A_660, %mul3A_665 : vector<16xf32>
        %get3A_667 = arith.index_cast %add3A_515 : i32 to index
        %get3A_668 = arith.constant 80 : index
        %get3A_669 = tpu.vector_load %arg19[%get3A_667, %get3A_668] {strides = array<i32>} : memref<128x128xf32, #tpu.memory_space<vmem>>, vector<1x16xf32>,
        %get3A_670 = vector.shape_cast %get3A_669 : vector<1x16xf32> to vector<16xf32>
        %mul3A_671 = arith.mulf %broadcast_in_dim3A_511, %get3A_670 : vector<16xf32>
        %add3A_672 = arith.addf %add3A_666, %mul3A_671 : vector<16xf32>
        %swap3A_673 = arith.index_cast %add3A_515 : i32 to index
        %swap3A_674 = arith.constant 80 : index
        %swap3A_675 = tpu.vector_load %arg21[%swap3A_673, %swap3A_674] {strides = array<i32>} : memref<128x128xf32, #tpu.memory_space<vmem>>, vector<1x16xf32>,
        %swap3A_676 = vector.shape_cast %swap3A_675 : vector<1x16xf32> to vector<16xf32>
        %swap3A_677 = vector.shape_cast %add3A_672 : vector<16xf32> to vector<1x16xf32>
        tpu.vector_store %arg21[%swap3A_673, %swap3A_674], %swap3A_677 {strides = array<i32>} : memref<128x128xf32, #tpu.memory_space<vmem>>, vector<1x16xf32>,
        %get3A_678 = arith.index_cast %add3A_515 : i32 to index
        %get3A_679 = arith.constant 96 : index
        %get3A_680 = tpu.vector_load %arg20[%get3A_678, %get3A_679] {strides = array<i32>} : memref<128x128xf32, #tpu.memory_space<vmem>>, vector<1x16xf32>,
        %get3A_681 = vector.shape_cast %get3A_680 : vector<1x16xf32> to vector<16xf32>
        %get3A_682 = arith.index_cast %add3A_515 : i32 to index
        %get3A_683 = arith.constant 96 : index
        %get3A_684 = tpu.vector_load %arg17[%get3A_682, %get3A_683] {strides = array<i32>} : memref<128x128xf32, #tpu.memory_space<vmem>>, vector<1x16xf32>,
        %get3A_685 = vector.shape_cast %get3A_684 : vector<1x16xf32> to vector<16xf32>
        %mul3A_686 = arith.mulf %broadcast_in_dim3A_505, %get3A_685 : vector<16xf32>
        %add3A_687 = arith.addf %get3A_681, %mul3A_686 : vector<16xf32>
        %get3A_688 = arith.index_cast %add3A_515 : i32 to index
        %get3A_689 = arith.constant 96 : index
        %get3A_690 = tpu.vector_load %arg18[%get3A_688, %get3A_689] {strides = array<i32>} : memref<128x128xf32, #tpu.memory_space<vmem>>, vector<1x16xf32>,
        %get3A_691 = vector.shape_cast %get3A_690 : vector<1x16xf32> to vector<16xf32>
        %mul3A_692 = arith.mulf %broadcast_in_dim3A_508, %get3A_691 : vector<16xf32>
        %add3A_693 = arith.addf %add3A_687, %mul3A_692 : vector<16xf32>
        %get3A_694 = arith.index_cast %add3A_515 : i32 to index
        %get3A_695 = arith.constant 96 : index
        %get3A_696 = tpu.vector_load %arg19[%get3A_694, %get3A_695] {strides = array<i32>} : memref<128x128xf32, #tpu.memory_space<vmem>>, vector<1x16xf32>,
        %get3A_697 = vector.shape_cast %get3A_696 : vector<1x16xf32> to vector<16xf32>
        %mul3A_698 = arith.mulf %broadcast_in_dim3A_511, %get3A_697 : vector<16xf32>
        %add3A_699 = arith.addf %add3A_693, %mul3A_698 : vector<16xf32>
        %swap3A_700 = arith.index_cast %add3A_515 : i32 to index
        %swap3A_701 = arith.constant 96 : index
        %swap3A_702 = tpu.vector_load %arg21[%swap3A_700, %swap3A_701] {strides = array<i32>} : memref<128x128xf32, #tpu.memory_space<vmem>>, vector<1x16xf32>,
        %swap3A_703 = vector.shape_cast %swap3A_702 : vector<1x16xf32> to vector<16xf32>
        %swap3A_704 = vector.shape_cast %add3A_699 : vector<16xf32> to vector<1x16xf32>
        tpu.vector_store %arg21[%swap3A_700, %swap3A_701], %swap3A_704 {strides = array<i32>} : memref<128x128xf32, #tpu.memory_space<vmem>>, vector<1x16xf32>,
        %get3A_705 = arith.index_cast %add3A_515 : i32 to index
        %get3A_706 = arith.constant 112 : index
        %get3A_707 = tpu.vector_load %arg20[%get3A_705, %get3A_706] {strides = array<i32>} : memref<128x128xf32, #tpu.memory_space<vmem>>, vector<1x16xf32>,
        %get3A_708 = vector.shape_cast %get3A_707 : vector<1x16xf32> to vector<16xf32>
        %get3A_709 = arith.index_cast %add3A_515 : i32 to index
        %get3A_710 = arith.constant 112 : index
        %get3A_711 = tpu.vector_load %arg17[%get3A_709, %get3A_710] {strides = array<i32>} : memref<128x128xf32, #tpu.memory_space<vmem>>, vector<1x16xf32>,
        %get3A_712 = vector.shape_cast %get3A_711 : vector<1x16xf32> to vector<16xf32>
        %mul3A_713 = arith.mulf %broadcast_in_dim3A_505, %get3A_712 : vector<16xf32>
        %add3A_714 = arith.addf %get3A_708, %mul3A_713 : vector<16xf32>
        %get3A_715 = arith.index_cast %add3A_515 : i32 to index
        %get3A_716 = arith.constant 112 : index
        %get3A_717 = tpu.vector_load %arg18[%get3A_715, %get3A_716] {strides = array<i32>} : memref<128x128xf32, #tpu.memory_space<vmem>>, vector<1x16xf32>,
        %get3A_718 = vector.shape_cast %get3A_717 : vector<1x16xf32> to vector<16xf32>
        %mul3A_719 = arith.mulf %broadcast_in_dim3A_508, %get3A_718 : vector<16xf32>
        %add3A_720 = arith.addf %add3A_714, %mul3A_719 : vector<16xf32>
        %get3A_721 = arith.index_cast %add3A_515 : i32 to index
        %get3A_722 = arith.constant 112 : index
        %get3A_723 = tpu.vector_load %arg19[%get3A_721, %get3A_722] {strides = array<i32>} : memref<128x128xf32, #tpu.memory_space<vmem>>, vector<1x16xf32>,
        %get3A_724 = vector.shape_cast %get3A_723 : vector<1x16xf32> to vector<16xf32>
        %mul3A_725 = arith.mulf %broadcast_in_dim3A_511, %get3A_724 : vector<16xf32>
        %add3A_726 = arith.addf %add3A_720, %mul3A_725 : vector<16xf32>
        %swap3A_727 = arith.index_cast %add3A_515 : i32 to index
        %swap3A_728 = arith.constant 112 : index
        %swap3A_729 = tpu.vector_load %arg21[%swap3A_727, %swap3A_728] {strides = array<i32>} : memref<128x128xf32, #tpu.memory_space<vmem>>, vector<1x16xf32>,
        %swap3A_730 = vector.shape_cast %swap3A_729 : vector<1x16xf32> to vector<16xf32>
        %swap3A_731 = vector.shape_cast %add3A_726 : vector<16xf32> to vector<1x16xf32>
        tpu.vector_store %arg21[%swap3A_727, %swap3A_728], %swap3A_731 {strides = array<i32>} : memref<128x128xf32, #tpu.memory_space<vmem>>, vector<1x16xf32>,
        %slice3A_732 = vector.extract_strided_slice %get3A_38 {offsets = [3], sizes = [1], strides = [1]} : vector<16xf32> to vector<1xf32>
        %squeeze3A_733 = vector.extract %slice3A_732[0] : f32 from vector<1xf32>
        %broadcast_in_dim3A_734 = vector.broadcast %squeeze3A_733 : f32 to vector<16xf32>
        %slice3A_735 = vector.extract_strided_slice %get3A_43 {offsets = [3], sizes = [1], strides = [1]} : vector<16xf32> to vector<1xf32>
        %squeeze3A_736 = vector.extract %slice3A_735[0] : f32 from vector<1xf32>
        %broadcast_in_dim3A_737 = vector.broadcast %squeeze3A_736 : f32 to vector<16xf32>
        %slice3A_738 = vector.extract_strided_slice %get3A_48 {offsets = [3], sizes = [1], strides = [1]} : vector<16xf32> to vector<1xf32>
        %squeeze3A_739 = vector.extract %slice3A_738[0] : f32 from vector<1xf32>
        %broadcast_in_dim3A_740 = vector.broadcast %squeeze3A_739 : f32 to vector<16xf32>
        %mul3A_741 = arith.constant 16 : i32
        %mul3A_742 = arith.muli %scan3A_34, %mul3A_741 : i32
        %add3A_743 = arith.constant 3 : i32
        %add3A_744 = arith.addi %mul3A_742, %add3A_743 : i32
        %get3A_745 = arith.index_cast %add3A_744 : i32 to index
        %get3A_746 = arith.constant 0 : index
        %get3A_747 = tpu.vector_load %arg20[%get3A_745, %get3A_746] {strides = array<i32>} : memref<128x128xf32, #tpu.memory_space<vmem>>, vector<1x16xf32>,
        %get3A_748 = vector.shape_cast %get3A_747 : vector<1x16xf32> to vector<16xf32>
        %get3A_749 = arith.index_cast %add3A_744 : i32 to index
        %get3A_750 = arith.constant 0 : index
        %get3A_751 = tpu.vector_load %arg17[%get3A_749, %get3A_750] {strides = array<i32>} : memref<128x128xf32, #tpu.memory_space<vmem>>, vector<1x16xf32>,
        %get3A_752 = vector.shape_cast %get3A_751 : vector<1x16xf32> to vector<16xf32>
        %mul3A_753 = arith.mulf %broadcast_in_dim3A_734, %get3A_752 : vector<16xf32>
        %add3A_754 = arith.addf %get3A_748, %mul3A_753 : vector<16xf32>
        %get3A_755 = arith.index_cast %add3A_744 : i32 to index
        %get3A_756 = arith.constant 0 : index
        %get3A_757 = tpu.vector_load %arg18[%get3A_755, %get3A_756] {strides = array<i32>} : memref<128x128xf32, #tpu.memory_space<vmem>>, vector<1x16xf32>,
        %get3A_758 = vector.shape_cast %get3A_757 : vector<1x16xf32> to vector<16xf32>
        %mul3A_759 = arith.mulf %broadcast_in_dim3A_737, %get3A_758 : vector<16xf32>
        %add3A_760 = arith.addf %add3A_754, %mul3A_759 : vector<16xf32>
        %get3A_761 = arith.index_cast %add3A_744 : i32 to index
        %get3A_762 = arith.constant 0 : index
        %get3A_763 = tpu.vector_load %arg19[%get3A_761, %get3A_762] {strides = array<i32>} : memref<128x128xf32, #tpu.memory_space<vmem>>, vector<1x16xf32>,
        %get3A_764 = vector.shape_cast %get3A_763 : vector<1x16xf32> to vector<16xf32>
        %mul3A_765 = arith.mulf %broadcast_in_dim3A_740, %get3A_764 : vector<16xf32>
        %add3A_766 = arith.addf %add3A_760, %mul3A_765 : vector<16xf32>
        %swap3A_767 = arith.index_cast %add3A_744 : i32 to index
        %swap3A_768 = arith.constant 0 : index
        %swap3A_769 = tpu.vector_load %arg21[%swap3A_767, %swap3A_768] {strides = array<i32>} : memref<128x128xf32, #tpu.memory_space<vmem>>, vector<1x16xf32>,
        %swap3A_770 = vector.shape_cast %swap3A_769 : vector<1x16xf32> to vector<16xf32>
        %swap3A_771 = vector.shape_cast %add3A_766 : vector<16xf32> to vector<1x16xf32>
        tpu.vector_store %arg21[%swap3A_767, %swap3A_768], %swap3A_771 {strides = array<i32>} : memref<128x128xf32, #tpu.memory_space<vmem>>, vector<1x16xf32>,
        %get3A_772 = arith.index_cast %add3A_744 : i32 to index
        %get3A_773 = arith.constant 16 : index
        %get3A_774 = tpu.vector_load %arg20[%get3A_772, %get3A_773] {strides = array<i32>} : memref<128x128xf32, #tpu.memory_space<vmem>>, vector<1x16xf32>,
        %get3A_775 = vector.shape_cast %get3A_774 : vector<1x16xf32> to vector<16xf32>
        %get3A_776 = arith.index_cast %add3A_744 : i32 to index
        %get3A_777 = arith.constant 16 : index
        %get3A_778 = tpu.vector_load %arg17[%get3A_776, %get3A_777] {strides = array<i32>} : memref<128x128xf32, #tpu.memory_space<vmem>>, vector<1x16xf32>,
        %get3A_779 = vector.shape_cast %get3A_778 : vector<1x16xf32> to vector<16xf32>
        %mul3A_780 = arith.mulf %broadcast_in_dim3A_734, %get3A_779 : vector<16xf32>
        %add3A_781 = arith.addf %get3A_775, %mul3A_780 : vector<16xf32>
        %get3A_782 = arith.index_cast %add3A_744 : i32 to index
        %get3A_783 = arith.constant 16 : index
        %get3A_784 = tpu.vector_load %arg18[%get3A_782, %get3A_783] {strides = array<i32>} : memref<128x128xf32, #tpu.memory_space<vmem>>, vector<1x16xf32>,
        %get3A_785 = vector.shape_cast %get3A_784 : vector<1x16xf32> to vector<16xf32>
        %mul3A_786 = arith.mulf %broadcast_in_dim3A_737, %get3A_785 : vector<16xf32>
        %add3A_787 = arith.addf %add3A_781, %mul3A_786 : vector<16xf32>
        %get3A_788 = arith.index_cast %add3A_744 : i32 to index
        %get3A_789 = arith.constant 16 : index
        %get3A_790 = tpu.vector_load %arg19[%get3A_788, %get3A_789] {strides = array<i32>} : memref<128x128xf32, #tpu.memory_space<vmem>>, vector<1x16xf32>,
        %get3A_791 = vector.shape_cast %get3A_790 : vector<1x16xf32> to vector<16xf32>
        %mul3A_792 = arith.mulf %broadcast_in_dim3A_740, %get3A_791 : vector<16xf32>
        %add3A_793 = arith.addf %add3A_787, %mul3A_792 : vector<16xf32>
        %swap3A_794 = arith.index_cast %add3A_744 : i32 to index
        %swap3A_795 = arith.constant 16 : index
        %swap3A_796 = tpu.vector_load %arg21[%swap3A_794, %swap3A_795] {strides = array<i32>} : memref<128x128xf32, #tpu.memory_space<vmem>>, vector<1x16xf32>,
        %swap3A_797 = vector.shape_cast %swap3A_796 : vector<1x16xf32> to vector<16xf32>
        %swap3A_798 = vector.shape_cast %add3A_793 : vector<16xf32> to vector<1x16xf32>
        tpu.vector_store %arg21[%swap3A_794, %swap3A_795], %swap3A_798 {strides = array<i32>} : memref<128x128xf32, #tpu.memory_space<vmem>>, vector<1x16xf32>,
        %get3A_799 = arith.index_cast %add3A_744 : i32 to index
        %get3A_800 = arith.constant 32 : index
        %get3A_801 = tpu.vector_load %arg20[%get3A_799, %get3A_800] {strides = array<i32>} : memref<128x128xf32, #tpu.memory_space<vmem>>, vector<1x16xf32>,
        %get3A_802 = vector.shape_cast %get3A_801 : vector<1x16xf32> to vector<16xf32>
        %get3A_803 = arith.index_cast %add3A_744 : i32 to index
        %get3A_804 = arith.constant 32 : index
        %get3A_805 = tpu.vector_load %arg17[%get3A_803, %get3A_804] {strides = array<i32>} : memref<128x128xf32, #tpu.memory_space<vmem>>, vector<1x16xf32>,
        %get3A_806 = vector.shape_cast %get3A_805 : vector<1x16xf32> to vector<16xf32>
        %mul3A_807 = arith.mulf %broadcast_in_dim3A_734, %get3A_806 : vector<16xf32>
        %add3A_808 = arith.addf %get3A_802, %mul3A_807 : vector<16xf32>
        %get3A_809 = arith.index_cast %add3A_744 : i32 to index
        %get3A_810 = arith.constant 32 : index
        %get3A_811 = tpu.vector_load %arg18[%get3A_809, %get3A_810] {strides = array<i32>} : memref<128x128xf32, #tpu.memory_space<vmem>>, vector<1x16xf32>,
        %get3A_812 = vector.shape_cast %get3A_811 : vector<1x16xf32> to vector<16xf32>
        %mul3A_813 = arith.mulf %broadcast_in_dim3A_737, %get3A_812 : vector<16xf32>
        %add3A_814 = arith.addf %add3A_808, %mul3A_813 : vector<16xf32>
        %get3A_815 = arith.index_cast %add3A_744 : i32 to index
        %get3A_816 = arith.constant 32 : index
        %get3A_817 = tpu.vector_load %arg19[%get3A_815, %get3A_816] {strides = array<i32>} : memref<128x128xf32, #tpu.memory_space<vmem>>, vector<1x16xf32>,
        %get3A_818 = vector.shape_cast %get3A_817 : vector<1x16xf32> to vector<16xf32>
        %mul3A_819 = arith.mulf %broadcast_in_dim3A_740, %get3A_818 : vector<16xf32>
        %add3A_820 = arith.addf %add3A_814, %mul3A_819 : vector<16xf32>
        %swap3A_821 = arith.index_cast %add3A_744 : i32 to index
        %swap3A_822 = arith.constant 32 : index
        %swap3A_823 = tpu.vector_load %arg21[%swap3A_821, %swap3A_822] {strides = array<i32>} : memref<128x128xf32, #tpu.memory_space<vmem>>, vector<1x16xf32>,
        %swap3A_824 = vector.shape_cast %swap3A_823 : vector<1x16xf32> to vector<16xf32>
        %swap3A_825 = vector.shape_cast %add3A_820 : vector<16xf32> to vector<1x16xf32>
        tpu.vector_store %arg21[%swap3A_821, %swap3A_822], %swap3A_825 {strides = array<i32>} : memref<128x128xf32, #tpu.memory_space<vmem>>, vector<1x16xf32>,
        %get3A_826 = arith.index_cast %add3A_744 : i32 to index
        %get3A_827 = arith.constant 48 : index
        %get3A_828 = tpu.vector_load %arg20[%get3A_826, %get3A_827] {strides = array<i32>} : memref<128x128xf32, #tpu.memory_space<vmem>>, vector<1x16xf32>,
        %get3A_829 = vector.shape_cast %get3A_828 : vector<1x16xf32> to vector<16xf32>
        %get3A_830 = arith.index_cast %add3A_744 : i32 to index
        %get3A_831 = arith.constant 48 : index
        %get3A_832 = tpu.vector_load %arg17[%get3A_830, %get3A_831] {strides = array<i32>} : memref<128x128xf32, #tpu.memory_space<vmem>>, vector<1x16xf32>,
        %get3A_833 = vector.shape_cast %get3A_832 : vector<1x16xf32> to vector<16xf32>
        %mul3A_834 = arith.mulf %broadcast_in_dim3A_734, %get3A_833 : vector<16xf32>
        %add3A_835 = arith.addf %get3A_829, %mul3A_834 : vector<16xf32>
        %get3A_836 = arith.index_cast %add3A_744 : i32 to index
        %get3A_837 = arith.constant 48 : index
        %get3A_838 = tpu.vector_load %arg18[%get3A_836, %get3A_837] {strides = array<i32>} : memref<128x128xf32, #tpu.memory_space<vmem>>, vector<1x16xf32>,
        %get3A_839 = vector.shape_cast %get3A_838 : vector<1x16xf32> to vector<16xf32>
        %mul3A_840 = arith.mulf %broadcast_in_dim3A_737, %get3A_839 : vector<16xf32>
        %add3A_841 = arith.addf %add3A_835, %mul3A_840 : vector<16xf32>
        %get3A_842 = arith.index_cast %add3A_744 : i32 to index
        %get3A_843 = arith.constant 48 : index
        %get3A_844 = tpu.vector_load %arg19[%get3A_842, %get3A_843] {strides = array<i32>} : memref<128x128xf32, #tpu.memory_space<vmem>>, vector<1x16xf32>,
        %get3A_845 = vector.shape_cast %get3A_844 : vector<1x16xf32> to vector<16xf32>
        %mul3A_846 = arith.mulf %broadcast_in_dim3A_740, %get3A_845 : vector<16xf32>
        %add3A_847 = arith.addf %add3A_841, %mul3A_846 : vector<16xf32>
        %swap3A_848 = arith.index_cast %add3A_744 : i32 to index
        %swap3A_849 = arith.constant 48 : index
        %swap3A_850 = tpu.vector_load %arg21[%swap3A_848, %swap3A_849] {strides = array<i32>} : memref<128x128xf32, #tpu.memory_space<vmem>>, vector<1x16xf32>,
        %swap3A_851 = vector.shape_cast %swap3A_850 : vector<1x16xf32> to vector<16xf32>
        %swap3A_852 = vector.shape_cast %add3A_847 : vector<16xf32> to vector<1x16xf32>
        tpu.vector_store %arg21[%swap3A_848, %swap3A_849], %swap3A_852 {strides = array<i32>} : memref<128x128xf32, #tpu.memory_space<vmem>>, vector<1x16xf32>,
        %get3A_853 = arith.index_cast %add3A_744 : i32 to index
        %get3A_854 = arith.constant 64 : index
        %get3A_855 = tpu.vector_load %arg20[%get3A_853, %get3A_854] {strides = array<i32>} : memref<128x128xf32, #tpu.memory_space<vmem>>, vector<1x16xf32>,
        %get3A_856 = vector.shape_cast %get3A_855 : vector<1x16xf32> to vector<16xf32>
        %get3A_857 = arith.index_cast %add3A_744 : i32 to index
        %get3A_858 = arith.constant 64 : index
        %get3A_859 = tpu.vector_load %arg17[%get3A_857, %get3A_858] {strides = array<i32>} : memref<128x128xf32, #tpu.memory_space<vmem>>, vector<1x16xf32>,
        %get3A_860 = vector.shape_cast %get3A_859 : vector<1x16xf32> to vector<16xf32>
        %mul3A_861 = arith.mulf %broadcast_in_dim3A_734, %get3A_860 : vector<16xf32>
        %add3A_862 = arith.addf %get3A_856, %mul3A_861 : vector<16xf32>
        %get3A_863 = arith.index_cast %add3A_744 : i32 to index
        %get3A_864 = arith.constant 64 : index
        %get3A_865 = tpu.vector_load %arg18[%get3A_863, %get3A_864] {strides = array<i32>} : memref<128x128xf32, #tpu.memory_space<vmem>>, vector<1x16xf32>,
        %get3A_866 = vector.shape_cast %get3A_865 : vector<1x16xf32> to vector<16xf32>
        %mul3A_867 = arith.mulf %broadcast_in_dim3A_737, %get3A_866 : vector<16xf32>
        %add3A_868 = arith.addf %add3A_862, %mul3A_867 : vector<16xf32>
        %get3A_869 = arith.index_cast %add3A_744 : i32 to index
        %get3A_870 = arith.constant 64 : index
        %get3A_871 = tpu.vector_load %arg19[%get3A_869, %get3A_870] {strides = array<i32>} : memref<128x128xf32, #tpu.memory_space<vmem>>, vector<1x16xf32>,
        %get3A_872 = vector.shape_cast %get3A_871 : vector<1x16xf32> to vector<16xf32>
        %mul3A_873 = arith.mulf %broadcast_in_dim3A_740, %get3A_872 : vector<16xf32>
        %add3A_874 = arith.addf %add3A_868, %mul3A_873 : vector<16xf32>
        %swap3A_875 = arith.index_cast %add3A_744 : i32 to index
        %swap3A_876 = arith.constant 64 : index
        %swap3A_877 = tpu.vector_load %arg21[%swap3A_875, %swap3A_876] {strides = array<i32>} : memref<128x128xf32, #tpu.memory_space<vmem>>, vector<1x16xf32>,
        %swap3A_878 = vector.shape_cast %swap3A_877 : vector<1x16xf32> to vector<16xf32>
        %swap3A_879 = vector.shape_cast %add3A_874 : vector<16xf32> to vector<1x16xf32>
        tpu.vector_store %arg21[%swap3A_875, %swap3A_876], %swap3A_879 {strides = array<i32>} : memref<128x128xf32, #tpu.memory_space<vmem>>, vector<1x16xf32>,
        %get3A_880 = arith.index_cast %add3A_744 : i32 to index
        %get3A_881 = arith.constant 80 : index
        %get3A_882 = tpu.vector_load %arg20[%get3A_880, %get3A_881] {strides = array<i32>} : memref<128x128xf32, #tpu.memory_space<vmem>>, vector<1x16xf32>,
        %get3A_883 = vector.shape_cast %get3A_882 : vector<1x16xf32> to vector<16xf32>
        %get3A_884 = arith.index_cast %add3A_744 : i32 to index
        %get3A_885 = arith.constant 80 : index
        %get3A_886 = tpu.vector_load %arg17[%get3A_884, %get3A_885] {strides = array<i32>} : memref<128x128xf32, #tpu.memory_space<vmem>>, vector<1x16xf32>,
        %get3A_887 = vector.shape_cast %get3A_886 : vector<1x16xf32> to vector<16xf32>
        %mul3A_888 = arith.mulf %broadcast_in_dim3A_734, %get3A_887 : vector<16xf32>
        %add3A_889 = arith.addf %get3A_883, %mul3A_888 : vector<16xf32>
        %get3A_890 = arith.index_cast %add3A_744 : i32 to index
        %get3A_891 = arith.constant 80 : index
        %get3A_892 = tpu.vector_load %arg18[%get3A_890, %get3A_891] {strides = array<i32>} : memref<128x128xf32, #tpu.memory_space<vmem>>, vector<1x16xf32>,
        %get3A_893 = vector.shape_cast %get3A_892 : vector<1x16xf32> to vector<16xf32>
        %mul3A_894 = arith.mulf %broadcast_in_dim3A_737, %get3A_893 : vector<16xf32>
        %add3A_895 = arith.addf %add3A_889, %mul3A_894 : vector<16xf32>
        %get3A_896 = arith.index_cast %add3A_744 : i32 to index
        %get3A_897 = arith.constant 80 : index
        %get3A_898 = tpu.vector_load %arg19[%get3A_896, %get3A_897] {strides = array<i32>} : memref<128x128xf32, #tpu.memory_space<vmem>>, vector<1x16xf32>,
        %get3A_899 = vector.shape_cast %get3A_898 : vector<1x16xf32> to vector<16xf32>
        %mul3A_900 = arith.mulf %broadcast_in_dim3A_740, %get3A_899 : vector<16xf32>
        %add3A_901 = arith.addf %add3A_895, %mul3A_900 : vector<16xf32>
        %swap3A_902 = arith.index_cast %add3A_744 : i32 to index
        %swap3A_903 = arith.constant 80 : index
        %swap3A_904 = tpu.vector_load %arg21[%swap3A_902, %swap3A_903] {strides = array<i32>} : memref<128x128xf32, #tpu.memory_space<vmem>>, vector<1x16xf32>,
        %swap3A_905 = vector.shape_cast %swap3A_904 : vector<1x16xf32> to vector<16xf32>
        %swap3A_906 = vector.shape_cast %add3A_901 : vector<16xf32> to vector<1x16xf32>
        tpu.vector_store %arg21[%swap3A_902, %swap3A_903], %swap3A_906 {strides = array<i32>} : memref<128x128xf32, #tpu.memory_space<vmem>>, vector<1x16xf32>,
        %get3A_907 = arith.index_cast %add3A_744 : i32 to index
        %get3A_908 = arith.constant 96 : index
        %get3A_909 = tpu.vector_load %arg20[%get3A_907, %get3A_908] {strides = array<i32>} : memref<128x128xf32, #tpu.memory_space<vmem>>, vector<1x16xf32>,
        %get3A_910 = vector.shape_cast %get3A_909 : vector<1x16xf32> to vector<16xf32>
        %get3A_911 = arith.index_cast %add3A_744 : i32 to index
        %get3A_912 = arith.constant 96 : index
        %get3A_913 = tpu.vector_load %arg17[%get3A_911, %get3A_912] {strides = array<i32>} : memref<128x128xf32, #tpu.memory_space<vmem>>, vector<1x16xf32>,
        %get3A_914 = vector.shape_cast %get3A_913 : vector<1x16xf32> to vector<16xf32>
        %mul3A_915 = arith.mulf %broadcast_in_dim3A_734, %get3A_914 : vector<16xf32>
        %add3A_916 = arith.addf %get3A_910, %mul3A_915 : vector<16xf32>
        %get3A_917 = arith.index_cast %add3A_744 : i32 to index
        %get3A_918 = arith.constant 96 : index
        %get3A_919 = tpu.vector_load %arg18[%get3A_917, %get3A_918] {strides = array<i32>} : memref<128x128xf32, #tpu.memory_space<vmem>>, vector<1x16xf32>,
        %get3A_920 = vector.shape_cast %get3A_919 : vector<1x16xf32> to vector<16xf32>
        %mul3A_921 = arith.mulf %broadcast_in_dim3A_737, %get3A_920 : vector<16xf32>
        %add3A_922 = arith.addf %add3A_916, %mul3A_921 : vector<16xf32>
        %get3A_923 = arith.index_cast %add3A_744 : i32 to index
        %get3A_924 = arith.constant 96 : index
        %get3A_925 = tpu.vector_load %arg19[%get3A_923, %get3A_924] {strides = array<i32>} : memref<128x128xf32, #tpu.memory_space<vmem>>, vector<1x16xf32>,
        %get3A_926 = vector.shape_cast %get3A_925 : vector<1x16xf32> to vector<16xf32>
        %mul3A_927 = arith.mulf %broadcast_in_dim3A_740, %get3A_926 : vector<16xf32>
        %add3A_928 = arith.addf %add3A_922, %mul3A_927 : vector<16xf32>
        %swap3A_929 = arith.index_cast %add3A_744 : i32 to index
        %swap3A_930 = arith.constant 96 : index
        %swap3A_931 = tpu.vector_load %arg21[%swap3A_929, %swap3A_930] {strides = array<i32>} : memref<128x128xf32, #tpu.memory_space<vmem>>, vector<1x16xf32>,
        %swap3A_932 = vector.shape_cast %swap3A_931 : vector<1x16xf32> to vector<16xf32>
        %swap3A_933 = vector.shape_cast %add3A_928 : vector<16xf32> to vector<1x16xf32>
        tpu.vector_store %arg21[%swap3A_929, %swap3A_930], %swap3A_933 {strides = array<i32>} : memref<128x128xf32, #tpu.memory_space<vmem>>, vector<1x16xf32>,
        %get3A_934 = arith.index_cast %add3A_744 : i32 to index
        %get3A_935 = arith.constant 112 : index
        %get3A_936 = tpu.vector_load %arg20[%get3A_934, %get3A_935] {strides = array<i32>} : memref<128x128xf32, #tpu.memory_space<vmem>>, vector<1x16xf32>,
        %get3A_937 = vector.shape_cast %get3A_936 : vector<1x16xf32> to vector<16xf32>
        %get3A_938 = arith.index_cast %add3A_744 : i32 to index
        %get3A_939 = arith.constant 112 : index
        %get3A_940 = tpu.vector_load %arg17[%get3A_938, %get3A_939] {strides = array<i32>} : memref<128x128xf32, #tpu.memory_space<vmem>>, vector<1x16xf32>,
        %get3A_941 = vector.shape_cast %get3A_940 : vector<1x16xf32> to vector<16xf32>
        %mul3A_942 = arith.mulf %broadcast_in_dim3A_734, %get3A_941 : vector<16xf32>
        %add3A_943 = arith.addf %get3A_937, %mul3A_942 : vector<16xf32>
        %get3A_944 = arith.index_cast %add3A_744 : i32 to index
        %get3A_945 = arith.constant 112 : index
        %get3A_946 = tpu.vector_load %arg18[%get3A_944, %get3A_945] {strides = array<i32>} : memref<128x128xf32, #tpu.memory_space<vmem>>, vector<1x16xf32>,
        %get3A_947 = vector.shape_cast %get3A_946 : vector<1x16xf32> to vector<16xf32>
        %mul3A_948 = arith.mulf %broadcast_in_dim3A_737, %get3A_947 : vector<16xf32>
        %add3A_949 = arith.addf %add3A_943, %mul3A_948 : vector<16xf32>
        %get3A_950 = arith.index_cast %add3A_744 : i32 to index
        %get3A_951 = arith.constant 112 : index
        %get3A_952 = tpu.vector_load %arg19[%get3A_950, %get3A_951] {strides = array<i32>} : memref<128x128xf32, #tpu.memory_space<vmem>>, vector<1x16xf32>,
        %get3A_953 = vector.shape_cast %get3A_952 : vector<1x16xf32> to vector<16xf32>
        %mul3A_954 = arith.mulf %broadcast_in_dim3A_740, %get3A_953 : vector<16xf32>
        %add3A_955 = arith.addf %add3A_949, %mul3A_954 : vector<16xf32>
        %swap3A_956 = arith.index_cast %add3A_744 : i32 to index
        %swap3A_957 = arith.constant 112 : index
        %swap3A_958 = tpu.vector_load %arg21[%swap3A_956, %swap3A_957] {strides = array<i32>} : memref<128x128xf32, #tpu.memory_space<vmem>>, vector<1x16xf32>,
        %swap3A_959 = vector.shape_cast %swap3A_958 : vector<1x16xf32> to vector<16xf32>
        %swap3A_960 = vector.shape_cast %add3A_955 : vector<16xf32> to vector<1x16xf32>
        tpu.vector_store %arg21[%swap3A_956, %swap3A_957], %swap3A_960 {strides = array<i32>} : memref<128x128xf32, #tpu.memory_space<vmem>>, vector<1x16xf32>,
        %slice3A_961 = vector.extract_strided_slice %get3A_38 {offsets = [4], sizes = [1], strides = [1]} : vector<16xf32> to vector<1xf32>
        %squeeze3A_962 = vector.extract %slice3A_961[0] : f32 from vector<1xf32>
        %broadcast_in_dim3A_963 = vector.broadcast %squeeze3A_962 : f32 to vector<16xf32>
        %slice3A_964 = vector.extract_strided_slice %get3A_43 {offsets = [4], sizes = [1], strides = [1]} : vector<16xf32> to vector<1xf32>
        %squeeze3A_965 = vector.extract %slice3A_964[0] : f32 from vector<1xf32>
        %broadcast_in_dim3A_966 = vector.broadcast %squeeze3A_965 : f32 to vector<16xf32>
        %slice3A_967 = vector.extract_strided_slice %get3A_48 {offsets = [4], sizes = [1], strides = [1]} : vector<16xf32> to vector<1xf32>
        %squeeze3A_968 = vector.extract %slice3A_967[0] : f32 from vector<1xf32>
        %broadcast_in_dim3A_969 = vector.broadcast %squeeze3A_968 : f32 to vector<16xf32>
        %mul3A_970 = arith.constant 16 : i32
        %mul3A_971 = arith.muli %scan3A_34, %mul3A_970 : i32
        %add3A_972 = arith.constant 4 : i32
        %add3A_973 = arith.addi %mul3A_971, %add3A_972 : i32
        %get3A_974 = arith.index_cast %add3A_973 : i32 to index
        %get3A_975 = arith.constant 0 : index
        %get3A_976 = tpu.vector_load %arg20[%get3A_974, %get3A_975] {strides = array<i32>} : memref<128x128xf32, #tpu.memory_space<vmem>>, vector<1x16xf32>,
        %get3A_977 = vector.shape_cast %get3A_976 : vector<1x16xf32> to vector<16xf32>
        %get3A_978 = arith.index_cast %add3A_973 : i32 to index
        %get3A_979 = arith.constant 0 : index
        %get3A_980 = tpu.vector_load %arg17[%get3A_978, %get3A_979] {strides = array<i32>} : memref<128x128xf32, #tpu.memory_space<vmem>>, vector<1x16xf32>,
        %get3A_981 = vector.shape_cast %get3A_980 : vector<1x16xf32> to vector<16xf32>
        %mul3A_982 = arith.mulf %broadcast_in_dim3A_963, %get3A_981 : vector<16xf32>
        %add3A_983 = arith.addf %get3A_977, %mul3A_982 : vector<16xf32>
        %get3A_984 = arith.index_cast %add3A_973 : i32 to index
        %get3A_985 = arith.constant 0 : index
        %get3A_986 = tpu.vector_load %arg18[%get3A_984, %get3A_985] {strides = array<i32>} : memref<128x128xf32, #tpu.memory_space<vmem>>, vector<1x16xf32>,
        %get3A_987 = vector.shape_cast %get3A_986 : vector<1x16xf32> to vector<16xf32>
        %mul3A_988 = arith.mulf %broadcast_in_dim3A_966, %get3A_987 : vector<16xf32>
        %add3A_989 = arith.addf %add3A_983, %mul3A_988 : vector<16xf32>
        %get3A_990 = arith.index_cast %add3A_973 : i32 to index
        %get3A_991 = arith.constant 0 : index
        %get3A_992 = tpu.vector_load %arg19[%get3A_990, %get3A_991] {strides = array<i32>} : memref<128x128xf32, #tpu.memory_space<vmem>>, vector<1x16xf32>,
        %get3A_993 = vector.shape_cast %get3A_992 : vector<1x16xf32> to vector<16xf32>
        %mul3A_994 = arith.mulf %broadcast_in_dim3A_969, %get3A_993 : vector<16xf32>
        %add3A_995 = arith.addf %add3A_989, %mul3A_994 : vector<16xf32>
        %swap3A_996 = arith.index_cast %add3A_973 : i32 to index
        %swap3A_997 = arith.constant 0 : index
        %swap3A_998 = tpu.vector_load %arg21[%swap3A_996, %swap3A_997] {strides = array<i32>} : memref<128x128xf32, #tpu.memory_space<vmem>>, vector<1x16xf32>,
        %swap3A_999 = vector.shape_cast %swap3A_998 : vector<1x16xf32> to vector<16xf32>
        %swap3A_1000 = vector.shape_cast %add3A_995 : vector<16xf32> to vector<1x16xf32>
        tpu.vector_store %arg21[%swap3A_996, %swap3A_997], %swap3A_1000 {strides = array<i32>} : memref<128x128xf32, #tpu.memory_space<vmem>>, vector<1x16xf32>,
        %get3A_1001 = arith.index_cast %add3A_973 : i32 to index
        %get3A_1002 = arith.constant 16 : index
        %get3A_1003 = tpu.vector_load %arg20[%get3A_1001, %get3A_1002] {strides = array<i32>} : memref<128x128xf32, #tpu.memory_space<vmem>>, vector<1x16xf32>,
        %get3A_1004 = vector.shape_cast %get3A_1003 : vector<1x16xf32> to vector<16xf32>
        %get3A_1005 = arith.index_cast %add3A_973 : i32 to index
        %get3A_1006 = arith.constant 16 : index
        %get3A_1007 = tpu.vector_load %arg17[%get3A_1005, %get3A_1006] {strides = array<i32>} : memref<128x128xf32, #tpu.memory_space<vmem>>, vector<1x16xf32>,
        %get3A_1008 = vector.shape_cast %get3A_1007 : vector<1x16xf32> to vector<16xf32>
        %mul3A_1009 = arith.mulf %broadcast_in_dim3A_963, %get3A_1008 : vector<16xf32>
        %add3A_1010 = arith.addf %get3A_1004, %mul3A_1009 : vector<16xf32>
        %get3A_1011 = arith.index_cast %add3A_973 : i32 to index
        %get3A_1012 = arith.constant 16 : index
        %get3A_1013 = tpu.vector_load %arg18[%get3A_1011, %get3A_1012] {strides = array<i32>} : memref<128x128xf32, #tpu.memory_space<vmem>>, vector<1x16xf32>,
        %get3A_1014 = vector.shape_cast %get3A_1013 : vector<1x16xf32> to vector<16xf32>
        %mul3A_1015 = arith.mulf %broadcast_in_dim3A_966, %get3A_1014 : vector<16xf32>
        %add3A_1016 = arith.addf %add3A_1010, %mul3A_1015 : vector<16xf32>
        %get3A_1017 = arith.index_cast %add3A_973 : i32 to index
        %get3A_1018 = arith.constant 16 : index
        %get3A_1019 = tpu.vector_load %arg19[%get3A_1017, %get3A_1018] {strides = array<i32>} : memref<128x128xf32, #tpu.memory_space<vmem>>, vector<1x16xf32>,
        %get3A_1020 = vector.shape_cast %get3A_1019 : vector<1x16xf32> to vector<16xf32>
        %mul3A_1021 = arith.mulf %broadcast_in_dim3A_969, %get3A_1020 : vector<16xf32>
        %add3A_1022 = arith.addf %add3A_1016, %mul3A_1021 : vector<16xf32>
        %swap3A_1023 = arith.index_cast %add3A_973 : i32 to index
        %swap3A_1024 = arith.constant 16 : index
        %swap3A_1025 = tpu.vector_load %arg21[%swap3A_1023, %swap3A_1024] {strides = array<i32>} : memref<128x128xf32, #tpu.memory_space<vmem>>, vector<1x16xf32>,
        %swap3A_1026 = vector.shape_cast %swap3A_1025 : vector<1x16xf32> to vector<16xf32>
        %swap3A_1027 = vector.shape_cast %add3A_1022 : vector<16xf32> to vector<1x16xf32>
        tpu.vector_store %arg21[%swap3A_1023, %swap3A_1024], %swap3A_1027 {strides = array<i32>} : memref<128x128xf32, #tpu.memory_space<vmem>>, vector<1x16xf32>,
        %get3A_1028 = arith.index_cast %add3A_973 : i32 to index
        %get3A_1029 = arith.constant 32 : index
        %get3A_1030 = tpu.vector_load %arg20[%get3A_1028, %get3A_1029] {strides = array<i32>} : memref<128x128xf32, #tpu.memory_space<vmem>>, vector<1x16xf32>,
        %get3A_1031 = vector.shape_cast %get3A_1030 : vector<1x16xf32> to vector<16xf32>
        %get3A_1032 = arith.index_cast %add3A_973 : i32 to index
        %get3A_1033 = arith.constant 32 : index
        %get3A_1034 = tpu.vector_load %arg17[%get3A_1032, %get3A_1033] {strides = array<i32>} : memref<128x128xf32, #tpu.memory_space<vmem>>, vector<1x16xf32>,
        %get3A_1035 = vector.shape_cast %get3A_1034 : vector<1x16xf32> to vector<16xf32>
        %mul3A_1036 = arith.mulf %broadcast_in_dim3A_963, %get3A_1035 : vector<16xf32>
        %add3A_1037 = arith.addf %get3A_1031, %mul3A_1036 : vector<16xf32>
        %get3A_1038 = arith.index_cast %add3A_973 : i32 to index
        %get3A_1039 = arith.constant 32 : index
        %get3A_1040 = tpu.vector_load %arg18[%get3A_1038, %get3A_1039] {strides = array<i32>} : memref<128x128xf32, #tpu.memory_space<vmem>>, vector<1x16xf32>,
        %get3A_1041 = vector.shape_cast %get3A_1040 : vector<1x16xf32> to vector<16xf32>
        %mul3A_1042 = arith.mulf %broadcast_in_dim3A_966, %get3A_1041 : vector<16xf32>
        %add3A_1043 = arith.addf %add3A_1037, %mul3A_1042 : vector<16xf32>
        %get3A_1044 = arith.index_cast %add3A_973 : i32 to index
        %get3A_1045 = arith.constant 32 : index
        %get3A_1046 = tpu.vector_load %arg19[%get3A_1044, %get3A_1045] {strides = array<i32>} : memref<128x128xf32, #tpu.memory_space<vmem>>, vector<1x16xf32>,
        %get3A_1047 = vector.shape_cast %get3A_1046 : vector<1x16xf32> to vector<16xf32>
        %mul3A_1048 = arith.mulf %broadcast_in_dim3A_969, %get3A_1047 : vector<16xf32>
        %add3A_1049 = arith.addf %add3A_1043, %mul3A_1048 : vector<16xf32>
        %swap3A_1050 = arith.index_cast %add3A_973 : i32 to index
        %swap3A_1051 = arith.constant 32 : index
        %swap3A_1052 = tpu.vector_load %arg21[%swap3A_1050, %swap3A_1051] {strides = array<i32>} : memref<128x128xf32, #tpu.memory_space<vmem>>, vector<1x16xf32>,
        %swap3A_1053 = vector.shape_cast %swap3A_1052 : vector<1x16xf32> to vector<16xf32>
        %swap3A_1054 = vector.shape_cast %add3A_1049 : vector<16xf32> to vector<1x16xf32>
        tpu.vector_store %arg21[%swap3A_1050, %swap3A_1051], %swap3A_1054 {strides = array<i32>} : memref<128x128xf32, #tpu.memory_space<vmem>>, vector<1x16xf32>,
        %get3A_1055 = arith.index_cast %add3A_973 : i32 to index
        %get3A_1056 = arith.constant 48 : index
        %get3A_1057 = tpu.vector_load %arg20[%get3A_1055, %get3A_1056] {strides = array<i32>} : memref<128x128xf32, #tpu.memory_space<vmem>>, vector<1x16xf32>,
        %get3A_1058 = vector.shape_cast %get3A_1057 : vector<1x16xf32> to vector<16xf32>
        %get3A_1059 = arith.index_cast %add3A_973 : i32 to index
        %get3A_1060 = arith.constant 48 : index
        %get3A_1061 = tpu.vector_load %arg17[%get3A_1059, %get3A_1060] {strides = array<i32>} : memref<128x128xf32, #tpu.memory_space<vmem>>, vector<1x16xf32>,
        %get3A_1062 = vector.shape_cast %get3A_1061 : vector<1x16xf32> to vector<16xf32>
        %mul3A_1063 = arith.mulf %broadcast_in_dim3A_963, %get3A_1062 : vector<16xf32>
        %add3A_1064 = arith.addf %get3A_1058, %mul3A_1063 : vector<16xf32>
        %get3A_1065 = arith.index_cast %add3A_973 : i32 to index
        %get3A_1066 = arith.constant 48 : index
        %get3A_1067 = tpu.vector_load %arg18[%get3A_1065, %get3A_1066] {strides = array<i32>} : memref<128x128xf32, #tpu.memory_space<vmem>>, vector<1x16xf32>,
        %get3A_1068 = vector.shape_cast %get3A_1067 : vector<1x16xf32> to vector<16xf32>
        %mul3A_1069 = arith.mulf %broadcast_in_dim3A_966, %get3A_1068 : vector<16xf32>
        %add3A_1070 = arith.addf %add3A_1064, %mul3A_1069 : vector<16xf32>
        %get3A_1071 = arith.index_cast %add3A_973 : i32 to index
        %get3A_1072 = arith.constant 48 : index
        %get3A_1073 = tpu.vector_load %arg19[%get3A_1071, %get3A_1072] {strides = array<i32>} : memref<128x128xf32, #tpu.memory_space<vmem>>, vector<1x16xf32>,
        %get3A_1074 = vector.shape_cast %get3A_1073 : vector<1x16xf32> to vector<16xf32>
        %mul3A_1075 = arith.mulf %broadcast_in_dim3A_969, %get3A_1074 : vector<16xf32>
        %add3A_1076 = arith.addf %add3A_1070, %mul3A_1075 : vector<16xf32>
        %swap3A_1077 = arith.index_cast %add3A_973 : i32 to index
        %swap3A_1078 = arith.constant 48 : index
        %swap3A_1079 = tpu.vector_load %arg21[%swap3A_1077, %swap3A_1078] {strides = array<i32>} : memref<128x128xf32, #tpu.memory_space<vmem>>, vector<1x16xf32>,
        %swap3A_1080 = vector.shape_cast %swap3A_1079 : vector<1x16xf32> to vector<16xf32>
        %swap3A_1081 = vector.shape_cast %add3A_1076 : vector<16xf32> to vector<1x16xf32>
        tpu.vector_store %arg21[%swap3A_1077, %swap3A_1078], %swap3A_1081 {strides = array<i32>} : memref<128x128xf32, #tpu.memory_space<vmem>>, vector<1x16xf32>,
        %get3A_1082 = arith.index_cast %add3A_973 : i32 to index
        %get3A_1083 = arith.constant 64 : index
        %get3A_1084 = tpu.vector_load %arg20[%get3A_1082, %get3A_1083] {strides = array<i32>} : memref<128x128xf32, #tpu.memory_space<vmem>>, vector<1x16xf32>,
        %get3A_1085 = vector.shape_cast %get3A_1084 : vector<1x16xf32> to vector<16xf32>
        %get3A_1086 = arith.index_cast %add3A_973 : i32 to index
        %get3A_1087 = arith.constant 64 : index
        %get3A_1088 = tpu.vector_load %arg17[%get3A_1086, %get3A_1087] {strides = array<i32>} : memref<128x128xf32, #tpu.memory_space<vmem>>, vector<1x16xf32>,
        %get3A_1089 = vector.shape_cast %get3A_1088 : vector<1x16xf32> to vector<16xf32>
        %mul3A_1090 = arith.mulf %broadcast_in_dim3A_963, %get3A_1089 : vector<16xf32>
        %add3A_1091 = arith.addf %get3A_1085, %mul3A_1090 : vector<16xf32>
        %get3A_1092 = arith.index_cast %add3A_973 : i32 to index
        %get3A_1093 = arith.constant 64 : index
        %get3A_1094 = tpu.vector_load %arg18[%get3A_1092, %get3A_1093] {strides = array<i32>} : memref<128x128xf32, #tpu.memory_space<vmem>>, vector<1x16xf32>,
        %get3A_1095 = vector.shape_cast %get3A_1094 : vector<1x16xf32> to vector<16xf32>
        %mul3A_1096 = arith.mulf %broadcast_in_dim3A_966, %get3A_1095 : vector<16xf32>
        %add3A_1097 = arith.addf %add3A_1091, %mul3A_1096 : vector<16xf32>
        %get3A_1098 = arith.index_cast %add3A_973 : i32 to index
        %get3A_1099 = arith.constant 64 : index
        %get3A_1100 = tpu.vector_load %arg19[%get3A_1098, %get3A_1099] {strides = array<i32>} : memref<128x128xf32, #tpu.memory_space<vmem>>, vector<1x16xf32>,
        %get3A_1101 = vector.shape_cast %get3A_1100 : vector<1x16xf32> to vector<16xf32>
        %mul3A_1102 = arith.mulf %broadcast_in_dim3A_969, %get3A_1101 : vector<16xf32>
        %add3A_1103 = arith.addf %add3A_1097, %mul3A_1102 : vector<16xf32>
        %swap3A_1104 = arith.index_cast %add3A_973 : i32 to index
        %swap3A_1105 = arith.constant 64 : index
        %swap3A_1106 = tpu.vector_load %arg21[%swap3A_1104, %swap3A_1105] {strides = array<i32>} : memref<128x128xf32, #tpu.memory_space<vmem>>, vector<1x16xf32>,
        %swap3A_1107 = vector.shape_cast %swap3A_1106 : vector<1x16xf32> to vector<16xf32>
        %swap3A_1108 = vector.shape_cast %add3A_1103 : vector<16xf32> to vector<1x16xf32>
        tpu.vector_store %arg21[%swap3A_1104, %swap3A_1105], %swap3A_1108 {strides = array<i32>} : memref<128x128xf32, #tpu.memory_space<vmem>>, vector<1x16xf32>,
        %get3A_1109 = arith.index_cast %add3A_973 : i32 to index
        %get3A_1110 = arith.constant 80 : index
        %get3A_1111 = tpu.vector_load %arg20[%get3A_1109, %get3A_1110] {strides = array<i32>} : memref<128x128xf32, #tpu.memory_space<vmem>>, vector<1x16xf32>,
        %get3A_1112 = vector.shape_cast %get3A_1111 : vector<1x16xf32> to vector<16xf32>
        %get3A_1113 = arith.index_cast %add3A_973 : i32 to index
        %get3A_1114 = arith.constant 80 : index
        %get3A_1115 = tpu.vector_load %arg17[%get3A_1113, %get3A_1114] {strides = array<i32>} : memref<128x128xf32, #tpu.memory_space<vmem>>, vector<1x16xf32>,
        %get3A_1116 = vector.shape_cast %get3A_1115 : vector<1x16xf32> to vector<16xf32>
        %mul3A_1117 = arith.mulf %broadcast_in_dim3A_963, %get3A_1116 : vector<16xf32>
        %add3A_1118 = arith.addf %get3A_1112, %mul3A_1117 : vector<16xf32>
        %get3A_1119 = arith.index_cast %add3A_973 : i32 to index
        %get3A_1120 = arith.constant 80 : index
        %get3A_1121 = tpu.vector_load %arg18[%get3A_1119, %get3A_1120] {strides = array<i32>} : memref<128x128xf32, #tpu.memory_space<vmem>>, vector<1x16xf32>,
        %get3A_1122 = vector.shape_cast %get3A_1121 : vector<1x16xf32> to vector<16xf32>
        %mul3A_1123 = arith.mulf %broadcast_in_dim3A_966, %get3A_1122 : vector<16xf32>
        %add3A_1124 = arith.addf %add3A_1118, %mul3A_1123 : vector<16xf32>
        %get3A_1125 = arith.index_cast %add3A_973 : i32 to index
        %get3A_1126 = arith.constant 80 : index
        %get3A_1127 = tpu.vector_load %arg19[%get3A_1125, %get3A_1126] {strides = array<i32>} : memref<128x128xf32, #tpu.memory_space<vmem>>, vector<1x16xf32>,
        %get3A_1128 = vector.shape_cast %get3A_1127 : vector<1x16xf32> to vector<16xf32>
        %mul3A_1129 = arith.mulf %broadcast_in_dim3A_969, %get3A_1128 : vector<16xf32>
        %add3A_1130 = arith.addf %add3A_1124, %mul3A_1129 : vector<16xf32>
        %swap3A_1131 = arith.index_cast %add3A_973 : i32 to index
        %swap3A_1132 = arith.constant 80 : index
        %swap3A_1133 = tpu.vector_load %arg21[%swap3A_1131, %swap3A_1132] {strides = array<i32>} : memref<128x128xf32, #tpu.memory_space<vmem>>, vector<1x16xf32>,
        %swap3A_1134 = vector.shape_cast %swap3A_1133 : vector<1x16xf32> to vector<16xf32>
        %swap3A_1135 = vector.shape_cast %add3A_1130 : vector<16xf32> to vector<1x16xf32>
        tpu.vector_store %arg21[%swap3A_1131, %swap3A_1132], %swap3A_1135 {strides = array<i32>} : memref<128x128xf32, #tpu.memory_space<vmem>>, vector<1x16xf32>,
        %get3A_1136 = arith.index_cast %add3A_973 : i32 to index
        %get3A_1137 = arith.constant 96 : index
        %get3A_1138 = tpu.vector_load %arg20[%get3A_1136, %get3A_1137] {strides = array<i32>} : memref<128x128xf32, #tpu.memory_space<vmem>>, vector<1x16xf32>,
        %get3A_1139 = vector.shape_cast %get3A_1138 : vector<1x16xf32> to vector<16xf32>
        %get3A_1140 = arith.index_cast %add3A_973 : i32 to index
        %get3A_1141 = arith.constant 96 : index
        %get3A_1142 = tpu.vector_load %arg17[%get3A_1140, %get3A_1141] {strides = array<i32>} : memref<128x128xf32, #tpu.memory_space<vmem>>, vector<1x16xf32>,
        %get3A_1143 = vector.shape_cast %get3A_1142 : vector<1x16xf32> to vector<16xf32>
        %mul3A_1144 = arith.mulf %broadcast_in_dim3A_963, %get3A_1143 : vector<16xf32>
        %add3A_1145 = arith.addf %get3A_1139, %mul3A_1144 : vector<16xf32>
        %get3A_1146 = arith.index_cast %add3A_973 : i32 to index
        %get3A_1147 = arith.constant 96 : index
        %get3A_1148 = tpu.vector_load %arg18[%get3A_1146, %get3A_1147] {strides = array<i32>} : memref<128x128xf32, #tpu.memory_space<vmem>>, vector<1x16xf32>,
        %get3A_1149 = vector.shape_cast %get3A_1148 : vector<1x16xf32> to vector<16xf32>
        %mul3A_1150 = arith.mulf %broadcast_in_dim3A_966, %get3A_1149 : vector<16xf32>
        %add3A_1151 = arith.addf %add3A_1145, %mul3A_1150 : vector<16xf32>
        %get3A_1152 = arith.index_cast %add3A_973 : i32 to index
        %get3A_1153 = arith.constant 96 : index
        %get3A_1154 = tpu.vector_load %arg19[%get3A_1152, %get3A_1153] {strides = array<i32>} : memref<128x128xf32, #tpu.memory_space<vmem>>, vector<1x16xf32>,
        %get3A_1155 = vector.shape_cast %get3A_1154 : vector<1x16xf32> to vector<16xf32>
        %mul3A_1156 = arith.mulf %broadcast_in_dim3A_969, %get3A_1155 : vector<16xf32>
        %add3A_1157 = arith.addf %add3A_1151, %mul3A_1156 : vector<16xf32>
        %swap3A_1158 = arith.index_cast %add3A_973 : i32 to index
        %swap3A_1159 = arith.constant 96 : index
        %swap3A_1160 = tpu.vector_load %arg21[%swap3A_1158, %swap3A_1159] {strides = array<i32>} : memref<128x128xf32, #tpu.memory_space<vmem>>, vector<1x16xf32>,
        %swap3A_1161 = vector.shape_cast %swap3A_1160 : vector<1x16xf32> to vector<16xf32>
        %swap3A_1162 = vector.shape_cast %add3A_1157 : vector<16xf32> to vector<1x16xf32>
        tpu.vector_store %arg21[%swap3A_1158, %swap3A_1159], %swap3A_1162 {strides = array<i32>} : memref<128x128xf32, #tpu.memory_space<vmem>>, vector<1x16xf32>,
        %get3A_1163 = arith.index_cast %add3A_973 : i32 to index
        %get3A_1164 = arith.constant 112 : index
        %get3A_1165 = tpu.vector_load %arg20[%get3A_1163, %get3A_1164] {strides = array<i32>} : memref<128x128xf32, #tpu.memory_space<vmem>>, vector<1x16xf32>,
        %get3A_1166 = vector.shape_cast %get3A_1165 : vector<1x16xf32> to vector<16xf32>
        %get3A_1167 = arith.index_cast %add3A_973 : i32 to index
        %get3A_1168 = arith.constant 112 : index
        %get3A_1169 = tpu.vector_load %arg17[%get3A_1167, %get3A_1168] {strides = array<i32>} : memref<128x128xf32, #tpu.memory_space<vmem>>, vector<1x16xf32>,
        %get3A_1170 = vector.shape_cast %get3A_1169 : vector<1x16xf32> to vector<16xf32>
        %mul3A_1171 = arith.mulf %broadcast_in_dim3A_963, %get3A_1170 : vector<16xf32>
        %add3A_1172 = arith.addf %get3A_1166, %mul3A_1171 : vector<16xf32>
        %get3A_1173 = arith.index_cast %add3A_973 : i32 to index
        %get3A_1174 = arith.constant 112 : index
        %get3A_1175 = tpu.vector_load %arg18[%get3A_1173, %get3A_1174] {strides = array<i32>} : memref<128x128xf32, #tpu.memory_space<vmem>>, vector<1x16xf32>,
        %get3A_1176 = vector.shape_cast %get3A_1175 : vector<1x16xf32> to vector<16xf32>
        %mul3A_1177 = arith.mulf %broadcast_in_dim3A_966, %get3A_1176 : vector<16xf32>
        %add3A_1178 = arith.addf %add3A_1172, %mul3A_1177 : vector<16xf32>
        %get3A_1179 = arith.index_cast %add3A_973 : i32 to index
        %get3A_1180 = arith.constant 112 : index
        %get3A_1181 = tpu.vector_load %arg19[%get3A_1179, %get3A_1180] {strides = array<i32>} : memref<128x128xf32, #tpu.memory_space<vmem>>, vector<1x16xf32>,
        %get3A_1182 = vector.shape_cast %get3A_1181 : vector<1x16xf32> to vector<16xf32>
        %mul3A_1183 = arith.mulf %broadcast_in_dim3A_969, %get3A_1182 : vector<16xf32>
        %add3A_1184 = arith.addf %add3A_1178, %mul3A_1183 : vector<16xf32>
        %swap3A_1185 = arith.index_cast %add3A_973 : i32 to index
        %swap3A_1186 = arith.constant 112 : index
        %swap3A_1187 = tpu.vector_load %arg21[%swap3A_1185, %swap3A_1186] {strides = array<i32>} : memref<128x128xf32, #tpu.memory_space<vmem>>, vector<1x16xf32>,
        %swap3A_1188 = vector.shape_cast %swap3A_1187 : vector<1x16xf32> to vector<16xf32>
        %swap3A_1189 = vector.shape_cast %add3A_1184 : vector<16xf32> to vector<1x16xf32>
        tpu.vector_store %arg21[%swap3A_1185, %swap3A_1186], %swap3A_1189 {strides = array<i32>} : memref<128x128xf32, #tpu.memory_space<vmem>>, vector<1x16xf32>,
        %slice3A_1190 = vector.extract_strided_slice %get3A_38 {offsets = [5], sizes = [1], strides = [1]} : vector<16xf32> to vector<1xf32>
        %squeeze3A_1191 = vector.extract %slice3A_1190[0] : f32 from vector<1xf32>
        %broadcast_in_dim3A_1192 = vector.broadcast %squeeze3A_1191 : f32 to vector<16xf32>
        %slice3A_1193 = vector.extract_strided_slice %get3A_43 {offsets = [5], sizes = [1], strides = [1]} : vector<16xf32> to vector<1xf32>
        %squeeze3A_1194 = vector.extract %slice3A_1193[0] : f32 from vector<1xf32>
        %broadcast_in_dim3A_1195 = vector.broadcast %squeeze3A_1194 : f32 to vector<16xf32>
        %slice3A_1196 = vector.extract_strided_slice %get3A_48 {offsets = [5], sizes = [1], strides = [1]} : vector<16xf32> to vector<1xf32>
        %squeeze3A_1197 = vector.extract %slice3A_1196[0] : f32 from vector<1xf32>
        %broadcast_in_dim3A_1198 = vector.broadcast %squeeze3A_1197 : f32 to vector<16xf32>
        %mul3A_1199 = arith.constant 16 : i32
        %mul3A_1200 = arith.muli %scan3A_34, %mul3A_1199 : i32
        %add3A_1201 = arith.constant 5 : i32
        %add3A_1202 = arith.addi %mul3A_1200, %add3A_1201 : i32
        %get3A_1203 = arith.index_cast %add3A_1202 : i32 to index
        %get3A_1204 = arith.constant 0 : index
        %get3A_1205 = tpu.vector_load %arg20[%get3A_1203, %get3A_1204] {strides = array<i32>} : memref<128x128xf32, #tpu.memory_space<vmem>>, vector<1x16xf32>,
        %get3A_1206 = vector.shape_cast %get3A_1205 : vector<1x16xf32> to vector<16xf32>
        %get3A_1207 = arith.index_cast %add3A_1202 : i32 to index
        %get3A_1208 = arith.constant 0 : index
        %get3A_1209 = tpu.vector_load %arg17[%get3A_1207, %get3A_1208] {strides = array<i32>} : memref<128x128xf32, #tpu.memory_space<vmem>>, vector<1x16xf32>,
        %get3A_1210 = vector.shape_cast %get3A_1209 : vector<1x16xf32> to vector<16xf32>
        %mul3A_1211 = arith.mulf %broadcast_in_dim3A_1192, %get3A_1210 : vector<16xf32>
        %add3A_1212 = arith.addf %get3A_1206, %mul3A_1211 : vector<16xf32>
        %get3A_1213 = arith.index_cast %add3A_1202 : i32 to index
        %get3A_1214 = arith.constant 0 : index
        %get3A_1215 = tpu.vector_load %arg18[%get3A_1213, %get3A_1214] {strides = array<i32>} : memref<128x128xf32, #tpu.memory_space<vmem>>, vector<1x16xf32>,
        %get3A_1216 = vector.shape_cast %get3A_1215 : vector<1x16xf32> to vector<16xf32>
        %mul3A_1217 = arith.mulf %broadcast_in_dim3A_1195, %get3A_1216 : vector<16xf32>
        %add3A_1218 = arith.addf %add3A_1212, %mul3A_1217 : vector<16xf32>
        %get3A_1219 = arith.index_cast %add3A_1202 : i32 to index
        %get3A_1220 = arith.constant 0 : index
        %get3A_1221 = tpu.vector_load %arg19[%get3A_1219, %get3A_1220] {strides = array<i32>} : memref<128x128xf32, #tpu.memory_space<vmem>>, vector<1x16xf32>,
        %get3A_1222 = vector.shape_cast %get3A_1221 : vector<1x16xf32> to vector<16xf32>
        %mul3A_1223 = arith.mulf %broadcast_in_dim3A_1198, %get3A_1222 : vector<16xf32>
        %add3A_1224 = arith.addf %add3A_1218, %mul3A_1223 : vector<16xf32>
        %swap3A_1225 = arith.index_cast %add3A_1202 : i32 to index
        %swap3A_1226 = arith.constant 0 : index
        %swap3A_1227 = tpu.vector_load %arg21[%swap3A_1225, %swap3A_1226] {strides = array<i32>} : memref<128x128xf32, #tpu.memory_space<vmem>>, vector<1x16xf32>,
        %swap3A_1228 = vector.shape_cast %swap3A_1227 : vector<1x16xf32> to vector<16xf32>
        %swap3A_1229 = vector.shape_cast %add3A_1224 : vector<16xf32> to vector<1x16xf32>
        tpu.vector_store %arg21[%swap3A_1225, %swap3A_1226], %swap3A_1229 {strides = array<i32>} : memref<128x128xf32, #tpu.memory_space<vmem>>, vector<1x16xf32>,
        %get3A_1230 = arith.index_cast %add3A_1202 : i32 to index
        %get3A_1231 = arith.constant 16 : index
        %get3A_1232 = tpu.vector_load %arg20[%get3A_1230, %get3A_1231] {strides = array<i32>} : memref<128x128xf32, #tpu.memory_space<vmem>>, vector<1x16xf32>,
        %get3A_1233 = vector.shape_cast %get3A_1232 : vector<1x16xf32> to vector<16xf32>
        %get3A_1234 = arith.index_cast %add3A_1202 : i32 to index
        %get3A_1235 = arith.constant 16 : index
        %get3A_1236 = tpu.vector_load %arg17[%get3A_1234, %get3A_1235] {strides = array<i32>} : memref<128x128xf32, #tpu.memory_space<vmem>>, vector<1x16xf32>,
        %get3A_1237 = vector.shape_cast %get3A_1236 : vector<1x16xf32> to vector<16xf32>
        %mul3A_1238 = arith.mulf %broadcast_in_dim3A_1192, %get3A_1237 : vector<16xf32>
        %add3A_1239 = arith.addf %get3A_1233, %mul3A_1238 : vector<16xf32>
        %get3A_1240 = arith.index_cast %add3A_1202 : i32 to index
        %get3A_1241 = arith.constant 16 : index
        %get3A_1242 = tpu.vector_load %arg18[%get3A_1240, %get3A_1241] {strides = array<i32>} : memref<128x128xf32, #tpu.memory_space<vmem>>, vector<1x16xf32>,
        %get3A_1243 = vector.shape_cast %get3A_1242 : vector<1x16xf32> to vector<16xf32>
        %mul3A_1244 = arith.mulf %broadcast_in_dim3A_1195, %get3A_1243 : vector<16xf32>
        %add3A_1245 = arith.addf %add3A_1239, %mul3A_1244 : vector<16xf32>
        %get3A_1246 = arith.index_cast %add3A_1202 : i32 to index
        %get3A_1247 = arith.constant 16 : index
        %get3A_1248 = tpu.vector_load %arg19[%get3A_1246, %get3A_1247] {strides = array<i32>} : memref<128x128xf32, #tpu.memory_space<vmem>>, vector<1x16xf32>,
        %get3A_1249 = vector.shape_cast %get3A_1248 : vector<1x16xf32> to vector<16xf32>
        %mul3A_1250 = arith.mulf %broadcast_in_dim3A_1198, %get3A_1249 : vector<16xf32>
        %add3A_1251 = arith.addf %add3A_1245, %mul3A_1250 : vector<16xf32>
        %swap3A_1252 = arith.index_cast %add3A_1202 : i32 to index
        %swap3A_1253 = arith.constant 16 : index
        %swap3A_1254 = tpu.vector_load %arg21[%swap3A_1252, %swap3A_1253] {strides = array<i32>} : memref<128x128xf32, #tpu.memory_space<vmem>>, vector<1x16xf32>,
        %swap3A_1255 = vector.shape_cast %swap3A_1254 : vector<1x16xf32> to vector<16xf32>
        %swap3A_1256 = vector.shape_cast %add3A_1251 : vector<16xf32> to vector<1x16xf32>
        tpu.vector_store %arg21[%swap3A_1252, %swap3A_1253], %swap3A_1256 {strides = array<i32>} : memref<128x128xf32, #tpu.memory_space<vmem>>, vector<1x16xf32>,
        %get3A_1257 = arith.index_cast %add3A_1202 : i32 to index
        %get3A_1258 = arith.constant 32 : index
        %get3A_1259 = tpu.vector_load %arg20[%get3A_1257, %get3A_1258] {strides = array<i32>} : memref<128x128xf32, #tpu.memory_space<vmem>>, vector<1x16xf32>,
        %get3A_1260 = vector.shape_cast %get3A_1259 : vector<1x16xf32> to vector<16xf32>
        %get3A_1261 = arith.index_cast %add3A_1202 : i32 to index
        %get3A_1262 = arith.constant 32 : index
        %get3A_1263 = tpu.vector_load %arg17[%get3A_1261, %get3A_1262] {strides = array<i32>} : memref<128x128xf32, #tpu.memory_space<vmem>>, vector<1x16xf32>,
        %get3A_1264 = vector.shape_cast %get3A_1263 : vector<1x16xf32> to vector<16xf32>
        %mul3A_1265 = arith.mulf %broadcast_in_dim3A_1192, %get3A_1264 : vector<16xf32>
        %add3A_1266 = arith.addf %get3A_1260, %mul3A_1265 : vector<16xf32>
        %get3A_1267 = arith.index_cast %add3A_1202 : i32 to index
        %get3A_1268 = arith.constant 32 : index
        %get3A_1269 = tpu.vector_load %arg18[%get3A_1267, %get3A_1268] {strides = array<i32>} : memref<128x128xf32, #tpu.memory_space<vmem>>, vector<1x16xf32>,
        %get3A_1270 = vector.shape_cast %get3A_1269 : vector<1x16xf32> to vector<16xf32>
        %mul3A_1271 = arith.mulf %broadcast_in_dim3A_1195, %get3A_1270 : vector<16xf32>
        %add3A_1272 = arith.addf %add3A_1266, %mul3A_1271 : vector<16xf32>
        %get3A_1273 = arith.index_cast %add3A_1202 : i32 to index
        %get3A_1274 = arith.constant 32 : index
        %get3A_1275 = tpu.vector_load %arg19[%get3A_1273, %get3A_1274] {strides = array<i32>} : memref<128x128xf32, #tpu.memory_space<vmem>>, vector<1x16xf32>,
        %get3A_1276 = vector.shape_cast %get3A_1275 : vector<1x16xf32> to vector<16xf32>
        %mul3A_1277 = arith.mulf %broadcast_in_dim3A_1198, %get3A_1276 : vector<16xf32>
        %add3A_1278 = arith.addf %add3A_1272, %mul3A_1277 : vector<16xf32>
        %swap3A_1279 = arith.index_cast %add3A_1202 : i32 to index
        %swap3A_1280 = arith.constant 32 : index
        %swap3A_1281 = tpu.vector_load %arg21[%swap3A_1279, %swap3A_1280] {strides = array<i32>} : memref<128x128xf32, #tpu.memory_space<vmem>>, vector<1x16xf32>,
        %swap3A_1282 = vector.shape_cast %swap3A_1281 : vector<1x16xf32> to vector<16xf32>
        %swap3A_1283 = vector.shape_cast %add3A_1278 : vector<16xf32> to vector<1x16xf32>
        tpu.vector_store %arg21[%swap3A_1279, %swap3A_1280], %swap3A_1283 {strides = array<i32>} : memref<128x128xf32, #tpu.memory_space<vmem>>, vector<1x16xf32>,
        %get3A_1284 = arith.index_cast %add3A_1202 : i32 to index
        %get3A_1285 = arith.constant 48 : index
        %get3A_1286 = tpu.vector_load %arg20[%get3A_1284, %get3A_1285] {strides = array<i32>} : memref<128x128xf32, #tpu.memory_space<vmem>>, vector<1x16xf32>,
        %get3A_1287 = vector.shape_cast %get3A_1286 : vector<1x16xf32> to vector<16xf32>
        %get3A_1288 = arith.index_cast %add3A_1202 : i32 to index
        %get3A_1289 = arith.constant 48 : index
        %get3A_1290 = tpu.vector_load %arg17[%get3A_1288, %get3A_1289] {strides = array<i32>} : memref<128x128xf32, #tpu.memory_space<vmem>>, vector<1x16xf32>,
        %get3A_1291 = vector.shape_cast %get3A_1290 : vector<1x16xf32> to vector<16xf32>
        %mul3A_1292 = arith.mulf %broadcast_in_dim3A_1192, %get3A_1291 : vector<16xf32>
        %add3A_1293 = arith.addf %get3A_1287, %mul3A_1292 : vector<16xf32>
        %get3A_1294 = arith.index_cast %add3A_1202 : i32 to index
        %get3A_1295 = arith.constant 48 : index
        %get3A_1296 = tpu.vector_load %arg18[%get3A_1294, %get3A_1295] {strides = array<i32>} : memref<128x128xf32, #tpu.memory_space<vmem>>, vector<1x16xf32>,
        %get3A_1297 = vector.shape_cast %get3A_1296 : vector<1x16xf32> to vector<16xf32>
        %mul3A_1298 = arith.mulf %broadcast_in_dim3A_1195, %get3A_1297 : vector<16xf32>
        %add3A_1299 = arith.addf %add3A_1293, %mul3A_1298 : vector<16xf32>
        %get3A_1300 = arith.index_cast %add3A_1202 : i32 to index
        %get3A_1301 = arith.constant 48 : index
        %get3A_1302 = tpu.vector_load %arg19[%get3A_1300, %get3A_1301] {strides = array<i32>} : memref<128x128xf32, #tpu.memory_space<vmem>>, vector<1x16xf32>,
        %get3A_1303 = vector.shape_cast %get3A_1302 : vector<1x16xf32> to vector<16xf32>
        %mul3A_1304 = arith.mulf %broadcast_in_dim3A_1198, %get3A_1303 : vector<16xf32>
        %add3A_1305 = arith.addf %add3A_1299, %mul3A_1304 : vector<16xf32>
        %swap3A_1306 = arith.index_cast %add3A_1202 : i32 to index
        %swap3A_1307 = arith.constant 48 : index
        %swap3A_1308 = tpu.vector_load %arg21[%swap3A_1306, %swap3A_1307] {strides = array<i32>} : memref<128x128xf32, #tpu.memory_space<vmem>>, vector<1x16xf32>,
        %swap3A_1309 = vector.shape_cast %swap3A_1308 : vector<1x16xf32> to vector<16xf32>
        %swap3A_1310 = vector.shape_cast %add3A_1305 : vector<16xf32> to vector<1x16xf32>
        tpu.vector_store %arg21[%swap3A_1306, %swap3A_1307], %swap3A_1310 {strides = array<i32>} : memref<128x128xf32, #tpu.memory_space<vmem>>, vector<1x16xf32>,
        %get3A_1311 = arith.index_cast %add3A_1202 : i32 to index
        %get3A_1312 = arith.constant 64 : index
        %get3A_1313 = tpu.vector_load %arg20[%get3A_1311, %get3A_1312] {strides = array<i32>} : memref<128x128xf32, #tpu.memory_space<vmem>>, vector<1x16xf32>,
        %get3A_1314 = vector.shape_cast %get3A_1313 : vector<1x16xf32> to vector<16xf32>
        %get3A_1315 = arith.index_cast %add3A_1202 : i32 to index
        %get3A_1316 = arith.constant 64 : index
        %get3A_1317 = tpu.vector_load %arg17[%get3A_1315, %get3A_1316] {strides = array<i32>} : memref<128x128xf32, #tpu.memory_space<vmem>>, vector<1x16xf32>,
        %get3A_1318 = vector.shape_cast %get3A_1317 : vector<1x16xf32> to vector<16xf32>
        %mul3A_1319 = arith.mulf %broadcast_in_dim3A_1192, %get3A_1318 : vector<16xf32>
        %add3A_1320 = arith.addf %get3A_1314, %mul3A_1319 : vector<16xf32>
        %get3A_1321 = arith.index_cast %add3A_1202 : i32 to index
        %get3A_1322 = arith.constant 64 : index
        %get3A_1323 = tpu.vector_load %arg18[%get3A_1321, %get3A_1322] {strides = array<i32>} : memref<128x128xf32, #tpu.memory_space<vmem>>, vector<1x16xf32>,
        %get3A_1324 = vector.shape_cast %get3A_1323 : vector<1x16xf32> to vector<16xf32>
        %mul3A_1325 = arith.mulf %broadcast_in_dim3A_1195, %get3A_1324 : vector<16xf32>
        %add3A_1326 = arith.addf %add3A_1320, %mul3A_1325 : vector<16xf32>
        %get3A_1327 = arith.index_cast %add3A_1202 : i32 to index
        %get3A_1328 = arith.constant 64 : index
        %get3A_1329 = tpu.vector_load %arg19[%get3A_1327, %get3A_1328] {strides = array<i32>} : memref<128x128xf32, #tpu.memory_space<vmem>>, vector<1x16xf32>,
        %get3A_1330 = vector.shape_cast %get3A_1329 : vector<1x16xf32> to vector<16xf32>
        %mul3A_1331 = arith.mulf %broadcast_in_dim3A_1198, %get3A_1330 : vector<16xf32>
        %add3A_1332 = arith.addf %add3A_1326, %mul3A_1331 : vector<16xf32>
        %swap3A_1333 = arith.index_cast %add3A_1202 : i32 to index
        %swap3A_1334 = arith.constant 64 : index
        %swap3A_1335 = tpu.vector_load %arg21[%swap3A_1333, %swap3A_1334] {strides = array<i32>} : memref<128x128xf32, #tpu.memory_space<vmem>>, vector<1x16xf32>,
        %swap3A_1336 = vector.shape_cast %swap3A_1335 : vector<1x16xf32> to vector<16xf32>
        %swap3A_1337 = vector.shape_cast %add3A_1332 : vector<16xf32> to vector<1x16xf32>
        tpu.vector_store %arg21[%swap3A_1333, %swap3A_1334], %swap3A_1337 {strides = array<i32>} : memref<128x128xf32, #tpu.memory_space<vmem>>, vector<1x16xf32>,
        %get3A_1338 = arith.index_cast %add3A_1202 : i32 to index
        %get3A_1339 = arith.constant 80 : index
        %get3A_1340 = tpu.vector_load %arg20[%get3A_1338, %get3A_1339] {strides = array<i32>} : memref<128x128xf32, #tpu.memory_space<vmem>>, vector<1x16xf32>,
        %get3A_1341 = vector.shape_cast %get3A_1340 : vector<1x16xf32> to vector<16xf32>
        %get3A_1342 = arith.index_cast %add3A_1202 : i32 to index
        %get3A_1343 = arith.constant 80 : index
        %get3A_1344 = tpu.vector_load %arg17[%get3A_1342, %get3A_1343] {strides = array<i32>} : memref<128x128xf32, #tpu.memory_space<vmem>>, vector<1x16xf32>,
        %get3A_1345 = vector.shape_cast %get3A_1344 : vector<1x16xf32> to vector<16xf32>
        %mul3A_1346 = arith.mulf %broadcast_in_dim3A_1192, %get3A_1345 : vector<16xf32>
        %add3A_1347 = arith.addf %get3A_1341, %mul3A_1346 : vector<16xf32>
        %get3A_1348 = arith.index_cast %add3A_1202 : i32 to index
        %get3A_1349 = arith.constant 80 : index
        %get3A_1350 = tpu.vector_load %arg18[%get3A_1348, %get3A_1349] {strides = array<i32>} : memref<128x128xf32, #tpu.memory_space<vmem>>, vector<1x16xf32>,
        %get3A_1351 = vector.shape_cast %get3A_1350 : vector<1x16xf32> to vector<16xf32>
        %mul3A_1352 = arith.mulf %broadcast_in_dim3A_1195, %get3A_1351 : vector<16xf32>
        %add3A_1353 = arith.addf %add3A_1347, %mul3A_1352 : vector<16xf32>
        %get3A_1354 = arith.index_cast %add3A_1202 : i32 to index
        %get3A_1355 = arith.constant 80 : index
        %get3A_1356 = tpu.vector_load %arg19[%get3A_1354, %get3A_1355] {strides = array<i32>} : memref<128x128xf32, #tpu.memory_space<vmem>>, vector<1x16xf32>,
        %get3A_1357 = vector.shape_cast %get3A_1356 : vector<1x16xf32> to vector<16xf32>
        %mul3A_1358 = arith.mulf %broadcast_in_dim3A_1198, %get3A_1357 : vector<16xf32>
        %add3A_1359 = arith.addf %add3A_1353, %mul3A_1358 : vector<16xf32>
        %swap3A_1360 = arith.index_cast %add3A_1202 : i32 to index
        %swap3A_1361 = arith.constant 80 : index
        %swap3A_1362 = tpu.vector_load %arg21[%swap3A_1360, %swap3A_1361] {strides = array<i32>} : memref<128x128xf32, #tpu.memory_space<vmem>>, vector<1x16xf32>,
        %swap3A_1363 = vector.shape_cast %swap3A_1362 : vector<1x16xf32> to vector<16xf32>
        %swap3A_1364 = vector.shape_cast %add3A_1359 : vector<16xf32> to vector<1x16xf32>
        tpu.vector_store %arg21[%swap3A_1360, %swap3A_1361], %swap3A_1364 {strides = array<i32>} : memref<128x128xf32, #tpu.memory_space<vmem>>, vector<1x16xf32>,
        %get3A_1365 = arith.index_cast %add3A_1202 : i32 to index
        %get3A_1366 = arith.constant 96 : index
        %get3A_1367 = tpu.vector_load %arg20[%get3A_1365, %get3A_1366] {strides = array<i32>} : memref<128x128xf32, #tpu.memory_space<vmem>>, vector<1x16xf32>,
        %get3A_1368 = vector.shape_cast %get3A_1367 : vector<1x16xf32> to vector<16xf32>
        %get3A_1369 = arith.index_cast %add3A_1202 : i32 to index
        %get3A_1370 = arith.constant 96 : index
        %get3A_1371 = tpu.vector_load %arg17[%get3A_1369, %get3A_1370] {strides = array<i32>} : memref<128x128xf32, #tpu.memory_space<vmem>>, vector<1x16xf32>,
        %get3A_1372 = vector.shape_cast %get3A_1371 : vector<1x16xf32> to vector<16xf32>
        %mul3A_1373 = arith.mulf %broadcast_in_dim3A_1192, %get3A_1372 : vector<16xf32>
        %add3A_1374 = arith.addf %get3A_1368, %mul3A_1373 : vector<16xf32>
        %get3A_1375 = arith.index_cast %add3A_1202 : i32 to index
        %get3A_1376 = arith.constant 96 : index
        %get3A_1377 = tpu.vector_load %arg18[%get3A_1375, %get3A_1376] {strides = array<i32>} : memref<128x128xf32, #tpu.memory_space<vmem>>, vector<1x16xf32>,
        %get3A_1378 = vector.shape_cast %get3A_1377 : vector<1x16xf32> to vector<16xf32>
        %mul3A_1379 = arith.mulf %broadcast_in_dim3A_1195, %get3A_1378 : vector<16xf32>
        %add3A_1380 = arith.addf %add3A_1374, %mul3A_1379 : vector<16xf32>
        %get3A_1381 = arith.index_cast %add3A_1202 : i32 to index
        %get3A_1382 = arith.constant 96 : index
        %get3A_1383 = tpu.vector_load %arg19[%get3A_1381, %get3A_1382] {strides = array<i32>} : memref<128x128xf32, #tpu.memory_space<vmem>>, vector<1x16xf32>,
        %get3A_1384 = vector.shape_cast %get3A_1383 : vector<1x16xf32> to vector<16xf32>
        %mul3A_1385 = arith.mulf %broadcast_in_dim3A_1198, %get3A_1384 : vector<16xf32>
        %add3A_1386 = arith.addf %add3A_1380, %mul3A_1385 : vector<16xf32>
        %swap3A_1387 = arith.index_cast %add3A_1202 : i32 to index
        %swap3A_1388 = arith.constant 96 : index
        %swap3A_1389 = tpu.vector_load %arg21[%swap3A_1387, %swap3A_1388] {strides = array<i32>} : memref<128x128xf32, #tpu.memory_space<vmem>>, vector<1x16xf32>,
        %swap3A_1390 = vector.shape_cast %swap3A_1389 : vector<1x16xf32> to vector<16xf32>
        %swap3A_1391 = vector.shape_cast %add3A_1386 : vector<16xf32> to vector<1x16xf32>
        tpu.vector_store %arg21[%swap3A_1387, %swap3A_1388], %swap3A_1391 {strides = array<i32>} : memref<128x128xf32, #tpu.memory_space<vmem>>, vector<1x16xf32>,
        %get3A_1392 = arith.index_cast %add3A_1202 : i32 to index
        %get3A_1393 = arith.constant 112 : index
        %get3A_1394 = tpu.vector_load %arg20[%get3A_1392, %get3A_1393] {strides = array<i32>} : memref<128x128xf32, #tpu.memory_space<vmem>>, vector<1x16xf32>,
        %get3A_1395 = vector.shape_cast %get3A_1394 : vector<1x16xf32> to vector<16xf32>
        %get3A_1396 = arith.index_cast %add3A_1202 : i32 to index
        %get3A_1397 = arith.constant 112 : index
        %get3A_1398 = tpu.vector_load %arg17[%get3A_1396, %get3A_1397] {strides = array<i32>} : memref<128x128xf32, #tpu.memory_space<vmem>>, vector<1x16xf32>,
        %get3A_1399 = vector.shape_cast %get3A_1398 : vector<1x16xf32> to vector<16xf32>
        %mul3A_1400 = arith.mulf %broadcast_in_dim3A_1192, %get3A_1399 : vector<16xf32>
        %add3A_1401 = arith.addf %get3A_1395, %mul3A_1400 : vector<16xf32>
        %get3A_1402 = arith.index_cast %add3A_1202 : i32 to index
        %get3A_1403 = arith.constant 112 : index
        %get3A_1404 = tpu.vector_load %arg18[%get3A_1402, %get3A_1403] {strides = array<i32>} : memref<128x128xf32, #tpu.memory_space<vmem>>, vector<1x16xf32>,
        %get3A_1405 = vector.shape_cast %get3A_1404 : vector<1x16xf32> to vector<16xf32>
        %mul3A_1406 = arith.mulf %broadcast_in_dim3A_1195, %get3A_1405 : vector<16xf32>
        %add3A_1407 = arith.addf %add3A_1401, %mul3A_1406 : vector<16xf32>
        %get3A_1408 = arith.index_cast %add3A_1202 : i32 to index
        %get3A_1409 = arith.constant 112 : index
        %get3A_1410 = tpu.vector_load %arg19[%get3A_1408, %get3A_1409] {strides = array<i32>} : memref<128x128xf32, #tpu.memory_space<vmem>>, vector<1x16xf32>,
        %get3A_1411 = vector.shape_cast %get3A_1410 : vector<1x16xf32> to vector<16xf32>
        %mul3A_1412 = arith.mulf %broadcast_in_dim3A_1198, %get3A_1411 : vector<16xf32>
        %add3A_1413 = arith.addf %add3A_1407, %mul3A_1412 : vector<16xf32>
        %swap3A_1414 = arith.index_cast %add3A_1202 : i32 to index
        %swap3A_1415 = arith.constant 112 : index
        %swap3A_1416 = tpu.vector_load %arg21[%swap3A_1414, %swap3A_1415] {strides = array<i32>} : memref<128x128xf32, #tpu.memory_space<vmem>>, vector<1x16xf32>,
        %swap3A_1417 = vector.shape_cast %swap3A_1416 : vector<1x16xf32> to vector<16xf32>
        %swap3A_1418 = vector.shape_cast %add3A_1413 : vector<16xf32> to vector<1x16xf32>
        tpu.vector_store %arg21[%swap3A_1414, %swap3A_1415], %swap3A_1418 {strides = array<i32>} : memref<128x128xf32, #tpu.memory_space<vmem>>, vector<1x16xf32>,
        %slice3A_1419 = vector.extract_strided_slice %get3A_38 {offsets = [6], sizes = [1], strides = [1]} : vector<16xf32> to vector<1xf32>
        %squeeze3A_1420 = vector.extract %slice3A_1419[0] : f32 from vector<1xf32>
        %broadcast_in_dim3A_1421 = vector.broadcast %squeeze3A_1420 : f32 to vector<16xf32>
        %slice3A_1422 = vector.extract_strided_slice %get3A_43 {offsets = [6], sizes = [1], strides = [1]} : vector<16xf32> to vector<1xf32>
        %squeeze3A_1423 = vector.extract %slice3A_1422[0] : f32 from vector<1xf32>
        %broadcast_in_dim3A_1424 = vector.broadcast %squeeze3A_1423 : f32 to vector<16xf32>
        %slice3A_1425 = vector.extract_strided_slice %get3A_48 {offsets = [6], sizes = [1], strides = [1]} : vector<16xf32> to vector<1xf32>
        %squeeze3A_1426 = vector.extract %slice3A_1425[0] : f32 from vector<1xf32>
        %broadcast_in_dim3A_1427 = vector.broadcast %squeeze3A_1426 : f32 to vector<16xf32>
        %mul3A_1428 = arith.constant 16 : i32
        %mul3A_1429 = arith.muli %scan3A_34, %mul3A_1428 : i32
        %add3A_1430 = arith.constant 6 : i32
        %add3A_1431 = arith.addi %mul3A_1429, %add3A_1430 : i32
        %get3A_1432 = arith.index_cast %add3A_1431 : i32 to index
        %get3A_1433 = arith.constant 0 : index
        %get3A_1434 = tpu.vector_load %arg20[%get3A_1432, %get3A_1433] {strides = array<i32>} : memref<128x128xf32, #tpu.memory_space<vmem>>, vector<1x16xf32>,
        %get3A_1435 = vector.shape_cast %get3A_1434 : vector<1x16xf32> to vector<16xf32>
        %get3A_1436 = arith.index_cast %add3A_1431 : i32 to index
        %get3A_1437 = arith.constant 0 : index
        %get3A_1438 = tpu.vector_load %arg17[%get3A_1436, %get3A_1437] {strides = array<i32>} : memref<128x128xf32, #tpu.memory_space<vmem>>, vector<1x16xf32>,
        %get3A_1439 = vector.shape_cast %get3A_1438 : vector<1x16xf32> to vector<16xf32>
        %mul3A_1440 = arith.mulf %broadcast_in_dim3A_1421, %get3A_1439 : vector<16xf32>
        %add3A_1441 = arith.addf %get3A_1435, %mul3A_1440 : vector<16xf32>
        %get3A_1442 = arith.index_cast %add3A_1431 : i32 to index
        %get3A_1443 = arith.constant 0 : index
        %get3A_1444 = tpu.vector_load %arg18[%get3A_1442, %get3A_1443] {strides = array<i32>} : memref<128x128xf32, #tpu.memory_space<vmem>>, vector<1x16xf32>,
        %get3A_1445 = vector.shape_cast %get3A_1444 : vector<1x16xf32> to vector<16xf32>
        %mul3A_1446 = arith.mulf %broadcast_in_dim3A_1424, %get3A_1445 : vector<16xf32>
        %add3A_1447 = arith.addf %add3A_1441, %mul3A_1446 : vector<16xf32>
        %get3A_1448 = arith.index_cast %add3A_1431 : i32 to index
        %get3A_1449 = arith.constant 0 : index
        %get3A_1450 = tpu.vector_load %arg19[%get3A_1448, %get3A_1449] {strides = array<i32>} : memref<128x128xf32, #tpu.memory_space<vmem>>, vector<1x16xf32>,
        %get3A_1451 = vector.shape_cast %get3A_1450 : vector<1x16xf32> to vector<16xf32>
        %mul3A_1452 = arith.mulf %broadcast_in_dim3A_1427, %get3A_1451 : vector<16xf32>
        %add3A_1453 = arith.addf %add3A_1447, %mul3A_1452 : vector<16xf32>
        %swap3A_1454 = arith.index_cast %add3A_1431 : i32 to index
        %swap3A_1455 = arith.constant 0 : index
        %swap3A_1456 = tpu.vector_load %arg21[%swap3A_1454, %swap3A_1455] {strides = array<i32>} : memref<128x128xf32, #tpu.memory_space<vmem>>, vector<1x16xf32>,
        %swap3A_1457 = vector.shape_cast %swap3A_1456 : vector<1x16xf32> to vector<16xf32>
        %swap3A_1458 = vector.shape_cast %add3A_1453 : vector<16xf32> to vector<1x16xf32>
        tpu.vector_store %arg21[%swap3A_1454, %swap3A_1455], %swap3A_1458 {strides = array<i32>} : memref<128x128xf32, #tpu.memory_space<vmem>>, vector<1x16xf32>,
        %get3A_1459 = arith.index_cast %add3A_1431 : i32 to index
        %get3A_1460 = arith.constant 16 : index
        %get3A_1461 = tpu.vector_load %arg20[%get3A_1459, %get3A_1460] {strides = array<i32>} : memref<128x128xf32, #tpu.memory_space<vmem>>, vector<1x16xf32>,
        %get3A_1462 = vector.shape_cast %get3A_1461 : vector<1x16xf32> to vector<16xf32>
        %get3A_1463 = arith.index_cast %add3A_1431 : i32 to index
        %get3A_1464 = arith.constant 16 : index
        %get3A_1465 = tpu.vector_load %arg17[%get3A_1463, %get3A_1464] {strides = array<i32>} : memref<128x128xf32, #tpu.memory_space<vmem>>, vector<1x16xf32>,
        %get3A_1466 = vector.shape_cast %get3A_1465 : vector<1x16xf32> to vector<16xf32>
        %mul3A_1467 = arith.mulf %broadcast_in_dim3A_1421, %get3A_1466 : vector<16xf32>
        %add3A_1468 = arith.addf %get3A_1462, %mul3A_1467 : vector<16xf32>
        %get3A_1469 = arith.index_cast %add3A_1431 : i32 to index
        %get3A_1470 = arith.constant 16 : index
        %get3A_1471 = tpu.vector_load %arg18[%get3A_1469, %get3A_1470] {strides = array<i32>} : memref<128x128xf32, #tpu.memory_space<vmem>>, vector<1x16xf32>,
        %get3A_1472 = vector.shape_cast %get3A_1471 : vector<1x16xf32> to vector<16xf32>
        %mul3A_1473 = arith.mulf %broadcast_in_dim3A_1424, %get3A_1472 : vector<16xf32>
        %add3A_1474 = arith.addf %add3A_1468, %mul3A_1473 : vector<16xf32>
        %get3A_1475 = arith.index_cast %add3A_1431 : i32 to index
        %get3A_1476 = arith.constant 16 : index
        %get3A_1477 = tpu.vector_load %arg19[%get3A_1475, %get3A_1476] {strides = array<i32>} : memref<128x128xf32, #tpu.memory_space<vmem>>, vector<1x16xf32>,
        %get3A_1478 = vector.shape_cast %get3A_1477 : vector<1x16xf32> to vector<16xf32>
        %mul3A_1479 = arith.mulf %broadcast_in_dim3A_1427, %get3A_1478 : vector<16xf32>
        %add3A_1480 = arith.addf %add3A_1474, %mul3A_1479 : vector<16xf32>
        %swap3A_1481 = arith.index_cast %add3A_1431 : i32 to index
        %swap3A_1482 = arith.constant 16 : index
        %swap3A_1483 = tpu.vector_load %arg21[%swap3A_1481, %swap3A_1482] {strides = array<i32>} : memref<128x128xf32, #tpu.memory_space<vmem>>, vector<1x16xf32>,
        %swap3A_1484 = vector.shape_cast %swap3A_1483 : vector<1x16xf32> to vector<16xf32>
        %swap3A_1485 = vector.shape_cast %add3A_1480 : vector<16xf32> to vector<1x16xf32>
        tpu.vector_store %arg21[%swap3A_1481, %swap3A_1482], %swap3A_1485 {strides = array<i32>} : memref<128x128xf32, #tpu.memory_space<vmem>>, vector<1x16xf32>,
        %get3A_1486 = arith.index_cast %add3A_1431 : i32 to index
        %get3A_1487 = arith.constant 32 : index
        %get3A_1488 = tpu.vector_load %arg20[%get3A_1486, %get3A_1487] {strides = array<i32>} : memref<128x128xf32, #tpu.memory_space<vmem>>, vector<1x16xf32>,
        %get3A_1489 = vector.shape_cast %get3A_1488 : vector<1x16xf32> to vector<16xf32>
        %get3A_1490 = arith.index_cast %add3A_1431 : i32 to index
        %get3A_1491 = arith.constant 32 : index
        %get3A_1492 = tpu.vector_load %arg17[%get3A_1490, %get3A_1491] {strides = array<i32>} : memref<128x128xf32, #tpu.memory_space<vmem>>, vector<1x16xf32>,
        %get3A_1493 = vector.shape_cast %get3A_1492 : vector<1x16xf32> to vector<16xf32>
        %mul3A_1494 = arith.mulf %broadcast_in_dim3A_1421, %get3A_1493 : vector<16xf32>
        %add3A_1495 = arith.addf %get3A_1489, %mul3A_1494 : vector<16xf32>
        %get3A_1496 = arith.index_cast %add3A_1431 : i32 to index
        %get3A_1497 = arith.constant 32 : index
        %get3A_1498 = tpu.vector_load %arg18[%get3A_1496, %get3A_1497] {strides = array<i32>} : memref<128x128xf32, #tpu.memory_space<vmem>>, vector<1x16xf32>,
        %get3A_1499 = vector.shape_cast %get3A_1498 : vector<1x16xf32> to vector<16xf32>
        %mul3A_1500 = arith.mulf %broadcast_in_dim3A_1424, %get3A_1499 : vector<16xf32>
        %add3A_1501 = arith.addf %add3A_1495, %mul3A_1500 : vector<16xf32>
        %get3A_1502 = arith.index_cast %add3A_1431 : i32 to index
        %get3A_1503 = arith.constant 32 : index
        %get3A_1504 = tpu.vector_load %arg19[%get3A_1502, %get3A_1503] {strides = array<i32>} : memref<128x128xf32, #tpu.memory_space<vmem>>, vector<1x16xf32>,
        %get3A_1505 = vector.shape_cast %get3A_1504 : vector<1x16xf32> to vector<16xf32>
        %mul3A_1506 = arith.mulf %broadcast_in_dim3A_1427, %get3A_1505 : vector<16xf32>
        %add3A_1507 = arith.addf %add3A_1501, %mul3A_1506 : vector<16xf32>
        %swap3A_1508 = arith.index_cast %add3A_1431 : i32 to index
        %swap3A_1509 = arith.constant 32 : index
        %swap3A_1510 = tpu.vector_load %arg21[%swap3A_1508, %swap3A_1509] {strides = array<i32>} : memref<128x128xf32, #tpu.memory_space<vmem>>, vector<1x16xf32>,
        %swap3A_1511 = vector.shape_cast %swap3A_1510 : vector<1x16xf32> to vector<16xf32>
        %swap3A_1512 = vector.shape_cast %add3A_1507 : vector<16xf32> to vector<1x16xf32>
        tpu.vector_store %arg21[%swap3A_1508, %swap3A_1509], %swap3A_1512 {strides = array<i32>} : memref<128x128xf32, #tpu.memory_space<vmem>>, vector<1x16xf32>,
        %get3A_1513 = arith.index_cast %add3A_1431 : i32 to index
        %get3A_1514 = arith.constant 48 : index
        %get3A_1515 = tpu.vector_load %arg20[%get3A_1513, %get3A_1514] {strides = array<i32>} : memref<128x128xf32, #tpu.memory_space<vmem>>, vector<1x16xf32>,
        %get3A_1516 = vector.shape_cast %get3A_1515 : vector<1x16xf32> to vector<16xf32>
        %get3A_1517 = arith.index_cast %add3A_1431 : i32 to index
        %get3A_1518 = arith.constant 48 : index
        %get3A_1519 = tpu.vector_load %arg17[%get3A_1517, %get3A_1518] {strides = array<i32>} : memref<128x128xf32, #tpu.memory_space<vmem>>, vector<1x16xf32>,
        %get3A_1520 = vector.shape_cast %get3A_1519 : vector<1x16xf32> to vector<16xf32>
        %mul3A_1521 = arith.mulf %broadcast_in_dim3A_1421, %get3A_1520 : vector<16xf32>
        %add3A_1522 = arith.addf %get3A_1516, %mul3A_1521 : vector<16xf32>
        %get3A_1523 = arith.index_cast %add3A_1431 : i32 to index
        %get3A_1524 = arith.constant 48 : index
        %get3A_1525 = tpu.vector_load %arg18[%get3A_1523, %get3A_1524] {strides = array<i32>} : memref<128x128xf32, #tpu.memory_space<vmem>>, vector<1x16xf32>,
        %get3A_1526 = vector.shape_cast %get3A_1525 : vector<1x16xf32> to vector<16xf32>
        %mul3A_1527 = arith.mulf %broadcast_in_dim3A_1424, %get3A_1526 : vector<16xf32>
        %add3A_1528 = arith.addf %add3A_1522, %mul3A_1527 : vector<16xf32>
        %get3A_1529 = arith.index_cast %add3A_1431 : i32 to index
        %get3A_1530 = arith.constant 48 : index
        %get3A_1531 = tpu.vector_load %arg19[%get3A_1529, %get3A_1530] {strides = array<i32>} : memref<128x128xf32, #tpu.memory_space<vmem>>, vector<1x16xf32>,
        %get3A_1532 = vector.shape_cast %get3A_1531 : vector<1x16xf32> to vector<16xf32>
        %mul3A_1533 = arith.mulf %broadcast_in_dim3A_1427, %get3A_1532 : vector<16xf32>
        %add3A_1534 = arith.addf %add3A_1528, %mul3A_1533 : vector<16xf32>
        %swap3A_1535 = arith.index_cast %add3A_1431 : i32 to index
        %swap3A_1536 = arith.constant 48 : index
        %swap3A_1537 = tpu.vector_load %arg21[%swap3A_1535, %swap3A_1536] {strides = array<i32>} : memref<128x128xf32, #tpu.memory_space<vmem>>, vector<1x16xf32>,
        %swap3A_1538 = vector.shape_cast %swap3A_1537 : vector<1x16xf32> to vector<16xf32>
        %swap3A_1539 = vector.shape_cast %add3A_1534 : vector<16xf32> to vector<1x16xf32>
        tpu.vector_store %arg21[%swap3A_1535, %swap3A_1536], %swap3A_1539 {strides = array<i32>} : memref<128x128xf32, #tpu.memory_space<vmem>>, vector<1x16xf32>,
        %get3A_1540 = arith.index_cast %add3A_1431 : i32 to index
        %get3A_1541 = arith.constant 64 : index
        %get3A_1542 = tpu.vector_load %arg20[%get3A_1540, %get3A_1541] {strides = array<i32>} : memref<128x128xf32, #tpu.memory_space<vmem>>, vector<1x16xf32>,
        %get3A_1543 = vector.shape_cast %get3A_1542 : vector<1x16xf32> to vector<16xf32>
        %get3A_1544 = arith.index_cast %add3A_1431 : i32 to index
        %get3A_1545 = arith.constant 64 : index
        %get3A_1546 = tpu.vector_load %arg17[%get3A_1544, %get3A_1545] {strides = array<i32>} : memref<128x128xf32, #tpu.memory_space<vmem>>, vector<1x16xf32>,
        %get3A_1547 = vector.shape_cast %get3A_1546 : vector<1x16xf32> to vector<16xf32>
        %mul3A_1548 = arith.mulf %broadcast_in_dim3A_1421, %get3A_1547 : vector<16xf32>
        %add3A_1549 = arith.addf %get3A_1543, %mul3A_1548 : vector<16xf32>
        %get3A_1550 = arith.index_cast %add3A_1431 : i32 to index
        %get3A_1551 = arith.constant 64 : index
        %get3A_1552 = tpu.vector_load %arg18[%get3A_1550, %get3A_1551] {strides = array<i32>} : memref<128x128xf32, #tpu.memory_space<vmem>>, vector<1x16xf32>,
        %get3A_1553 = vector.shape_cast %get3A_1552 : vector<1x16xf32> to vector<16xf32>
        %mul3A_1554 = arith.mulf %broadcast_in_dim3A_1424, %get3A_1553 : vector<16xf32>
        %add3A_1555 = arith.addf %add3A_1549, %mul3A_1554 : vector<16xf32>
        %get3A_1556 = arith.index_cast %add3A_1431 : i32 to index
        %get3A_1557 = arith.constant 64 : index
        %get3A_1558 = tpu.vector_load %arg19[%get3A_1556, %get3A_1557] {strides = array<i32>} : memref<128x128xf32, #tpu.memory_space<vmem>>, vector<1x16xf32>,
        %get3A_1559 = vector.shape_cast %get3A_1558 : vector<1x16xf32> to vector<16xf32>
        %mul3A_1560 = arith.mulf %broadcast_in_dim3A_1427, %get3A_1559 : vector<16xf32>
        %add3A_1561 = arith.addf %add3A_1555, %mul3A_1560 : vector<16xf32>
        %swap3A_1562 = arith.index_cast %add3A_1431 : i32 to index
        %swap3A_1563 = arith.constant 64 : index
        %swap3A_1564 = tpu.vector_load %arg21[%swap3A_1562, %swap3A_1563] {strides = array<i32>} : memref<128x128xf32, #tpu.memory_space<vmem>>, vector<1x16xf32>,
        %swap3A_1565 = vector.shape_cast %swap3A_1564 : vector<1x16xf32> to vector<16xf32>
        %swap3A_1566 = vector.shape_cast %add3A_1561 : vector<16xf32> to vector<1x16xf32>
        tpu.vector_store %arg21[%swap3A_1562, %swap3A_1563], %swap3A_1566 {strides = array<i32>} : memref<128x128xf32, #tpu.memory_space<vmem>>, vector<1x16xf32>,
        %get3A_1567 = arith.index_cast %add3A_1431 : i32 to index
        %get3A_1568 = arith.constant 80 : index
        %get3A_1569 = tpu.vector_load %arg20[%get3A_1567, %get3A_1568] {strides = array<i32>} : memref<128x128xf32, #tpu.memory_space<vmem>>, vector<1x16xf32>,
        %get3A_1570 = vector.shape_cast %get3A_1569 : vector<1x16xf32> to vector<16xf32>
        %get3A_1571 = arith.index_cast %add3A_1431 : i32 to index
        %get3A_1572 = arith.constant 80 : index
        %get3A_1573 = tpu.vector_load %arg17[%get3A_1571, %get3A_1572] {strides = array<i32>} : memref<128x128xf32, #tpu.memory_space<vmem>>, vector<1x16xf32>,
        %get3A_1574 = vector.shape_cast %get3A_1573 : vector<1x16xf32> to vector<16xf32>
        %mul3A_1575 = arith.mulf %broadcast_in_dim3A_1421, %get3A_1574 : vector<16xf32>
        %add3A_1576 = arith.addf %get3A_1570, %mul3A_1575 : vector<16xf32>
        %get3A_1577 = arith.index_cast %add3A_1431 : i32 to index
        %get3A_1578 = arith.constant 80 : index
        %get3A_1579 = tpu.vector_load %arg18[%get3A_1577, %get3A_1578] {strides = array<i32>} : memref<128x128xf32, #tpu.memory_space<vmem>>, vector<1x16xf32>,
        %get3A_1580 = vector.shape_cast %get3A_1579 : vector<1x16xf32> to vector<16xf32>
        %mul3A_1581 = arith.mulf %broadcast_in_dim3A_1424, %get3A_1580 : vector<16xf32>
        %add3A_1582 = arith.addf %add3A_1576, %mul3A_1581 : vector<16xf32>
        %get3A_1583 = arith.index_cast %add3A_1431 : i32 to index
        %get3A_1584 = arith.constant 80 : index
        %get3A_1585 = tpu.vector_load %arg19[%get3A_1583, %get3A_1584] {strides = array<i32>} : memref<128x128xf32, #tpu.memory_space<vmem>>, vector<1x16xf32>,
        %get3A_1586 = vector.shape_cast %get3A_1585 : vector<1x16xf32> to vector<16xf32>
        %mul3A_1587 = arith.mulf %broadcast_in_dim3A_1427, %get3A_1586 : vector<16xf32>
        %add3A_1588 = arith.addf %add3A_1582, %mul3A_1587 : vector<16xf32>
        %swap3A_1589 = arith.index_cast %add3A_1431 : i32 to index
        %swap3A_1590 = arith.constant 80 : index
        %swap3A_1591 = tpu.vector_load %arg21[%swap3A_1589, %swap3A_1590] {strides = array<i32>} : memref<128x128xf32, #tpu.memory_space<vmem>>, vector<1x16xf32>,
        %swap3A_1592 = vector.shape_cast %swap3A_1591 : vector<1x16xf32> to vector<16xf32>
        %swap3A_1593 = vector.shape_cast %add3A_1588 : vector<16xf32> to vector<1x16xf32>
        tpu.vector_store %arg21[%swap3A_1589, %swap3A_1590], %swap3A_1593 {strides = array<i32>} : memref<128x128xf32, #tpu.memory_space<vmem>>, vector<1x16xf32>,
        %get3A_1594 = arith.index_cast %add3A_1431 : i32 to index
        %get3A_1595 = arith.constant 96 : index
        %get3A_1596 = tpu.vector_load %arg20[%get3A_1594, %get3A_1595] {strides = array<i32>} : memref<128x128xf32, #tpu.memory_space<vmem>>, vector<1x16xf32>,
        %get3A_1597 = vector.shape_cast %get3A_1596 : vector<1x16xf32> to vector<16xf32>
        %get3A_1598 = arith.index_cast %add3A_1431 : i32 to index
        %get3A_1599 = arith.constant 96 : index
        %get3A_1600 = tpu.vector_load %arg17[%get3A_1598, %get3A_1599] {strides = array<i32>} : memref<128x128xf32, #tpu.memory_space<vmem>>, vector<1x16xf32>,
        %get3A_1601 = vector.shape_cast %get3A_1600 : vector<1x16xf32> to vector<16xf32>
        %mul3A_1602 = arith.mulf %broadcast_in_dim3A_1421, %get3A_1601 : vector<16xf32>
        %add3A_1603 = arith.addf %get3A_1597, %mul3A_1602 : vector<16xf32>
        %get3A_1604 = arith.index_cast %add3A_1431 : i32 to index
        %get3A_1605 = arith.constant 96 : index
        %get3A_1606 = tpu.vector_load %arg18[%get3A_1604, %get3A_1605] {strides = array<i32>} : memref<128x128xf32, #tpu.memory_space<vmem>>, vector<1x16xf32>,
        %get3A_1607 = vector.shape_cast %get3A_1606 : vector<1x16xf32> to vector<16xf32>
        %mul3A_1608 = arith.mulf %broadcast_in_dim3A_1424, %get3A_1607 : vector<16xf32>
        %add3A_1609 = arith.addf %add3A_1603, %mul3A_1608 : vector<16xf32>
        %get3A_1610 = arith.index_cast %add3A_1431 : i32 to index
        %get3A_1611 = arith.constant 96 : index
        %get3A_1612 = tpu.vector_load %arg19[%get3A_1610, %get3A_1611] {strides = array<i32>} : memref<128x128xf32, #tpu.memory_space<vmem>>, vector<1x16xf32>,
        %get3A_1613 = vector.shape_cast %get3A_1612 : vector<1x16xf32> to vector<16xf32>
        %mul3A_1614 = arith.mulf %broadcast_in_dim3A_1427, %get3A_1613 : vector<16xf32>
        %add3A_1615 = arith.addf %add3A_1609, %mul3A_1614 : vector<16xf32>
        %swap3A_1616 = arith.index_cast %add3A_1431 : i32 to index
        %swap3A_1617 = arith.constant 96 : index
        %swap3A_1618 = tpu.vector_load %arg21[%swap3A_1616, %swap3A_1617] {strides = array<i32>} : memref<128x128xf32, #tpu.memory_space<vmem>>, vector<1x16xf32>,
        %swap3A_1619 = vector.shape_cast %swap3A_1618 : vector<1x16xf32> to vector<16xf32>
        %swap3A_1620 = vector.shape_cast %add3A_1615 : vector<16xf32> to vector<1x16xf32>
        tpu.vector_store %arg21[%swap3A_1616, %swap3A_1617], %swap3A_1620 {strides = array<i32>} : memref<128x128xf32, #tpu.memory_space<vmem>>, vector<1x16xf32>,
        %get3A_1621 = arith.index_cast %add3A_1431 : i32 to index
        %get3A_1622 = arith.constant 112 : index
        %get3A_1623 = tpu.vector_load %arg20[%get3A_1621, %get3A_1622] {strides = array<i32>} : memref<128x128xf32, #tpu.memory_space<vmem>>, vector<1x16xf32>,
        %get3A_1624 = vector.shape_cast %get3A_1623 : vector<1x16xf32> to vector<16xf32>
        %get3A_1625 = arith.index_cast %add3A_1431 : i32 to index
        %get3A_1626 = arith.constant 112 : index
        %get3A_1627 = tpu.vector_load %arg17[%get3A_1625, %get3A_1626] {strides = array<i32>} : memref<128x128xf32, #tpu.memory_space<vmem>>, vector<1x16xf32>,
        %get3A_1628 = vector.shape_cast %get3A_1627 : vector<1x16xf32> to vector<16xf32>
        %mul3A_1629 = arith.mulf %broadcast_in_dim3A_1421, %get3A_1628 : vector<16xf32>
        %add3A_1630 = arith.addf %get3A_1624, %mul3A_1629 : vector<16xf32>
        %get3A_1631 = arith.index_cast %add3A_1431 : i32 to index
        %get3A_1632 = arith.constant 112 : index
        %get3A_1633 = tpu.vector_load %arg18[%get3A_1631, %get3A_1632] {strides = array<i32>} : memref<128x128xf32, #tpu.memory_space<vmem>>, vector<1x16xf32>,
        %get3A_1634 = vector.shape_cast %get3A_1633 : vector<1x16xf32> to vector<16xf32>
        %mul3A_1635 = arith.mulf %broadcast_in_dim3A_1424, %get3A_1634 : vector<16xf32>
        %add3A_1636 = arith.addf %add3A_1630, %mul3A_1635 : vector<16xf32>
        %get3A_1637 = arith.index_cast %add3A_1431 : i32 to index
        %get3A_1638 = arith.constant 112 : index
        %get3A_1639 = tpu.vector_load %arg19[%get3A_1637, %get3A_1638] {strides = array<i32>} : memref<128x128xf32, #tpu.memory_space<vmem>>, vector<1x16xf32>,
        %get3A_1640 = vector.shape_cast %get3A_1639 : vector<1x16xf32> to vector<16xf32>
        %mul3A_1641 = arith.mulf %broadcast_in_dim3A_1427, %get3A_1640 : vector<16xf32>
        %add3A_1642 = arith.addf %add3A_1636, %mul3A_1641 : vector<16xf32>
        %swap3A_1643 = arith.index_cast %add3A_1431 : i32 to index
        %swap3A_1644 = arith.constant 112 : index
        %swap3A_1645 = tpu.vector_load %arg21[%swap3A_1643, %swap3A_1644] {strides = array<i32>} : memref<128x128xf32, #tpu.memory_space<vmem>>, vector<1x16xf32>,
        %swap3A_1646 = vector.shape_cast %swap3A_1645 : vector<1x16xf32> to vector<16xf32>
        %swap3A_1647 = vector.shape_cast %add3A_1642 : vector<16xf32> to vector<1x16xf32>
        tpu.vector_store %arg21[%swap3A_1643, %swap3A_1644], %swap3A_1647 {strides = array<i32>} : memref<128x128xf32, #tpu.memory_space<vmem>>, vector<1x16xf32>,
        %slice3A_1648 = vector.extract_strided_slice %get3A_38 {offsets = [7], sizes = [1], strides = [1]} : vector<16xf32> to vector<1xf32>
        %squeeze3A_1649 = vector.extract %slice3A_1648[0] : f32 from vector<1xf32>
        %broadcast_in_dim3A_1650 = vector.broadcast %squeeze3A_1649 : f32 to vector<16xf32>
        %slice3A_1651 = vector.extract_strided_slice %get3A_43 {offsets = [7], sizes = [1], strides = [1]} : vector<16xf32> to vector<1xf32>
        %squeeze3A_1652 = vector.extract %slice3A_1651[0] : f32 from vector<1xf32>
        %broadcast_in_dim3A_1653 = vector.broadcast %squeeze3A_1652 : f32 to vector<16xf32>
        %slice3A_1654 = vector.extract_strided_slice %get3A_48 {offsets = [7], sizes = [1], strides = [1]} : vector<16xf32> to vector<1xf32>
        %squeeze3A_1655 = vector.extract %slice3A_1654[0] : f32 from vector<1xf32>
        %broadcast_in_dim3A_1656 = vector.broadcast %squeeze3A_1655 : f32 to vector<16xf32>
        %mul3A_1657 = arith.constant 16 : i32
        %mul3A_1658 = arith.muli %scan3A_34, %mul3A_1657 : i32
        %add3A_1659 = arith.constant 7 : i32
        %add3A_1660 = arith.addi %mul3A_1658, %add3A_1659 : i32
        %get3A_1661 = arith.index_cast %add3A_1660 : i32 to index
        %get3A_1662 = arith.constant 0 : index
        %get3A_1663 = tpu.vector_load %arg20[%get3A_1661, %get3A_1662] {strides = array<i32>} : memref<128x128xf32, #tpu.memory_space<vmem>>, vector<1x16xf32>,
        %get3A_1664 = vector.shape_cast %get3A_1663 : vector<1x16xf32> to vector<16xf32>
        %get3A_1665 = arith.index_cast %add3A_1660 : i32 to index
        %get3A_1666 = arith.constant 0 : index
        %get3A_1667 = tpu.vector_load %arg17[%get3A_1665, %get3A_1666] {strides = array<i32>} : memref<128x128xf32, #tpu.memory_space<vmem>>, vector<1x16xf32>,
        %get3A_1668 = vector.shape_cast %get3A_1667 : vector<1x16xf32> to vector<16xf32>
        %mul3A_1669 = arith.mulf %broadcast_in_dim3A_1650, %get3A_1668 : vector<16xf32>
        %add3A_1670 = arith.addf %get3A_1664, %mul3A_1669 : vector<16xf32>
        %get3A_1671 = arith.index_cast %add3A_1660 : i32 to index
        %get3A_1672 = arith.constant 0 : index
        %get3A_1673 = tpu.vector_load %arg18[%get3A_1671, %get3A_1672] {strides = array<i32>} : memref<128x128xf32, #tpu.memory_space<vmem>>, vector<1x16xf32>,
        %get3A_1674 = vector.shape_cast %get3A_1673 : vector<1x16xf32> to vector<16xf32>
        %mul3A_1675 = arith.mulf %broadcast_in_dim3A_1653, %get3A_1674 : vector<16xf32>
        %add3A_1676 = arith.addf %add3A_1670, %mul3A_1675 : vector<16xf32>
        %get3A_1677 = arith.index_cast %add3A_1660 : i32 to index
        %get3A_1678 = arith.constant 0 : index
        %get3A_1679 = tpu.vector_load %arg19[%get3A_1677, %get3A_1678] {strides = array<i32>} : memref<128x128xf32, #tpu.memory_space<vmem>>, vector<1x16xf32>,
        %get3A_1680 = vector.shape_cast %get3A_1679 : vector<1x16xf32> to vector<16xf32>
        %mul3A_1681 = arith.mulf %broadcast_in_dim3A_1656, %get3A_1680 : vector<16xf32>
        %add3A_1682 = arith.addf %add3A_1676, %mul3A_1681 : vector<16xf32>
        %swap3A_1683 = arith.index_cast %add3A_1660 : i32 to index
        %swap3A_1684 = arith.constant 0 : index
        %swap3A_1685 = tpu.vector_load %arg21[%swap3A_1683, %swap3A_1684] {strides = array<i32>} : memref<128x128xf32, #tpu.memory_space<vmem>>, vector<1x16xf32>,
        %swap3A_1686 = vector.shape_cast %swap3A_1685 : vector<1x16xf32> to vector<16xf32>
        %swap3A_1687 = vector.shape_cast %add3A_1682 : vector<16xf32> to vector<1x16xf32>
        tpu.vector_store %arg21[%swap3A_1683, %swap3A_1684], %swap3A_1687 {strides = array<i32>} : memref<128x128xf32, #tpu.memory_space<vmem>>, vector<1x16xf32>,
        %get3A_1688 = arith.index_cast %add3A_1660 : i32 to index
        %get3A_1689 = arith.constant 16 : index
        %get3A_1690 = tpu.vector_load %arg20[%get3A_1688, %get3A_1689] {strides = array<i32>} : memref<128x128xf32, #tpu.memory_space<vmem>>, vector<1x16xf32>,
        %get3A_1691 = vector.shape_cast %get3A_1690 : vector<1x16xf32> to vector<16xf32>
        %get3A_1692 = arith.index_cast %add3A_1660 : i32 to index
        %get3A_1693 = arith.constant 16 : index
        %get3A_1694 = tpu.vector_load %arg17[%get3A_1692, %get3A_1693] {strides = array<i32>} : memref<128x128xf32, #tpu.memory_space<vmem>>, vector<1x16xf32>,
        %get3A_1695 = vector.shape_cast %get3A_1694 : vector<1x16xf32> to vector<16xf32>
        %mul3A_1696 = arith.mulf %broadcast_in_dim3A_1650, %get3A_1695 : vector<16xf32>
        %add3A_1697 = arith.addf %get3A_1691, %mul3A_1696 : vector<16xf32>
        %get3A_1698 = arith.index_cast %add3A_1660 : i32 to index
        %get3A_1699 = arith.constant 16 : index
        %get3A_1700 = tpu.vector_load %arg18[%get3A_1698, %get3A_1699] {strides = array<i32>} : memref<128x128xf32, #tpu.memory_space<vmem>>, vector<1x16xf32>,
        %get3A_1701 = vector.shape_cast %get3A_1700 : vector<1x16xf32> to vector<16xf32>
        %mul3A_1702 = arith.mulf %broadcast_in_dim3A_1653, %get3A_1701 : vector<16xf32>
        %add3A_1703 = arith.addf %add3A_1697, %mul3A_1702 : vector<16xf32>
        %get3A_1704 = arith.index_cast %add3A_1660 : i32 to index
        %get3A_1705 = arith.constant 16 : index
        %get3A_1706 = tpu.vector_load %arg19[%get3A_1704, %get3A_1705] {strides = array<i32>} : memref<128x128xf32, #tpu.memory_space<vmem>>, vector<1x16xf32>,
        %get3A_1707 = vector.shape_cast %get3A_1706 : vector<1x16xf32> to vector<16xf32>
        %mul3A_1708 = arith.mulf %broadcast_in_dim3A_1656, %get3A_1707 : vector<16xf32>
        %add3A_1709 = arith.addf %add3A_1703, %mul3A_1708 : vector<16xf32>
        %swap3A_1710 = arith.index_cast %add3A_1660 : i32 to index
        %swap3A_1711 = arith.constant 16 : index
        %swap3A_1712 = tpu.vector_load %arg21[%swap3A_1710, %swap3A_1711] {strides = array<i32>} : memref<128x128xf32, #tpu.memory_space<vmem>>, vector<1x16xf32>,
        %swap3A_1713 = vector.shape_cast %swap3A_1712 : vector<1x16xf32> to vector<16xf32>
        %swap3A_1714 = vector.shape_cast %add3A_1709 : vector<16xf32> to vector<1x16xf32>
        tpu.vector_store %arg21[%swap3A_1710, %swap3A_1711], %swap3A_1714 {strides = array<i32>} : memref<128x128xf32, #tpu.memory_space<vmem>>, vector<1x16xf32>,
        %get3A_1715 = arith.index_cast %add3A_1660 : i32 to index
        %get3A_1716 = arith.constant 32 : index
        %get3A_1717 = tpu.vector_load %arg20[%get3A_1715, %get3A_1716] {strides = array<i32>} : memref<128x128xf32, #tpu.memory_space<vmem>>, vector<1x16xf32>,
        %get3A_1718 = vector.shape_cast %get3A_1717 : vector<1x16xf32> to vector<16xf32>
        %get3A_1719 = arith.index_cast %add3A_1660 : i32 to index
        %get3A_1720 = arith.constant 32 : index
        %get3A_1721 = tpu.vector_load %arg17[%get3A_1719, %get3A_1720] {strides = array<i32>} : memref<128x128xf32, #tpu.memory_space<vmem>>, vector<1x16xf32>,
        %get3A_1722 = vector.shape_cast %get3A_1721 : vector<1x16xf32> to vector<16xf32>
        %mul3A_1723 = arith.mulf %broadcast_in_dim3A_1650, %get3A_1722 : vector<16xf32>
        %add3A_1724 = arith.addf %get3A_1718, %mul3A_1723 : vector<16xf32>
        %get3A_1725 = arith.index_cast %add3A_1660 : i32 to index
        %get3A_1726 = arith.constant 32 : index
        %get3A_1727 = tpu.vector_load %arg18[%get3A_1725, %get3A_1726] {strides = array<i32>} : memref<128x128xf32, #tpu.memory_space<vmem>>, vector<1x16xf32>,
        %get3A_1728 = vector.shape_cast %get3A_1727 : vector<1x16xf32> to vector<16xf32>
        %mul3A_1729 = arith.mulf %broadcast_in_dim3A_1653, %get3A_1728 : vector<16xf32>
        %add3A_1730 = arith.addf %add3A_1724, %mul3A_1729 : vector<16xf32>
        %get3A_1731 = arith.index_cast %add3A_1660 : i32 to index
        %get3A_1732 = arith.constant 32 : index
        %get3A_1733 = tpu.vector_load %arg19[%get3A_1731, %get3A_1732] {strides = array<i32>} : memref<128x128xf32, #tpu.memory_space<vmem>>, vector<1x16xf32>,
        %get3A_1734 = vector.shape_cast %get3A_1733 : vector<1x16xf32> to vector<16xf32>
        %mul3A_1735 = arith.mulf %broadcast_in_dim3A_1656, %get3A_1734 : vector<16xf32>
        %add3A_1736 = arith.addf %add3A_1730, %mul3A_1735 : vector<16xf32>
        %swap3A_1737 = arith.index_cast %add3A_1660 : i32 to index
        %swap3A_1738 = arith.constant 32 : index
        %swap3A_1739 = tpu.vector_load %arg21[%swap3A_1737, %swap3A_1738] {strides = array<i32>} : memref<128x128xf32, #tpu.memory_space<vmem>>, vector<1x16xf32>,
        %swap3A_1740 = vector.shape_cast %swap3A_1739 : vector<1x16xf32> to vector<16xf32>
        %swap3A_1741 = vector.shape_cast %add3A_1736 : vector<16xf32> to vector<1x16xf32>
        tpu.vector_store %arg21[%swap3A_1737, %swap3A_1738], %swap3A_1741 {strides = array<i32>} : memref<128x128xf32, #tpu.memory_space<vmem>>, vector<1x16xf32>,
        %get3A_1742 = arith.index_cast %add3A_1660 : i32 to index
        %get3A_1743 = arith.constant 48 : index
        %get3A_1744 = tpu.vector_load %arg20[%get3A_1742, %get3A_1743] {strides = array<i32>} : memref<128x128xf32, #tpu.memory_space<vmem>>, vector<1x16xf32>,
        %get3A_1745 = vector.shape_cast %get3A_1744 : vector<1x16xf32> to vector<16xf32>
        %get3A_1746 = arith.index_cast %add3A_1660 : i32 to index
        %get3A_1747 = arith.constant 48 : index
        %get3A_1748 = tpu.vector_load %arg17[%get3A_1746, %get3A_1747] {strides = array<i32>} : memref<128x128xf32, #tpu.memory_space<vmem>>, vector<1x16xf32>,
        %get3A_1749 = vector.shape_cast %get3A_1748 : vector<1x16xf32> to vector<16xf32>
        %mul3A_1750 = arith.mulf %broadcast_in_dim3A_1650, %get3A_1749 : vector<16xf32>
        %add3A_1751 = arith.addf %get3A_1745, %mul3A_1750 : vector<16xf32>
        %get3A_1752 = arith.index_cast %add3A_1660 : i32 to index
        %get3A_1753 = arith.constant 48 : index
        %get3A_1754 = tpu.vector_load %arg18[%get3A_1752, %get3A_1753] {strides = array<i32>} : memref<128x128xf32, #tpu.memory_space<vmem>>, vector<1x16xf32>,
        %get3A_1755 = vector.shape_cast %get3A_1754 : vector<1x16xf32> to vector<16xf32>
        %mul3A_1756 = arith.mulf %broadcast_in_dim3A_1653, %get3A_1755 : vector<16xf32>
        %add3A_1757 = arith.addf %add3A_1751, %mul3A_1756 : vector<16xf32>
        %get3A_1758 = arith.index_cast %add3A_1660 : i32 to index
        %get3A_1759 = arith.constant 48 : index
        %get3A_1760 = tpu.vector_load %arg19[%get3A_1758, %get3A_1759] {strides = array<i32>} : memref<128x128xf32, #tpu.memory_space<vmem>>, vector<1x16xf32>,
        %get3A_1761 = vector.shape_cast %get3A_1760 : vector<1x16xf32> to vector<16xf32>
        %mul3A_1762 = arith.mulf %broadcast_in_dim3A_1656, %get3A_1761 : vector<16xf32>
        %add3A_1763 = arith.addf %add3A_1757, %mul3A_1762 : vector<16xf32>
        %swap3A_1764 = arith.index_cast %add3A_1660 : i32 to index
        %swap3A_1765 = arith.constant 48 : index
        %swap3A_1766 = tpu.vector_load %arg21[%swap3A_1764, %swap3A_1765] {strides = array<i32>} : memref<128x128xf32, #tpu.memory_space<vmem>>, vector<1x16xf32>,
        %swap3A_1767 = vector.shape_cast %swap3A_1766 : vector<1x16xf32> to vector<16xf32>
        %swap3A_1768 = vector.shape_cast %add3A_1763 : vector<16xf32> to vector<1x16xf32>
        tpu.vector_store %arg21[%swap3A_1764, %swap3A_1765], %swap3A_1768 {strides = array<i32>} : memref<128x128xf32, #tpu.memory_space<vmem>>, vector<1x16xf32>,
        %get3A_1769 = arith.index_cast %add3A_1660 : i32 to index
        %get3A_1770 = arith.constant 64 : index
        %get3A_1771 = tpu.vector_load %arg20[%get3A_1769, %get3A_1770] {strides = array<i32>} : memref<128x128xf32, #tpu.memory_space<vmem>>, vector<1x16xf32>,
        %get3A_1772 = vector.shape_cast %get3A_1771 : vector<1x16xf32> to vector<16xf32>
        %get3A_1773 = arith.index_cast %add3A_1660 : i32 to index
        %get3A_1774 = arith.constant 64 : index
        %get3A_1775 = tpu.vector_load %arg17[%get3A_1773, %get3A_1774] {strides = array<i32>} : memref<128x128xf32, #tpu.memory_space<vmem>>, vector<1x16xf32>,
        %get3A_1776 = vector.shape_cast %get3A_1775 : vector<1x16xf32> to vector<16xf32>
        %mul3A_1777 = arith.mulf %broadcast_in_dim3A_1650, %get3A_1776 : vector<16xf32>
        %add3A_1778 = arith.addf %get3A_1772, %mul3A_1777 : vector<16xf32>
        %get3A_1779 = arith.index_cast %add3A_1660 : i32 to index
        %get3A_1780 = arith.constant 64 : index
        %get3A_1781 = tpu.vector_load %arg18[%get3A_1779, %get3A_1780] {strides = array<i32>} : memref<128x128xf32, #tpu.memory_space<vmem>>, vector<1x16xf32>,
        %get3A_1782 = vector.shape_cast %get3A_1781 : vector<1x16xf32> to vector<16xf32>
        %mul3A_1783 = arith.mulf %broadcast_in_dim3A_1653, %get3A_1782 : vector<16xf32>
        %add3A_1784 = arith.addf %add3A_1778, %mul3A_1783 : vector<16xf32>
        %get3A_1785 = arith.index_cast %add3A_1660 : i32 to index
        %get3A_1786 = arith.constant 64 : index
        %get3A_1787 = tpu.vector_load %arg19[%get3A_1785, %get3A_1786] {strides = array<i32>} : memref<128x128xf32, #tpu.memory_space<vmem>>, vector<1x16xf32>,
        %get3A_1788 = vector.shape_cast %get3A_1787 : vector<1x16xf32> to vector<16xf32>
        %mul3A_1789 = arith.mulf %broadcast_in_dim3A_1656, %get3A_1788 : vector<16xf32>
        %add3A_1790 = arith.addf %add3A_1784, %mul3A_1789 : vector<16xf32>
        %swap3A_1791 = arith.index_cast %add3A_1660 : i32 to index
        %swap3A_1792 = arith.constant 64 : index
        %swap3A_1793 = tpu.vector_load %arg21[%swap3A_1791, %swap3A_1792] {strides = array<i32>} : memref<128x128xf32, #tpu.memory_space<vmem>>, vector<1x16xf32>,
        %swap3A_1794 = vector.shape_cast %swap3A_1793 : vector<1x16xf32> to vector<16xf32>
        %swap3A_1795 = vector.shape_cast %add3A_1790 : vector<16xf32> to vector<1x16xf32>
        tpu.vector_store %arg21[%swap3A_1791, %swap3A_1792], %swap3A_1795 {strides = array<i32>} : memref<128x128xf32, #tpu.memory_space<vmem>>, vector<1x16xf32>,
        %get3A_1796 = arith.index_cast %add3A_1660 : i32 to index
        %get3A_1797 = arith.constant 80 : index
        %get3A_1798 = tpu.vector_load %arg20[%get3A_1796, %get3A_1797] {strides = array<i32>} : memref<128x128xf32, #tpu.memory_space<vmem>>, vector<1x16xf32>,
        %get3A_1799 = vector.shape_cast %get3A_1798 : vector<1x16xf32> to vector<16xf32>
        %get3A_1800 = arith.index_cast %add3A_1660 : i32 to index
        %get3A_1801 = arith.constant 80 : index
        %get3A_1802 = tpu.vector_load %arg17[%get3A_1800, %get3A_1801] {strides = array<i32>} : memref<128x128xf32, #tpu.memory_space<vmem>>, vector<1x16xf32>,
        %get3A_1803 = vector.shape_cast %get3A_1802 : vector<1x16xf32> to vector<16xf32>
        %mul3A_1804 = arith.mulf %broadcast_in_dim3A_1650, %get3A_1803 : vector<16xf32>
        %add3A_1805 = arith.addf %get3A_1799, %mul3A_1804 : vector<16xf32>
        %get3A_1806 = arith.index_cast %add3A_1660 : i32 to index
        %get3A_1807 = arith.constant 80 : index
        %get3A_1808 = tpu.vector_load %arg18[%get3A_1806, %get3A_1807] {strides = array<i32>} : memref<128x128xf32, #tpu.memory_space<vmem>>, vector<1x16xf32>,
        %get3A_1809 = vector.shape_cast %get3A_1808 : vector<1x16xf32> to vector<16xf32>
        %mul3A_1810 = arith.mulf %broadcast_in_dim3A_1653, %get3A_1809 : vector<16xf32>
        %add3A_1811 = arith.addf %add3A_1805, %mul3A_1810 : vector<16xf32>
        %get3A_1812 = arith.index_cast %add3A_1660 : i32 to index
        %get3A_1813 = arith.constant 80 : index
        %get3A_1814 = tpu.vector_load %arg19[%get3A_1812, %get3A_1813] {strides = array<i32>} : memref<128x128xf32, #tpu.memory_space<vmem>>, vector<1x16xf32>,
        %get3A_1815 = vector.shape_cast %get3A_1814 : vector<1x16xf32> to vector<16xf32>
        %mul3A_1816 = arith.mulf %broadcast_in_dim3A_1656, %get3A_1815 : vector<16xf32>
        %add3A_1817 = arith.addf %add3A_1811, %mul3A_1816 : vector<16xf32>
        %swap3A_1818 = arith.index_cast %add3A_1660 : i32 to index
        %swap3A_1819 = arith.constant 80 : index
        %swap3A_1820 = tpu.vector_load %arg21[%swap3A_1818, %swap3A_1819] {strides = array<i32>} : memref<128x128xf32, #tpu.memory_space<vmem>>, vector<1x16xf32>,
        %swap3A_1821 = vector.shape_cast %swap3A_1820 : vector<1x16xf32> to vector<16xf32>
        %swap3A_1822 = vector.shape_cast %add3A_1817 : vector<16xf32> to vector<1x16xf32>
        tpu.vector_store %arg21[%swap3A_1818, %swap3A_1819], %swap3A_1822 {strides = array<i32>} : memref<128x128xf32, #tpu.memory_space<vmem>>, vector<1x16xf32>,
        %get3A_1823 = arith.index_cast %add3A_1660 : i32 to index
        %get3A_1824 = arith.constant 96 : index
        %get3A_1825 = tpu.vector_load %arg20[%get3A_1823, %get3A_1824] {strides = array<i32>} : memref<128x128xf32, #tpu.memory_space<vmem>>, vector<1x16xf32>,
        %get3A_1826 = vector.shape_cast %get3A_1825 : vector<1x16xf32> to vector<16xf32>
        %get3A_1827 = arith.index_cast %add3A_1660 : i32 to index
        %get3A_1828 = arith.constant 96 : index
        %get3A_1829 = tpu.vector_load %arg17[%get3A_1827, %get3A_1828] {strides = array<i32>} : memref<128x128xf32, #tpu.memory_space<vmem>>, vector<1x16xf32>,
        %get3A_1830 = vector.shape_cast %get3A_1829 : vector<1x16xf32> to vector<16xf32>
        %mul3A_1831 = arith.mulf %broadcast_in_dim3A_1650, %get3A_1830 : vector<16xf32>
        %add3A_1832 = arith.addf %get3A_1826, %mul3A_1831 : vector<16xf32>
        %get3A_1833 = arith.index_cast %add3A_1660 : i32 to index
        %get3A_1834 = arith.constant 96 : index
        %get3A_1835 = tpu.vector_load %arg18[%get3A_1833, %get3A_1834] {strides = array<i32>} : memref<128x128xf32, #tpu.memory_space<vmem>>, vector<1x16xf32>,
        %get3A_1836 = vector.shape_cast %get3A_1835 : vector<1x16xf32> to vector<16xf32>
        %mul3A_1837 = arith.mulf %broadcast_in_dim3A_1653, %get3A_1836 : vector<16xf32>
        %add3A_1838 = arith.addf %add3A_1832, %mul3A_1837 : vector<16xf32>
        %get3A_1839 = arith.index_cast %add3A_1660 : i32 to index
        %get3A_1840 = arith.constant 96 : index
        %get3A_1841 = tpu.vector_load %arg19[%get3A_1839, %get3A_1840] {strides = array<i32>} : memref<128x128xf32, #tpu.memory_space<vmem>>, vector<1x16xf32>,
        %get3A_1842 = vector.shape_cast %get3A_1841 : vector<1x16xf32> to vector<16xf32>
        %mul3A_1843 = arith.mulf %broadcast_in_dim3A_1656, %get3A_1842 : vector<16xf32>
        %add3A_1844 = arith.addf %add3A_1838, %mul3A_1843 : vector<16xf32>
        %swap3A_1845 = arith.index_cast %add3A_1660 : i32 to index
        %swap3A_1846 = arith.constant 96 : index
        %swap3A_1847 = tpu.vector_load %arg21[%swap3A_1845, %swap3A_1846] {strides = array<i32>} : memref<128x128xf32, #tpu.memory_space<vmem>>, vector<1x16xf32>,
        %swap3A_1848 = vector.shape_cast %swap3A_1847 : vector<1x16xf32> to vector<16xf32>
        %swap3A_1849 = vector.shape_cast %add3A_1844 : vector<16xf32> to vector<1x16xf32>
        tpu.vector_store %arg21[%swap3A_1845, %swap3A_1846], %swap3A_1849 {strides = array<i32>} : memref<128x128xf32, #tpu.memory_space<vmem>>, vector<1x16xf32>,
        %get3A_1850 = arith.index_cast %add3A_1660 : i32 to index
        %get3A_1851 = arith.constant 112 : index
        %get3A_1852 = tpu.vector_load %arg20[%get3A_1850, %get3A_1851] {strides = array<i32>} : memref<128x128xf32, #tpu.memory_space<vmem>>, vector<1x16xf32>,
        %get3A_1853 = vector.shape_cast %get3A_1852 : vector<1x16xf32> to vector<16xf32>
        %get3A_1854 = arith.index_cast %add3A_1660 : i32 to index
        %get3A_1855 = arith.constant 112 : index
        %get3A_1856 = tpu.vector_load %arg17[%get3A_1854, %get3A_1855] {strides = array<i32>} : memref<128x128xf32, #tpu.memory_space<vmem>>, vector<1x16xf32>,
        %get3A_1857 = vector.shape_cast %get3A_1856 : vector<1x16xf32> to vector<16xf32>
        %mul3A_1858 = arith.mulf %broadcast_in_dim3A_1650, %get3A_1857 : vector<16xf32>
        %add3A_1859 = arith.addf %get3A_1853, %mul3A_1858 : vector<16xf32>
        %get3A_1860 = arith.index_cast %add3A_1660 : i32 to index
        %get3A_1861 = arith.constant 112 : index
        %get3A_1862 = tpu.vector_load %arg18[%get3A_1860, %get3A_1861] {strides = array<i32>} : memref<128x128xf32, #tpu.memory_space<vmem>>, vector<1x16xf32>,
        %get3A_1863 = vector.shape_cast %get3A_1862 : vector<1x16xf32> to vector<16xf32>
        %mul3A_1864 = arith.mulf %broadcast_in_dim3A_1653, %get3A_1863 : vector<16xf32>
        %add3A_1865 = arith.addf %add3A_1859, %mul3A_1864 : vector<16xf32>
        %get3A_1866 = arith.index_cast %add3A_1660 : i32 to index
        %get3A_1867 = arith.constant 112 : index
        %get3A_1868 = tpu.vector_load %arg19[%get3A_1866, %get3A_1867] {strides = array<i32>} : memref<128x128xf32, #tpu.memory_space<vmem>>, vector<1x16xf32>,
        %get3A_1869 = vector.shape_cast %get3A_1868 : vector<1x16xf32> to vector<16xf32>
        %mul3A_1870 = arith.mulf %broadcast_in_dim3A_1656, %get3A_1869 : vector<16xf32>
        %add3A_1871 = arith.addf %add3A_1865, %mul3A_1870 : vector<16xf32>
        %swap3A_1872 = arith.index_cast %add3A_1660 : i32 to index
        %swap3A_1873 = arith.constant 112 : index
        %swap3A_1874 = tpu.vector_load %arg21[%swap3A_1872, %swap3A_1873] {strides = array<i32>} : memref<128x128xf32, #tpu.memory_space<vmem>>, vector<1x16xf32>,
        %swap3A_1875 = vector.shape_cast %swap3A_1874 : vector<1x16xf32> to vector<16xf32>
        %swap3A_1876 = vector.shape_cast %add3A_1871 : vector<16xf32> to vector<1x16xf32>
        tpu.vector_store %arg21[%swap3A_1872, %swap3A_1873], %swap3A_1876 {strides = array<i32>} : memref<128x128xf32, #tpu.memory_space<vmem>>, vector<1x16xf32>,
        %slice3A_1877 = vector.extract_strided_slice %get3A_38 {offsets = [8], sizes = [1], strides = [1]} : vector<16xf32> to vector<1xf32>
        %squeeze3A_1878 = vector.extract %slice3A_1877[0] : f32 from vector<1xf32>
        %broadcast_in_dim3A_1879 = vector.broadcast %squeeze3A_1878 : f32 to vector<16xf32>
        %slice3A_1880 = vector.extract_strided_slice %get3A_43 {offsets = [8], sizes = [1], strides = [1]} : vector<16xf32> to vector<1xf32>
        %squeeze3A_1881 = vector.extract %slice3A_1880[0] : f32 from vector<1xf32>
        %broadcast_in_dim3A_1882 = vector.broadcast %squeeze3A_1881 : f32 to vector<16xf32>
        %slice3A_1883 = vector.extract_strided_slice %get3A_48 {offsets = [8], sizes = [1], strides = [1]} : vector<16xf32> to vector<1xf32>
        %squeeze3A_1884 = vector.extract %slice3A_1883[0] : f32 from vector<1xf32>
        %broadcast_in_dim3A_1885 = vector.broadcast %squeeze3A_1884 : f32 to vector<16xf32>
        %mul3A_1886 = arith.constant 16 : i32
        %mul3A_1887 = arith.muli %scan3A_34, %mul3A_1886 : i32
        %add3A_1888 = arith.constant 8 : i32
        %add3A_1889 = arith.addi %mul3A_1887, %add3A_1888 : i32
        %get3A_1890 = arith.index_cast %add3A_1889 : i32 to index
        %get3A_1891 = arith.constant 0 : index
        %get3A_1892 = tpu.vector_load %arg20[%get3A_1890, %get3A_1891] {strides = array<i32>} : memref<128x128xf32, #tpu.memory_space<vmem>>, vector<1x16xf32>,
        %get3A_1893 = vector.shape_cast %get3A_1892 : vector<1x16xf32> to vector<16xf32>
        %get3A_1894 = arith.index_cast %add3A_1889 : i32 to index
        %get3A_1895 = arith.constant 0 : index
        %get3A_1896 = tpu.vector_load %arg17[%get3A_1894, %get3A_1895] {strides = array<i32>} : memref<128x128xf32, #tpu.memory_space<vmem>>, vector<1x16xf32>,
        %get3A_1897 = vector.shape_cast %get3A_1896 : vector<1x16xf32> to vector<16xf32>
        %mul3A_1898 = arith.mulf %broadcast_in_dim3A_1879, %get3A_1897 : vector<16xf32>
        %add3A_1899 = arith.addf %get3A_1893, %mul3A_1898 : vector<16xf32>
        %get3A_1900 = arith.index_cast %add3A_1889 : i32 to index
        %get3A_1901 = arith.constant 0 : index
        %get3A_1902 = tpu.vector_load %arg18[%get3A_1900, %get3A_1901] {strides = array<i32>} : memref<128x128xf32, #tpu.memory_space<vmem>>, vector<1x16xf32>,
        %get3A_1903 = vector.shape_cast %get3A_1902 : vector<1x16xf32> to vector<16xf32>
        %mul3A_1904 = arith.mulf %broadcast_in_dim3A_1882, %get3A_1903 : vector<16xf32>
        %add3A_1905 = arith.addf %add3A_1899, %mul3A_1904 : vector<16xf32>
        %get3A_1906 = arith.index_cast %add3A_1889 : i32 to index
        %get3A_1907 = arith.constant 0 : index
        %get3A_1908 = tpu.vector_load %arg19[%get3A_1906, %get3A_1907] {strides = array<i32>} : memref<128x128xf32, #tpu.memory_space<vmem>>, vector<1x16xf32>,
        %get3A_1909 = vector.shape_cast %get3A_1908 : vector<1x16xf32> to vector<16xf32>
        %mul3A_1910 = arith.mulf %broadcast_in_dim3A_1885, %get3A_1909 : vector<16xf32>
        %add3A_1911 = arith.addf %add3A_1905, %mul3A_1910 : vector<16xf32>
        %swap3A_1912 = arith.index_cast %add3A_1889 : i32 to index
        %swap3A_1913 = arith.constant 0 : index
        %swap3A_1914 = tpu.vector_load %arg21[%swap3A_1912, %swap3A_1913] {strides = array<i32>} : memref<128x128xf32, #tpu.memory_space<vmem>>, vector<1x16xf32>,
        %swap3A_1915 = vector.shape_cast %swap3A_1914 : vector<1x16xf32> to vector<16xf32>
        %swap3A_1916 = vector.shape_cast %add3A_1911 : vector<16xf32> to vector<1x16xf32>
        tpu.vector_store %arg21[%swap3A_1912, %swap3A_1913], %swap3A_1916 {strides = array<i32>} : memref<128x128xf32, #tpu.memory_space<vmem>>, vector<1x16xf32>,
        %get3A_1917 = arith.index_cast %add3A_1889 : i32 to index
        %get3A_1918 = arith.constant 16 : index
        %get3A_1919 = tpu.vector_load %arg20[%get3A_1917, %get3A_1918] {strides = array<i32>} : memref<128x128xf32, #tpu.memory_space<vmem>>, vector<1x16xf32>,
        %get3A_1920 = vector.shape_cast %get3A_1919 : vector<1x16xf32> to vector<16xf32>
        %get3A_1921 = arith.index_cast %add3A_1889 : i32 to index
        %get3A_1922 = arith.constant 16 : index
        %get3A_1923 = tpu.vector_load %arg17[%get3A_1921, %get3A_1922] {strides = array<i32>} : memref<128x128xf32, #tpu.memory_space<vmem>>, vector<1x16xf32>,
        %get3A_1924 = vector.shape_cast %get3A_1923 : vector<1x16xf32> to vector<16xf32>
        %mul3A_1925 = arith.mulf %broadcast_in_dim3A_1879, %get3A_1924 : vector<16xf32>
        %add3A_1926 = arith.addf %get3A_1920, %mul3A_1925 : vector<16xf32>
        %get3A_1927 = arith.index_cast %add3A_1889 : i32 to index
        %get3A_1928 = arith.constant 16 : index
        %get3A_1929 = tpu.vector_load %arg18[%get3A_1927, %get3A_1928] {strides = array<i32>} : memref<128x128xf32, #tpu.memory_space<vmem>>, vector<1x16xf32>,
        %get3A_1930 = vector.shape_cast %get3A_1929 : vector<1x16xf32> to vector<16xf32>
        %mul3A_1931 = arith.mulf %broadcast_in_dim3A_1882, %get3A_1930 : vector<16xf32>
        %add3A_1932 = arith.addf %add3A_1926, %mul3A_1931 : vector<16xf32>
        %get3A_1933 = arith.index_cast %add3A_1889 : i32 to index
        %get3A_1934 = arith.constant 16 : index
        %get3A_1935 = tpu.vector_load %arg19[%get3A_1933, %get3A_1934] {strides = array<i32>} : memref<128x128xf32, #tpu.memory_space<vmem>>, vector<1x16xf32>,
        %get3A_1936 = vector.shape_cast %get3A_1935 : vector<1x16xf32> to vector<16xf32>
        %mul3A_1937 = arith.mulf %broadcast_in_dim3A_1885, %get3A_1936 : vector<16xf32>
        %add3A_1938 = arith.addf %add3A_1932, %mul3A_1937 : vector<16xf32>
        %swap3A_1939 = arith.index_cast %add3A_1889 : i32 to index
        %swap3A_1940 = arith.constant 16 : index
        %swap3A_1941 = tpu.vector_load %arg21[%swap3A_1939, %swap3A_1940] {strides = array<i32>} : memref<128x128xf32, #tpu.memory_space<vmem>>, vector<1x16xf32>,
        %swap3A_1942 = vector.shape_cast %swap3A_1941 : vector<1x16xf32> to vector<16xf32>
        %swap3A_1943 = vector.shape_cast %add3A_1938 : vector<16xf32> to vector<1x16xf32>
        tpu.vector_store %arg21[%swap3A_1939, %swap3A_1940], %swap3A_1943 {strides = array<i32>} : memref<128x128xf32, #tpu.memory_space<vmem>>, vector<1x16xf32>,
        %get3A_1944 = arith.index_cast %add3A_1889 : i32 to index
        %get3A_1945 = arith.constant 32 : index
        %get3A_1946 = tpu.vector_load %arg20[%get3A_1944, %get3A_1945] {strides = array<i32>} : memref<128x128xf32, #tpu.memory_space<vmem>>, vector<1x16xf32>,
        %get3A_1947 = vector.shape_cast %get3A_1946 : vector<1x16xf32> to vector<16xf32>
        %get3A_1948 = arith.index_cast %add3A_1889 : i32 to index
        %get3A_1949 = arith.constant 32 : index
        %get3A_1950 = tpu.vector_load %arg17[%get3A_1948, %get3A_1949] {strides = array<i32>} : memref<128x128xf32, #tpu.memory_space<vmem>>, vector<1x16xf32>,
        %get3A_1951 = vector.shape_cast %get3A_1950 : vector<1x16xf32> to vector<16xf32>
        %mul3A_1952 = arith.mulf %broadcast_in_dim3A_1879, %get3A_1951 : vector<16xf32>
        %add3A_1953 = arith.addf %get3A_1947, %mul3A_1952 : vector<16xf32>
        %get3A_1954 = arith.index_cast %add3A_1889 : i32 to index
        %get3A_1955 = arith.constant 32 : index
        %get3A_1956 = tpu.vector_load %arg18[%get3A_1954, %get3A_1955] {strides = array<i32>} : memref<128x128xf32, #tpu.memory_space<vmem>>, vector<1x16xf32>,
        %get3A_1957 = vector.shape_cast %get3A_1956 : vector<1x16xf32> to vector<16xf32>
        %mul3A_1958 = arith.mulf %broadcast_in_dim3A_1882, %get3A_1957 : vector<16xf32>
        %add3A_1959 = arith.addf %add3A_1953, %mul3A_1958 : vector<16xf32>
        %get3A_1960 = arith.index_cast %add3A_1889 : i32 to index
        %get3A_1961 = arith.constant 32 : index
        %get3A_1962 = tpu.vector_load %arg19[%get3A_1960, %get3A_1961] {strides = array<i32>} : memref<128x128xf32, #tpu.memory_space<vmem>>, vector<1x16xf32>,
        %get3A_1963 = vector.shape_cast %get3A_1962 : vector<1x16xf32> to vector<16xf32>
        %mul3A_1964 = arith.mulf %broadcast_in_dim3A_1885, %get3A_1963 : vector<16xf32>
        %add3A_1965 = arith.addf %add3A_1959, %mul3A_1964 : vector<16xf32>
        %swap3A_1966 = arith.index_cast %add3A_1889 : i32 to index
        %swap3A_1967 = arith.constant 32 : index
        %swap3A_1968 = tpu.vector_load %arg21[%swap3A_1966, %swap3A_1967] {strides = array<i32>} : memref<128x128xf32, #tpu.memory_space<vmem>>, vector<1x16xf32>,
        %swap3A_1969 = vector.shape_cast %swap3A_1968 : vector<1x16xf32> to vector<16xf32>
        %swap3A_1970 = vector.shape_cast %add3A_1965 : vector<16xf32> to vector<1x16xf32>
        tpu.vector_store %arg21[%swap3A_1966, %swap3A_1967], %swap3A_1970 {strides = array<i32>} : memref<128x128xf32, #tpu.memory_space<vmem>>, vector<1x16xf32>,
        %get3A_1971 = arith.index_cast %add3A_1889 : i32 to index
        %get3A_1972 = arith.constant 48 : index
        %get3A_1973 = tpu.vector_load %arg20[%get3A_1971, %get3A_1972] {strides = array<i32>} : memref<128x128xf32, #tpu.memory_space<vmem>>, vector<1x16xf32>,
        %get3A_1974 = vector.shape_cast %get3A_1973 : vector<1x16xf32> to vector<16xf32>
        %get3A_1975 = arith.index_cast %add3A_1889 : i32 to index
        %get3A_1976 = arith.constant 48 : index
        %get3A_1977 = tpu.vector_load %arg17[%get3A_1975, %get3A_1976] {strides = array<i32>} : memref<128x128xf32, #tpu.memory_space<vmem>>, vector<1x16xf32>,
        %get3A_1978 = vector.shape_cast %get3A_1977 : vector<1x16xf32> to vector<16xf32>
        %mul3A_1979 = arith.mulf %broadcast_in_dim3A_1879, %get3A_1978 : vector<16xf32>
        %add3A_1980 = arith.addf %get3A_1974, %mul3A_1979 : vector<16xf32>
        %get3A_1981 = arith.index_cast %add3A_1889 : i32 to index
        %get3A_1982 = arith.constant 48 : index
        %get3A_1983 = tpu.vector_load %arg18[%get3A_1981, %get3A_1982] {strides = array<i32>} : memref<128x128xf32, #tpu.memory_space<vmem>>, vector<1x16xf32>,
        %get3A_1984 = vector.shape_cast %get3A_1983 : vector<1x16xf32> to vector<16xf32>
        %mul3A_1985 = arith.mulf %broadcast_in_dim3A_1882, %get3A_1984 : vector<16xf32>
        %add3A_1986 = arith.addf %add3A_1980, %mul3A_1985 : vector<16xf32>
        %get3A_1987 = arith.index_cast %add3A_1889 : i32 to index
        %get3A_1988 = arith.constant 48 : index
        %get3A_1989 = tpu.vector_load %arg19[%get3A_1987, %get3A_1988] {strides = array<i32>} : memref<128x128xf32, #tpu.memory_space<vmem>>, vector<1x16xf32>,
        %get3A_1990 = vector.shape_cast %get3A_1989 : vector<1x16xf32> to vector<16xf32>
        %mul3A_1991 = arith.mulf %broadcast_in_dim3A_1885, %get3A_1990 : vector<16xf32>
        %add3A_1992 = arith.addf %add3A_1986, %mul3A_1991 : vector<16xf32>
        %swap3A_1993 = arith.index_cast %add3A_1889 : i32 to index
        %swap3A_1994 = arith.constant 48 : index
        %swap3A_1995 = tpu.vector_load %arg21[%swap3A_1993, %swap3A_1994] {strides = array<i32>} : memref<128x128xf32, #tpu.memory_space<vmem>>, vector<1x16xf32>,
        %swap3A_1996 = vector.shape_cast %swap3A_1995 : vector<1x16xf32> to vector<16xf32>
        %swap3A_1997 = vector.shape_cast %add3A_1992 : vector<16xf32> to vector<1x16xf32>
        tpu.vector_store %arg21[%swap3A_1993, %swap3A_1994], %swap3A_1997 {strides = array<i32>} : memref<128x128xf32, #tpu.memory_space<vmem>>, vector<1x16xf32>,
        %get3A_1998 = arith.index_cast %add3A_1889 : i32 to index
        %get3A_1999 = arith.constant 64 : index
        %get3A_2000 = tpu.vector_load %arg20[%get3A_1998, %get3A_1999] {strides = array<i32>} : memref<128x128xf32, #tpu.memory_space<vmem>>, vector<1x16xf32>,
        %get3A_2001 = vector.shape_cast %get3A_2000 : vector<1x16xf32> to vector<16xf32>
        %get3A_2002 = arith.index_cast %add3A_1889 : i32 to index
        %get3A_2003 = arith.constant 64 : index
        %get3A_2004 = tpu.vector_load %arg17[%get3A_2002, %get3A_2003] {strides = array<i32>} : memref<128x128xf32, #tpu.memory_space<vmem>>, vector<1x16xf32>,
        %get3A_2005 = vector.shape_cast %get3A_2004 : vector<1x16xf32> to vector<16xf32>
        %mul3A_2006 = arith.mulf %broadcast_in_dim3A_1879, %get3A_2005 : vector<16xf32>
        %add3A_2007 = arith.addf %get3A_2001, %mul3A_2006 : vector<16xf32>
        %get3A_2008 = arith.index_cast %add3A_1889 : i32 to index
        %get3A_2009 = arith.constant 64 : index
        %get3A_2010 = tpu.vector_load %arg18[%get3A_2008, %get3A_2009] {strides = array<i32>} : memref<128x128xf32, #tpu.memory_space<vmem>>, vector<1x16xf32>,
        %get3A_2011 = vector.shape_cast %get3A_2010 : vector<1x16xf32> to vector<16xf32>
        %mul3A_2012 = arith.mulf %broadcast_in_dim3A_1882, %get3A_2011 : vector<16xf32>
        %add3A_2013 = arith.addf %add3A_2007, %mul3A_2012 : vector<16xf32>
        %get3A_2014 = arith.index_cast %add3A_1889 : i32 to index
        %get3A_2015 = arith.constant 64 : index
        %get3A_2016 = tpu.vector_load %arg19[%get3A_2014, %get3A_2015] {strides = array<i32>} : memref<128x128xf32, #tpu.memory_space<vmem>>, vector<1x16xf32>,
        %get3A_2017 = vector.shape_cast %get3A_2016 : vector<1x16xf32> to vector<16xf32>
        %mul3A_2018 = arith.mulf %broadcast_in_dim3A_1885, %get3A_2017 : vector<16xf32>
        %add3A_2019 = arith.addf %add3A_2013, %mul3A_2018 : vector<16xf32>
        %swap3A_2020 = arith.index_cast %add3A_1889 : i32 to index
        %swap3A_2021 = arith.constant 64 : index
        %swap3A_2022 = tpu.vector_load %arg21[%swap3A_2020, %swap3A_2021] {strides = array<i32>} : memref<128x128xf32, #tpu.memory_space<vmem>>, vector<1x16xf32>,
        %swap3A_2023 = vector.shape_cast %swap3A_2022 : vector<1x16xf32> to vector<16xf32>
        %swap3A_2024 = vector.shape_cast %add3A_2019 : vector<16xf32> to vector<1x16xf32>
        tpu.vector_store %arg21[%swap3A_2020, %swap3A_2021], %swap3A_2024 {strides = array<i32>} : memref<128x128xf32, #tpu.memory_space<vmem>>, vector<1x16xf32>,
        %get3A_2025 = arith.index_cast %add3A_1889 : i32 to index
        %get3A_2026 = arith.constant 80 : index
        %get3A_2027 = tpu.vector_load %arg20[%get3A_2025, %get3A_2026] {strides = array<i32>} : memref<128x128xf32, #tpu.memory_space<vmem>>, vector<1x16xf32>,
        %get3A_2028 = vector.shape_cast %get3A_2027 : vector<1x16xf32> to vector<16xf32>
        %get3A_2029 = arith.index_cast %add3A_1889 : i32 to index
        %get3A_2030 = arith.constant 80 : index
        %get3A_2031 = tpu.vector_load %arg17[%get3A_2029, %get3A_2030] {strides = array<i32>} : memref<128x128xf32, #tpu.memory_space<vmem>>, vector<1x16xf32>,
        %get3A_2032 = vector.shape_cast %get3A_2031 : vector<1x16xf32> to vector<16xf32>
        %mul3A_2033 = arith.mulf %broadcast_in_dim3A_1879, %get3A_2032 : vector<16xf32>
        %add3A_2034 = arith.addf %get3A_2028, %mul3A_2033 : vector<16xf32>
        %get3A_2035 = arith.index_cast %add3A_1889 : i32 to index
        %get3A_2036 = arith.constant 80 : index
        %get3A_2037 = tpu.vector_load %arg18[%get3A_2035, %get3A_2036] {strides = array<i32>} : memref<128x128xf32, #tpu.memory_space<vmem>>, vector<1x16xf32>,
        %get3A_2038 = vector.shape_cast %get3A_2037 : vector<1x16xf32> to vector<16xf32>
        %mul3A_2039 = arith.mulf %broadcast_in_dim3A_1882, %get3A_2038 : vector<16xf32>
        %add3A_2040 = arith.addf %add3A_2034, %mul3A_2039 : vector<16xf32>
        %get3A_2041 = arith.index_cast %add3A_1889 : i32 to index
        %get3A_2042 = arith.constant 80 : index
        %get3A_2043 = tpu.vector_load %arg19[%get3A_2041, %get3A_2042] {strides = array<i32>} : memref<128x128xf32, #tpu.memory_space<vmem>>, vector<1x16xf32>,
        %get3A_2044 = vector.shape_cast %get3A_2043 : vector<1x16xf32> to vector<16xf32>
        %mul3A_2045 = arith.mulf %broadcast_in_dim3A_1885, %get3A_2044 : vector<16xf32>
        %add3A_2046 = arith.addf %add3A_2040, %mul3A_2045 : vector<16xf32>
        %swap3A_2047 = arith.index_cast %add3A_1889 : i32 to index
        %swap3A_2048 = arith.constant 80 : index
        %swap3A_2049 = tpu.vector_load %arg21[%swap3A_2047, %swap3A_2048] {strides = array<i32>} : memref<128x128xf32, #tpu.memory_space<vmem>>, vector<1x16xf32>,
        %swap3A_2050 = vector.shape_cast %swap3A_2049 : vector<1x16xf32> to vector<16xf32>
        %swap3A_2051 = vector.shape_cast %add3A_2046 : vector<16xf32> to vector<1x16xf32>
        tpu.vector_store %arg21[%swap3A_2047, %swap3A_2048], %swap3A_2051 {strides = array<i32>} : memref<128x128xf32, #tpu.memory_space<vmem>>, vector<1x16xf32>,
        %get3A_2052 = arith.index_cast %add3A_1889 : i32 to index
        %get3A_2053 = arith.constant 96 : index
        %get3A_2054 = tpu.vector_load %arg20[%get3A_2052, %get3A_2053] {strides = array<i32>} : memref<128x128xf32, #tpu.memory_space<vmem>>, vector<1x16xf32>,
        %get3A_2055 = vector.shape_cast %get3A_2054 : vector<1x16xf32> to vector<16xf32>
        %get3A_2056 = arith.index_cast %add3A_1889 : i32 to index
        %get3A_2057 = arith.constant 96 : index
        %get3A_2058 = tpu.vector_load %arg17[%get3A_2056, %get3A_2057] {strides = array<i32>} : memref<128x128xf32, #tpu.memory_space<vmem>>, vector<1x16xf32>,
        %get3A_2059 = vector.shape_cast %get3A_2058 : vector<1x16xf32> to vector<16xf32>
        %mul3A_2060 = arith.mulf %broadcast_in_dim3A_1879, %get3A_2059 : vector<16xf32>
        %add3A_2061 = arith.addf %get3A_2055, %mul3A_2060 : vector<16xf32>
        %get3A_2062 = arith.index_cast %add3A_1889 : i32 to index
        %get3A_2063 = arith.constant 96 : index
        %get3A_2064 = tpu.vector_load %arg18[%get3A_2062, %get3A_2063] {strides = array<i32>} : memref<128x128xf32, #tpu.memory_space<vmem>>, vector<1x16xf32>,
        %get3A_2065 = vector.shape_cast %get3A_2064 : vector<1x16xf32> to vector<16xf32>
        %mul3A_2066 = arith.mulf %broadcast_in_dim3A_1882, %get3A_2065 : vector<16xf32>
        %add3A_2067 = arith.addf %add3A_2061, %mul3A_2066 : vector<16xf32>
        %get3A_2068 = arith.index_cast %add3A_1889 : i32 to index
        %get3A_2069 = arith.constant 96 : index
        %get3A_2070 = tpu.vector_load %arg19[%get3A_2068, %get3A_2069] {strides = array<i32>} : memref<128x128xf32, #tpu.memory_space<vmem>>, vector<1x16xf32>,
        %get3A_2071 = vector.shape_cast %get3A_2070 : vector<1x16xf32> to vector<16xf32>
        %mul3A_2072 = arith.mulf %broadcast_in_dim3A_1885, %get3A_2071 : vector<16xf32>
        %add3A_2073 = arith.addf %add3A_2067, %mul3A_2072 : vector<16xf32>
        %swap3A_2074 = arith.index_cast %add3A_1889 : i32 to index
        %swap3A_2075 = arith.constant 96 : index
        %swap3A_2076 = tpu.vector_load %arg21[%swap3A_2074, %swap3A_2075] {strides = array<i32>} : memref<128x128xf32, #tpu.memory_space<vmem>>, vector<1x16xf32>,
        %swap3A_2077 = vector.shape_cast %swap3A_2076 : vector<1x16xf32> to vector<16xf32>
        %swap3A_2078 = vector.shape_cast %add3A_2073 : vector<16xf32> to vector<1x16xf32>
        tpu.vector_store %arg21[%swap3A_2074, %swap3A_2075], %swap3A_2078 {strides = array<i32>} : memref<128x128xf32, #tpu.memory_space<vmem>>, vector<1x16xf32>,
        %get3A_2079 = arith.index_cast %add3A_1889 : i32 to index
        %get3A_2080 = arith.constant 112 : index
        %get3A_2081 = tpu.vector_load %arg20[%get3A_2079, %get3A_2080] {strides = array<i32>} : memref<128x128xf32, #tpu.memory_space<vmem>>, vector<1x16xf32>,
        %get3A_2082 = vector.shape_cast %get3A_2081 : vector<1x16xf32> to vector<16xf32>
        %get3A_2083 = arith.index_cast %add3A_1889 : i32 to index
        %get3A_2084 = arith.constant 112 : index
        %get3A_2085 = tpu.vector_load %arg17[%get3A_2083, %get3A_2084] {strides = array<i32>} : memref<128x128xf32, #tpu.memory_space<vmem>>, vector<1x16xf32>,
        %get3A_2086 = vector.shape_cast %get3A_2085 : vector<1x16xf32> to vector<16xf32>
        %mul3A_2087 = arith.mulf %broadcast_in_dim3A_1879, %get3A_2086 : vector<16xf32>
        %add3A_2088 = arith.addf %get3A_2082, %mul3A_2087 : vector<16xf32>
        %get3A_2089 = arith.index_cast %add3A_1889 : i32 to index
        %get3A_2090 = arith.constant 112 : index
        %get3A_2091 = tpu.vector_load %arg18[%get3A_2089, %get3A_2090] {strides = array<i32>} : memref<128x128xf32, #tpu.memory_space<vmem>>, vector<1x16xf32>,
        %get3A_2092 = vector.shape_cast %get3A_2091 : vector<1x16xf32> to vector<16xf32>
        %mul3A_2093 = arith.mulf %broadcast_in_dim3A_1882, %get3A_2092 : vector<16xf32>
        %add3A_2094 = arith.addf %add3A_2088, %mul3A_2093 : vector<16xf32>
        %get3A_2095 = arith.index_cast %add3A_1889 : i32 to index
        %get3A_2096 = arith.constant 112 : index
        %get3A_2097 = tpu.vector_load %arg19[%get3A_2095, %get3A_2096] {strides = array<i32>} : memref<128x128xf32, #tpu.memory_space<vmem>>, vector<1x16xf32>,
        %get3A_2098 = vector.shape_cast %get3A_2097 : vector<1x16xf32> to vector<16xf32>
        %mul3A_2099 = arith.mulf %broadcast_in_dim3A_1885, %get3A_2098 : vector<16xf32>
        %add3A_2100 = arith.addf %add3A_2094, %mul3A_2099 : vector<16xf32>
        %swap3A_2101 = arith.index_cast %add3A_1889 : i32 to index
        %swap3A_2102 = arith.constant 112 : index
        %swap3A_2103 = tpu.vector_load %arg21[%swap3A_2101, %swap3A_2102] {strides = array<i32>} : memref<128x128xf32, #tpu.memory_space<vmem>>, vector<1x16xf32>,
        %swap3A_2104 = vector.shape_cast %swap3A_2103 : vector<1x16xf32> to vector<16xf32>
        %swap3A_2105 = vector.shape_cast %add3A_2100 : vector<16xf32> to vector<1x16xf32>
        tpu.vector_store %arg21[%swap3A_2101, %swap3A_2102], %swap3A_2105 {strides = array<i32>} : memref<128x128xf32, #tpu.memory_space<vmem>>, vector<1x16xf32>,
        %slice3A_2106 = vector.extract_strided_slice %get3A_38 {offsets = [9], sizes = [1], strides = [1]} : vector<16xf32> to vector<1xf32>
        %squeeze3A_2107 = vector.extract %slice3A_2106[0] : f32 from vector<1xf32>
        %broadcast_in_dim3A_2108 = vector.broadcast %squeeze3A_2107 : f32 to vector<16xf32>
        %slice3A_2109 = vector.extract_strided_slice %get3A_43 {offsets = [9], sizes = [1], strides = [1]} : vector<16xf32> to vector<1xf32>
        %squeeze3A_2110 = vector.extract %slice3A_2109[0] : f32 from vector<1xf32>
        %broadcast_in_dim3A_2111 = vector.broadcast %squeeze3A_2110 : f32 to vector<16xf32>
        %slice3A_2112 = vector.extract_strided_slice %get3A_48 {offsets = [9], sizes = [1], strides = [1]} : vector<16xf32> to vector<1xf32>
        %squeeze3A_2113 = vector.extract %slice3A_2112[0] : f32 from vector<1xf32>
        %broadcast_in_dim3A_2114 = vector.broadcast %squeeze3A_2113 : f32 to vector<16xf32>
        %mul3A_2115 = arith.constant 16 : i32
        %mul3A_2116 = arith.muli %scan3A_34, %mul3A_2115 : i32
        %add3A_2117 = arith.constant 9 : i32
        %add3A_2118 = arith.addi %mul3A_2116, %add3A_2117 : i32
        %get3A_2119 = arith.index_cast %add3A_2118 : i32 to index
        %get3A_2120 = arith.constant 0 : index
        %get3A_2121 = tpu.vector_load %arg20[%get3A_2119, %get3A_2120] {strides = array<i32>} : memref<128x128xf32, #tpu.memory_space<vmem>>, vector<1x16xf32>,
        %get3A_2122 = vector.shape_cast %get3A_2121 : vector<1x16xf32> to vector<16xf32>
        %get3A_2123 = arith.index_cast %add3A_2118 : i32 to index
        %get3A_2124 = arith.constant 0 : index
        %get3A_2125 = tpu.vector_load %arg17[%get3A_2123, %get3A_2124] {strides = array<i32>} : memref<128x128xf32, #tpu.memory_space<vmem>>, vector<1x16xf32>,
        %get3A_2126 = vector.shape_cast %get3A_2125 : vector<1x16xf32> to vector<16xf32>
        %mul3A_2127 = arith.mulf %broadcast_in_dim3A_2108, %get3A_2126 : vector<16xf32>
        %add3A_2128 = arith.addf %get3A_2122, %mul3A_2127 : vector<16xf32>
        %get3A_2129 = arith.index_cast %add3A_2118 : i32 to index
        %get3A_2130 = arith.constant 0 : index
        %get3A_2131 = tpu.vector_load %arg18[%get3A_2129, %get3A_2130] {strides = array<i32>} : memref<128x128xf32, #tpu.memory_space<vmem>>, vector<1x16xf32>,
        %get3A_2132 = vector.shape_cast %get3A_2131 : vector<1x16xf32> to vector<16xf32>
        %mul3A_2133 = arith.mulf %broadcast_in_dim3A_2111, %get3A_2132 : vector<16xf32>
        %add3A_2134 = arith.addf %add3A_2128, %mul3A_2133 : vector<16xf32>
        %get3A_2135 = arith.index_cast %add3A_2118 : i32 to index
        %get3A_2136 = arith.constant 0 : index
        %get3A_2137 = tpu.vector_load %arg19[%get3A_2135, %get3A_2136] {strides = array<i32>} : memref<128x128xf32, #tpu.memory_space<vmem>>, vector<1x16xf32>,
        %get3A_2138 = vector.shape_cast %get3A_2137 : vector<1x16xf32> to vector<16xf32>
        %mul3A_2139 = arith.mulf %broadcast_in_dim3A_2114, %get3A_2138 : vector<16xf32>
        %add3A_2140 = arith.addf %add3A_2134, %mul3A_2139 : vector<16xf32>
        %swap3A_2141 = arith.index_cast %add3A_2118 : i32 to index
        %swap3A_2142 = arith.constant 0 : index
        %swap3A_2143 = tpu.vector_load %arg21[%swap3A_2141, %swap3A_2142] {strides = array<i32>} : memref<128x128xf32, #tpu.memory_space<vmem>>, vector<1x16xf32>,
        %swap3A_2144 = vector.shape_cast %swap3A_2143 : vector<1x16xf32> to vector<16xf32>
        %swap3A_2145 = vector.shape_cast %add3A_2140 : vector<16xf32> to vector<1x16xf32>
        tpu.vector_store %arg21[%swap3A_2141, %swap3A_2142], %swap3A_2145 {strides = array<i32>} : memref<128x128xf32, #tpu.memory_space<vmem>>, vector<1x16xf32>,
        %get3A_2146 = arith.index_cast %add3A_2118 : i32 to index
        %get3A_2147 = arith.constant 16 : index
        %get3A_2148 = tpu.vector_load %arg20[%get3A_2146, %get3A_2147] {strides = array<i32>} : memref<128x128xf32, #tpu.memory_space<vmem>>, vector<1x16xf32>,
        %get3A_2149 = vector.shape_cast %get3A_2148 : vector<1x16xf32> to vector<16xf32>
        %get3A_2150 = arith.index_cast %add3A_2118 : i32 to index
        %get3A_2151 = arith.constant 16 : index
        %get3A_2152 = tpu.vector_load %arg17[%get3A_2150, %get3A_2151] {strides = array<i32>} : memref<128x128xf32, #tpu.memory_space<vmem>>, vector<1x16xf32>,
        %get3A_2153 = vector.shape_cast %get3A_2152 : vector<1x16xf32> to vector<16xf32>
        %mul3A_2154 = arith.mulf %broadcast_in_dim3A_2108, %get3A_2153 : vector<16xf32>
        %add3A_2155 = arith.addf %get3A_2149, %mul3A_2154 : vector<16xf32>
        %get3A_2156 = arith.index_cast %add3A_2118 : i32 to index
        %get3A_2157 = arith.constant 16 : index
        %get3A_2158 = tpu.vector_load %arg18[%get3A_2156, %get3A_2157] {strides = array<i32>} : memref<128x128xf32, #tpu.memory_space<vmem>>, vector<1x16xf32>,
        %get3A_2159 = vector.shape_cast %get3A_2158 : vector<1x16xf32> to vector<16xf32>
        %mul3A_2160 = arith.mulf %broadcast_in_dim3A_2111, %get3A_2159 : vector<16xf32>
        %add3A_2161 = arith.addf %add3A_2155, %mul3A_2160 : vector<16xf32>
        %get3A_2162 = arith.index_cast %add3A_2118 : i32 to index
        %get3A_2163 = arith.constant 16 : index
        %get3A_2164 = tpu.vector_load %arg19[%get3A_2162, %get3A_2163] {strides = array<i32>} : memref<128x128xf32, #tpu.memory_space<vmem>>, vector<1x16xf32>,
        %get3A_2165 = vector.shape_cast %get3A_2164 : vector<1x16xf32> to vector<16xf32>
        %mul3A_2166 = arith.mulf %broadcast_in_dim3A_2114, %get3A_2165 : vector<16xf32>
        %add3A_2167 = arith.addf %add3A_2161, %mul3A_2166 : vector<16xf32>
        %swap3A_2168 = arith.index_cast %add3A_2118 : i32 to index
        %swap3A_2169 = arith.constant 16 : index
        %swap3A_2170 = tpu.vector_load %arg21[%swap3A_2168, %swap3A_2169] {strides = array<i32>} : memref<128x128xf32, #tpu.memory_space<vmem>>, vector<1x16xf32>,
        %swap3A_2171 = vector.shape_cast %swap3A_2170 : vector<1x16xf32> to vector<16xf32>
        %swap3A_2172 = vector.shape_cast %add3A_2167 : vector<16xf32> to vector<1x16xf32>
        tpu.vector_store %arg21[%swap3A_2168, %swap3A_2169], %swap3A_2172 {strides = array<i32>} : memref<128x128xf32, #tpu.memory_space<vmem>>, vector<1x16xf32>,
        %get3A_2173 = arith.index_cast %add3A_2118 : i32 to index
        %get3A_2174 = arith.constant 32 : index
        %get3A_2175 = tpu.vector_load %arg20[%get3A_2173, %get3A_2174] {strides = array<i32>} : memref<128x128xf32, #tpu.memory_space<vmem>>, vector<1x16xf32>,
        %get3A_2176 = vector.shape_cast %get3A_2175 : vector<1x16xf32> to vector<16xf32>
        %get3A_2177 = arith.index_cast %add3A_2118 : i32 to index
        %get3A_2178 = arith.constant 32 : index
        %get3A_2179 = tpu.vector_load %arg17[%get3A_2177, %get3A_2178] {strides = array<i32>} : memref<128x128xf32, #tpu.memory_space<vmem>>, vector<1x16xf32>,
        %get3A_2180 = vector.shape_cast %get3A_2179 : vector<1x16xf32> to vector<16xf32>
        %mul3A_2181 = arith.mulf %broadcast_in_dim3A_2108, %get3A_2180 : vector<16xf32>
        %add3A_2182 = arith.addf %get3A_2176, %mul3A_2181 : vector<16xf32>
        %get3A_2183 = arith.index_cast %add3A_2118 : i32 to index
        %get3A_2184 = arith.constant 32 : index
        %get3A_2185 = tpu.vector_load %arg18[%get3A_2183, %get3A_2184] {strides = array<i32>} : memref<128x128xf32, #tpu.memory_space<vmem>>, vector<1x16xf32>,
        %get3A_2186 = vector.shape_cast %get3A_2185 : vector<1x16xf32> to vector<16xf32>
        %mul3A_2187 = arith.mulf %broadcast_in_dim3A_2111, %get3A_2186 : vector<16xf32>
        %add3A_2188 = arith.addf %add3A_2182, %mul3A_2187 : vector<16xf32>
        %get3A_2189 = arith.index_cast %add3A_2118 : i32 to index
        %get3A_2190 = arith.constant 32 : index
        %get3A_2191 = tpu.vector_load %arg19[%get3A_2189, %get3A_2190] {strides = array<i32>} : memref<128x128xf32, #tpu.memory_space<vmem>>, vector<1x16xf32>,
        %get3A_2192 = vector.shape_cast %get3A_2191 : vector<1x16xf32> to vector<16xf32>
        %mul3A_2193 = arith.mulf %broadcast_in_dim3A_2114, %get3A_2192 : vector<16xf32>
        %add3A_2194 = arith.addf %add3A_2188, %mul3A_2193 : vector<16xf32>
        %swap3A_2195 = arith.index_cast %add3A_2118 : i32 to index
        %swap3A_2196 = arith.constant 32 : index
        %swap3A_2197 = tpu.vector_load %arg21[%swap3A_2195, %swap3A_2196] {strides = array<i32>} : memref<128x128xf32, #tpu.memory_space<vmem>>, vector<1x16xf32>,
        %swap3A_2198 = vector.shape_cast %swap3A_2197 : vector<1x16xf32> to vector<16xf32>
        %swap3A_2199 = vector.shape_cast %add3A_2194 : vector<16xf32> to vector<1x16xf32>
        tpu.vector_store %arg21[%swap3A_2195, %swap3A_2196], %swap3A_2199 {strides = array<i32>} : memref<128x128xf32, #tpu.memory_space<vmem>>, vector<1x16xf32>,
        %get3A_2200 = arith.index_cast %add3A_2118 : i32 to index
        %get3A_2201 = arith.constant 48 : index
        %get3A_2202 = tpu.vector_load %arg20[%get3A_2200, %get3A_2201] {strides = array<i32>} : memref<128x128xf32, #tpu.memory_space<vmem>>, vector<1x16xf32>,
        %get3A_2203 = vector.shape_cast %get3A_2202 : vector<1x16xf32> to vector<16xf32>
        %get3A_2204 = arith.index_cast %add3A_2118 : i32 to index
        %get3A_2205 = arith.constant 48 : index
        %get3A_2206 = tpu.vector_load %arg17[%get3A_2204, %get3A_2205] {strides = array<i32>} : memref<128x128xf32, #tpu.memory_space<vmem>>, vector<1x16xf32>,
        %get3A_2207 = vector.shape_cast %get3A_2206 : vector<1x16xf32> to vector<16xf32>
        %mul3A_2208 = arith.mulf %broadcast_in_dim3A_2108, %get3A_2207 : vector<16xf32>
        %add3A_2209 = arith.addf %get3A_2203, %mul3A_2208 : vector<16xf32>
        %get3A_2210 = arith.index_cast %add3A_2118 : i32 to index
        %get3A_2211 = arith.constant 48 : index
        %get3A_2212 = tpu.vector_load %arg18[%get3A_2210, %get3A_2211] {strides = array<i32>} : memref<128x128xf32, #tpu.memory_space<vmem>>, vector<1x16xf32>,
        %get3A_2213 = vector.shape_cast %get3A_2212 : vector<1x16xf32> to vector<16xf32>
        %mul3A_2214 = arith.mulf %broadcast_in_dim3A_2111, %get3A_2213 : vector<16xf32>
        %add3A_2215 = arith.addf %add3A_2209, %mul3A_2214 : vector<16xf32>
        %get3A_2216 = arith.index_cast %add3A_2118 : i32 to index
        %get3A_2217 = arith.constant 48 : index
        %get3A_2218 = tpu.vector_load %arg19[%get3A_2216, %get3A_2217] {strides = array<i32>} : memref<128x128xf32, #tpu.memory_space<vmem>>, vector<1x16xf32>,
        %get3A_2219 = vector.shape_cast %get3A_2218 : vector<1x16xf32> to vector<16xf32>
        %mul3A_2220 = arith.mulf %broadcast_in_dim3A_2114, %get3A_2219 : vector<16xf32>
        %add3A_2221 = arith.addf %add3A_2215, %mul3A_2220 : vector<16xf32>
        %swap3A_2222 = arith.index_cast %add3A_2118 : i32 to index
        %swap3A_2223 = arith.constant 48 : index
        %swap3A_2224 = tpu.vector_load %arg21[%swap3A_2222, %swap3A_2223] {strides = array<i32>} : memref<128x128xf32, #tpu.memory_space<vmem>>, vector<1x16xf32>,
        %swap3A_2225 = vector.shape_cast %swap3A_2224 : vector<1x16xf32> to vector<16xf32>
        %swap3A_2226 = vector.shape_cast %add3A_2221 : vector<16xf32> to vector<1x16xf32>
        tpu.vector_store %arg21[%swap3A_2222, %swap3A_2223], %swap3A_2226 {strides = array<i32>} : memref<128x128xf32, #tpu.memory_space<vmem>>, vector<1x16xf32>,
        %get3A_2227 = arith.index_cast %add3A_2118 : i32 to index
        %get3A_2228 = arith.constant 64 : index
        %get3A_2229 = tpu.vector_load %arg20[%get3A_2227, %get3A_2228] {strides = array<i32>} : memref<128x128xf32, #tpu.memory_space<vmem>>, vector<1x16xf32>,
        %get3A_2230 = vector.shape_cast %get3A_2229 : vector<1x16xf32> to vector<16xf32>
        %get3A_2231 = arith.index_cast %add3A_2118 : i32 to index
        %get3A_2232 = arith.constant 64 : index
        %get3A_2233 = tpu.vector_load %arg17[%get3A_2231, %get3A_2232] {strides = array<i32>} : memref<128x128xf32, #tpu.memory_space<vmem>>, vector<1x16xf32>,
        %get3A_2234 = vector.shape_cast %get3A_2233 : vector<1x16xf32> to vector<16xf32>
        %mul3A_2235 = arith.mulf %broadcast_in_dim3A_2108, %get3A_2234 : vector<16xf32>
        %add3A_2236 = arith.addf %get3A_2230, %mul3A_2235 : vector<16xf32>
        %get3A_2237 = arith.index_cast %add3A_2118 : i32 to index
        %get3A_2238 = arith.constant 64 : index
        %get3A_2239 = tpu.vector_load %arg18[%get3A_2237, %get3A_2238] {strides = array<i32>} : memref<128x128xf32, #tpu.memory_space<vmem>>, vector<1x16xf32>,
        %get3A_2240 = vector.shape_cast %get3A_2239 : vector<1x16xf32> to vector<16xf32>
        %mul3A_2241 = arith.mulf %broadcast_in_dim3A_2111, %get3A_2240 : vector<16xf32>
        %add3A_2242 = arith.addf %add3A_2236, %mul3A_2241 : vector<16xf32>
        %get3A_2243 = arith.index_cast %add3A_2118 : i32 to index
        %get3A_2244 = arith.constant 64 : index
        %get3A_2245 = tpu.vector_load %arg19[%get3A_2243, %get3A_2244] {strides = array<i32>} : memref<128x128xf32, #tpu.memory_space<vmem>>, vector<1x16xf32>,
        %get3A_2246 = vector.shape_cast %get3A_2245 : vector<1x16xf32> to vector<16xf32>
        %mul3A_2247 = arith.mulf %broadcast_in_dim3A_2114, %get3A_2246 : vector<16xf32>
        %add3A_2248 = arith.addf %add3A_2242, %mul3A_2247 : vector<16xf32>
        %swap3A_2249 = arith.index_cast %add3A_2118 : i32 to index
        %swap3A_2250 = arith.constant 64 : index
        %swap3A_2251 = tpu.vector_load %arg21[%swap3A_2249, %swap3A_2250] {strides = array<i32>} : memref<128x128xf32, #tpu.memory_space<vmem>>, vector<1x16xf32>,
        %swap3A_2252 = vector.shape_cast %swap3A_2251 : vector<1x16xf32> to vector<16xf32>
        %swap3A_2253 = vector.shape_cast %add3A_2248 : vector<16xf32> to vector<1x16xf32>
        tpu.vector_store %arg21[%swap3A_2249, %swap3A_2250], %swap3A_2253 {strides = array<i32>} : memref<128x128xf32, #tpu.memory_space<vmem>>, vector<1x16xf32>,
        %get3A_2254 = arith.index_cast %add3A_2118 : i32 to index
        %get3A_2255 = arith.constant 80 : index
        %get3A_2256 = tpu.vector_load %arg20[%get3A_2254, %get3A_2255] {strides = array<i32>} : memref<128x128xf32, #tpu.memory_space<vmem>>, vector<1x16xf32>,
        %get3A_2257 = vector.shape_cast %get3A_2256 : vector<1x16xf32> to vector<16xf32>
        %get3A_2258 = arith.index_cast %add3A_2118 : i32 to index
        %get3A_2259 = arith.constant 80 : index
        %get3A_2260 = tpu.vector_load %arg17[%get3A_2258, %get3A_2259] {strides = array<i32>} : memref<128x128xf32, #tpu.memory_space<vmem>>, vector<1x16xf32>,
        %get3A_2261 = vector.shape_cast %get3A_2260 : vector<1x16xf32> to vector<16xf32>
        %mul3A_2262 = arith.mulf %broadcast_in_dim3A_2108, %get3A_2261 : vector<16xf32>
        %add3A_2263 = arith.addf %get3A_2257, %mul3A_2262 : vector<16xf32>
        %get3A_2264 = arith.index_cast %add3A_2118 : i32 to index
        %get3A_2265 = arith.constant 80 : index
        %get3A_2266 = tpu.vector_load %arg18[%get3A_2264, %get3A_2265] {strides = array<i32>} : memref<128x128xf32, #tpu.memory_space<vmem>>, vector<1x16xf32>,
        %get3A_2267 = vector.shape_cast %get3A_2266 : vector<1x16xf32> to vector<16xf32>
        %mul3A_2268 = arith.mulf %broadcast_in_dim3A_2111, %get3A_2267 : vector<16xf32>
        %add3A_2269 = arith.addf %add3A_2263, %mul3A_2268 : vector<16xf32>
        %get3A_2270 = arith.index_cast %add3A_2118 : i32 to index
        %get3A_2271 = arith.constant 80 : index
        %get3A_2272 = tpu.vector_load %arg19[%get3A_2270, %get3A_2271] {strides = array<i32>} : memref<128x128xf32, #tpu.memory_space<vmem>>, vector<1x16xf32>,
        %get3A_2273 = vector.shape_cast %get3A_2272 : vector<1x16xf32> to vector<16xf32>
        %mul3A_2274 = arith.mulf %broadcast_in_dim3A_2114, %get3A_2273 : vector<16xf32>
        %add3A_2275 = arith.addf %add3A_2269, %mul3A_2274 : vector<16xf32>
        %swap3A_2276 = arith.index_cast %add3A_2118 : i32 to index
        %swap3A_2277 = arith.constant 80 : index
        %swap3A_2278 = tpu.vector_load %arg21[%swap3A_2276, %swap3A_2277] {strides = array<i32>} : memref<128x128xf32, #tpu.memory_space<vmem>>, vector<1x16xf32>,
        %swap3A_2279 = vector.shape_cast %swap3A_2278 : vector<1x16xf32> to vector<16xf32>
        %swap3A_2280 = vector.shape_cast %add3A_2275 : vector<16xf32> to vector<1x16xf32>
        tpu.vector_store %arg21[%swap3A_2276, %swap3A_2277], %swap3A_2280 {strides = array<i32>} : memref<128x128xf32, #tpu.memory_space<vmem>>, vector<1x16xf32>,
        %get3A_2281 = arith.index_cast %add3A_2118 : i32 to index
        %get3A_2282 = arith.constant 96 : index
        %get3A_2283 = tpu.vector_load %arg20[%get3A_2281, %get3A_2282] {strides = array<i32>} : memref<128x128xf32, #tpu.memory_space<vmem>>, vector<1x16xf32>,
        %get3A_2284 = vector.shape_cast %get3A_2283 : vector<1x16xf32> to vector<16xf32>
        %get3A_2285 = arith.index_cast %add3A_2118 : i32 to index
        %get3A_2286 = arith.constant 96 : index
        %get3A_2287 = tpu.vector_load %arg17[%get3A_2285, %get3A_2286] {strides = array<i32>} : memref<128x128xf32, #tpu.memory_space<vmem>>, vector<1x16xf32>,
        %get3A_2288 = vector.shape_cast %get3A_2287 : vector<1x16xf32> to vector<16xf32>
        %mul3A_2289 = arith.mulf %broadcast_in_dim3A_2108, %get3A_2288 : vector<16xf32>
        %add3A_2290 = arith.addf %get3A_2284, %mul3A_2289 : vector<16xf32>
        %get3A_2291 = arith.index_cast %add3A_2118 : i32 to index
        %get3A_2292 = arith.constant 96 : index
        %get3A_2293 = tpu.vector_load %arg18[%get3A_2291, %get3A_2292] {strides = array<i32>} : memref<128x128xf32, #tpu.memory_space<vmem>>, vector<1x16xf32>,
        %get3A_2294 = vector.shape_cast %get3A_2293 : vector<1x16xf32> to vector<16xf32>
        %mul3A_2295 = arith.mulf %broadcast_in_dim3A_2111, %get3A_2294 : vector<16xf32>
        %add3A_2296 = arith.addf %add3A_2290, %mul3A_2295 : vector<16xf32>
        %get3A_2297 = arith.index_cast %add3A_2118 : i32 to index
        %get3A_2298 = arith.constant 96 : index
        %get3A_2299 = tpu.vector_load %arg19[%get3A_2297, %get3A_2298] {strides = array<i32>} : memref<128x128xf32, #tpu.memory_space<vmem>>, vector<1x16xf32>,
        %get3A_2300 = vector.shape_cast %get3A_2299 : vector<1x16xf32> to vector<16xf32>
        %mul3A_2301 = arith.mulf %broadcast_in_dim3A_2114, %get3A_2300 : vector<16xf32>
        %add3A_2302 = arith.addf %add3A_2296, %mul3A_2301 : vector<16xf32>
        %swap3A_2303 = arith.index_cast %add3A_2118 : i32 to index
        %swap3A_2304 = arith.constant 96 : index
        %swap3A_2305 = tpu.vector_load %arg21[%swap3A_2303, %swap3A_2304] {strides = array<i32>} : memref<128x128xf32, #tpu.memory_space<vmem>>, vector<1x16xf32>,
        %swap3A_2306 = vector.shape_cast %swap3A_2305 : vector<1x16xf32> to vector<16xf32>
        %swap3A_2307 = vector.shape_cast %add3A_2302 : vector<16xf32> to vector<1x16xf32>
        tpu.vector_store %arg21[%swap3A_2303, %swap3A_2304], %swap3A_2307 {strides = array<i32>} : memref<128x128xf32, #tpu.memory_space<vmem>>, vector<1x16xf32>,
        %get3A_2308 = arith.index_cast %add3A_2118 : i32 to index
        %get3A_2309 = arith.constant 112 : index
        %get3A_2310 = tpu.vector_load %arg20[%get3A_2308, %get3A_2309] {strides = array<i32>} : memref<128x128xf32, #tpu.memory_space<vmem>>, vector<1x16xf32>,
        %get3A_2311 = vector.shape_cast %get3A_2310 : vector<1x16xf32> to vector<16xf32>
        %get3A_2312 = arith.index_cast %add3A_2118 : i32 to index
        %get3A_2313 = arith.constant 112 : index
        %get3A_2314 = tpu.vector_load %arg17[%get3A_2312, %get3A_2313] {strides = array<i32>} : memref<128x128xf32, #tpu.memory_space<vmem>>, vector<1x16xf32>,
        %get3A_2315 = vector.shape_cast %get3A_2314 : vector<1x16xf32> to vector<16xf32>
        %mul3A_2316 = arith.mulf %broadcast_in_dim3A_2108, %get3A_2315 : vector<16xf32>
        %add3A_2317 = arith.addf %get3A_2311, %mul3A_2316 : vector<16xf32>
        %get3A_2318 = arith.index_cast %add3A_2118 : i32 to index
        %get3A_2319 = arith.constant 112 : index
        %get3A_2320 = tpu.vector_load %arg18[%get3A_2318, %get3A_2319] {strides = array<i32>} : memref<128x128xf32, #tpu.memory_space<vmem>>, vector<1x16xf32>,
        %get3A_2321 = vector.shape_cast %get3A_2320 : vector<1x16xf32> to vector<16xf32>
        %mul3A_2322 = arith.mulf %broadcast_in_dim3A_2111, %get3A_2321 : vector<16xf32>
        %add3A_2323 = arith.addf %add3A_2317, %mul3A_2322 : vector<16xf32>
        %get3A_2324 = arith.index_cast %add3A_2118 : i32 to index
        %get3A_2325 = arith.constant 112 : index
        %get3A_2326 = tpu.vector_load %arg19[%get3A_2324, %get3A_2325] {strides = array<i32>} : memref<128x128xf32, #tpu.memory_space<vmem>>, vector<1x16xf32>,
        %get3A_2327 = vector.shape_cast %get3A_2326 : vector<1x16xf32> to vector<16xf32>
        %mul3A_2328 = arith.mulf %broadcast_in_dim3A_2114, %get3A_2327 : vector<16xf32>
        %add3A_2329 = arith.addf %add3A_2323, %mul3A_2328 : vector<16xf32>
        %swap3A_2330 = arith.index_cast %add3A_2118 : i32 to index
        %swap3A_2331 = arith.constant 112 : index
        %swap3A_2332 = tpu.vector_load %arg21[%swap3A_2330, %swap3A_2331] {strides = array<i32>} : memref<128x128xf32, #tpu.memory_space<vmem>>, vector<1x16xf32>,
        %swap3A_2333 = vector.shape_cast %swap3A_2332 : vector<1x16xf32> to vector<16xf32>
        %swap3A_2334 = vector.shape_cast %add3A_2329 : vector<16xf32> to vector<1x16xf32>
        tpu.vector_store %arg21[%swap3A_2330, %swap3A_2331], %swap3A_2334 {strides = array<i32>} : memref<128x128xf32, #tpu.memory_space<vmem>>, vector<1x16xf32>,
        %slice3A_2335 = vector.extract_strided_slice %get3A_38 {offsets = [10], sizes = [1], strides = [1]} : vector<16xf32> to vector<1xf32>
        %squeeze3A_2336 = vector.extract %slice3A_2335[0] : f32 from vector<1xf32>
        %broadcast_in_dim3A_2337 = vector.broadcast %squeeze3A_2336 : f32 to vector<16xf32>
        %slice3A_2338 = vector.extract_strided_slice %get3A_43 {offsets = [10], sizes = [1], strides = [1]} : vector<16xf32> to vector<1xf32>
        %squeeze3A_2339 = vector.extract %slice3A_2338[0] : f32 from vector<1xf32>
        %broadcast_in_dim3A_2340 = vector.broadcast %squeeze3A_2339 : f32 to vector<16xf32>
        %slice3A_2341 = vector.extract_strided_slice %get3A_48 {offsets = [10], sizes = [1], strides = [1]} : vector<16xf32> to vector<1xf32>
        %squeeze3A_2342 = vector.extract %slice3A_2341[0] : f32 from vector<1xf32>
        %broadcast_in_dim3A_2343 = vector.broadcast %squeeze3A_2342 : f32 to vector<16xf32>
        %mul3A_2344 = arith.constant 16 : i32
        %mul3A_2345 = arith.muli %scan3A_34, %mul3A_2344 : i32
        %add3A_2346 = arith.constant 10 : i32
        %add3A_2347 = arith.addi %mul3A_2345, %add3A_2346 : i32
        %get3A_2348 = arith.index_cast %add3A_2347 : i32 to index
        %get3A_2349 = arith.constant 0 : index
        %get3A_2350 = tpu.vector_load %arg20[%get3A_2348, %get3A_2349] {strides = array<i32>} : memref<128x128xf32, #tpu.memory_space<vmem>>, vector<1x16xf32>,
        %get3A_2351 = vector.shape_cast %get3A_2350 : vector<1x16xf32> to vector<16xf32>
        %get3A_2352 = arith.index_cast %add3A_2347 : i32 to index
        %get3A_2353 = arith.constant 0 : index
        %get3A_2354 = tpu.vector_load %arg17[%get3A_2352, %get3A_2353] {strides = array<i32>} : memref<128x128xf32, #tpu.memory_space<vmem>>, vector<1x16xf32>,
        %get3A_2355 = vector.shape_cast %get3A_2354 : vector<1x16xf32> to vector<16xf32>
        %mul3A_2356 = arith.mulf %broadcast_in_dim3A_2337, %get3A_2355 : vector<16xf32>
        %add3A_2357 = arith.addf %get3A_2351, %mul3A_2356 : vector<16xf32>
        %get3A_2358 = arith.index_cast %add3A_2347 : i32 to index
        %get3A_2359 = arith.constant 0 : index
        %get3A_2360 = tpu.vector_load %arg18[%get3A_2358, %get3A_2359] {strides = array<i32>} : memref<128x128xf32, #tpu.memory_space<vmem>>, vector<1x16xf32>,
        %get3A_2361 = vector.shape_cast %get3A_2360 : vector<1x16xf32> to vector<16xf32>
        %mul3A_2362 = arith.mulf %broadcast_in_dim3A_2340, %get3A_2361 : vector<16xf32>
        %add3A_2363 = arith.addf %add3A_2357, %mul3A_2362 : vector<16xf32>
        %get3A_2364 = arith.index_cast %add3A_2347 : i32 to index
        %get3A_2365 = arith.constant 0 : index
        %get3A_2366 = tpu.vector_load %arg19[%get3A_2364, %get3A_2365] {strides = array<i32>} : memref<128x128xf32, #tpu.memory_space<vmem>>, vector<1x16xf32>,
        %get3A_2367 = vector.shape_cast %get3A_2366 : vector<1x16xf32> to vector<16xf32>
        %mul3A_2368 = arith.mulf %broadcast_in_dim3A_2343, %get3A_2367 : vector<16xf32>
        %add3A_2369 = arith.addf %add3A_2363, %mul3A_2368 : vector<16xf32>
        %swap3A_2370 = arith.index_cast %add3A_2347 : i32 to index
        %swap3A_2371 = arith.constant 0 : index
        %swap3A_2372 = tpu.vector_load %arg21[%swap3A_2370, %swap3A_2371] {strides = array<i32>} : memref<128x128xf32, #tpu.memory_space<vmem>>, vector<1x16xf32>,
        %swap3A_2373 = vector.shape_cast %swap3A_2372 : vector<1x16xf32> to vector<16xf32>
        %swap3A_2374 = vector.shape_cast %add3A_2369 : vector<16xf32> to vector<1x16xf32>
        tpu.vector_store %arg21[%swap3A_2370, %swap3A_2371], %swap3A_2374 {strides = array<i32>} : memref<128x128xf32, #tpu.memory_space<vmem>>, vector<1x16xf32>,
        %get3A_2375 = arith.index_cast %add3A_2347 : i32 to index
        %get3A_2376 = arith.constant 16 : index
        %get3A_2377 = tpu.vector_load %arg20[%get3A_2375, %get3A_2376] {strides = array<i32>} : memref<128x128xf32, #tpu.memory_space<vmem>>, vector<1x16xf32>,
        %get3A_2378 = vector.shape_cast %get3A_2377 : vector<1x16xf32> to vector<16xf32>
        %get3A_2379 = arith.index_cast %add3A_2347 : i32 to index
        %get3A_2380 = arith.constant 16 : index
        %get3A_2381 = tpu.vector_load %arg17[%get3A_2379, %get3A_2380] {strides = array<i32>} : memref<128x128xf32, #tpu.memory_space<vmem>>, vector<1x16xf32>,
        %get3A_2382 = vector.shape_cast %get3A_2381 : vector<1x16xf32> to vector<16xf32>
        %mul3A_2383 = arith.mulf %broadcast_in_dim3A_2337, %get3A_2382 : vector<16xf32>
        %add3A_2384 = arith.addf %get3A_2378, %mul3A_2383 : vector<16xf32>
        %get3A_2385 = arith.index_cast %add3A_2347 : i32 to index
        %get3A_2386 = arith.constant 16 : index
        %get3A_2387 = tpu.vector_load %arg18[%get3A_2385, %get3A_2386] {strides = array<i32>} : memref<128x128xf32, #tpu.memory_space<vmem>>, vector<1x16xf32>,
        %get3A_2388 = vector.shape_cast %get3A_2387 : vector<1x16xf32> to vector<16xf32>
        %mul3A_2389 = arith.mulf %broadcast_in_dim3A_2340, %get3A_2388 : vector<16xf32>
        %add3A_2390 = arith.addf %add3A_2384, %mul3A_2389 : vector<16xf32>
        %get3A_2391 = arith.index_cast %add3A_2347 : i32 to index
        %get3A_2392 = arith.constant 16 : index
        %get3A_2393 = tpu.vector_load %arg19[%get3A_2391, %get3A_2392] {strides = array<i32>} : memref<128x128xf32, #tpu.memory_space<vmem>>, vector<1x16xf32>,
        %get3A_2394 = vector.shape_cast %get3A_2393 : vector<1x16xf32> to vector<16xf32>
        %mul3A_2395 = arith.mulf %broadcast_in_dim3A_2343, %get3A_2394 : vector<16xf32>
        %add3A_2396 = arith.addf %add3A_2390, %mul3A_2395 : vector<16xf32>
        %swap3A_2397 = arith.index_cast %add3A_2347 : i32 to index
        %swap3A_2398 = arith.constant 16 : index
        %swap3A_2399 = tpu.vector_load %arg21[%swap3A_2397, %swap3A_2398] {strides = array<i32>} : memref<128x128xf32, #tpu.memory_space<vmem>>, vector<1x16xf32>,
        %swap3A_2400 = vector.shape_cast %swap3A_2399 : vector<1x16xf32> to vector<16xf32>
        %swap3A_2401 = vector.shape_cast %add3A_2396 : vector<16xf32> to vector<1x16xf32>
        tpu.vector_store %arg21[%swap3A_2397, %swap3A_2398], %swap3A_2401 {strides = array<i32>} : memref<128x128xf32, #tpu.memory_space<vmem>>, vector<1x16xf32>,
        %get3A_2402 = arith.index_cast %add3A_2347 : i32 to index
        %get3A_2403 = arith.constant 32 : index
        %get3A_2404 = tpu.vector_load %arg20[%get3A_2402, %get3A_2403] {strides = array<i32>} : memref<128x128xf32, #tpu.memory_space<vmem>>, vector<1x16xf32>,
        %get3A_2405 = vector.shape_cast %get3A_2404 : vector<1x16xf32> to vector<16xf32>
        %get3A_2406 = arith.index_cast %add3A_2347 : i32 to index
        %get3A_2407 = arith.constant 32 : index
        %get3A_2408 = tpu.vector_load %arg17[%get3A_2406, %get3A_2407] {strides = array<i32>} : memref<128x128xf32, #tpu.memory_space<vmem>>, vector<1x16xf32>,
        %get3A_2409 = vector.shape_cast %get3A_2408 : vector<1x16xf32> to vector<16xf32>
        %mul3A_2410 = arith.mulf %broadcast_in_dim3A_2337, %get3A_2409 : vector<16xf32>
        %add3A_2411 = arith.addf %get3A_2405, %mul3A_2410 : vector<16xf32>
        %get3A_2412 = arith.index_cast %add3A_2347 : i32 to index
        %get3A_2413 = arith.constant 32 : index
        %get3A_2414 = tpu.vector_load %arg18[%get3A_2412, %get3A_2413] {strides = array<i32>} : memref<128x128xf32, #tpu.memory_space<vmem>>, vector<1x16xf32>,
        %get3A_2415 = vector.shape_cast %get3A_2414 : vector<1x16xf32> to vector<16xf32>
        %mul3A_2416 = arith.mulf %broadcast_in_dim3A_2340, %get3A_2415 : vector<16xf32>
        %add3A_2417 = arith.addf %add3A_2411, %mul3A_2416 : vector<16xf32>
        %get3A_2418 = arith.index_cast %add3A_2347 : i32 to index
        %get3A_2419 = arith.constant 32 : index
        %get3A_2420 = tpu.vector_load %arg19[%get3A_2418, %get3A_2419] {strides = array<i32>} : memref<128x128xf32, #tpu.memory_space<vmem>>, vector<1x16xf32>,
        %get3A_2421 = vector.shape_cast %get3A_2420 : vector<1x16xf32> to vector<16xf32>
        %mul3A_2422 = arith.mulf %broadcast_in_dim3A_2343, %get3A_2421 : vector<16xf32>
        %add3A_2423 = arith.addf %add3A_2417, %mul3A_2422 : vector<16xf32>
        %swap3A_2424 = arith.index_cast %add3A_2347 : i32 to index
        %swap3A_2425 = arith.constant 32 : index
        %swap3A_2426 = tpu.vector_load %arg21[%swap3A_2424, %swap3A_2425] {strides = array<i32>} : memref<128x128xf32, #tpu.memory_space<vmem>>, vector<1x16xf32>,
        %swap3A_2427 = vector.shape_cast %swap3A_2426 : vector<1x16xf32> to vector<16xf32>
        %swap3A_2428 = vector.shape_cast %add3A_2423 : vector<16xf32> to vector<1x16xf32>
        tpu.vector_store %arg21[%swap3A_2424, %swap3A_2425], %swap3A_2428 {strides = array<i32>} : memref<128x128xf32, #tpu.memory_space<vmem>>, vector<1x16xf32>,
        %get3A_2429 = arith.index_cast %add3A_2347 : i32 to index
        %get3A_2430 = arith.constant 48 : index
        %get3A_2431 = tpu.vector_load %arg20[%get3A_2429, %get3A_2430] {strides = array<i32>} : memref<128x128xf32, #tpu.memory_space<vmem>>, vector<1x16xf32>,
        %get3A_2432 = vector.shape_cast %get3A_2431 : vector<1x16xf32> to vector<16xf32>
        %get3A_2433 = arith.index_cast %add3A_2347 : i32 to index
        %get3A_2434 = arith.constant 48 : index
        %get3A_2435 = tpu.vector_load %arg17[%get3A_2433, %get3A_2434] {strides = array<i32>} : memref<128x128xf32, #tpu.memory_space<vmem>>, vector<1x16xf32>,
        %get3A_2436 = vector.shape_cast %get3A_2435 : vector<1x16xf32> to vector<16xf32>
        %mul3A_2437 = arith.mulf %broadcast_in_dim3A_2337, %get3A_2436 : vector<16xf32>
        %add3A_2438 = arith.addf %get3A_2432, %mul3A_2437 : vector<16xf32>
        %get3A_2439 = arith.index_cast %add3A_2347 : i32 to index
        %get3A_2440 = arith.constant 48 : index
        %get3A_2441 = tpu.vector_load %arg18[%get3A_2439, %get3A_2440] {strides = array<i32>} : memref<128x128xf32, #tpu.memory_space<vmem>>, vector<1x16xf32>,
        %get3A_2442 = vector.shape_cast %get3A_2441 : vector<1x16xf32> to vector<16xf32>
        %mul3A_2443 = arith.mulf %broadcast_in_dim3A_2340, %get3A_2442 : vector<16xf32>
        %add3A_2444 = arith.addf %add3A_2438, %mul3A_2443 : vector<16xf32>
        %get3A_2445 = arith.index_cast %add3A_2347 : i32 to index
        %get3A_2446 = arith.constant 48 : index
        %get3A_2447 = tpu.vector_load %arg19[%get3A_2445, %get3A_2446] {strides = array<i32>} : memref<128x128xf32, #tpu.memory_space<vmem>>, vector<1x16xf32>,
        %get3A_2448 = vector.shape_cast %get3A_2447 : vector<1x16xf32> to vector<16xf32>
        %mul3A_2449 = arith.mulf %broadcast_in_dim3A_2343, %get3A_2448 : vector<16xf32>
        %add3A_2450 = arith.addf %add3A_2444, %mul3A_2449 : vector<16xf32>
        %swap3A_2451 = arith.index_cast %add3A_2347 : i32 to index
        %swap3A_2452 = arith.constant 48 : index
        %swap3A_2453 = tpu.vector_load %arg21[%swap3A_2451, %swap3A_2452] {strides = array<i32>} : memref<128x128xf32, #tpu.memory_space<vmem>>, vector<1x16xf32>,
        %swap3A_2454 = vector.shape_cast %swap3A_2453 : vector<1x16xf32> to vector<16xf32>
        %swap3A_2455 = vector.shape_cast %add3A_2450 : vector<16xf32> to vector<1x16xf32>
        tpu.vector_store %arg21[%swap3A_2451, %swap3A_2452], %swap3A_2455 {strides = array<i32>} : memref<128x128xf32, #tpu.memory_space<vmem>>, vector<1x16xf32>,
        %get3A_2456 = arith.index_cast %add3A_2347 : i32 to index
        %get3A_2457 = arith.constant 64 : index
        %get3A_2458 = tpu.vector_load %arg20[%get3A_2456, %get3A_2457] {strides = array<i32>} : memref<128x128xf32, #tpu.memory_space<vmem>>, vector<1x16xf32>,
        %get3A_2459 = vector.shape_cast %get3A_2458 : vector<1x16xf32> to vector<16xf32>
        %get3A_2460 = arith.index_cast %add3A_2347 : i32 to index
        %get3A_2461 = arith.constant 64 : index
        %get3A_2462 = tpu.vector_load %arg17[%get3A_2460, %get3A_2461] {strides = array<i32>} : memref<128x128xf32, #tpu.memory_space<vmem>>, vector<1x16xf32>,
        %get3A_2463 = vector.shape_cast %get3A_2462 : vector<1x16xf32> to vector<16xf32>
        %mul3A_2464 = arith.mulf %broadcast_in_dim3A_2337, %get3A_2463 : vector<16xf32>
        %add3A_2465 = arith.addf %get3A_2459, %mul3A_2464 : vector<16xf32>
        %get3A_2466 = arith.index_cast %add3A_2347 : i32 to index
        %get3A_2467 = arith.constant 64 : index
        %get3A_2468 = tpu.vector_load %arg18[%get3A_2466, %get3A_2467] {strides = array<i32>} : memref<128x128xf32, #tpu.memory_space<vmem>>, vector<1x16xf32>,
        %get3A_2469 = vector.shape_cast %get3A_2468 : vector<1x16xf32> to vector<16xf32>
        %mul3A_2470 = arith.mulf %broadcast_in_dim3A_2340, %get3A_2469 : vector<16xf32>
        %add3A_2471 = arith.addf %add3A_2465, %mul3A_2470 : vector<16xf32>
        %get3A_2472 = arith.index_cast %add3A_2347 : i32 to index
        %get3A_2473 = arith.constant 64 : index
        %get3A_2474 = tpu.vector_load %arg19[%get3A_2472, %get3A_2473] {strides = array<i32>} : memref<128x128xf32, #tpu.memory_space<vmem>>, vector<1x16xf32>,
        %get3A_2475 = vector.shape_cast %get3A_2474 : vector<1x16xf32> to vector<16xf32>
        %mul3A_2476 = arith.mulf %broadcast_in_dim3A_2343, %get3A_2475 : vector<16xf32>
        %add3A_2477 = arith.addf %add3A_2471, %mul3A_2476 : vector<16xf32>
        %swap3A_2478 = arith.index_cast %add3A_2347 : i32 to index
        %swap3A_2479 = arith.constant 64 : index
        %swap3A_2480 = tpu.vector_load %arg21[%swap3A_2478, %swap3A_2479] {strides = array<i32>} : memref<128x128xf32, #tpu.memory_space<vmem>>, vector<1x16xf32>,
        %swap3A_2481 = vector.shape_cast %swap3A_2480 : vector<1x16xf32> to vector<16xf32>
        %swap3A_2482 = vector.shape_cast %add3A_2477 : vector<16xf32> to vector<1x16xf32>
        tpu.vector_store %arg21[%swap3A_2478, %swap3A_2479], %swap3A_2482 {strides = array<i32>} : memref<128x128xf32, #tpu.memory_space<vmem>>, vector<1x16xf32>,
        %get3A_2483 = arith.index_cast %add3A_2347 : i32 to index
        %get3A_2484 = arith.constant 80 : index
        %get3A_2485 = tpu.vector_load %arg20[%get3A_2483, %get3A_2484] {strides = array<i32>} : memref<128x128xf32, #tpu.memory_space<vmem>>, vector<1x16xf32>,
        %get3A_2486 = vector.shape_cast %get3A_2485 : vector<1x16xf32> to vector<16xf32>
        %get3A_2487 = arith.index_cast %add3A_2347 : i32 to index
        %get3A_2488 = arith.constant 80 : index
        %get3A_2489 = tpu.vector_load %arg17[%get3A_2487, %get3A_2488] {strides = array<i32>} : memref<128x128xf32, #tpu.memory_space<vmem>>, vector<1x16xf32>,
        %get3A_2490 = vector.shape_cast %get3A_2489 : vector<1x16xf32> to vector<16xf32>
        %mul3A_2491 = arith.mulf %broadcast_in_dim3A_2337, %get3A_2490 : vector<16xf32>
        %add3A_2492 = arith.addf %get3A_2486, %mul3A_2491 : vector<16xf32>
        %get3A_2493 = arith.index_cast %add3A_2347 : i32 to index
        %get3A_2494 = arith.constant 80 : index
        %get3A_2495 = tpu.vector_load %arg18[%get3A_2493, %get3A_2494] {strides = array<i32>} : memref<128x128xf32, #tpu.memory_space<vmem>>, vector<1x16xf32>,
        %get3A_2496 = vector.shape_cast %get3A_2495 : vector<1x16xf32> to vector<16xf32>
        %mul3A_2497 = arith.mulf %broadcast_in_dim3A_2340, %get3A_2496 : vector<16xf32>
        %add3A_2498 = arith.addf %add3A_2492, %mul3A_2497 : vector<16xf32>
        %get3A_2499 = arith.index_cast %add3A_2347 : i32 to index
        %get3A_2500 = arith.constant 80 : index
        %get3A_2501 = tpu.vector_load %arg19[%get3A_2499, %get3A_2500] {strides = array<i32>} : memref<128x128xf32, #tpu.memory_space<vmem>>, vector<1x16xf32>,
        %get3A_2502 = vector.shape_cast %get3A_2501 : vector<1x16xf32> to vector<16xf32>
        %mul3A_2503 = arith.mulf %broadcast_in_dim3A_2343, %get3A_2502 : vector<16xf32>
        %add3A_2504 = arith.addf %add3A_2498, %mul3A_2503 : vector<16xf32>
        %swap3A_2505 = arith.index_cast %add3A_2347 : i32 to index
        %swap3A_2506 = arith.constant 80 : index
        %swap3A_2507 = tpu.vector_load %arg21[%swap3A_2505, %swap3A_2506] {strides = array<i32>} : memref<128x128xf32, #tpu.memory_space<vmem>>, vector<1x16xf32>,
        %swap3A_2508 = vector.shape_cast %swap3A_2507 : vector<1x16xf32> to vector<16xf32>
        %swap3A_2509 = vector.shape_cast %add3A_2504 : vector<16xf32> to vector<1x16xf32>
        tpu.vector_store %arg21[%swap3A_2505, %swap3A_2506], %swap3A_2509 {strides = array<i32>} : memref<128x128xf32, #tpu.memory_space<vmem>>, vector<1x16xf32>,
        %get3A_2510 = arith.index_cast %add3A_2347 : i32 to index
        %get3A_2511 = arith.constant 96 : index
        %get3A_2512 = tpu.vector_load %arg20[%get3A_2510, %get3A_2511] {strides = array<i32>} : memref<128x128xf32, #tpu.memory_space<vmem>>, vector<1x16xf32>,
        %get3A_2513 = vector.shape_cast %get3A_2512 : vector<1x16xf32> to vector<16xf32>
        %get3A_2514 = arith.index_cast %add3A_2347 : i32 to index
        %get3A_2515 = arith.constant 96 : index
        %get3A_2516 = tpu.vector_load %arg17[%get3A_2514, %get3A_2515] {strides = array<i32>} : memref<128x128xf32, #tpu.memory_space<vmem>>, vector<1x16xf32>,
        %get3A_2517 = vector.shape_cast %get3A_2516 : vector<1x16xf32> to vector<16xf32>
        %mul3A_2518 = arith.mulf %broadcast_in_dim3A_2337, %get3A_2517 : vector<16xf32>
        %add3A_2519 = arith.addf %get3A_2513, %mul3A_2518 : vector<16xf32>
        %get3A_2520 = arith.index_cast %add3A_2347 : i32 to index
        %get3A_2521 = arith.constant 96 : index
        %get3A_2522 = tpu.vector_load %arg18[%get3A_2520, %get3A_2521] {strides = array<i32>} : memref<128x128xf32, #tpu.memory_space<vmem>>, vector<1x16xf32>,
        %get3A_2523 = vector.shape_cast %get3A_2522 : vector<1x16xf32> to vector<16xf32>
        %mul3A_2524 = arith.mulf %broadcast_in_dim3A_2340, %get3A_2523 : vector<16xf32>
        %add3A_2525 = arith.addf %add3A_2519, %mul3A_2524 : vector<16xf32>
        %get3A_2526 = arith.index_cast %add3A_2347 : i32 to index
        %get3A_2527 = arith.constant 96 : index
        %get3A_2528 = tpu.vector_load %arg19[%get3A_2526, %get3A_2527] {strides = array<i32>} : memref<128x128xf32, #tpu.memory_space<vmem>>, vector<1x16xf32>,
        %get3A_2529 = vector.shape_cast %get3A_2528 : vector<1x16xf32> to vector<16xf32>
        %mul3A_2530 = arith.mulf %broadcast_in_dim3A_2343, %get3A_2529 : vector<16xf32>
        %add3A_2531 = arith.addf %add3A_2525, %mul3A_2530 : vector<16xf32>
        %swap3A_2532 = arith.index_cast %add3A_2347 : i32 to index
        %swap3A_2533 = arith.constant 96 : index
        %swap3A_2534 = tpu.vector_load %arg21[%swap3A_2532, %swap3A_2533] {strides = array<i32>} : memref<128x128xf32, #tpu.memory_space<vmem>>, vector<1x16xf32>,
        %swap3A_2535 = vector.shape_cast %swap3A_2534 : vector<1x16xf32> to vector<16xf32>
        %swap3A_2536 = vector.shape_cast %add3A_2531 : vector<16xf32> to vector<1x16xf32>
        tpu.vector_store %arg21[%swap3A_2532, %swap3A_2533], %swap3A_2536 {strides = array<i32>} : memref<128x128xf32, #tpu.memory_space<vmem>>, vector<1x16xf32>,
        %get3A_2537 = arith.index_cast %add3A_2347 : i32 to index
        %get3A_2538 = arith.constant 112 : index
        %get3A_2539 = tpu.vector_load %arg20[%get3A_2537, %get3A_2538] {strides = array<i32>} : memref<128x128xf32, #tpu.memory_space<vmem>>, vector<1x16xf32>,
        %get3A_2540 = vector.shape_cast %get3A_2539 : vector<1x16xf32> to vector<16xf32>
        %get3A_2541 = arith.index_cast %add3A_2347 : i32 to index
        %get3A_2542 = arith.constant 112 : index
        %get3A_2543 = tpu.vector_load %arg17[%get3A_2541, %get3A_2542] {strides = array<i32>} : memref<128x128xf32, #tpu.memory_space<vmem>>, vector<1x16xf32>,
        %get3A_2544 = vector.shape_cast %get3A_2543 : vector<1x16xf32> to vector<16xf32>
        %mul3A_2545 = arith.mulf %broadcast_in_dim3A_2337, %get3A_2544 : vector<16xf32>
        %add3A_2546 = arith.addf %get3A_2540, %mul3A_2545 : vector<16xf32>
        %get3A_2547 = arith.index_cast %add3A_2347 : i32 to index
        %get3A_2548 = arith.constant 112 : index
        %get3A_2549 = tpu.vector_load %arg18[%get3A_2547, %get3A_2548] {strides = array<i32>} : memref<128x128xf32, #tpu.memory_space<vmem>>, vector<1x16xf32>,
        %get3A_2550 = vector.shape_cast %get3A_2549 : vector<1x16xf32> to vector<16xf32>
        %mul3A_2551 = arith.mulf %broadcast_in_dim3A_2340, %get3A_2550 : vector<16xf32>
        %add3A_2552 = arith.addf %add3A_2546, %mul3A_2551 : vector<16xf32>
        %get3A_2553 = arith.index_cast %add3A_2347 : i32 to index
        %get3A_2554 = arith.constant 112 : index
        %get3A_2555 = tpu.vector_load %arg19[%get3A_2553, %get3A_2554] {strides = array<i32>} : memref<128x128xf32, #tpu.memory_space<vmem>>, vector<1x16xf32>,
        %get3A_2556 = vector.shape_cast %get3A_2555 : vector<1x16xf32> to vector<16xf32>
        %mul3A_2557 = arith.mulf %broadcast_in_dim3A_2343, %get3A_2556 : vector<16xf32>
        %add3A_2558 = arith.addf %add3A_2552, %mul3A_2557 : vector<16xf32>
        %swap3A_2559 = arith.index_cast %add3A_2347 : i32 to index
        %swap3A_2560 = arith.constant 112 : index
        %swap3A_2561 = tpu.vector_load %arg21[%swap3A_2559, %swap3A_2560] {strides = array<i32>} : memref<128x128xf32, #tpu.memory_space<vmem>>, vector<1x16xf32>,
        %swap3A_2562 = vector.shape_cast %swap3A_2561 : vector<1x16xf32> to vector<16xf32>
        %swap3A_2563 = vector.shape_cast %add3A_2558 : vector<16xf32> to vector<1x16xf32>
        tpu.vector_store %arg21[%swap3A_2559, %swap3A_2560], %swap3A_2563 {strides = array<i32>} : memref<128x128xf32, #tpu.memory_space<vmem>>, vector<1x16xf32>,
        %slice3A_2564 = vector.extract_strided_slice %get3A_38 {offsets = [11], sizes = [1], strides = [1]} : vector<16xf32> to vector<1xf32>
        %squeeze3A_2565 = vector.extract %slice3A_2564[0] : f32 from vector<1xf32>
        %broadcast_in_dim3A_2566 = vector.broadcast %squeeze3A_2565 : f32 to vector<16xf32>
        %slice3A_2567 = vector.extract_strided_slice %get3A_43 {offsets = [11], sizes = [1], strides = [1]} : vector<16xf32> to vector<1xf32>
        %squeeze3A_2568 = vector.extract %slice3A_2567[0] : f32 from vector<1xf32>
        %broadcast_in_dim3A_2569 = vector.broadcast %squeeze3A_2568 : f32 to vector<16xf32>
        %slice3A_2570 = vector.extract_strided_slice %get3A_48 {offsets = [11], sizes = [1], strides = [1]} : vector<16xf32> to vector<1xf32>
        %squeeze3A_2571 = vector.extract %slice3A_2570[0] : f32 from vector<1xf32>
        %broadcast_in_dim3A_2572 = vector.broadcast %squeeze3A_2571 : f32 to vector<16xf32>
        %mul3A_2573 = arith.constant 16 : i32
        %mul3A_2574 = arith.muli %scan3A_34, %mul3A_2573 : i32
        %add3A_2575 = arith.constant 11 : i32
        %add3A_2576 = arith.addi %mul3A_2574, %add3A_2575 : i32
        %get3A_2577 = arith.index_cast %add3A_2576 : i32 to index
        %get3A_2578 = arith.constant 0 : index
        %get3A_2579 = tpu.vector_load %arg20[%get3A_2577, %get3A_2578] {strides = array<i32>} : memref<128x128xf32, #tpu.memory_space<vmem>>, vector<1x16xf32>,
        %get3A_2580 = vector.shape_cast %get3A_2579 : vector<1x16xf32> to vector<16xf32>
        %get3A_2581 = arith.index_cast %add3A_2576 : i32 to index
        %get3A_2582 = arith.constant 0 : index
        %get3A_2583 = tpu.vector_load %arg17[%get3A_2581, %get3A_2582] {strides = array<i32>} : memref<128x128xf32, #tpu.memory_space<vmem>>, vector<1x16xf32>,
        %get3A_2584 = vector.shape_cast %get3A_2583 : vector<1x16xf32> to vector<16xf32>
        %mul3A_2585 = arith.mulf %broadcast_in_dim3A_2566, %get3A_2584 : vector<16xf32>
        %add3A_2586 = arith.addf %get3A_2580, %mul3A_2585 : vector<16xf32>
        %get3A_2587 = arith.index_cast %add3A_2576 : i32 to index
        %get3A_2588 = arith.constant 0 : index
        %get3A_2589 = tpu.vector_load %arg18[%get3A_2587, %get3A_2588] {strides = array<i32>} : memref<128x128xf32, #tpu.memory_space<vmem>>, vector<1x16xf32>,
        %get3A_2590 = vector.shape_cast %get3A_2589 : vector<1x16xf32> to vector<16xf32>
        %mul3A_2591 = arith.mulf %broadcast_in_dim3A_2569, %get3A_2590 : vector<16xf32>
        %add3A_2592 = arith.addf %add3A_2586, %mul3A_2591 : vector<16xf32>
        %get3A_2593 = arith.index_cast %add3A_2576 : i32 to index
        %get3A_2594 = arith.constant 0 : index
        %get3A_2595 = tpu.vector_load %arg19[%get3A_2593, %get3A_2594] {strides = array<i32>} : memref<128x128xf32, #tpu.memory_space<vmem>>, vector<1x16xf32>,
        %get3A_2596 = vector.shape_cast %get3A_2595 : vector<1x16xf32> to vector<16xf32>
        %mul3A_2597 = arith.mulf %broadcast_in_dim3A_2572, %get3A_2596 : vector<16xf32>
        %add3A_2598 = arith.addf %add3A_2592, %mul3A_2597 : vector<16xf32>
        %swap3A_2599 = arith.index_cast %add3A_2576 : i32 to index
        %swap3A_2600 = arith.constant 0 : index
        %swap3A_2601 = tpu.vector_load %arg21[%swap3A_2599, %swap3A_2600] {strides = array<i32>} : memref<128x128xf32, #tpu.memory_space<vmem>>, vector<1x16xf32>,
        %swap3A_2602 = vector.shape_cast %swap3A_2601 : vector<1x16xf32> to vector<16xf32>
        %swap3A_2603 = vector.shape_cast %add3A_2598 : vector<16xf32> to vector<1x16xf32>
        tpu.vector_store %arg21[%swap3A_2599, %swap3A_2600], %swap3A_2603 {strides = array<i32>} : memref<128x128xf32, #tpu.memory_space<vmem>>, vector<1x16xf32>,
        %get3A_2604 = arith.index_cast %add3A_2576 : i32 to index
        %get3A_2605 = arith.constant 16 : index
        %get3A_2606 = tpu.vector_load %arg20[%get3A_2604, %get3A_2605] {strides = array<i32>} : memref<128x128xf32, #tpu.memory_space<vmem>>, vector<1x16xf32>,
        %get3A_2607 = vector.shape_cast %get3A_2606 : vector<1x16xf32> to vector<16xf32>
        %get3A_2608 = arith.index_cast %add3A_2576 : i32 to index
        %get3A_2609 = arith.constant 16 : index
        %get3A_2610 = tpu.vector_load %arg17[%get3A_2608, %get3A_2609] {strides = array<i32>} : memref<128x128xf32, #tpu.memory_space<vmem>>, vector<1x16xf32>,
        %get3A_2611 = vector.shape_cast %get3A_2610 : vector<1x16xf32> to vector<16xf32>
        %mul3A_2612 = arith.mulf %broadcast_in_dim3A_2566, %get3A_2611 : vector<16xf32>
        %add3A_2613 = arith.addf %get3A_2607, %mul3A_2612 : vector<16xf32>
        %get3A_2614 = arith.index_cast %add3A_2576 : i32 to index
        %get3A_2615 = arith.constant 16 : index
        %get3A_2616 = tpu.vector_load %arg18[%get3A_2614, %get3A_2615] {strides = array<i32>} : memref<128x128xf32, #tpu.memory_space<vmem>>, vector<1x16xf32>,
        %get3A_2617 = vector.shape_cast %get3A_2616 : vector<1x16xf32> to vector<16xf32>
        %mul3A_2618 = arith.mulf %broadcast_in_dim3A_2569, %get3A_2617 : vector<16xf32>
        %add3A_2619 = arith.addf %add3A_2613, %mul3A_2618 : vector<16xf32>
        %get3A_2620 = arith.index_cast %add3A_2576 : i32 to index
        %get3A_2621 = arith.constant 16 : index
        %get3A_2622 = tpu.vector_load %arg19[%get3A_2620, %get3A_2621] {strides = array<i32>} : memref<128x128xf32, #tpu.memory_space<vmem>>, vector<1x16xf32>,
        %get3A_2623 = vector.shape_cast %get3A_2622 : vector<1x16xf32> to vector<16xf32>
        %mul3A_2624 = arith.mulf %broadcast_in_dim3A_2572, %get3A_2623 : vector<16xf32>
        %add3A_2625 = arith.addf %add3A_2619, %mul3A_2624 : vector<16xf32>
        %swap3A_2626 = arith.index_cast %add3A_2576 : i32 to index
        %swap3A_2627 = arith.constant 16 : index
        %swap3A_2628 = tpu.vector_load %arg21[%swap3A_2626, %swap3A_2627] {strides = array<i32>} : memref<128x128xf32, #tpu.memory_space<vmem>>, vector<1x16xf32>,
        %swap3A_2629 = vector.shape_cast %swap3A_2628 : vector<1x16xf32> to vector<16xf32>
        %swap3A_2630 = vector.shape_cast %add3A_2625 : vector<16xf32> to vector<1x16xf32>
        tpu.vector_store %arg21[%swap3A_2626, %swap3A_2627], %swap3A_2630 {strides = array<i32>} : memref<128x128xf32, #tpu.memory_space<vmem>>, vector<1x16xf32>,
        %get3A_2631 = arith.index_cast %add3A_2576 : i32 to index
        %get3A_2632 = arith.constant 32 : index
        %get3A_2633 = tpu.vector_load %arg20[%get3A_2631, %get3A_2632] {strides = array<i32>} : memref<128x128xf32, #tpu.memory_space<vmem>>, vector<1x16xf32>,
        %get3A_2634 = vector.shape_cast %get3A_2633 : vector<1x16xf32> to vector<16xf32>
        %get3A_2635 = arith.index_cast %add3A_2576 : i32 to index
        %get3A_2636 = arith.constant 32 : index
        %get3A_2637 = tpu.vector_load %arg17[%get3A_2635, %get3A_2636] {strides = array<i32>} : memref<128x128xf32, #tpu.memory_space<vmem>>, vector<1x16xf32>,
        %get3A_2638 = vector.shape_cast %get3A_2637 : vector<1x16xf32> to vector<16xf32>
        %mul3A_2639 = arith.mulf %broadcast_in_dim3A_2566, %get3A_2638 : vector<16xf32>
        %add3A_2640 = arith.addf %get3A_2634, %mul3A_2639 : vector<16xf32>
        %get3A_2641 = arith.index_cast %add3A_2576 : i32 to index
        %get3A_2642 = arith.constant 32 : index
        %get3A_2643 = tpu.vector_load %arg18[%get3A_2641, %get3A_2642] {strides = array<i32>} : memref<128x128xf32, #tpu.memory_space<vmem>>, vector<1x16xf32>,
        %get3A_2644 = vector.shape_cast %get3A_2643 : vector<1x16xf32> to vector<16xf32>
        %mul3A_2645 = arith.mulf %broadcast_in_dim3A_2569, %get3A_2644 : vector<16xf32>
        %add3A_2646 = arith.addf %add3A_2640, %mul3A_2645 : vector<16xf32>
        %get3A_2647 = arith.index_cast %add3A_2576 : i32 to index
        %get3A_2648 = arith.constant 32 : index
        %get3A_2649 = tpu.vector_load %arg19[%get3A_2647, %get3A_2648] {strides = array<i32>} : memref<128x128xf32, #tpu.memory_space<vmem>>, vector<1x16xf32>,
        %get3A_2650 = vector.shape_cast %get3A_2649 : vector<1x16xf32> to vector<16xf32>
        %mul3A_2651 = arith.mulf %broadcast_in_dim3A_2572, %get3A_2650 : vector<16xf32>
        %add3A_2652 = arith.addf %add3A_2646, %mul3A_2651 : vector<16xf32>
        %swap3A_2653 = arith.index_cast %add3A_2576 : i32 to index
        %swap3A_2654 = arith.constant 32 : index
        %swap3A_2655 = tpu.vector_load %arg21[%swap3A_2653, %swap3A_2654] {strides = array<i32>} : memref<128x128xf32, #tpu.memory_space<vmem>>, vector<1x16xf32>,
        %swap3A_2656 = vector.shape_cast %swap3A_2655 : vector<1x16xf32> to vector<16xf32>
        %swap3A_2657 = vector.shape_cast %add3A_2652 : vector<16xf32> to vector<1x16xf32>
        tpu.vector_store %arg21[%swap3A_2653, %swap3A_2654], %swap3A_2657 {strides = array<i32>} : memref<128x128xf32, #tpu.memory_space<vmem>>, vector<1x16xf32>,
        %get3A_2658 = arith.index_cast %add3A_2576 : i32 to index
        %get3A_2659 = arith.constant 48 : index
        %get3A_2660 = tpu.vector_load %arg20[%get3A_2658, %get3A_2659] {strides = array<i32>} : memref<128x128xf32, #tpu.memory_space<vmem>>, vector<1x16xf32>,
        %get3A_2661 = vector.shape_cast %get3A_2660 : vector<1x16xf32> to vector<16xf32>
        %get3A_2662 = arith.index_cast %add3A_2576 : i32 to index
        %get3A_2663 = arith.constant 48 : index
        %get3A_2664 = tpu.vector_load %arg17[%get3A_2662, %get3A_2663] {strides = array<i32>} : memref<128x128xf32, #tpu.memory_space<vmem>>, vector<1x16xf32>,
        %get3A_2665 = vector.shape_cast %get3A_2664 : vector<1x16xf32> to vector<16xf32>
        %mul3A_2666 = arith.mulf %broadcast_in_dim3A_2566, %get3A_2665 : vector<16xf32>
        %add3A_2667 = arith.addf %get3A_2661, %mul3A_2666 : vector<16xf32>
        %get3A_2668 = arith.index_cast %add3A_2576 : i32 to index
        %get3A_2669 = arith.constant 48 : index
        %get3A_2670 = tpu.vector_load %arg18[%get3A_2668, %get3A_2669] {strides = array<i32>} : memref<128x128xf32, #tpu.memory_space<vmem>>, vector<1x16xf32>,
        %get3A_2671 = vector.shape_cast %get3A_2670 : vector<1x16xf32> to vector<16xf32>
        %mul3A_2672 = arith.mulf %broadcast_in_dim3A_2569, %get3A_2671 : vector<16xf32>
        %add3A_2673 = arith.addf %add3A_2667, %mul3A_2672 : vector<16xf32>
        %get3A_2674 = arith.index_cast %add3A_2576 : i32 to index
        %get3A_2675 = arith.constant 48 : index
        %get3A_2676 = tpu.vector_load %arg19[%get3A_2674, %get3A_2675] {strides = array<i32>} : memref<128x128xf32, #tpu.memory_space<vmem>>, vector<1x16xf32>,
        %get3A_2677 = vector.shape_cast %get3A_2676 : vector<1x16xf32> to vector<16xf32>
        %mul3A_2678 = arith.mulf %broadcast_in_dim3A_2572, %get3A_2677 : vector<16xf32>
        %add3A_2679 = arith.addf %add3A_2673, %mul3A_2678 : vector<16xf32>
        %swap3A_2680 = arith.index_cast %add3A_2576 : i32 to index
        %swap3A_2681 = arith.constant 48 : index
        %swap3A_2682 = tpu.vector_load %arg21[%swap3A_2680, %swap3A_2681] {strides = array<i32>} : memref<128x128xf32, #tpu.memory_space<vmem>>, vector<1x16xf32>,
        %swap3A_2683 = vector.shape_cast %swap3A_2682 : vector<1x16xf32> to vector<16xf32>
        %swap3A_2684 = vector.shape_cast %add3A_2679 : vector<16xf32> to vector<1x16xf32>
        tpu.vector_store %arg21[%swap3A_2680, %swap3A_2681], %swap3A_2684 {strides = array<i32>} : memref<128x128xf32, #tpu.memory_space<vmem>>, vector<1x16xf32>,
        %get3A_2685 = arith.index_cast %add3A_2576 : i32 to index
        %get3A_2686 = arith.constant 64 : index
        %get3A_2687 = tpu.vector_load %arg20[%get3A_2685, %get3A_2686] {strides = array<i32>} : memref<128x128xf32, #tpu.memory_space<vmem>>, vector<1x16xf32>,
        %get3A_2688 = vector.shape_cast %get3A_2687 : vector<1x16xf32> to vector<16xf32>
        %get3A_2689 = arith.index_cast %add3A_2576 : i32 to index
        %get3A_2690 = arith.constant 64 : index
        %get3A_2691 = tpu.vector_load %arg17[%get3A_2689, %get3A_2690] {strides = array<i32>} : memref<128x128xf32, #tpu.memory_space<vmem>>, vector<1x16xf32>,
        %get3A_2692 = vector.shape_cast %get3A_2691 : vector<1x16xf32> to vector<16xf32>
        %mul3A_2693 = arith.mulf %broadcast_in_dim3A_2566, %get3A_2692 : vector<16xf32>
        %add3A_2694 = arith.addf %get3A_2688, %mul3A_2693 : vector<16xf32>
        %get3A_2695 = arith.index_cast %add3A_2576 : i32 to index
        %get3A_2696 = arith.constant 64 : index
        %get3A_2697 = tpu.vector_load %arg18[%get3A_2695, %get3A_2696] {strides = array<i32>} : memref<128x128xf32, #tpu.memory_space<vmem>>, vector<1x16xf32>,
        %get3A_2698 = vector.shape_cast %get3A_2697 : vector<1x16xf32> to vector<16xf32>
        %mul3A_2699 = arith.mulf %broadcast_in_dim3A_2569, %get3A_2698 : vector<16xf32>
        %add3A_2700 = arith.addf %add3A_2694, %mul3A_2699 : vector<16xf32>
        %get3A_2701 = arith.index_cast %add3A_2576 : i32 to index
        %get3A_2702 = arith.constant 64 : index
        %get3A_2703 = tpu.vector_load %arg19[%get3A_2701, %get3A_2702] {strides = array<i32>} : memref<128x128xf32, #tpu.memory_space<vmem>>, vector<1x16xf32>,
        %get3A_2704 = vector.shape_cast %get3A_2703 : vector<1x16xf32> to vector<16xf32>
        %mul3A_2705 = arith.mulf %broadcast_in_dim3A_2572, %get3A_2704 : vector<16xf32>
        %add3A_2706 = arith.addf %add3A_2700, %mul3A_2705 : vector<16xf32>
        %swap3A_2707 = arith.index_cast %add3A_2576 : i32 to index
        %swap3A_2708 = arith.constant 64 : index
        %swap3A_2709 = tpu.vector_load %arg21[%swap3A_2707, %swap3A_2708] {strides = array<i32>} : memref<128x128xf32, #tpu.memory_space<vmem>>, vector<1x16xf32>,
        %swap3A_2710 = vector.shape_cast %swap3A_2709 : vector<1x16xf32> to vector<16xf32>
        %swap3A_2711 = vector.shape_cast %add3A_2706 : vector<16xf32> to vector<1x16xf32>
        tpu.vector_store %arg21[%swap3A_2707, %swap3A_2708], %swap3A_2711 {strides = array<i32>} : memref<128x128xf32, #tpu.memory_space<vmem>>, vector<1x16xf32>,
        %get3A_2712 = arith.index_cast %add3A_2576 : i32 to index
        %get3A_2713 = arith.constant 80 : index
        %get3A_2714 = tpu.vector_load %arg20[%get3A_2712, %get3A_2713] {strides = array<i32>} : memref<128x128xf32, #tpu.memory_space<vmem>>, vector<1x16xf32>,
        %get3A_2715 = vector.shape_cast %get3A_2714 : vector<1x16xf32> to vector<16xf32>
        %get3A_2716 = arith.index_cast %add3A_2576 : i32 to index
        %get3A_2717 = arith.constant 80 : index
        %get3A_2718 = tpu.vector_load %arg17[%get3A_2716, %get3A_2717] {strides = array<i32>} : memref<128x128xf32, #tpu.memory_space<vmem>>, vector<1x16xf32>,
        %get3A_2719 = vector.shape_cast %get3A_2718 : vector<1x16xf32> to vector<16xf32>
        %mul3A_2720 = arith.mulf %broadcast_in_dim3A_2566, %get3A_2719 : vector<16xf32>
        %add3A_2721 = arith.addf %get3A_2715, %mul3A_2720 : vector<16xf32>
        %get3A_2722 = arith.index_cast %add3A_2576 : i32 to index
        %get3A_2723 = arith.constant 80 : index
        %get3A_2724 = tpu.vector_load %arg18[%get3A_2722, %get3A_2723] {strides = array<i32>} : memref<128x128xf32, #tpu.memory_space<vmem>>, vector<1x16xf32>,
        %get3A_2725 = vector.shape_cast %get3A_2724 : vector<1x16xf32> to vector<16xf32>
        %mul3A_2726 = arith.mulf %broadcast_in_dim3A_2569, %get3A_2725 : vector<16xf32>
        %add3A_2727 = arith.addf %add3A_2721, %mul3A_2726 : vector<16xf32>
        %get3A_2728 = arith.index_cast %add3A_2576 : i32 to index
        %get3A_2729 = arith.constant 80 : index
        %get3A_2730 = tpu.vector_load %arg19[%get3A_2728, %get3A_2729] {strides = array<i32>} : memref<128x128xf32, #tpu.memory_space<vmem>>, vector<1x16xf32>,
        %get3A_2731 = vector.shape_cast %get3A_2730 : vector<1x16xf32> to vector<16xf32>
        %mul3A_2732 = arith.mulf %broadcast_in_dim3A_2572, %get3A_2731 : vector<16xf32>
        %add3A_2733 = arith.addf %add3A_2727, %mul3A_2732 : vector<16xf32>
        %swap3A_2734 = arith.index_cast %add3A_2576 : i32 to index
        %swap3A_2735 = arith.constant 80 : index
        %swap3A_2736 = tpu.vector_load %arg21[%swap3A_2734, %swap3A_2735] {strides = array<i32>} : memref<128x128xf32, #tpu.memory_space<vmem>>, vector<1x16xf32>,
        %swap3A_2737 = vector.shape_cast %swap3A_2736 : vector<1x16xf32> to vector<16xf32>
        %swap3A_2738 = vector.shape_cast %add3A_2733 : vector<16xf32> to vector<1x16xf32>
        tpu.vector_store %arg21[%swap3A_2734, %swap3A_2735], %swap3A_2738 {strides = array<i32>} : memref<128x128xf32, #tpu.memory_space<vmem>>, vector<1x16xf32>,
        %get3A_2739 = arith.index_cast %add3A_2576 : i32 to index
        %get3A_2740 = arith.constant 96 : index
        %get3A_2741 = tpu.vector_load %arg20[%get3A_2739, %get3A_2740] {strides = array<i32>} : memref<128x128xf32, #tpu.memory_space<vmem>>, vector<1x16xf32>,
        %get3A_2742 = vector.shape_cast %get3A_2741 : vector<1x16xf32> to vector<16xf32>
        %get3A_2743 = arith.index_cast %add3A_2576 : i32 to index
        %get3A_2744 = arith.constant 96 : index
        %get3A_2745 = tpu.vector_load %arg17[%get3A_2743, %get3A_2744] {strides = array<i32>} : memref<128x128xf32, #tpu.memory_space<vmem>>, vector<1x16xf32>,
        %get3A_2746 = vector.shape_cast %get3A_2745 : vector<1x16xf32> to vector<16xf32>
        %mul3A_2747 = arith.mulf %broadcast_in_dim3A_2566, %get3A_2746 : vector<16xf32>
        %add3A_2748 = arith.addf %get3A_2742, %mul3A_2747 : vector<16xf32>
        %get3A_2749 = arith.index_cast %add3A_2576 : i32 to index
        %get3A_2750 = arith.constant 96 : index
        %get3A_2751 = tpu.vector_load %arg18[%get3A_2749, %get3A_2750] {strides = array<i32>} : memref<128x128xf32, #tpu.memory_space<vmem>>, vector<1x16xf32>,
        %get3A_2752 = vector.shape_cast %get3A_2751 : vector<1x16xf32> to vector<16xf32>
        %mul3A_2753 = arith.mulf %broadcast_in_dim3A_2569, %get3A_2752 : vector<16xf32>
        %add3A_2754 = arith.addf %add3A_2748, %mul3A_2753 : vector<16xf32>
        %get3A_2755 = arith.index_cast %add3A_2576 : i32 to index
        %get3A_2756 = arith.constant 96 : index
        %get3A_2757 = tpu.vector_load %arg19[%get3A_2755, %get3A_2756] {strides = array<i32>} : memref<128x128xf32, #tpu.memory_space<vmem>>, vector<1x16xf32>,
        %get3A_2758 = vector.shape_cast %get3A_2757 : vector<1x16xf32> to vector<16xf32>
        %mul3A_2759 = arith.mulf %broadcast_in_dim3A_2572, %get3A_2758 : vector<16xf32>
        %add3A_2760 = arith.addf %add3A_2754, %mul3A_2759 : vector<16xf32>
        %swap3A_2761 = arith.index_cast %add3A_2576 : i32 to index
        %swap3A_2762 = arith.constant 96 : index
        %swap3A_2763 = tpu.vector_load %arg21[%swap3A_2761, %swap3A_2762] {strides = array<i32>} : memref<128x128xf32, #tpu.memory_space<vmem>>, vector<1x16xf32>,
        %swap3A_2764 = vector.shape_cast %swap3A_2763 : vector<1x16xf32> to vector<16xf32>
        %swap3A_2765 = vector.shape_cast %add3A_2760 : vector<16xf32> to vector<1x16xf32>
        tpu.vector_store %arg21[%swap3A_2761, %swap3A_2762], %swap3A_2765 {strides = array<i32>} : memref<128x128xf32, #tpu.memory_space<vmem>>, vector<1x16xf32>,
        %get3A_2766 = arith.index_cast %add3A_2576 : i32 to index
        %get3A_2767 = arith.constant 112 : index
        %get3A_2768 = tpu.vector_load %arg20[%get3A_2766, %get3A_2767] {strides = array<i32>} : memref<128x128xf32, #tpu.memory_space<vmem>>, vector<1x16xf32>,
        %get3A_2769 = vector.shape_cast %get3A_2768 : vector<1x16xf32> to vector<16xf32>
        %get3A_2770 = arith.index_cast %add3A_2576 : i32 to index
        %get3A_2771 = arith.constant 112 : index
        %get3A_2772 = tpu.vector_load %arg17[%get3A_2770, %get3A_2771] {strides = array<i32>} : memref<128x128xf32, #tpu.memory_space<vmem>>, vector<1x16xf32>,
        %get3A_2773 = vector.shape_cast %get3A_2772 : vector<1x16xf32> to vector<16xf32>
        %mul3A_2774 = arith.mulf %broadcast_in_dim3A_2566, %get3A_2773 : vector<16xf32>
        %add3A_2775 = arith.addf %get3A_2769, %mul3A_2774 : vector<16xf32>
        %get3A_2776 = arith.index_cast %add3A_2576 : i32 to index
        %get3A_2777 = arith.constant 112 : index
        %get3A_2778 = tpu.vector_load %arg18[%get3A_2776, %get3A_2777] {strides = array<i32>} : memref<128x128xf32, #tpu.memory_space<vmem>>, vector<1x16xf32>,
        %get3A_2779 = vector.shape_cast %get3A_2778 : vector<1x16xf32> to vector<16xf32>
        %mul3A_2780 = arith.mulf %broadcast_in_dim3A_2569, %get3A_2779 : vector<16xf32>
        %add3A_2781 = arith.addf %add3A_2775, %mul3A_2780 : vector<16xf32>
        %get3A_2782 = arith.index_cast %add3A_2576 : i32 to index
        %get3A_2783 = arith.constant 112 : index
        %get3A_2784 = tpu.vector_load %arg19[%get3A_2782, %get3A_2783] {strides = array<i32>} : memref<128x128xf32, #tpu.memory_space<vmem>>, vector<1x16xf32>,
        %get3A_2785 = vector.shape_cast %get3A_2784 : vector<1x16xf32> to vector<16xf32>
        %mul3A_2786 = arith.mulf %broadcast_in_dim3A_2572, %get3A_2785 : vector<16xf32>
        %add3A_2787 = arith.addf %add3A_2781, %mul3A_2786 : vector<16xf32>
        %swap3A_2788 = arith.index_cast %add3A_2576 : i32 to index
        %swap3A_2789 = arith.constant 112 : index
        %swap3A_2790 = tpu.vector_load %arg21[%swap3A_2788, %swap3A_2789] {strides = array<i32>} : memref<128x128xf32, #tpu.memory_space<vmem>>, vector<1x16xf32>,
        %swap3A_2791 = vector.shape_cast %swap3A_2790 : vector<1x16xf32> to vector<16xf32>
        %swap3A_2792 = vector.shape_cast %add3A_2787 : vector<16xf32> to vector<1x16xf32>
        tpu.vector_store %arg21[%swap3A_2788, %swap3A_2789], %swap3A_2792 {strides = array<i32>} : memref<128x128xf32, #tpu.memory_space<vmem>>, vector<1x16xf32>,
        %slice3A_2793 = vector.extract_strided_slice %get3A_38 {offsets = [12], sizes = [1], strides = [1]} : vector<16xf32> to vector<1xf32>
        %squeeze3A_2794 = vector.extract %slice3A_2793[0] : f32 from vector<1xf32>
        %broadcast_in_dim3A_2795 = vector.broadcast %squeeze3A_2794 : f32 to vector<16xf32>
        %slice3A_2796 = vector.extract_strided_slice %get3A_43 {offsets = [12], sizes = [1], strides = [1]} : vector<16xf32> to vector<1xf32>
        %squeeze3A_2797 = vector.extract %slice3A_2796[0] : f32 from vector<1xf32>
        %broadcast_in_dim3A_2798 = vector.broadcast %squeeze3A_2797 : f32 to vector<16xf32>
        %slice3A_2799 = vector.extract_strided_slice %get3A_48 {offsets = [12], sizes = [1], strides = [1]} : vector<16xf32> to vector<1xf32>
        %squeeze3A_2800 = vector.extract %slice3A_2799[0] : f32 from vector<1xf32>
        %broadcast_in_dim3A_2801 = vector.broadcast %squeeze3A_2800 : f32 to vector<16xf32>
        %mul3A_2802 = arith.constant 16 : i32
        %mul3A_2803 = arith.muli %scan3A_34, %mul3A_2802 : i32
        %add3A_2804 = arith.constant 12 : i32
        %add3A_2805 = arith.addi %mul3A_2803, %add3A_2804 : i32
        %get3A_2806 = arith.index_cast %add3A_2805 : i32 to index
        %get3A_2807 = arith.constant 0 : index
        %get3A_2808 = tpu.vector_load %arg20[%get3A_2806, %get3A_2807] {strides = array<i32>} : memref<128x128xf32, #tpu.memory_space<vmem>>, vector<1x16xf32>,
        %get3A_2809 = vector.shape_cast %get3A_2808 : vector<1x16xf32> to vector<16xf32>
        %get3A_2810 = arith.index_cast %add3A_2805 : i32 to index
        %get3A_2811 = arith.constant 0 : index
        %get3A_2812 = tpu.vector_load %arg17[%get3A_2810, %get3A_2811] {strides = array<i32>} : memref<128x128xf32, #tpu.memory_space<vmem>>, vector<1x16xf32>,
        %get3A_2813 = vector.shape_cast %get3A_2812 : vector<1x16xf32> to vector<16xf32>
        %mul3A_2814 = arith.mulf %broadcast_in_dim3A_2795, %get3A_2813 : vector<16xf32>
        %add3A_2815 = arith.addf %get3A_2809, %mul3A_2814 : vector<16xf32>
        %get3A_2816 = arith.index_cast %add3A_2805 : i32 to index
        %get3A_2817 = arith.constant 0 : index
        %get3A_2818 = tpu.vector_load %arg18[%get3A_2816, %get3A_2817] {strides = array<i32>} : memref<128x128xf32, #tpu.memory_space<vmem>>, vector<1x16xf32>,
        %get3A_2819 = vector.shape_cast %get3A_2818 : vector<1x16xf32> to vector<16xf32>
        %mul3A_2820 = arith.mulf %broadcast_in_dim3A_2798, %get3A_2819 : vector<16xf32>
        %add3A_2821 = arith.addf %add3A_2815, %mul3A_2820 : vector<16xf32>
        %get3A_2822 = arith.index_cast %add3A_2805 : i32 to index
        %get3A_2823 = arith.constant 0 : index
        %get3A_2824 = tpu.vector_load %arg19[%get3A_2822, %get3A_2823] {strides = array<i32>} : memref<128x128xf32, #tpu.memory_space<vmem>>, vector<1x16xf32>,
        %get3A_2825 = vector.shape_cast %get3A_2824 : vector<1x16xf32> to vector<16xf32>
        %mul3A_2826 = arith.mulf %broadcast_in_dim3A_2801, %get3A_2825 : vector<16xf32>
        %add3A_2827 = arith.addf %add3A_2821, %mul3A_2826 : vector<16xf32>
        %swap3A_2828 = arith.index_cast %add3A_2805 : i32 to index
        %swap3A_2829 = arith.constant 0 : index
        %swap3A_2830 = tpu.vector_load %arg21[%swap3A_2828, %swap3A_2829] {strides = array<i32>} : memref<128x128xf32, #tpu.memory_space<vmem>>, vector<1x16xf32>,
        %swap3A_2831 = vector.shape_cast %swap3A_2830 : vector<1x16xf32> to vector<16xf32>
        %swap3A_2832 = vector.shape_cast %add3A_2827 : vector<16xf32> to vector<1x16xf32>
        tpu.vector_store %arg21[%swap3A_2828, %swap3A_2829], %swap3A_2832 {strides = array<i32>} : memref<128x128xf32, #tpu.memory_space<vmem>>, vector<1x16xf32>,
        %get3A_2833 = arith.index_cast %add3A_2805 : i32 to index
        %get3A_2834 = arith.constant 16 : index
        %get3A_2835 = tpu.vector_load %arg20[%get3A_2833, %get3A_2834] {strides = array<i32>} : memref<128x128xf32, #tpu.memory_space<vmem>>, vector<1x16xf32>,
        %get3A_2836 = vector.shape_cast %get3A_2835 : vector<1x16xf32> to vector<16xf32>
        %get3A_2837 = arith.index_cast %add3A_2805 : i32 to index
        %get3A_2838 = arith.constant 16 : index
        %get3A_2839 = tpu.vector_load %arg17[%get3A_2837, %get3A_2838] {strides = array<i32>} : memref<128x128xf32, #tpu.memory_space<vmem>>, vector<1x16xf32>,
        %get3A_2840 = vector.shape_cast %get3A_2839 : vector<1x16xf32> to vector<16xf32>
        %mul3A_2841 = arith.mulf %broadcast_in_dim3A_2795, %get3A_2840 : vector<16xf32>
        %add3A_2842 = arith.addf %get3A_2836, %mul3A_2841 : vector<16xf32>
        %get3A_2843 = arith.index_cast %add3A_2805 : i32 to index
        %get3A_2844 = arith.constant 16 : index
        %get3A_2845 = tpu.vector_load %arg18[%get3A_2843, %get3A_2844] {strides = array<i32>} : memref<128x128xf32, #tpu.memory_space<vmem>>, vector<1x16xf32>,
        %get3A_2846 = vector.shape_cast %get3A_2845 : vector<1x16xf32> to vector<16xf32>
        %mul3A_2847 = arith.mulf %broadcast_in_dim3A_2798, %get3A_2846 : vector<16xf32>
        %add3A_2848 = arith.addf %add3A_2842, %mul3A_2847 : vector<16xf32>
        %get3A_2849 = arith.index_cast %add3A_2805 : i32 to index
        %get3A_2850 = arith.constant 16 : index
        %get3A_2851 = tpu.vector_load %arg19[%get3A_2849, %get3A_2850] {strides = array<i32>} : memref<128x128xf32, #tpu.memory_space<vmem>>, vector<1x16xf32>,
        %get3A_2852 = vector.shape_cast %get3A_2851 : vector<1x16xf32> to vector<16xf32>
        %mul3A_2853 = arith.mulf %broadcast_in_dim3A_2801, %get3A_2852 : vector<16xf32>
        %add3A_2854 = arith.addf %add3A_2848, %mul3A_2853 : vector<16xf32>
        %swap3A_2855 = arith.index_cast %add3A_2805 : i32 to index
        %swap3A_2856 = arith.constant 16 : index
        %swap3A_2857 = tpu.vector_load %arg21[%swap3A_2855, %swap3A_2856] {strides = array<i32>} : memref<128x128xf32, #tpu.memory_space<vmem>>, vector<1x16xf32>,
        %swap3A_2858 = vector.shape_cast %swap3A_2857 : vector<1x16xf32> to vector<16xf32>
        %swap3A_2859 = vector.shape_cast %add3A_2854 : vector<16xf32> to vector<1x16xf32>
        tpu.vector_store %arg21[%swap3A_2855, %swap3A_2856], %swap3A_2859 {strides = array<i32>} : memref<128x128xf32, #tpu.memory_space<vmem>>, vector<1x16xf32>,
        %get3A_2860 = arith.index_cast %add3A_2805 : i32 to index
        %get3A_2861 = arith.constant 32 : index
        %get3A_2862 = tpu.vector_load %arg20[%get3A_2860, %get3A_2861] {strides = array<i32>} : memref<128x128xf32, #tpu.memory_space<vmem>>, vector<1x16xf32>,
        %get3A_2863 = vector.shape_cast %get3A_2862 : vector<1x16xf32> to vector<16xf32>
        %get3A_2864 = arith.index_cast %add3A_2805 : i32 to index
        %get3A_2865 = arith.constant 32 : index
        %get3A_2866 = tpu.vector_load %arg17[%get3A_2864, %get3A_2865] {strides = array<i32>} : memref<128x128xf32, #tpu.memory_space<vmem>>, vector<1x16xf32>,
        %get3A_2867 = vector.shape_cast %get3A_2866 : vector<1x16xf32> to vector<16xf32>
        %mul3A_2868 = arith.mulf %broadcast_in_dim3A_2795, %get3A_2867 : vector<16xf32>
        %add3A_2869 = arith.addf %get3A_2863, %mul3A_2868 : vector<16xf32>
        %get3A_2870 = arith.index_cast %add3A_2805 : i32 to index
        %get3A_2871 = arith.constant 32 : index
        %get3A_2872 = tpu.vector_load %arg18[%get3A_2870, %get3A_2871] {strides = array<i32>} : memref<128x128xf32, #tpu.memory_space<vmem>>, vector<1x16xf32>,
        %get3A_2873 = vector.shape_cast %get3A_2872 : vector<1x16xf32> to vector<16xf32>
        %mul3A_2874 = arith.mulf %broadcast_in_dim3A_2798, %get3A_2873 : vector<16xf32>
        %add3A_2875 = arith.addf %add3A_2869, %mul3A_2874 : vector<16xf32>
        %get3A_2876 = arith.index_cast %add3A_2805 : i32 to index
        %get3A_2877 = arith.constant 32 : index
        %get3A_2878 = tpu.vector_load %arg19[%get3A_2876, %get3A_2877] {strides = array<i32>} : memref<128x128xf32, #tpu.memory_space<vmem>>, vector<1x16xf32>,
        %get3A_2879 = vector.shape_cast %get3A_2878 : vector<1x16xf32> to vector<16xf32>
        %mul3A_2880 = arith.mulf %broadcast_in_dim3A_2801, %get3A_2879 : vector<16xf32>
        %add3A_2881 = arith.addf %add3A_2875, %mul3A_2880 : vector<16xf32>
        %swap3A_2882 = arith.index_cast %add3A_2805 : i32 to index
        %swap3A_2883 = arith.constant 32 : index
        %swap3A_2884 = tpu.vector_load %arg21[%swap3A_2882, %swap3A_2883] {strides = array<i32>} : memref<128x128xf32, #tpu.memory_space<vmem>>, vector<1x16xf32>,
        %swap3A_2885 = vector.shape_cast %swap3A_2884 : vector<1x16xf32> to vector<16xf32>
        %swap3A_2886 = vector.shape_cast %add3A_2881 : vector<16xf32> to vector<1x16xf32>
        tpu.vector_store %arg21[%swap3A_2882, %swap3A_2883], %swap3A_2886 {strides = array<i32>} : memref<128x128xf32, #tpu.memory_space<vmem>>, vector<1x16xf32>,
        %get3A_2887 = arith.index_cast %add3A_2805 : i32 to index
        %get3A_2888 = arith.constant 48 : index
        %get3A_2889 = tpu.vector_load %arg20[%get3A_2887, %get3A_2888] {strides = array<i32>} : memref<128x128xf32, #tpu.memory_space<vmem>>, vector<1x16xf32>,
        %get3A_2890 = vector.shape_cast %get3A_2889 : vector<1x16xf32> to vector<16xf32>
        %get3A_2891 = arith.index_cast %add3A_2805 : i32 to index
        %get3A_2892 = arith.constant 48 : index
        %get3A_2893 = tpu.vector_load %arg17[%get3A_2891, %get3A_2892] {strides = array<i32>} : memref<128x128xf32, #tpu.memory_space<vmem>>, vector<1x16xf32>,
        %get3A_2894 = vector.shape_cast %get3A_2893 : vector<1x16xf32> to vector<16xf32>
        %mul3A_2895 = arith.mulf %broadcast_in_dim3A_2795, %get3A_2894 : vector<16xf32>
        %add3A_2896 = arith.addf %get3A_2890, %mul3A_2895 : vector<16xf32>
        %get3A_2897 = arith.index_cast %add3A_2805 : i32 to index
        %get3A_2898 = arith.constant 48 : index
        %get3A_2899 = tpu.vector_load %arg18[%get3A_2897, %get3A_2898] {strides = array<i32>} : memref<128x128xf32, #tpu.memory_space<vmem>>, vector<1x16xf32>,
        %get3A_2900 = vector.shape_cast %get3A_2899 : vector<1x16xf32> to vector<16xf32>
        %mul3A_2901 = arith.mulf %broadcast_in_dim3A_2798, %get3A_2900 : vector<16xf32>
        %add3A_2902 = arith.addf %add3A_2896, %mul3A_2901 : vector<16xf32>
        %get3A_2903 = arith.index_cast %add3A_2805 : i32 to index
        %get3A_2904 = arith.constant 48 : index
        %get3A_2905 = tpu.vector_load %arg19[%get3A_2903, %get3A_2904] {strides = array<i32>} : memref<128x128xf32, #tpu.memory_space<vmem>>, vector<1x16xf32>,
        %get3A_2906 = vector.shape_cast %get3A_2905 : vector<1x16xf32> to vector<16xf32>
        %mul3A_2907 = arith.mulf %broadcast_in_dim3A_2801, %get3A_2906 : vector<16xf32>
        %add3A_2908 = arith.addf %add3A_2902, %mul3A_2907 : vector<16xf32>
        %swap3A_2909 = arith.index_cast %add3A_2805 : i32 to index
        %swap3A_2910 = arith.constant 48 : index
        %swap3A_2911 = tpu.vector_load %arg21[%swap3A_2909, %swap3A_2910] {strides = array<i32>} : memref<128x128xf32, #tpu.memory_space<vmem>>, vector<1x16xf32>,
        %swap3A_2912 = vector.shape_cast %swap3A_2911 : vector<1x16xf32> to vector<16xf32>
        %swap3A_2913 = vector.shape_cast %add3A_2908 : vector<16xf32> to vector<1x16xf32>
        tpu.vector_store %arg21[%swap3A_2909, %swap3A_2910], %swap3A_2913 {strides = array<i32>} : memref<128x128xf32, #tpu.memory_space<vmem>>, vector<1x16xf32>,
        %get3A_2914 = arith.index_cast %add3A_2805 : i32 to index
        %get3A_2915 = arith.constant 64 : index
        %get3A_2916 = tpu.vector_load %arg20[%get3A_2914, %get3A_2915] {strides = array<i32>} : memref<128x128xf32, #tpu.memory_space<vmem>>, vector<1x16xf32>,
        %get3A_2917 = vector.shape_cast %get3A_2916 : vector<1x16xf32> to vector<16xf32>
        %get3A_2918 = arith.index_cast %add3A_2805 : i32 to index
        %get3A_2919 = arith.constant 64 : index
        %get3A_2920 = tpu.vector_load %arg17[%get3A_2918, %get3A_2919] {strides = array<i32>} : memref<128x128xf32, #tpu.memory_space<vmem>>, vector<1x16xf32>,
        %get3A_2921 = vector.shape_cast %get3A_2920 : vector<1x16xf32> to vector<16xf32>
        %mul3A_2922 = arith.mulf %broadcast_in_dim3A_2795, %get3A_2921 : vector<16xf32>
        %add3A_2923 = arith.addf %get3A_2917, %mul3A_2922 : vector<16xf32>
        %get3A_2924 = arith.index_cast %add3A_2805 : i32 to index
        %get3A_2925 = arith.constant 64 : index
        %get3A_2926 = tpu.vector_load %arg18[%get3A_2924, %get3A_2925] {strides = array<i32>} : memref<128x128xf32, #tpu.memory_space<vmem>>, vector<1x16xf32>,
        %get3A_2927 = vector.shape_cast %get3A_2926 : vector<1x16xf32> to vector<16xf32>
        %mul3A_2928 = arith.mulf %broadcast_in_dim3A_2798, %get3A_2927 : vector<16xf32>
        %add3A_2929 = arith.addf %add3A_2923, %mul3A_2928 : vector<16xf32>
        %get3A_2930 = arith.index_cast %add3A_2805 : i32 to index
        %get3A_2931 = arith.constant 64 : index
        %get3A_2932 = tpu.vector_load %arg19[%get3A_2930, %get3A_2931] {strides = array<i32>} : memref<128x128xf32, #tpu.memory_space<vmem>>, vector<1x16xf32>,
        %get3A_2933 = vector.shape_cast %get3A_2932 : vector<1x16xf32> to vector<16xf32>
        %mul3A_2934 = arith.mulf %broadcast_in_dim3A_2801, %get3A_2933 : vector<16xf32>
        %add3A_2935 = arith.addf %add3A_2929, %mul3A_2934 : vector<16xf32>
        %swap3A_2936 = arith.index_cast %add3A_2805 : i32 to index
        %swap3A_2937 = arith.constant 64 : index
        %swap3A_2938 = tpu.vector_load %arg21[%swap3A_2936, %swap3A_2937] {strides = array<i32>} : memref<128x128xf32, #tpu.memory_space<vmem>>, vector<1x16xf32>,
        %swap3A_2939 = vector.shape_cast %swap3A_2938 : vector<1x16xf32> to vector<16xf32>
        %swap3A_2940 = vector.shape_cast %add3A_2935 : vector<16xf32> to vector<1x16xf32>
        tpu.vector_store %arg21[%swap3A_2936, %swap3A_2937], %swap3A_2940 {strides = array<i32>} : memref<128x128xf32, #tpu.memory_space<vmem>>, vector<1x16xf32>,
        %get3A_2941 = arith.index_cast %add3A_2805 : i32 to index
        %get3A_2942 = arith.constant 80 : index
        %get3A_2943 = tpu.vector_load %arg20[%get3A_2941, %get3A_2942] {strides = array<i32>} : memref<128x128xf32, #tpu.memory_space<vmem>>, vector<1x16xf32>,
        %get3A_2944 = vector.shape_cast %get3A_2943 : vector<1x16xf32> to vector<16xf32>
        %get3A_2945 = arith.index_cast %add3A_2805 : i32 to index
        %get3A_2946 = arith.constant 80 : index
        %get3A_2947 = tpu.vector_load %arg17[%get3A_2945, %get3A_2946] {strides = array<i32>} : memref<128x128xf32, #tpu.memory_space<vmem>>, vector<1x16xf32>,
        %get3A_2948 = vector.shape_cast %get3A_2947 : vector<1x16xf32> to vector<16xf32>
        %mul3A_2949 = arith.mulf %broadcast_in_dim3A_2795, %get3A_2948 : vector<16xf32>
        %add3A_2950 = arith.addf %get3A_2944, %mul3A_2949 : vector<16xf32>
        %get3A_2951 = arith.index_cast %add3A_2805 : i32 to index
        %get3A_2952 = arith.constant 80 : index
        %get3A_2953 = tpu.vector_load %arg18[%get3A_2951, %get3A_2952] {strides = array<i32>} : memref<128x128xf32, #tpu.memory_space<vmem>>, vector<1x16xf32>,
        %get3A_2954 = vector.shape_cast %get3A_2953 : vector<1x16xf32> to vector<16xf32>
        %mul3A_2955 = arith.mulf %broadcast_in_dim3A_2798, %get3A_2954 : vector<16xf32>
        %add3A_2956 = arith.addf %add3A_2950, %mul3A_2955 : vector<16xf32>
        %get3A_2957 = arith.index_cast %add3A_2805 : i32 to index
        %get3A_2958 = arith.constant 80 : index
        %get3A_2959 = tpu.vector_load %arg19[%get3A_2957, %get3A_2958] {strides = array<i32>} : memref<128x128xf32, #tpu.memory_space<vmem>>, vector<1x16xf32>,
        %get3A_2960 = vector.shape_cast %get3A_2959 : vector<1x16xf32> to vector<16xf32>
        %mul3A_2961 = arith.mulf %broadcast_in_dim3A_2801, %get3A_2960 : vector<16xf32>
        %add3A_2962 = arith.addf %add3A_2956, %mul3A_2961 : vector<16xf32>
        %swap3A_2963 = arith.index_cast %add3A_2805 : i32 to index
        %swap3A_2964 = arith.constant 80 : index
        %swap3A_2965 = tpu.vector_load %arg21[%swap3A_2963, %swap3A_2964] {strides = array<i32>} : memref<128x128xf32, #tpu.memory_space<vmem>>, vector<1x16xf32>,
        %swap3A_2966 = vector.shape_cast %swap3A_2965 : vector<1x16xf32> to vector<16xf32>
        %swap3A_2967 = vector.shape_cast %add3A_2962 : vector<16xf32> to vector<1x16xf32>
        tpu.vector_store %arg21[%swap3A_2963, %swap3A_2964], %swap3A_2967 {strides = array<i32>} : memref<128x128xf32, #tpu.memory_space<vmem>>, vector<1x16xf32>,
        %get3A_2968 = arith.index_cast %add3A_2805 : i32 to index
        %get3A_2969 = arith.constant 96 : index
        %get3A_2970 = tpu.vector_load %arg20[%get3A_2968, %get3A_2969] {strides = array<i32>} : memref<128x128xf32, #tpu.memory_space<vmem>>, vector<1x16xf32>,
        %get3A_2971 = vector.shape_cast %get3A_2970 : vector<1x16xf32> to vector<16xf32>
        %get3A_2972 = arith.index_cast %add3A_2805 : i32 to index
        %get3A_2973 = arith.constant 96 : index
        %get3A_2974 = tpu.vector_load %arg17[%get3A_2972, %get3A_2973] {strides = array<i32>} : memref<128x128xf32, #tpu.memory_space<vmem>>, vector<1x16xf32>,
        %get3A_2975 = vector.shape_cast %get3A_2974 : vector<1x16xf32> to vector<16xf32>
        %mul3A_2976 = arith.mulf %broadcast_in_dim3A_2795, %get3A_2975 : vector<16xf32>
        %add3A_2977 = arith.addf %get3A_2971, %mul3A_2976 : vector<16xf32>
        %get3A_2978 = arith.index_cast %add3A_2805 : i32 to index
        %get3A_2979 = arith.constant 96 : index
        %get3A_2980 = tpu.vector_load %arg18[%get3A_2978, %get3A_2979] {strides = array<i32>} : memref<128x128xf32, #tpu.memory_space<vmem>>, vector<1x16xf32>,
        %get3A_2981 = vector.shape_cast %get3A_2980 : vector<1x16xf32> to vector<16xf32>
        %mul3A_2982 = arith.mulf %broadcast_in_dim3A_2798, %get3A_2981 : vector<16xf32>
        %add3A_2983 = arith.addf %add3A_2977, %mul3A_2982 : vector<16xf32>
        %get3A_2984 = arith.index_cast %add3A_2805 : i32 to index
        %get3A_2985 = arith.constant 96 : index
        %get3A_2986 = tpu.vector_load %arg19[%get3A_2984, %get3A_2985] {strides = array<i32>} : memref<128x128xf32, #tpu.memory_space<vmem>>, vector<1x16xf32>,
        %get3A_2987 = vector.shape_cast %get3A_2986 : vector<1x16xf32> to vector<16xf32>
        %mul3A_2988 = arith.mulf %broadcast_in_dim3A_2801, %get3A_2987 : vector<16xf32>
        %add3A_2989 = arith.addf %add3A_2983, %mul3A_2988 : vector<16xf32>
        %swap3A_2990 = arith.index_cast %add3A_2805 : i32 to index
        %swap3A_2991 = arith.constant 96 : index
        %swap3A_2992 = tpu.vector_load %arg21[%swap3A_2990, %swap3A_2991] {strides = array<i32>} : memref<128x128xf32, #tpu.memory_space<vmem>>, vector<1x16xf32>,
        %swap3A_2993 = vector.shape_cast %swap3A_2992 : vector<1x16xf32> to vector<16xf32>
        %swap3A_2994 = vector.shape_cast %add3A_2989 : vector<16xf32> to vector<1x16xf32>
        tpu.vector_store %arg21[%swap3A_2990, %swap3A_2991], %swap3A_2994 {strides = array<i32>} : memref<128x128xf32, #tpu.memory_space<vmem>>, vector<1x16xf32>,
        %get3A_2995 = arith.index_cast %add3A_2805 : i32 to index
        %get3A_2996 = arith.constant 112 : index
        %get3A_2997 = tpu.vector_load %arg20[%get3A_2995, %get3A_2996] {strides = array<i32>} : memref<128x128xf32, #tpu.memory_space<vmem>>, vector<1x16xf32>,
        %get3A_2998 = vector.shape_cast %get3A_2997 : vector<1x16xf32> to vector<16xf32>
        %get3A_2999 = arith.index_cast %add3A_2805 : i32 to index
        %get3A_3000 = arith.constant 112 : index
        %get3A_3001 = tpu.vector_load %arg17[%get3A_2999, %get3A_3000] {strides = array<i32>} : memref<128x128xf32, #tpu.memory_space<vmem>>, vector<1x16xf32>,
        %get3A_3002 = vector.shape_cast %get3A_3001 : vector<1x16xf32> to vector<16xf32>
        %mul3A_3003 = arith.mulf %broadcast_in_dim3A_2795, %get3A_3002 : vector<16xf32>
        %add3A_3004 = arith.addf %get3A_2998, %mul3A_3003 : vector<16xf32>
        %get3A_3005 = arith.index_cast %add3A_2805 : i32 to index
        %get3A_3006 = arith.constant 112 : index
        %get3A_3007 = tpu.vector_load %arg18[%get3A_3005, %get3A_3006] {strides = array<i32>} : memref<128x128xf32, #tpu.memory_space<vmem>>, vector<1x16xf32>,
        %get3A_3008 = vector.shape_cast %get3A_3007 : vector<1x16xf32> to vector<16xf32>
        %mul3A_3009 = arith.mulf %broadcast_in_dim3A_2798, %get3A_3008 : vector<16xf32>
        %add3A_3010 = arith.addf %add3A_3004, %mul3A_3009 : vector<16xf32>
        %get3A_3011 = arith.index_cast %add3A_2805 : i32 to index
        %get3A_3012 = arith.constant 112 : index
        %get3A_3013 = tpu.vector_load %arg19[%get3A_3011, %get3A_3012] {strides = array<i32>} : memref<128x128xf32, #tpu.memory_space<vmem>>, vector<1x16xf32>,
        %get3A_3014 = vector.shape_cast %get3A_3013 : vector<1x16xf32> to vector<16xf32>
        %mul3A_3015 = arith.mulf %broadcast_in_dim3A_2801, %get3A_3014 : vector<16xf32>
        %add3A_3016 = arith.addf %add3A_3010, %mul3A_3015 : vector<16xf32>
        %swap3A_3017 = arith.index_cast %add3A_2805 : i32 to index
        %swap3A_3018 = arith.constant 112 : index
        %swap3A_3019 = tpu.vector_load %arg21[%swap3A_3017, %swap3A_3018] {strides = array<i32>} : memref<128x128xf32, #tpu.memory_space<vmem>>, vector<1x16xf32>,
        %swap3A_3020 = vector.shape_cast %swap3A_3019 : vector<1x16xf32> to vector<16xf32>
        %swap3A_3021 = vector.shape_cast %add3A_3016 : vector<16xf32> to vector<1x16xf32>
        tpu.vector_store %arg21[%swap3A_3017, %swap3A_3018], %swap3A_3021 {strides = array<i32>} : memref<128x128xf32, #tpu.memory_space<vmem>>, vector<1x16xf32>,
        %slice3A_3022 = vector.extract_strided_slice %get3A_38 {offsets = [13], sizes = [1], strides = [1]} : vector<16xf32> to vector<1xf32>
        %squeeze3A_3023 = vector.extract %slice3A_3022[0] : f32 from vector<1xf32>
        %broadcast_in_dim3A_3024 = vector.broadcast %squeeze3A_3023 : f32 to vector<16xf32>
        %slice3A_3025 = vector.extract_strided_slice %get3A_43 {offsets = [13], sizes = [1], strides = [1]} : vector<16xf32> to vector<1xf32>
        %squeeze3A_3026 = vector.extract %slice3A_3025[0] : f32 from vector<1xf32>
        %broadcast_in_dim3A_3027 = vector.broadcast %squeeze3A_3026 : f32 to vector<16xf32>
        %slice3A_3028 = vector.extract_strided_slice %get3A_48 {offsets = [13], sizes = [1], strides = [1]} : vector<16xf32> to vector<1xf32>
        %squeeze3A_3029 = vector.extract %slice3A_3028[0] : f32 from vector<1xf32>
        %broadcast_in_dim3A_3030 = vector.broadcast %squeeze3A_3029 : f32 to vector<16xf32>
        %mul3A_3031 = arith.constant 16 : i32
        %mul3A_3032 = arith.muli %scan3A_34, %mul3A_3031 : i32
        %add3A_3033 = arith.constant 13 : i32
        %add3A_3034 = arith.addi %mul3A_3032, %add3A_3033 : i32
        %get3A_3035 = arith.index_cast %add3A_3034 : i32 to index
        %get3A_3036 = arith.constant 0 : index
        %get3A_3037 = tpu.vector_load %arg20[%get3A_3035, %get3A_3036] {strides = array<i32>} : memref<128x128xf32, #tpu.memory_space<vmem>>, vector<1x16xf32>,
        %get3A_3038 = vector.shape_cast %get3A_3037 : vector<1x16xf32> to vector<16xf32>
        %get3A_3039 = arith.index_cast %add3A_3034 : i32 to index
        %get3A_3040 = arith.constant 0 : index
        %get3A_3041 = tpu.vector_load %arg17[%get3A_3039, %get3A_3040] {strides = array<i32>} : memref<128x128xf32, #tpu.memory_space<vmem>>, vector<1x16xf32>,
        %get3A_3042 = vector.shape_cast %get3A_3041 : vector<1x16xf32> to vector<16xf32>
        %mul3A_3043 = arith.mulf %broadcast_in_dim3A_3024, %get3A_3042 : vector<16xf32>
        %add3A_3044 = arith.addf %get3A_3038, %mul3A_3043 : vector<16xf32>
        %get3A_3045 = arith.index_cast %add3A_3034 : i32 to index
        %get3A_3046 = arith.constant 0 : index
        %get3A_3047 = tpu.vector_load %arg18[%get3A_3045, %get3A_3046] {strides = array<i32>} : memref<128x128xf32, #tpu.memory_space<vmem>>, vector<1x16xf32>,
        %get3A_3048 = vector.shape_cast %get3A_3047 : vector<1x16xf32> to vector<16xf32>
        %mul3A_3049 = arith.mulf %broadcast_in_dim3A_3027, %get3A_3048 : vector<16xf32>
        %add3A_3050 = arith.addf %add3A_3044, %mul3A_3049 : vector<16xf32>
        %get3A_3051 = arith.index_cast %add3A_3034 : i32 to index
        %get3A_3052 = arith.constant 0 : index
        %get3A_3053 = tpu.vector_load %arg19[%get3A_3051, %get3A_3052] {strides = array<i32>} : memref<128x128xf32, #tpu.memory_space<vmem>>, vector<1x16xf32>,
        %get3A_3054 = vector.shape_cast %get3A_3053 : vector<1x16xf32> to vector<16xf32>
        %mul3A_3055 = arith.mulf %broadcast_in_dim3A_3030, %get3A_3054 : vector<16xf32>
        %add3A_3056 = arith.addf %add3A_3050, %mul3A_3055 : vector<16xf32>
        %swap3A_3057 = arith.index_cast %add3A_3034 : i32 to index
        %swap3A_3058 = arith.constant 0 : index
        %swap3A_3059 = tpu.vector_load %arg21[%swap3A_3057, %swap3A_3058] {strides = array<i32>} : memref<128x128xf32, #tpu.memory_space<vmem>>, vector<1x16xf32>,
        %swap3A_3060 = vector.shape_cast %swap3A_3059 : vector<1x16xf32> to vector<16xf32>
        %swap3A_3061 = vector.shape_cast %add3A_3056 : vector<16xf32> to vector<1x16xf32>
        tpu.vector_store %arg21[%swap3A_3057, %swap3A_3058], %swap3A_3061 {strides = array<i32>} : memref<128x128xf32, #tpu.memory_space<vmem>>, vector<1x16xf32>,
        %get3A_3062 = arith.index_cast %add3A_3034 : i32 to index
        %get3A_3063 = arith.constant 16 : index
        %get3A_3064 = tpu.vector_load %arg20[%get3A_3062, %get3A_3063] {strides = array<i32>} : memref<128x128xf32, #tpu.memory_space<vmem>>, vector<1x16xf32>,
        %get3A_3065 = vector.shape_cast %get3A_3064 : vector<1x16xf32> to vector<16xf32>
        %get3A_3066 = arith.index_cast %add3A_3034 : i32 to index
        %get3A_3067 = arith.constant 16 : index
        %get3A_3068 = tpu.vector_load %arg17[%get3A_3066, %get3A_3067] {strides = array<i32>} : memref<128x128xf32, #tpu.memory_space<vmem>>, vector<1x16xf32>,
        %get3A_3069 = vector.shape_cast %get3A_3068 : vector<1x16xf32> to vector<16xf32>
        %mul3A_3070 = arith.mulf %broadcast_in_dim3A_3024, %get3A_3069 : vector<16xf32>
        %add3A_3071 = arith.addf %get3A_3065, %mul3A_3070 : vector<16xf32>
        %get3A_3072 = arith.index_cast %add3A_3034 : i32 to index
        %get3A_3073 = arith.constant 16 : index
        %get3A_3074 = tpu.vector_load %arg18[%get3A_3072, %get3A_3073] {strides = array<i32>} : memref<128x128xf32, #tpu.memory_space<vmem>>, vector<1x16xf32>,
        %get3A_3075 = vector.shape_cast %get3A_3074 : vector<1x16xf32> to vector<16xf32>
        %mul3A_3076 = arith.mulf %broadcast_in_dim3A_3027, %get3A_3075 : vector<16xf32>
        %add3A_3077 = arith.addf %add3A_3071, %mul3A_3076 : vector<16xf32>
        %get3A_3078 = arith.index_cast %add3A_3034 : i32 to index
        %get3A_3079 = arith.constant 16 : index
        %get3A_3080 = tpu.vector_load %arg19[%get3A_3078, %get3A_3079] {strides = array<i32>} : memref<128x128xf32, #tpu.memory_space<vmem>>, vector<1x16xf32>,
        %get3A_3081 = vector.shape_cast %get3A_3080 : vector<1x16xf32> to vector<16xf32>
        %mul3A_3082 = arith.mulf %broadcast_in_dim3A_3030, %get3A_3081 : vector<16xf32>
        %add3A_3083 = arith.addf %add3A_3077, %mul3A_3082 : vector<16xf32>
        %swap3A_3084 = arith.index_cast %add3A_3034 : i32 to index
        %swap3A_3085 = arith.constant 16 : index
        %swap3A_3086 = tpu.vector_load %arg21[%swap3A_3084, %swap3A_3085] {strides = array<i32>} : memref<128x128xf32, #tpu.memory_space<vmem>>, vector<1x16xf32>,
        %swap3A_3087 = vector.shape_cast %swap3A_3086 : vector<1x16xf32> to vector<16xf32>
        %swap3A_3088 = vector.shape_cast %add3A_3083 : vector<16xf32> to vector<1x16xf32>
        tpu.vector_store %arg21[%swap3A_3084, %swap3A_3085], %swap3A_3088 {strides = array<i32>} : memref<128x128xf32, #tpu.memory_space<vmem>>, vector<1x16xf32>,
        %get3A_3089 = arith.index_cast %add3A_3034 : i32 to index
        %get3A_3090 = arith.constant 32 : index
        %get3A_3091 = tpu.vector_load %arg20[%get3A_3089, %get3A_3090] {strides = array<i32>} : memref<128x128xf32, #tpu.memory_space<vmem>>, vector<1x16xf32>,
        %get3A_3092 = vector.shape_cast %get3A_3091 : vector<1x16xf32> to vector<16xf32>
        %get3A_3093 = arith.index_cast %add3A_3034 : i32 to index
        %get3A_3094 = arith.constant 32 : index
        %get3A_3095 = tpu.vector_load %arg17[%get3A_3093, %get3A_3094] {strides = array<i32>} : memref<128x128xf32, #tpu.memory_space<vmem>>, vector<1x16xf32>,
        %get3A_3096 = vector.shape_cast %get3A_3095 : vector<1x16xf32> to vector<16xf32>
        %mul3A_3097 = arith.mulf %broadcast_in_dim3A_3024, %get3A_3096 : vector<16xf32>
        %add3A_3098 = arith.addf %get3A_3092, %mul3A_3097 : vector<16xf32>
        %get3A_3099 = arith.index_cast %add3A_3034 : i32 to index
        %get3A_3100 = arith.constant 32 : index
        %get3A_3101 = tpu.vector_load %arg18[%get3A_3099, %get3A_3100] {strides = array<i32>} : memref<128x128xf32, #tpu.memory_space<vmem>>, vector<1x16xf32>,
        %get3A_3102 = vector.shape_cast %get3A_3101 : vector<1x16xf32> to vector<16xf32>
        %mul3A_3103 = arith.mulf %broadcast_in_dim3A_3027, %get3A_3102 : vector<16xf32>
        %add3A_3104 = arith.addf %add3A_3098, %mul3A_3103 : vector<16xf32>
        %get3A_3105 = arith.index_cast %add3A_3034 : i32 to index
        %get3A_3106 = arith.constant 32 : index
        %get3A_3107 = tpu.vector_load %arg19[%get3A_3105, %get3A_3106] {strides = array<i32>} : memref<128x128xf32, #tpu.memory_space<vmem>>, vector<1x16xf32>,
        %get3A_3108 = vector.shape_cast %get3A_3107 : vector<1x16xf32> to vector<16xf32>
        %mul3A_3109 = arith.mulf %broadcast_in_dim3A_3030, %get3A_3108 : vector<16xf32>
        %add3A_3110 = arith.addf %add3A_3104, %mul3A_3109 : vector<16xf32>
        %swap3A_3111 = arith.index_cast %add3A_3034 : i32 to index
        %swap3A_3112 = arith.constant 32 : index
        %swap3A_3113 = tpu.vector_load %arg21[%swap3A_3111, %swap3A_3112] {strides = array<i32>} : memref<128x128xf32, #tpu.memory_space<vmem>>, vector<1x16xf32>,
        %swap3A_3114 = vector.shape_cast %swap3A_3113 : vector<1x16xf32> to vector<16xf32>
        %swap3A_3115 = vector.shape_cast %add3A_3110 : vector<16xf32> to vector<1x16xf32>
        tpu.vector_store %arg21[%swap3A_3111, %swap3A_3112], %swap3A_3115 {strides = array<i32>} : memref<128x128xf32, #tpu.memory_space<vmem>>, vector<1x16xf32>,
        %get3A_3116 = arith.index_cast %add3A_3034 : i32 to index
        %get3A_3117 = arith.constant 48 : index
        %get3A_3118 = tpu.vector_load %arg20[%get3A_3116, %get3A_3117] {strides = array<i32>} : memref<128x128xf32, #tpu.memory_space<vmem>>, vector<1x16xf32>,
        %get3A_3119 = vector.shape_cast %get3A_3118 : vector<1x16xf32> to vector<16xf32>
        %get3A_3120 = arith.index_cast %add3A_3034 : i32 to index
        %get3A_3121 = arith.constant 48 : index
        %get3A_3122 = tpu.vector_load %arg17[%get3A_3120, %get3A_3121] {strides = array<i32>} : memref<128x128xf32, #tpu.memory_space<vmem>>, vector<1x16xf32>,
        %get3A_3123 = vector.shape_cast %get3A_3122 : vector<1x16xf32> to vector<16xf32>
        %mul3A_3124 = arith.mulf %broadcast_in_dim3A_3024, %get3A_3123 : vector<16xf32>
        %add3A_3125 = arith.addf %get3A_3119, %mul3A_3124 : vector<16xf32>
        %get3A_3126 = arith.index_cast %add3A_3034 : i32 to index
        %get3A_3127 = arith.constant 48 : index
        %get3A_3128 = tpu.vector_load %arg18[%get3A_3126, %get3A_3127] {strides = array<i32>} : memref<128x128xf32, #tpu.memory_space<vmem>>, vector<1x16xf32>,
        %get3A_3129 = vector.shape_cast %get3A_3128 : vector<1x16xf32> to vector<16xf32>
        %mul3A_3130 = arith.mulf %broadcast_in_dim3A_3027, %get3A_3129 : vector<16xf32>
        %add3A_3131 = arith.addf %add3A_3125, %mul3A_3130 : vector<16xf32>
        %get3A_3132 = arith.index_cast %add3A_3034 : i32 to index
        %get3A_3133 = arith.constant 48 : index
        %get3A_3134 = tpu.vector_load %arg19[%get3A_3132, %get3A_3133] {strides = array<i32>} : memref<128x128xf32, #tpu.memory_space<vmem>>, vector<1x16xf32>,
        %get3A_3135 = vector.shape_cast %get3A_3134 : vector<1x16xf32> to vector<16xf32>
        %mul3A_3136 = arith.mulf %broadcast_in_dim3A_3030, %get3A_3135 : vector<16xf32>
        %add3A_3137 = arith.addf %add3A_3131, %mul3A_3136 : vector<16xf32>
        %swap3A_3138 = arith.index_cast %add3A_3034 : i32 to index
        %swap3A_3139 = arith.constant 48 : index
        %swap3A_3140 = tpu.vector_load %arg21[%swap3A_3138, %swap3A_3139] {strides = array<i32>} : memref<128x128xf32, #tpu.memory_space<vmem>>, vector<1x16xf32>,
        %swap3A_3141 = vector.shape_cast %swap3A_3140 : vector<1x16xf32> to vector<16xf32>
        %swap3A_3142 = vector.shape_cast %add3A_3137 : vector<16xf32> to vector<1x16xf32>
        tpu.vector_store %arg21[%swap3A_3138, %swap3A_3139], %swap3A_3142 {strides = array<i32>} : memref<128x128xf32, #tpu.memory_space<vmem>>, vector<1x16xf32>,
        %get3A_3143 = arith.index_cast %add3A_3034 : i32 to index
        %get3A_3144 = arith.constant 64 : index
        %get3A_3145 = tpu.vector_load %arg20[%get3A_3143, %get3A_3144] {strides = array<i32>} : memref<128x128xf32, #tpu.memory_space<vmem>>, vector<1x16xf32>,
        %get3A_3146 = vector.shape_cast %get3A_3145 : vector<1x16xf32> to vector<16xf32>
        %get3A_3147 = arith.index_cast %add3A_3034 : i32 to index
        %get3A_3148 = arith.constant 64 : index
        %get3A_3149 = tpu.vector_load %arg17[%get3A_3147, %get3A_3148] {strides = array<i32>} : memref<128x128xf32, #tpu.memory_space<vmem>>, vector<1x16xf32>,
        %get3A_3150 = vector.shape_cast %get3A_3149 : vector<1x16xf32> to vector<16xf32>
        %mul3A_3151 = arith.mulf %broadcast_in_dim3A_3024, %get3A_3150 : vector<16xf32>
        %add3A_3152 = arith.addf %get3A_3146, %mul3A_3151 : vector<16xf32>
        %get3A_3153 = arith.index_cast %add3A_3034 : i32 to index
        %get3A_3154 = arith.constant 64 : index
        %get3A_3155 = tpu.vector_load %arg18[%get3A_3153, %get3A_3154] {strides = array<i32>} : memref<128x128xf32, #tpu.memory_space<vmem>>, vector<1x16xf32>,
        %get3A_3156 = vector.shape_cast %get3A_3155 : vector<1x16xf32> to vector<16xf32>
        %mul3A_3157 = arith.mulf %broadcast_in_dim3A_3027, %get3A_3156 : vector<16xf32>
        %add3A_3158 = arith.addf %add3A_3152, %mul3A_3157 : vector<16xf32>
        %get3A_3159 = arith.index_cast %add3A_3034 : i32 to index
        %get3A_3160 = arith.constant 64 : index
        %get3A_3161 = tpu.vector_load %arg19[%get3A_3159, %get3A_3160] {strides = array<i32>} : memref<128x128xf32, #tpu.memory_space<vmem>>, vector<1x16xf32>,
        %get3A_3162 = vector.shape_cast %get3A_3161 : vector<1x16xf32> to vector<16xf32>
        %mul3A_3163 = arith.mulf %broadcast_in_dim3A_3030, %get3A_3162 : vector<16xf32>
        %add3A_3164 = arith.addf %add3A_3158, %mul3A_3163 : vector<16xf32>
        %swap3A_3165 = arith.index_cast %add3A_3034 : i32 to index
        %swap3A_3166 = arith.constant 64 : index
        %swap3A_3167 = tpu.vector_load %arg21[%swap3A_3165, %swap3A_3166] {strides = array<i32>} : memref<128x128xf32, #tpu.memory_space<vmem>>, vector<1x16xf32>,
        %swap3A_3168 = vector.shape_cast %swap3A_3167 : vector<1x16xf32> to vector<16xf32>
        %swap3A_3169 = vector.shape_cast %add3A_3164 : vector<16xf32> to vector<1x16xf32>
        tpu.vector_store %arg21[%swap3A_3165, %swap3A_3166], %swap3A_3169 {strides = array<i32>} : memref<128x128xf32, #tpu.memory_space<vmem>>, vector<1x16xf32>,
        %get3A_3170 = arith.index_cast %add3A_3034 : i32 to index
        %get3A_3171 = arith.constant 80 : index
        %get3A_3172 = tpu.vector_load %arg20[%get3A_3170, %get3A_3171] {strides = array<i32>} : memref<128x128xf32, #tpu.memory_space<vmem>>, vector<1x16xf32>,
        %get3A_3173 = vector.shape_cast %get3A_3172 : vector<1x16xf32> to vector<16xf32>
        %get3A_3174 = arith.index_cast %add3A_3034 : i32 to index
        %get3A_3175 = arith.constant 80 : index
        %get3A_3176 = tpu.vector_load %arg17[%get3A_3174, %get3A_3175] {strides = array<i32>} : memref<128x128xf32, #tpu.memory_space<vmem>>, vector<1x16xf32>,
        %get3A_3177 = vector.shape_cast %get3A_3176 : vector<1x16xf32> to vector<16xf32>
        %mul3A_3178 = arith.mulf %broadcast_in_dim3A_3024, %get3A_3177 : vector<16xf32>
        %add3A_3179 = arith.addf %get3A_3173, %mul3A_3178 : vector<16xf32>
        %get3A_3180 = arith.index_cast %add3A_3034 : i32 to index
        %get3A_3181 = arith.constant 80 : index
        %get3A_3182 = tpu.vector_load %arg18[%get3A_3180, %get3A_3181] {strides = array<i32>} : memref<128x128xf32, #tpu.memory_space<vmem>>, vector<1x16xf32>,
        %get3A_3183 = vector.shape_cast %get3A_3182 : vector<1x16xf32> to vector<16xf32>
        %mul3A_3184 = arith.mulf %broadcast_in_dim3A_3027, %get3A_3183 : vector<16xf32>
        %add3A_3185 = arith.addf %add3A_3179, %mul3A_3184 : vector<16xf32>
        %get3A_3186 = arith.index_cast %add3A_3034 : i32 to index
        %get3A_3187 = arith.constant 80 : index
        %get3A_3188 = tpu.vector_load %arg19[%get3A_3186, %get3A_3187] {strides = array<i32>} : memref<128x128xf32, #tpu.memory_space<vmem>>, vector<1x16xf32>,
        %get3A_3189 = vector.shape_cast %get3A_3188 : vector<1x16xf32> to vector<16xf32>
        %mul3A_3190 = arith.mulf %broadcast_in_dim3A_3030, %get3A_3189 : vector<16xf32>
        %add3A_3191 = arith.addf %add3A_3185, %mul3A_3190 : vector<16xf32>
        %swap3A_3192 = arith.index_cast %add3A_3034 : i32 to index
        %swap3A_3193 = arith.constant 80 : index
        %swap3A_3194 = tpu.vector_load %arg21[%swap3A_3192, %swap3A_3193] {strides = array<i32>} : memref<128x128xf32, #tpu.memory_space<vmem>>, vector<1x16xf32>,
        %swap3A_3195 = vector.shape_cast %swap3A_3194 : vector<1x16xf32> to vector<16xf32>
        %swap3A_3196 = vector.shape_cast %add3A_3191 : vector<16xf32> to vector<1x16xf32>
        tpu.vector_store %arg21[%swap3A_3192, %swap3A_3193], %swap3A_3196 {strides = array<i32>} : memref<128x128xf32, #tpu.memory_space<vmem>>, vector<1x16xf32>,
        %get3A_3197 = arith.index_cast %add3A_3034 : i32 to index
        %get3A_3198 = arith.constant 96 : index
        %get3A_3199 = tpu.vector_load %arg20[%get3A_3197, %get3A_3198] {strides = array<i32>} : memref<128x128xf32, #tpu.memory_space<vmem>>, vector<1x16xf32>,
        %get3A_3200 = vector.shape_cast %get3A_3199 : vector<1x16xf32> to vector<16xf32>
        %get3A_3201 = arith.index_cast %add3A_3034 : i32 to index
        %get3A_3202 = arith.constant 96 : index
        %get3A_3203 = tpu.vector_load %arg17[%get3A_3201, %get3A_3202] {strides = array<i32>} : memref<128x128xf32, #tpu.memory_space<vmem>>, vector<1x16xf32>,
        %get3A_3204 = vector.shape_cast %get3A_3203 : vector<1x16xf32> to vector<16xf32>
        %mul3A_3205 = arith.mulf %broadcast_in_dim3A_3024, %get3A_3204 : vector<16xf32>
        %add3A_3206 = arith.addf %get3A_3200, %mul3A_3205 : vector<16xf32>
        %get3A_3207 = arith.index_cast %add3A_3034 : i32 to index
        %get3A_3208 = arith.constant 96 : index
        %get3A_3209 = tpu.vector_load %arg18[%get3A_3207, %get3A_3208] {strides = array<i32>} : memref<128x128xf32, #tpu.memory_space<vmem>>, vector<1x16xf32>,
        %get3A_3210 = vector.shape_cast %get3A_3209 : vector<1x16xf32> to vector<16xf32>
        %mul3A_3211 = arith.mulf %broadcast_in_dim3A_3027, %get3A_3210 : vector<16xf32>
        %add3A_3212 = arith.addf %add3A_3206, %mul3A_3211 : vector<16xf32>
        %get3A_3213 = arith.index_cast %add3A_3034 : i32 to index
        %get3A_3214 = arith.constant 96 : index
        %get3A_3215 = tpu.vector_load %arg19[%get3A_3213, %get3A_3214] {strides = array<i32>} : memref<128x128xf32, #tpu.memory_space<vmem>>, vector<1x16xf32>,
        %get3A_3216 = vector.shape_cast %get3A_3215 : vector<1x16xf32> to vector<16xf32>
        %mul3A_3217 = arith.mulf %broadcast_in_dim3A_3030, %get3A_3216 : vector<16xf32>
        %add3A_3218 = arith.addf %add3A_3212, %mul3A_3217 : vector<16xf32>
        %swap3A_3219 = arith.index_cast %add3A_3034 : i32 to index
        %swap3A_3220 = arith.constant 96 : index
        %swap3A_3221 = tpu.vector_load %arg21[%swap3A_3219, %swap3A_3220] {strides = array<i32>} : memref<128x128xf32, #tpu.memory_space<vmem>>, vector<1x16xf32>,
        %swap3A_3222 = vector.shape_cast %swap3A_3221 : vector<1x16xf32> to vector<16xf32>
        %swap3A_3223 = vector.shape_cast %add3A_3218 : vector<16xf32> to vector<1x16xf32>
        tpu.vector_store %arg21[%swap3A_3219, %swap3A_3220], %swap3A_3223 {strides = array<i32>} : memref<128x128xf32, #tpu.memory_space<vmem>>, vector<1x16xf32>,
        %get3A_3224 = arith.index_cast %add3A_3034 : i32 to index
        %get3A_3225 = arith.constant 112 : index
        %get3A_3226 = tpu.vector_load %arg20[%get3A_3224, %get3A_3225] {strides = array<i32>} : memref<128x128xf32, #tpu.memory_space<vmem>>, vector<1x16xf32>,
        %get3A_3227 = vector.shape_cast %get3A_3226 : vector<1x16xf32> to vector<16xf32>
        %get3A_3228 = arith.index_cast %add3A_3034 : i32 to index
        %get3A_3229 = arith.constant 112 : index
        %get3A_3230 = tpu.vector_load %arg17[%get3A_3228, %get3A_3229] {strides = array<i32>} : memref<128x128xf32, #tpu.memory_space<vmem>>, vector<1x16xf32>,
        %get3A_3231 = vector.shape_cast %get3A_3230 : vector<1x16xf32> to vector<16xf32>
        %mul3A_3232 = arith.mulf %broadcast_in_dim3A_3024, %get3A_3231 : vector<16xf32>
        %add3A_3233 = arith.addf %get3A_3227, %mul3A_3232 : vector<16xf32>
        %get3A_3234 = arith.index_cast %add3A_3034 : i32 to index
        %get3A_3235 = arith.constant 112 : index
        %get3A_3236 = tpu.vector_load %arg18[%get3A_3234, %get3A_3235] {strides = array<i32>} : memref<128x128xf32, #tpu.memory_space<vmem>>, vector<1x16xf32>,
        %get3A_3237 = vector.shape_cast %get3A_3236 : vector<1x16xf32> to vector<16xf32>
        %mul3A_3238 = arith.mulf %broadcast_in_dim3A_3027, %get3A_3237 : vector<16xf32>
        %add3A_3239 = arith.addf %add3A_3233, %mul3A_3238 : vector<16xf32>
        %get3A_3240 = arith.index_cast %add3A_3034 : i32 to index
        %get3A_3241 = arith.constant 112 : index
        %get3A_3242 = tpu.vector_load %arg19[%get3A_3240, %get3A_3241] {strides = array<i32>} : memref<128x128xf32, #tpu.memory_space<vmem>>, vector<1x16xf32>,
        %get3A_3243 = vector.shape_cast %get3A_3242 : vector<1x16xf32> to vector<16xf32>
        %mul3A_3244 = arith.mulf %broadcast_in_dim3A_3030, %get3A_3243 : vector<16xf32>
        %add3A_3245 = arith.addf %add3A_3239, %mul3A_3244 : vector<16xf32>
        %swap3A_3246 = arith.index_cast %add3A_3034 : i32 to index
        %swap3A_3247 = arith.constant 112 : index
        %swap3A_3248 = tpu.vector_load %arg21[%swap3A_3246, %swap3A_3247] {strides = array<i32>} : memref<128x128xf32, #tpu.memory_space<vmem>>, vector<1x16xf32>,
        %swap3A_3249 = vector.shape_cast %swap3A_3248 : vector<1x16xf32> to vector<16xf32>
        %swap3A_3250 = vector.shape_cast %add3A_3245 : vector<16xf32> to vector<1x16xf32>
        tpu.vector_store %arg21[%swap3A_3246, %swap3A_3247], %swap3A_3250 {strides = array<i32>} : memref<128x128xf32, #tpu.memory_space<vmem>>, vector<1x16xf32>,
        %slice3A_3251 = vector.extract_strided_slice %get3A_38 {offsets = [14], sizes = [1], strides = [1]} : vector<16xf32> to vector<1xf32>
        %squeeze3A_3252 = vector.extract %slice3A_3251[0] : f32 from vector<1xf32>
        %broadcast_in_dim3A_3253 = vector.broadcast %squeeze3A_3252 : f32 to vector<16xf32>
        %slice3A_3254 = vector.extract_strided_slice %get3A_43 {offsets = [14], sizes = [1], strides = [1]} : vector<16xf32> to vector<1xf32>
        %squeeze3A_3255 = vector.extract %slice3A_3254[0] : f32 from vector<1xf32>
        %broadcast_in_dim3A_3256 = vector.broadcast %squeeze3A_3255 : f32 to vector<16xf32>
        %slice3A_3257 = vector.extract_strided_slice %get3A_48 {offsets = [14], sizes = [1], strides = [1]} : vector<16xf32> to vector<1xf32>
        %squeeze3A_3258 = vector.extract %slice3A_3257[0] : f32 from vector<1xf32>
        %broadcast_in_dim3A_3259 = vector.broadcast %squeeze3A_3258 : f32 to vector<16xf32>
        %mul3A_3260 = arith.constant 16 : i32
        %mul3A_3261 = arith.muli %scan3A_34, %mul3A_3260 : i32
        %add3A_3262 = arith.constant 14 : i32
        %add3A_3263 = arith.addi %mul3A_3261, %add3A_3262 : i32
        %get3A_3264 = arith.index_cast %add3A_3263 : i32 to index
        %get3A_3265 = arith.constant 0 : index
        %get3A_3266 = tpu.vector_load %arg20[%get3A_3264, %get3A_3265] {strides = array<i32>} : memref<128x128xf32, #tpu.memory_space<vmem>>, vector<1x16xf32>,
        %get3A_3267 = vector.shape_cast %get3A_3266 : vector<1x16xf32> to vector<16xf32>
        %get3A_3268 = arith.index_cast %add3A_3263 : i32 to index
        %get3A_3269 = arith.constant 0 : index
        %get3A_3270 = tpu.vector_load %arg17[%get3A_3268, %get3A_3269] {strides = array<i32>} : memref<128x128xf32, #tpu.memory_space<vmem>>, vector<1x16xf32>,
        %get3A_3271 = vector.shape_cast %get3A_3270 : vector<1x16xf32> to vector<16xf32>
        %mul3A_3272 = arith.mulf %broadcast_in_dim3A_3253, %get3A_3271 : vector<16xf32>
        %add3A_3273 = arith.addf %get3A_3267, %mul3A_3272 : vector<16xf32>
        %get3A_3274 = arith.index_cast %add3A_3263 : i32 to index
        %get3A_3275 = arith.constant 0 : index
        %get3A_3276 = tpu.vector_load %arg18[%get3A_3274, %get3A_3275] {strides = array<i32>} : memref<128x128xf32, #tpu.memory_space<vmem>>, vector<1x16xf32>,
        %get3A_3277 = vector.shape_cast %get3A_3276 : vector<1x16xf32> to vector<16xf32>
        %mul3A_3278 = arith.mulf %broadcast_in_dim3A_3256, %get3A_3277 : vector<16xf32>
        %add3A_3279 = arith.addf %add3A_3273, %mul3A_3278 : vector<16xf32>
        %get3A_3280 = arith.index_cast %add3A_3263 : i32 to index
        %get3A_3281 = arith.constant 0 : index
        %get3A_3282 = tpu.vector_load %arg19[%get3A_3280, %get3A_3281] {strides = array<i32>} : memref<128x128xf32, #tpu.memory_space<vmem>>, vector<1x16xf32>,
        %get3A_3283 = vector.shape_cast %get3A_3282 : vector<1x16xf32> to vector<16xf32>
        %mul3A_3284 = arith.mulf %broadcast_in_dim3A_3259, %get3A_3283 : vector<16xf32>
        %add3A_3285 = arith.addf %add3A_3279, %mul3A_3284 : vector<16xf32>
        %swap3A_3286 = arith.index_cast %add3A_3263 : i32 to index
        %swap3A_3287 = arith.constant 0 : index
        %swap3A_3288 = tpu.vector_load %arg21[%swap3A_3286, %swap3A_3287] {strides = array<i32>} : memref<128x128xf32, #tpu.memory_space<vmem>>, vector<1x16xf32>,
        %swap3A_3289 = vector.shape_cast %swap3A_3288 : vector<1x16xf32> to vector<16xf32>
        %swap3A_3290 = vector.shape_cast %add3A_3285 : vector<16xf32> to vector<1x16xf32>
        tpu.vector_store %arg21[%swap3A_3286, %swap3A_3287], %swap3A_3290 {strides = array<i32>} : memref<128x128xf32, #tpu.memory_space<vmem>>, vector<1x16xf32>,
        %get3A_3291 = arith.index_cast %add3A_3263 : i32 to index
        %get3A_3292 = arith.constant 16 : index
        %get3A_3293 = tpu.vector_load %arg20[%get3A_3291, %get3A_3292] {strides = array<i32>} : memref<128x128xf32, #tpu.memory_space<vmem>>, vector<1x16xf32>,
        %get3A_3294 = vector.shape_cast %get3A_3293 : vector<1x16xf32> to vector<16xf32>
        %get3A_3295 = arith.index_cast %add3A_3263 : i32 to index
        %get3A_3296 = arith.constant 16 : index
        %get3A_3297 = tpu.vector_load %arg17[%get3A_3295, %get3A_3296] {strides = array<i32>} : memref<128x128xf32, #tpu.memory_space<vmem>>, vector<1x16xf32>,
        %get3A_3298 = vector.shape_cast %get3A_3297 : vector<1x16xf32> to vector<16xf32>
        %mul3A_3299 = arith.mulf %broadcast_in_dim3A_3253, %get3A_3298 : vector<16xf32>
        %add3A_3300 = arith.addf %get3A_3294, %mul3A_3299 : vector<16xf32>
        %get3A_3301 = arith.index_cast %add3A_3263 : i32 to index
        %get3A_3302 = arith.constant 16 : index
        %get3A_3303 = tpu.vector_load %arg18[%get3A_3301, %get3A_3302] {strides = array<i32>} : memref<128x128xf32, #tpu.memory_space<vmem>>, vector<1x16xf32>,
        %get3A_3304 = vector.shape_cast %get3A_3303 : vector<1x16xf32> to vector<16xf32>
        %mul3A_3305 = arith.mulf %broadcast_in_dim3A_3256, %get3A_3304 : vector<16xf32>
        %add3A_3306 = arith.addf %add3A_3300, %mul3A_3305 : vector<16xf32>
        %get3A_3307 = arith.index_cast %add3A_3263 : i32 to index
        %get3A_3308 = arith.constant 16 : index
        %get3A_3309 = tpu.vector_load %arg19[%get3A_3307, %get3A_3308] {strides = array<i32>} : memref<128x128xf32, #tpu.memory_space<vmem>>, vector<1x16xf32>,
        %get3A_3310 = vector.shape_cast %get3A_3309 : vector<1x16xf32> to vector<16xf32>
        %mul3A_3311 = arith.mulf %broadcast_in_dim3A_3259, %get3A_3310 : vector<16xf32>
        %add3A_3312 = arith.addf %add3A_3306, %mul3A_3311 : vector<16xf32>
        %swap3A_3313 = arith.index_cast %add3A_3263 : i32 to index
        %swap3A_3314 = arith.constant 16 : index
        %swap3A_3315 = tpu.vector_load %arg21[%swap3A_3313, %swap3A_3314] {strides = array<i32>} : memref<128x128xf32, #tpu.memory_space<vmem>>, vector<1x16xf32>,
        %swap3A_3316 = vector.shape_cast %swap3A_3315 : vector<1x16xf32> to vector<16xf32>
        %swap3A_3317 = vector.shape_cast %add3A_3312 : vector<16xf32> to vector<1x16xf32>
        tpu.vector_store %arg21[%swap3A_3313, %swap3A_3314], %swap3A_3317 {strides = array<i32>} : memref<128x128xf32, #tpu.memory_space<vmem>>, vector<1x16xf32>,
        %get3A_3318 = arith.index_cast %add3A_3263 : i32 to index
        %get3A_3319 = arith.constant 32 : index
        %get3A_3320 = tpu.vector_load %arg20[%get3A_3318, %get3A_3319] {strides = array<i32>} : memref<128x128xf32, #tpu.memory_space<vmem>>, vector<1x16xf32>,
        %get3A_3321 = vector.shape_cast %get3A_3320 : vector<1x16xf32> to vector<16xf32>
        %get3A_3322 = arith.index_cast %add3A_3263 : i32 to index
        %get3A_3323 = arith.constant 32 : index
        %get3A_3324 = tpu.vector_load %arg17[%get3A_3322, %get3A_3323] {strides = array<i32>} : memref<128x128xf32, #tpu.memory_space<vmem>>, vector<1x16xf32>,
        %get3A_3325 = vector.shape_cast %get3A_3324 : vector<1x16xf32> to vector<16xf32>
        %mul3A_3326 = arith.mulf %broadcast_in_dim3A_3253, %get3A_3325 : vector<16xf32>
        %add3A_3327 = arith.addf %get3A_3321, %mul3A_3326 : vector<16xf32>
        %get3A_3328 = arith.index_cast %add3A_3263 : i32 to index
        %get3A_3329 = arith.constant 32 : index
        %get3A_3330 = tpu.vector_load %arg18[%get3A_3328, %get3A_3329] {strides = array<i32>} : memref<128x128xf32, #tpu.memory_space<vmem>>, vector<1x16xf32>,
        %get3A_3331 = vector.shape_cast %get3A_3330 : vector<1x16xf32> to vector<16xf32>
        %mul3A_3332 = arith.mulf %broadcast_in_dim3A_3256, %get3A_3331 : vector<16xf32>
        %add3A_3333 = arith.addf %add3A_3327, %mul3A_3332 : vector<16xf32>
        %get3A_3334 = arith.index_cast %add3A_3263 : i32 to index
        %get3A_3335 = arith.constant 32 : index
        %get3A_3336 = tpu.vector_load %arg19[%get3A_3334, %get3A_3335] {strides = array<i32>} : memref<128x128xf32, #tpu.memory_space<vmem>>, vector<1x16xf32>,
        %get3A_3337 = vector.shape_cast %get3A_3336 : vector<1x16xf32> to vector<16xf32>
        %mul3A_3338 = arith.mulf %broadcast_in_dim3A_3259, %get3A_3337 : vector<16xf32>
        %add3A_3339 = arith.addf %add3A_3333, %mul3A_3338 : vector<16xf32>
        %swap3A_3340 = arith.index_cast %add3A_3263 : i32 to index
        %swap3A_3341 = arith.constant 32 : index
        %swap3A_3342 = tpu.vector_load %arg21[%swap3A_3340, %swap3A_3341] {strides = array<i32>} : memref<128x128xf32, #tpu.memory_space<vmem>>, vector<1x16xf32>,
        %swap3A_3343 = vector.shape_cast %swap3A_3342 : vector<1x16xf32> to vector<16xf32>
        %swap3A_3344 = vector.shape_cast %add3A_3339 : vector<16xf32> to vector<1x16xf32>
        tpu.vector_store %arg21[%swap3A_3340, %swap3A_3341], %swap3A_3344 {strides = array<i32>} : memref<128x128xf32, #tpu.memory_space<vmem>>, vector<1x16xf32>,
        %get3A_3345 = arith.index_cast %add3A_3263 : i32 to index
        %get3A_3346 = arith.constant 48 : index
        %get3A_3347 = tpu.vector_load %arg20[%get3A_3345, %get3A_3346] {strides = array<i32>} : memref<128x128xf32, #tpu.memory_space<vmem>>, vector<1x16xf32>,
        %get3A_3348 = vector.shape_cast %get3A_3347 : vector<1x16xf32> to vector<16xf32>
        %get3A_3349 = arith.index_cast %add3A_3263 : i32 to index
        %get3A_3350 = arith.constant 48 : index
        %get3A_3351 = tpu.vector_load %arg17[%get3A_3349, %get3A_3350] {strides = array<i32>} : memref<128x128xf32, #tpu.memory_space<vmem>>, vector<1x16xf32>,
        %get3A_3352 = vector.shape_cast %get3A_3351 : vector<1x16xf32> to vector<16xf32>
        %mul3A_3353 = arith.mulf %broadcast_in_dim3A_3253, %get3A_3352 : vector<16xf32>
        %add3A_3354 = arith.addf %get3A_3348, %mul3A_3353 : vector<16xf32>
        %get3A_3355 = arith.index_cast %add3A_3263 : i32 to index
        %get3A_3356 = arith.constant 48 : index
        %get3A_3357 = tpu.vector_load %arg18[%get3A_3355, %get3A_3356] {strides = array<i32>} : memref<128x128xf32, #tpu.memory_space<vmem>>, vector<1x16xf32>,
        %get3A_3358 = vector.shape_cast %get3A_3357 : vector<1x16xf32> to vector<16xf32>
        %mul3A_3359 = arith.mulf %broadcast_in_dim3A_3256, %get3A_3358 : vector<16xf32>
        %add3A_3360 = arith.addf %add3A_3354, %mul3A_3359 : vector<16xf32>
        %get3A_3361 = arith.index_cast %add3A_3263 : i32 to index
        %get3A_3362 = arith.constant 48 : index
        %get3A_3363 = tpu.vector_load %arg19[%get3A_3361, %get3A_3362] {strides = array<i32>} : memref<128x128xf32, #tpu.memory_space<vmem>>, vector<1x16xf32>,
        %get3A_3364 = vector.shape_cast %get3A_3363 : vector<1x16xf32> to vector<16xf32>
        %mul3A_3365 = arith.mulf %broadcast_in_dim3A_3259, %get3A_3364 : vector<16xf32>
        %add3A_3366 = arith.addf %add3A_3360, %mul3A_3365 : vector<16xf32>
        %swap3A_3367 = arith.index_cast %add3A_3263 : i32 to index
        %swap3A_3368 = arith.constant 48 : index
        %swap3A_3369 = tpu.vector_load %arg21[%swap3A_3367, %swap3A_3368] {strides = array<i32>} : memref<128x128xf32, #tpu.memory_space<vmem>>, vector<1x16xf32>,
        %swap3A_3370 = vector.shape_cast %swap3A_3369 : vector<1x16xf32> to vector<16xf32>
        %swap3A_3371 = vector.shape_cast %add3A_3366 : vector<16xf32> to vector<1x16xf32>
        tpu.vector_store %arg21[%swap3A_3367, %swap3A_3368], %swap3A_3371 {strides = array<i32>} : memref<128x128xf32, #tpu.memory_space<vmem>>, vector<1x16xf32>,
        %get3A_3372 = arith.index_cast %add3A_3263 : i32 to index
        %get3A_3373 = arith.constant 64 : index
        %get3A_3374 = tpu.vector_load %arg20[%get3A_3372, %get3A_3373] {strides = array<i32>} : memref<128x128xf32, #tpu.memory_space<vmem>>, vector<1x16xf32>,
        %get3A_3375 = vector.shape_cast %get3A_3374 : vector<1x16xf32> to vector<16xf32>
        %get3A_3376 = arith.index_cast %add3A_3263 : i32 to index
        %get3A_3377 = arith.constant 64 : index
        %get3A_3378 = tpu.vector_load %arg17[%get3A_3376, %get3A_3377] {strides = array<i32>} : memref<128x128xf32, #tpu.memory_space<vmem>>, vector<1x16xf32>,
        %get3A_3379 = vector.shape_cast %get3A_3378 : vector<1x16xf32> to vector<16xf32>
        %mul3A_3380 = arith.mulf %broadcast_in_dim3A_3253, %get3A_3379 : vector<16xf32>
        %add3A_3381 = arith.addf %get3A_3375, %mul3A_3380 : vector<16xf32>
        %get3A_3382 = arith.index_cast %add3A_3263 : i32 to index
        %get3A_3383 = arith.constant 64 : index
        %get3A_3384 = tpu.vector_load %arg18[%get3A_3382, %get3A_3383] {strides = array<i32>} : memref<128x128xf32, #tpu.memory_space<vmem>>, vector<1x16xf32>,
        %get3A_3385 = vector.shape_cast %get3A_3384 : vector<1x16xf32> to vector<16xf32>
        %mul3A_3386 = arith.mulf %broadcast_in_dim3A_3256, %get3A_3385 : vector<16xf32>
        %add3A_3387 = arith.addf %add3A_3381, %mul3A_3386 : vector<16xf32>
        %get3A_3388 = arith.index_cast %add3A_3263 : i32 to index
        %get3A_3389 = arith.constant 64 : index
        %get3A_3390 = tpu.vector_load %arg19[%get3A_3388, %get3A_3389] {strides = array<i32>} : memref<128x128xf32, #tpu.memory_space<vmem>>, vector<1x16xf32>,
        %get3A_3391 = vector.shape_cast %get3A_3390 : vector<1x16xf32> to vector<16xf32>
        %mul3A_3392 = arith.mulf %broadcast_in_dim3A_3259, %get3A_3391 : vector<16xf32>
        %add3A_3393 = arith.addf %add3A_3387, %mul3A_3392 : vector<16xf32>
        %swap3A_3394 = arith.index_cast %add3A_3263 : i32 to index
        %swap3A_3395 = arith.constant 64 : index
        %swap3A_3396 = tpu.vector_load %arg21[%swap3A_3394, %swap3A_3395] {strides = array<i32>} : memref<128x128xf32, #tpu.memory_space<vmem>>, vector<1x16xf32>,
        %swap3A_3397 = vector.shape_cast %swap3A_3396 : vector<1x16xf32> to vector<16xf32>
        %swap3A_3398 = vector.shape_cast %add3A_3393 : vector<16xf32> to vector<1x16xf32>
        tpu.vector_store %arg21[%swap3A_3394, %swap3A_3395], %swap3A_3398 {strides = array<i32>} : memref<128x128xf32, #tpu.memory_space<vmem>>, vector<1x16xf32>,
        %get3A_3399 = arith.index_cast %add3A_3263 : i32 to index
        %get3A_3400 = arith.constant 80 : index
        %get3A_3401 = tpu.vector_load %arg20[%get3A_3399, %get3A_3400] {strides = array<i32>} : memref<128x128xf32, #tpu.memory_space<vmem>>, vector<1x16xf32>,
        %get3A_3402 = vector.shape_cast %get3A_3401 : vector<1x16xf32> to vector<16xf32>
        %get3A_3403 = arith.index_cast %add3A_3263 : i32 to index
        %get3A_3404 = arith.constant 80 : index
        %get3A_3405 = tpu.vector_load %arg17[%get3A_3403, %get3A_3404] {strides = array<i32>} : memref<128x128xf32, #tpu.memory_space<vmem>>, vector<1x16xf32>,
        %get3A_3406 = vector.shape_cast %get3A_3405 : vector<1x16xf32> to vector<16xf32>
        %mul3A_3407 = arith.mulf %broadcast_in_dim3A_3253, %get3A_3406 : vector<16xf32>
        %add3A_3408 = arith.addf %get3A_3402, %mul3A_3407 : vector<16xf32>
        %get3A_3409 = arith.index_cast %add3A_3263 : i32 to index
        %get3A_3410 = arith.constant 80 : index
        %get3A_3411 = tpu.vector_load %arg18[%get3A_3409, %get3A_3410] {strides = array<i32>} : memref<128x128xf32, #tpu.memory_space<vmem>>, vector<1x16xf32>,
        %get3A_3412 = vector.shape_cast %get3A_3411 : vector<1x16xf32> to vector<16xf32>
        %mul3A_3413 = arith.mulf %broadcast_in_dim3A_3256, %get3A_3412 : vector<16xf32>
        %add3A_3414 = arith.addf %add3A_3408, %mul3A_3413 : vector<16xf32>
        %get3A_3415 = arith.index_cast %add3A_3263 : i32 to index
        %get3A_3416 = arith.constant 80 : index
        %get3A_3417 = tpu.vector_load %arg19[%get3A_3415, %get3A_3416] {strides = array<i32>} : memref<128x128xf32, #tpu.memory_space<vmem>>, vector<1x16xf32>,
        %get3A_3418 = vector.shape_cast %get3A_3417 : vector<1x16xf32> to vector<16xf32>
        %mul3A_3419 = arith.mulf %broadcast_in_dim3A_3259, %get3A_3418 : vector<16xf32>
        %add3A_3420 = arith.addf %add3A_3414, %mul3A_3419 : vector<16xf32>
        %swap3A_3421 = arith.index_cast %add3A_3263 : i32 to index
        %swap3A_3422 = arith.constant 80 : index
        %swap3A_3423 = tpu.vector_load %arg21[%swap3A_3421, %swap3A_3422] {strides = array<i32>} : memref<128x128xf32, #tpu.memory_space<vmem>>, vector<1x16xf32>,
        %swap3A_3424 = vector.shape_cast %swap3A_3423 : vector<1x16xf32> to vector<16xf32>
        %swap3A_3425 = vector.shape_cast %add3A_3420 : vector<16xf32> to vector<1x16xf32>
        tpu.vector_store %arg21[%swap3A_3421, %swap3A_3422], %swap3A_3425 {strides = array<i32>} : memref<128x128xf32, #tpu.memory_space<vmem>>, vector<1x16xf32>,
        %get3A_3426 = arith.index_cast %add3A_3263 : i32 to index
        %get3A_3427 = arith.constant 96 : index
        %get3A_3428 = tpu.vector_load %arg20[%get3A_3426, %get3A_3427] {strides = array<i32>} : memref<128x128xf32, #tpu.memory_space<vmem>>, vector<1x16xf32>,
        %get3A_3429 = vector.shape_cast %get3A_3428 : vector<1x16xf32> to vector<16xf32>
        %get3A_3430 = arith.index_cast %add3A_3263 : i32 to index
        %get3A_3431 = arith.constant 96 : index
        %get3A_3432 = tpu.vector_load %arg17[%get3A_3430, %get3A_3431] {strides = array<i32>} : memref<128x128xf32, #tpu.memory_space<vmem>>, vector<1x16xf32>,
        %get3A_3433 = vector.shape_cast %get3A_3432 : vector<1x16xf32> to vector<16xf32>
        %mul3A_3434 = arith.mulf %broadcast_in_dim3A_3253, %get3A_3433 : vector<16xf32>
        %add3A_3435 = arith.addf %get3A_3429, %mul3A_3434 : vector<16xf32>
        %get3A_3436 = arith.index_cast %add3A_3263 : i32 to index
        %get3A_3437 = arith.constant 96 : index
        %get3A_3438 = tpu.vector_load %arg18[%get3A_3436, %get3A_3437] {strides = array<i32>} : memref<128x128xf32, #tpu.memory_space<vmem>>, vector<1x16xf32>,
        %get3A_3439 = vector.shape_cast %get3A_3438 : vector<1x16xf32> to vector<16xf32>
        %mul3A_3440 = arith.mulf %broadcast_in_dim3A_3256, %get3A_3439 : vector<16xf32>
        %add3A_3441 = arith.addf %add3A_3435, %mul3A_3440 : vector<16xf32>
        %get3A_3442 = arith.index_cast %add3A_3263 : i32 to index
        %get3A_3443 = arith.constant 96 : index
        %get3A_3444 = tpu.vector_load %arg19[%get3A_3442, %get3A_3443] {strides = array<i32>} : memref<128x128xf32, #tpu.memory_space<vmem>>, vector<1x16xf32>,
        %get3A_3445 = vector.shape_cast %get3A_3444 : vector<1x16xf32> to vector<16xf32>
        %mul3A_3446 = arith.mulf %broadcast_in_dim3A_3259, %get3A_3445 : vector<16xf32>
        %add3A_3447 = arith.addf %add3A_3441, %mul3A_3446 : vector<16xf32>
        %swap3A_3448 = arith.index_cast %add3A_3263 : i32 to index
        %swap3A_3449 = arith.constant 96 : index
        %swap3A_3450 = tpu.vector_load %arg21[%swap3A_3448, %swap3A_3449] {strides = array<i32>} : memref<128x128xf32, #tpu.memory_space<vmem>>, vector<1x16xf32>,
        %swap3A_3451 = vector.shape_cast %swap3A_3450 : vector<1x16xf32> to vector<16xf32>
        %swap3A_3452 = vector.shape_cast %add3A_3447 : vector<16xf32> to vector<1x16xf32>
        tpu.vector_store %arg21[%swap3A_3448, %swap3A_3449], %swap3A_3452 {strides = array<i32>} : memref<128x128xf32, #tpu.memory_space<vmem>>, vector<1x16xf32>,
        %get3A_3453 = arith.index_cast %add3A_3263 : i32 to index
        %get3A_3454 = arith.constant 112 : index
        %get3A_3455 = tpu.vector_load %arg20[%get3A_3453, %get3A_3454] {strides = array<i32>} : memref<128x128xf32, #tpu.memory_space<vmem>>, vector<1x16xf32>,
        %get3A_3456 = vector.shape_cast %get3A_3455 : vector<1x16xf32> to vector<16xf32>
        %get3A_3457 = arith.index_cast %add3A_3263 : i32 to index
        %get3A_3458 = arith.constant 112 : index
        %get3A_3459 = tpu.vector_load %arg17[%get3A_3457, %get3A_3458] {strides = array<i32>} : memref<128x128xf32, #tpu.memory_space<vmem>>, vector<1x16xf32>,
        %get3A_3460 = vector.shape_cast %get3A_3459 : vector<1x16xf32> to vector<16xf32>
        %mul3A_3461 = arith.mulf %broadcast_in_dim3A_3253, %get3A_3460 : vector<16xf32>
        %add3A_3462 = arith.addf %get3A_3456, %mul3A_3461 : vector<16xf32>
        %get3A_3463 = arith.index_cast %add3A_3263 : i32 to index
        %get3A_3464 = arith.constant 112 : index
        %get3A_3465 = tpu.vector_load %arg18[%get3A_3463, %get3A_3464] {strides = array<i32>} : memref<128x128xf32, #tpu.memory_space<vmem>>, vector<1x16xf32>,
        %get3A_3466 = vector.shape_cast %get3A_3465 : vector<1x16xf32> to vector<16xf32>
        %mul3A_3467 = arith.mulf %broadcast_in_dim3A_3256, %get3A_3466 : vector<16xf32>
        %add3A_3468 = arith.addf %add3A_3462, %mul3A_3467 : vector<16xf32>
        %get3A_3469 = arith.index_cast %add3A_3263 : i32 to index
        %get3A_3470 = arith.constant 112 : index
        %get3A_3471 = tpu.vector_load %arg19[%get3A_3469, %get3A_3470] {strides = array<i32>} : memref<128x128xf32, #tpu.memory_space<vmem>>, vector<1x16xf32>,
        %get3A_3472 = vector.shape_cast %get3A_3471 : vector<1x16xf32> to vector<16xf32>
        %mul3A_3473 = arith.mulf %broadcast_in_dim3A_3259, %get3A_3472 : vector<16xf32>
        %add3A_3474 = arith.addf %add3A_3468, %mul3A_3473 : vector<16xf32>
        %swap3A_3475 = arith.index_cast %add3A_3263 : i32 to index
        %swap3A_3476 = arith.constant 112 : index
        %swap3A_3477 = tpu.vector_load %arg21[%swap3A_3475, %swap3A_3476] {strides = array<i32>} : memref<128x128xf32, #tpu.memory_space<vmem>>, vector<1x16xf32>,
        %swap3A_3478 = vector.shape_cast %swap3A_3477 : vector<1x16xf32> to vector<16xf32>
        %swap3A_3479 = vector.shape_cast %add3A_3474 : vector<16xf32> to vector<1x16xf32>
        tpu.vector_store %arg21[%swap3A_3475, %swap3A_3476], %swap3A_3479 {strides = array<i32>} : memref<128x128xf32, #tpu.memory_space<vmem>>, vector<1x16xf32>,
        %slice3A_3480 = vector.extract_strided_slice %get3A_38 {offsets = [15], sizes = [1], strides = [1]} : vector<16xf32> to vector<1xf32>
        %squeeze3A_3481 = vector.extract %slice3A_3480[0] : f32 from vector<1xf32>
        %broadcast_in_dim3A_3482 = vector.broadcast %squeeze3A_3481 : f32 to vector<16xf32>
        %slice3A_3483 = vector.extract_strided_slice %get3A_43 {offsets = [15], sizes = [1], strides = [1]} : vector<16xf32> to vector<1xf32>
        %squeeze3A_3484 = vector.extract %slice3A_3483[0] : f32 from vector<1xf32>
        %broadcast_in_dim3A_3485 = vector.broadcast %squeeze3A_3484 : f32 to vector<16xf32>
        %slice3A_3486 = vector.extract_strided_slice %get3A_48 {offsets = [15], sizes = [1], strides = [1]} : vector<16xf32> to vector<1xf32>
        %squeeze3A_3487 = vector.extract %slice3A_3486[0] : f32 from vector<1xf32>
        %broadcast_in_dim3A_3488 = vector.broadcast %squeeze3A_3487 : f32 to vector<16xf32>
        %mul3A_3489 = arith.constant 16 : i32
        %mul3A_3490 = arith.muli %scan3A_34, %mul3A_3489 : i32
        %add3A_3491 = arith.constant 15 : i32
        %add3A_3492 = arith.addi %mul3A_3490, %add3A_3491 : i32
        %get3A_3493 = arith.index_cast %add3A_3492 : i32 to index
        %get3A_3494 = arith.constant 0 : index
        %get3A_3495 = tpu.vector_load %arg20[%get3A_3493, %get3A_3494] {strides = array<i32>} : memref<128x128xf32, #tpu.memory_space<vmem>>, vector<1x16xf32>,
        %get3A_3496 = vector.shape_cast %get3A_3495 : vector<1x16xf32> to vector<16xf32>
        %get3A_3497 = arith.index_cast %add3A_3492 : i32 to index
        %get3A_3498 = arith.constant 0 : index
        %get3A_3499 = tpu.vector_load %arg17[%get3A_3497, %get3A_3498] {strides = array<i32>} : memref<128x128xf32, #tpu.memory_space<vmem>>, vector<1x16xf32>,
        %get3A_3500 = vector.shape_cast %get3A_3499 : vector<1x16xf32> to vector<16xf32>
        %mul3A_3501 = arith.mulf %broadcast_in_dim3A_3482, %get3A_3500 : vector<16xf32>
        %add3A_3502 = arith.addf %get3A_3496, %mul3A_3501 : vector<16xf32>
        %get3A_3503 = arith.index_cast %add3A_3492 : i32 to index
        %get3A_3504 = arith.constant 0 : index
        %get3A_3505 = tpu.vector_load %arg18[%get3A_3503, %get3A_3504] {strides = array<i32>} : memref<128x128xf32, #tpu.memory_space<vmem>>, vector<1x16xf32>,
        %get3A_3506 = vector.shape_cast %get3A_3505 : vector<1x16xf32> to vector<16xf32>
        %mul3A_3507 = arith.mulf %broadcast_in_dim3A_3485, %get3A_3506 : vector<16xf32>
        %add3A_3508 = arith.addf %add3A_3502, %mul3A_3507 : vector<16xf32>
        %get3A_3509 = arith.index_cast %add3A_3492 : i32 to index
        %get3A_3510 = arith.constant 0 : index
        %get3A_3511 = tpu.vector_load %arg19[%get3A_3509, %get3A_3510] {strides = array<i32>} : memref<128x128xf32, #tpu.memory_space<vmem>>, vector<1x16xf32>,
        %get3A_3512 = vector.shape_cast %get3A_3511 : vector<1x16xf32> to vector<16xf32>
        %mul3A_3513 = arith.mulf %broadcast_in_dim3A_3488, %get3A_3512 : vector<16xf32>
        %add3A_3514 = arith.addf %add3A_3508, %mul3A_3513 : vector<16xf32>
        %swap3A_3515 = arith.index_cast %add3A_3492 : i32 to index
        %swap3A_3516 = arith.constant 0 : index
        %swap3A_3517 = tpu.vector_load %arg21[%swap3A_3515, %swap3A_3516] {strides = array<i32>} : memref<128x128xf32, #tpu.memory_space<vmem>>, vector<1x16xf32>,
        %swap3A_3518 = vector.shape_cast %swap3A_3517 : vector<1x16xf32> to vector<16xf32>
        %swap3A_3519 = vector.shape_cast %add3A_3514 : vector<16xf32> to vector<1x16xf32>
        tpu.vector_store %arg21[%swap3A_3515, %swap3A_3516], %swap3A_3519 {strides = array<i32>} : memref<128x128xf32, #tpu.memory_space<vmem>>, vector<1x16xf32>,
        %get3A_3520 = arith.index_cast %add3A_3492 : i32 to index
        %get3A_3521 = arith.constant 16 : index
        %get3A_3522 = tpu.vector_load %arg20[%get3A_3520, %get3A_3521] {strides = array<i32>} : memref<128x128xf32, #tpu.memory_space<vmem>>, vector<1x16xf32>,
        %get3A_3523 = vector.shape_cast %get3A_3522 : vector<1x16xf32> to vector<16xf32>
        %get3A_3524 = arith.index_cast %add3A_3492 : i32 to index
        %get3A_3525 = arith.constant 16 : index
        %get3A_3526 = tpu.vector_load %arg17[%get3A_3524, %get3A_3525] {strides = array<i32>} : memref<128x128xf32, #tpu.memory_space<vmem>>, vector<1x16xf32>,
        %get3A_3527 = vector.shape_cast %get3A_3526 : vector<1x16xf32> to vector<16xf32>
        %mul3A_3528 = arith.mulf %broadcast_in_dim3A_3482, %get3A_3527 : vector<16xf32>
        %add3A_3529 = arith.addf %get3A_3523, %mul3A_3528 : vector<16xf32>
        %get3A_3530 = arith.index_cast %add3A_3492 : i32 to index
        %get3A_3531 = arith.constant 16 : index
        %get3A_3532 = tpu.vector_load %arg18[%get3A_3530, %get3A_3531] {strides = array<i32>} : memref<128x128xf32, #tpu.memory_space<vmem>>, vector<1x16xf32>,
        %get3A_3533 = vector.shape_cast %get3A_3532 : vector<1x16xf32> to vector<16xf32>
        %mul3A_3534 = arith.mulf %broadcast_in_dim3A_3485, %get3A_3533 : vector<16xf32>
        %add3A_3535 = arith.addf %add3A_3529, %mul3A_3534 : vector<16xf32>
        %get3A_3536 = arith.index_cast %add3A_3492 : i32 to index
        %get3A_3537 = arith.constant 16 : index
        %get3A_3538 = tpu.vector_load %arg19[%get3A_3536, %get3A_3537] {strides = array<i32>} : memref<128x128xf32, #tpu.memory_space<vmem>>, vector<1x16xf32>,
        %get3A_3539 = vector.shape_cast %get3A_3538 : vector<1x16xf32> to vector<16xf32>
        %mul3A_3540 = arith.mulf %broadcast_in_dim3A_3488, %get3A_3539 : vector<16xf32>
        %add3A_3541 = arith.addf %add3A_3535, %mul3A_3540 : vector<16xf32>
        %swap3A_3542 = arith.index_cast %add3A_3492 : i32 to index
        %swap3A_3543 = arith.constant 16 : index
        %swap3A_3544 = tpu.vector_load %arg21[%swap3A_3542, %swap3A_3543] {strides = array<i32>} : memref<128x128xf32, #tpu.memory_space<vmem>>, vector<1x16xf32>,
        %swap3A_3545 = vector.shape_cast %swap3A_3544 : vector<1x16xf32> to vector<16xf32>
        %swap3A_3546 = vector.shape_cast %add3A_3541 : vector<16xf32> to vector<1x16xf32>
        tpu.vector_store %arg21[%swap3A_3542, %swap3A_3543], %swap3A_3546 {strides = array<i32>} : memref<128x128xf32, #tpu.memory_space<vmem>>, vector<1x16xf32>,
        %get3A_3547 = arith.index_cast %add3A_3492 : i32 to index
        %get3A_3548 = arith.constant 32 : index
        %get3A_3549 = tpu.vector_load %arg20[%get3A_3547, %get3A_3548] {strides = array<i32>} : memref<128x128xf32, #tpu.memory_space<vmem>>, vector<1x16xf32>,
        %get3A_3550 = vector.shape_cast %get3A_3549 : vector<1x16xf32> to vector<16xf32>
        %get3A_3551 = arith.index_cast %add3A_3492 : i32 to index
        %get3A_3552 = arith.constant 32 : index
        %get3A_3553 = tpu.vector_load %arg17[%get3A_3551, %get3A_3552] {strides = array<i32>} : memref<128x128xf32, #tpu.memory_space<vmem>>, vector<1x16xf32>,
        %get3A_3554 = vector.shape_cast %get3A_3553 : vector<1x16xf32> to vector<16xf32>
        %mul3A_3555 = arith.mulf %broadcast_in_dim3A_3482, %get3A_3554 : vector<16xf32>
        %add3A_3556 = arith.addf %get3A_3550, %mul3A_3555 : vector<16xf32>
        %get3A_3557 = arith.index_cast %add3A_3492 : i32 to index
        %get3A_3558 = arith.constant 32 : index
        %get3A_3559 = tpu.vector_load %arg18[%get3A_3557, %get3A_3558] {strides = array<i32>} : memref<128x128xf32, #tpu.memory_space<vmem>>, vector<1x16xf32>,
        %get3A_3560 = vector.shape_cast %get3A_3559 : vector<1x16xf32> to vector<16xf32>
        %mul3A_3561 = arith.mulf %broadcast_in_dim3A_3485, %get3A_3560 : vector<16xf32>
        %add3A_3562 = arith.addf %add3A_3556, %mul3A_3561 : vector<16xf32>
        %get3A_3563 = arith.index_cast %add3A_3492 : i32 to index
        %get3A_3564 = arith.constant 32 : index
        %get3A_3565 = tpu.vector_load %arg19[%get3A_3563, %get3A_3564] {strides = array<i32>} : memref<128x128xf32, #tpu.memory_space<vmem>>, vector<1x16xf32>,
        %get3A_3566 = vector.shape_cast %get3A_3565 : vector<1x16xf32> to vector<16xf32>
        %mul3A_3567 = arith.mulf %broadcast_in_dim3A_3488, %get3A_3566 : vector<16xf32>
        %add3A_3568 = arith.addf %add3A_3562, %mul3A_3567 : vector<16xf32>
        %swap3A_3569 = arith.index_cast %add3A_3492 : i32 to index
        %swap3A_3570 = arith.constant 32 : index
        %swap3A_3571 = tpu.vector_load %arg21[%swap3A_3569, %swap3A_3570] {strides = array<i32>} : memref<128x128xf32, #tpu.memory_space<vmem>>, vector<1x16xf32>,
        %swap3A_3572 = vector.shape_cast %swap3A_3571 : vector<1x16xf32> to vector<16xf32>
        %swap3A_3573 = vector.shape_cast %add3A_3568 : vector<16xf32> to vector<1x16xf32>
        tpu.vector_store %arg21[%swap3A_3569, %swap3A_3570], %swap3A_3573 {strides = array<i32>} : memref<128x128xf32, #tpu.memory_space<vmem>>, vector<1x16xf32>,
        %get3A_3574 = arith.index_cast %add3A_3492 : i32 to index
        %get3A_3575 = arith.constant 48 : index
        %get3A_3576 = tpu.vector_load %arg20[%get3A_3574, %get3A_3575] {strides = array<i32>} : memref<128x128xf32, #tpu.memory_space<vmem>>, vector<1x16xf32>,
        %get3A_3577 = vector.shape_cast %get3A_3576 : vector<1x16xf32> to vector<16xf32>
        %get3A_3578 = arith.index_cast %add3A_3492 : i32 to index
        %get3A_3579 = arith.constant 48 : index
        %get3A_3580 = tpu.vector_load %arg17[%get3A_3578, %get3A_3579] {strides = array<i32>} : memref<128x128xf32, #tpu.memory_space<vmem>>, vector<1x16xf32>,
        %get3A_3581 = vector.shape_cast %get3A_3580 : vector<1x16xf32> to vector<16xf32>
        %mul3A_3582 = arith.mulf %broadcast_in_dim3A_3482, %get3A_3581 : vector<16xf32>
        %add3A_3583 = arith.addf %get3A_3577, %mul3A_3582 : vector<16xf32>
        %get3A_3584 = arith.index_cast %add3A_3492 : i32 to index
        %get3A_3585 = arith.constant 48 : index
        %get3A_3586 = tpu.vector_load %arg18[%get3A_3584, %get3A_3585] {strides = array<i32>} : memref<128x128xf32, #tpu.memory_space<vmem>>, vector<1x16xf32>,
        %get3A_3587 = vector.shape_cast %get3A_3586 : vector<1x16xf32> to vector<16xf32>
        %mul3A_3588 = arith.mulf %broadcast_in_dim3A_3485, %get3A_3587 : vector<16xf32>
        %add3A_3589 = arith.addf %add3A_3583, %mul3A_3588 : vector<16xf32>
        %get3A_3590 = arith.index_cast %add3A_3492 : i32 to index
        %get3A_3591 = arith.constant 48 : index
        %get3A_3592 = tpu.vector_load %arg19[%get3A_3590, %get3A_3591] {strides = array<i32>} : memref<128x128xf32, #tpu.memory_space<vmem>>, vector<1x16xf32>,
        %get3A_3593 = vector.shape_cast %get3A_3592 : vector<1x16xf32> to vector<16xf32>
        %mul3A_3594 = arith.mulf %broadcast_in_dim3A_3488, %get3A_3593 : vector<16xf32>
        %add3A_3595 = arith.addf %add3A_3589, %mul3A_3594 : vector<16xf32>
        %swap3A_3596 = arith.index_cast %add3A_3492 : i32 to index
        %swap3A_3597 = arith.constant 48 : index
        %swap3A_3598 = tpu.vector_load %arg21[%swap3A_3596, %swap3A_3597] {strides = array<i32>} : memref<128x128xf32, #tpu.memory_space<vmem>>, vector<1x16xf32>,
        %swap3A_3599 = vector.shape_cast %swap3A_3598 : vector<1x16xf32> to vector<16xf32>
        %swap3A_3600 = vector.shape_cast %add3A_3595 : vector<16xf32> to vector<1x16xf32>
        tpu.vector_store %arg21[%swap3A_3596, %swap3A_3597], %swap3A_3600 {strides = array<i32>} : memref<128x128xf32, #tpu.memory_space<vmem>>, vector<1x16xf32>,
        %get3A_3601 = arith.index_cast %add3A_3492 : i32 to index
        %get3A_3602 = arith.constant 64 : index
        %get3A_3603 = tpu.vector_load %arg20[%get3A_3601, %get3A_3602] {strides = array<i32>} : memref<128x128xf32, #tpu.memory_space<vmem>>, vector<1x16xf32>,
        %get3A_3604 = vector.shape_cast %get3A_3603 : vector<1x16xf32> to vector<16xf32>
        %get3A_3605 = arith.index_cast %add3A_3492 : i32 to index
        %get3A_3606 = arith.constant 64 : index
        %get3A_3607 = tpu.vector_load %arg17[%get3A_3605, %get3A_3606] {strides = array<i32>} : memref<128x128xf32, #tpu.memory_space<vmem>>, vector<1x16xf32>,
        %get3A_3608 = vector.shape_cast %get3A_3607 : vector<1x16xf32> to vector<16xf32>
        %mul3A_3609 = arith.mulf %broadcast_in_dim3A_3482, %get3A_3608 : vector<16xf32>
        %add3A_3610 = arith.addf %get3A_3604, %mul3A_3609 : vector<16xf32>
        %get3A_3611 = arith.index_cast %add3A_3492 : i32 to index
        %get3A_3612 = arith.constant 64 : index
        %get3A_3613 = tpu.vector_load %arg18[%get3A_3611, %get3A_3612] {strides = array<i32>} : memref<128x128xf32, #tpu.memory_space<vmem>>, vector<1x16xf32>,
        %get3A_3614 = vector.shape_cast %get3A_3613 : vector<1x16xf32> to vector<16xf32>
        %mul3A_3615 = arith.mulf %broadcast_in_dim3A_3485, %get3A_3614 : vector<16xf32>
        %add3A_3616 = arith.addf %add3A_3610, %mul3A_3615 : vector<16xf32>
        %get3A_3617 = arith.index_cast %add3A_3492 : i32 to index
        %get3A_3618 = arith.constant 64 : index
        %get3A_3619 = tpu.vector_load %arg19[%get3A_3617, %get3A_3618] {strides = array<i32>} : memref<128x128xf32, #tpu.memory_space<vmem>>, vector<1x16xf32>,
        %get3A_3620 = vector.shape_cast %get3A_3619 : vector<1x16xf32> to vector<16xf32>
        %mul3A_3621 = arith.mulf %broadcast_in_dim3A_3488, %get3A_3620 : vector<16xf32>
        %add3A_3622 = arith.addf %add3A_3616, %mul3A_3621 : vector<16xf32>
        %swap3A_3623 = arith.index_cast %add3A_3492 : i32 to index
        %swap3A_3624 = arith.constant 64 : index
        %swap3A_3625 = tpu.vector_load %arg21[%swap3A_3623, %swap3A_3624] {strides = array<i32>} : memref<128x128xf32, #tpu.memory_space<vmem>>, vector<1x16xf32>,
        %swap3A_3626 = vector.shape_cast %swap3A_3625 : vector<1x16xf32> to vector<16xf32>
        %swap3A_3627 = vector.shape_cast %add3A_3622 : vector<16xf32> to vector<1x16xf32>
        tpu.vector_store %arg21[%swap3A_3623, %swap3A_3624], %swap3A_3627 {strides = array<i32>} : memref<128x128xf32, #tpu.memory_space<vmem>>, vector<1x16xf32>,
        %get3A_3628 = arith.index_cast %add3A_3492 : i32 to index
        %get3A_3629 = arith.constant 80 : index
        %get3A_3630 = tpu.vector_load %arg20[%get3A_3628, %get3A_3629] {strides = array<i32>} : memref<128x128xf32, #tpu.memory_space<vmem>>, vector<1x16xf32>,
        %get3A_3631 = vector.shape_cast %get3A_3630 : vector<1x16xf32> to vector<16xf32>
        %get3A_3632 = arith.index_cast %add3A_3492 : i32 to index
        %get3A_3633 = arith.constant 80 : index
        %get3A_3634 = tpu.vector_load %arg17[%get3A_3632, %get3A_3633] {strides = array<i32>} : memref<128x128xf32, #tpu.memory_space<vmem>>, vector<1x16xf32>,
        %get3A_3635 = vector.shape_cast %get3A_3634 : vector<1x16xf32> to vector<16xf32>
        %mul3A_3636 = arith.mulf %broadcast_in_dim3A_3482, %get3A_3635 : vector<16xf32>
        %add3A_3637 = arith.addf %get3A_3631, %mul3A_3636 : vector<16xf32>
        %get3A_3638 = arith.index_cast %add3A_3492 : i32 to index
        %get3A_3639 = arith.constant 80 : index
        %get3A_3640 = tpu.vector_load %arg18[%get3A_3638, %get3A_3639] {strides = array<i32>} : memref<128x128xf32, #tpu.memory_space<vmem>>, vector<1x16xf32>,
        %get3A_3641 = vector.shape_cast %get3A_3640 : vector<1x16xf32> to vector<16xf32>
        %mul3A_3642 = arith.mulf %broadcast_in_dim3A_3485, %get3A_3641 : vector<16xf32>
        %add3A_3643 = arith.addf %add3A_3637, %mul3A_3642 : vector<16xf32>
        %get3A_3644 = arith.index_cast %add3A_3492 : i32 to index
        %get3A_3645 = arith.constant 80 : index
        %get3A_3646 = tpu.vector_load %arg19[%get3A_3644, %get3A_3645] {strides = array<i32>} : memref<128x128xf32, #tpu.memory_space<vmem>>, vector<1x16xf32>,
        %get3A_3647 = vector.shape_cast %get3A_3646 : vector<1x16xf32> to vector<16xf32>
        %mul3A_3648 = arith.mulf %broadcast_in_dim3A_3488, %get3A_3647 : vector<16xf32>
        %add3A_3649 = arith.addf %add3A_3643, %mul3A_3648 : vector<16xf32>
        %swap3A_3650 = arith.index_cast %add3A_3492 : i32 to index
        %swap3A_3651 = arith.constant 80 : index
        %swap3A_3652 = tpu.vector_load %arg21[%swap3A_3650, %swap3A_3651] {strides = array<i32>} : memref<128x128xf32, #tpu.memory_space<vmem>>, vector<1x16xf32>,
        %swap3A_3653 = vector.shape_cast %swap3A_3652 : vector<1x16xf32> to vector<16xf32>
        %swap3A_3654 = vector.shape_cast %add3A_3649 : vector<16xf32> to vector<1x16xf32>
        tpu.vector_store %arg21[%swap3A_3650, %swap3A_3651], %swap3A_3654 {strides = array<i32>} : memref<128x128xf32, #tpu.memory_space<vmem>>, vector<1x16xf32>,
        %get3A_3655 = arith.index_cast %add3A_3492 : i32 to index
        %get3A_3656 = arith.constant 96 : index
        %get3A_3657 = tpu.vector_load %arg20[%get3A_3655, %get3A_3656] {strides = array<i32>} : memref<128x128xf32, #tpu.memory_space<vmem>>, vector<1x16xf32>,
        %get3A_3658 = vector.shape_cast %get3A_3657 : vector<1x16xf32> to vector<16xf32>
        %get3A_3659 = arith.index_cast %add3A_3492 : i32 to index
        %get3A_3660 = arith.constant 96 : index
        %get3A_3661 = tpu.vector_load %arg17[%get3A_3659, %get3A_3660] {strides = array<i32>} : memref<128x128xf32, #tpu.memory_space<vmem>>, vector<1x16xf32>,
        %get3A_3662 = vector.shape_cast %get3A_3661 : vector<1x16xf32> to vector<16xf32>
        %mul3A_3663 = arith.mulf %broadcast_in_dim3A_3482, %get3A_3662 : vector<16xf32>
        %add3A_3664 = arith.addf %get3A_3658, %mul3A_3663 : vector<16xf32>
        %get3A_3665 = arith.index_cast %add3A_3492 : i32 to index
        %get3A_3666 = arith.constant 96 : index
        %get3A_3667 = tpu.vector_load %arg18[%get3A_3665, %get3A_3666] {strides = array<i32>} : memref<128x128xf32, #tpu.memory_space<vmem>>, vector<1x16xf32>,
        %get3A_3668 = vector.shape_cast %get3A_3667 : vector<1x16xf32> to vector<16xf32>
        %mul3A_3669 = arith.mulf %broadcast_in_dim3A_3485, %get3A_3668 : vector<16xf32>
        %add3A_3670 = arith.addf %add3A_3664, %mul3A_3669 : vector<16xf32>
        %get3A_3671 = arith.index_cast %add3A_3492 : i32 to index
        %get3A_3672 = arith.constant 96 : index
        %get3A_3673 = tpu.vector_load %arg19[%get3A_3671, %get3A_3672] {strides = array<i32>} : memref<128x128xf32, #tpu.memory_space<vmem>>, vector<1x16xf32>,
        %get3A_3674 = vector.shape_cast %get3A_3673 : vector<1x16xf32> to vector<16xf32>
        %mul3A_3675 = arith.mulf %broadcast_in_dim3A_3488, %get3A_3674 : vector<16xf32>
        %add3A_3676 = arith.addf %add3A_3670, %mul3A_3675 : vector<16xf32>
        %swap3A_3677 = arith.index_cast %add3A_3492 : i32 to index
        %swap3A_3678 = arith.constant 96 : index
        %swap3A_3679 = tpu.vector_load %arg21[%swap3A_3677, %swap3A_3678] {strides = array<i32>} : memref<128x128xf32, #tpu.memory_space<vmem>>, vector<1x16xf32>,
        %swap3A_3680 = vector.shape_cast %swap3A_3679 : vector<1x16xf32> to vector<16xf32>
        %swap3A_3681 = vector.shape_cast %add3A_3676 : vector<16xf32> to vector<1x16xf32>
        tpu.vector_store %arg21[%swap3A_3677, %swap3A_3678], %swap3A_3681 {strides = array<i32>} : memref<128x128xf32, #tpu.memory_space<vmem>>, vector<1x16xf32>,
        %get3A_3682 = arith.index_cast %add3A_3492 : i32 to index
        %get3A_3683 = arith.constant 112 : index
        %get3A_3684 = tpu.vector_load %arg20[%get3A_3682, %get3A_3683] {strides = array<i32>} : memref<128x128xf32, #tpu.memory_space<vmem>>, vector<1x16xf32>,
        %get3A_3685 = vector.shape_cast %get3A_3684 : vector<1x16xf32> to vector<16xf32>
        %get3A_3686 = arith.index_cast %add3A_3492 : i32 to index
        %get3A_3687 = arith.constant 112 : index
        %get3A_3688 = tpu.vector_load %arg17[%get3A_3686, %get3A_3687] {strides = array<i32>} : memref<128x128xf32, #tpu.memory_space<vmem>>, vector<1x16xf32>,
        %get3A_3689 = vector.shape_cast %get3A_3688 : vector<1x16xf32> to vector<16xf32>
        %mul3A_3690 = arith.mulf %broadcast_in_dim3A_3482, %get3A_3689 : vector<16xf32>
        %add3A_3691 = arith.addf %get3A_3685, %mul3A_3690 : vector<16xf32>
        %get3A_3692 = arith.index_cast %add3A_3492 : i32 to index
        %get3A_3693 = arith.constant 112 : index
        %get3A_3694 = tpu.vector_load %arg18[%get3A_3692, %get3A_3693] {strides = array<i32>} : memref<128x128xf32, #tpu.memory_space<vmem>>, vector<1x16xf32>,
        %get3A_3695 = vector.shape_cast %get3A_3694 : vector<1x16xf32> to vector<16xf32>
        %mul3A_3696 = arith.mulf %broadcast_in_dim3A_3485, %get3A_3695 : vector<16xf32>
        %add3A_3697 = arith.addf %add3A_3691, %mul3A_3696 : vector<16xf32>
        %get3A_3698 = arith.index_cast %add3A_3492 : i32 to index
        %get3A_3699 = arith.constant 112 : index
        %get3A_3700 = tpu.vector_load %arg19[%get3A_3698, %get3A_3699] {strides = array<i32>} : memref<128x128xf32, #tpu.memory_space<vmem>>, vector<1x16xf32>,
        %get3A_3701 = vector.shape_cast %get3A_3700 : vector<1x16xf32> to vector<16xf32>
        %mul3A_3702 = arith.mulf %broadcast_in_dim3A_3488, %get3A_3701 : vector<16xf32>
        %add3A_3703 = arith.addf %add3A_3697, %mul3A_3702 : vector<16xf32>
        %swap3A_3704 = arith.index_cast %add3A_3492 : i32 to index
        %swap3A_3705 = arith.constant 112 : index
        %swap3A_3706 = tpu.vector_load %arg21[%swap3A_3704, %swap3A_3705] {strides = array<i32>} : memref<128x128xf32, #tpu.memory_space<vmem>>, vector<1x16xf32>,
        %swap3A_3707 = vector.shape_cast %swap3A_3706 : vector<1x16xf32> to vector<16xf32>
        %swap3A_3708 = vector.shape_cast %add3A_3703 : vector<16xf32> to vector<1x16xf32>
        tpu.vector_store %arg21[%swap3A_3704, %swap3A_3705], %swap3A_3708 {strides = array<i32>} : memref<128x128xf32, #tpu.memory_space<vmem>>, vector<1x16xf32>,
      }
      %scan3A_33 = arith.constant 8 : i32
      "tpu.region"() ({
        %run_scoped3A = tpu.sem_alloc : memref<!tpu.dma_semaphore, #tpu.memory_space<semaphore_mem>>
        %dma_start3A_34 = arith.constant 0 : i32
        %dma_start3A_35 = tpu.memref_slice %arg10[%add3A_11, %dma_start3A_34] : memref<65536x128xf32, #tpu.memory_space<hbm>> -> memref<128x128xf32, #tpu.memory_space<hbm>>
        %dma_start3A_36 = arith.constant 0 : i32
        %dma_start3A_37 = tpu.memref_slice %arg10[%add3A_11, %dma_start3A_36] : memref<65536x128xf32, #tpu.memory_space<hbm>> -> memref<128x128xf32, #tpu.memory_space<hbm>>
        tpu.enqueue_dma source(%arg21 : memref<128x128xf32, #tpu.memory_space<vmem>>) target(%dma_start3A_37 : memref<128x128xf32, #tpu.memory_space<hbm>>) target_semaphore(%run_scoped3A : memref<!tpu.dma_semaphore, #tpu.memory_space<semaphore_mem>>)
        %dma_wait3A_38 = arith.constant 0 : i32
        %dma_wait3A_39 = tpu.memref_slice %arg10[%add3A_11, %dma_wait3A_38] : memref<65536x128xf32, #tpu.memory_space<hbm>> -> memref<128x128xf32, #tpu.memory_space<hbm>>
        %dma_wait3A_40 = arith.constant 0 : i32
        %dma_wait3A_41 = tpu.memref_slice %arg10[%add3A_11, %dma_wait3A_40] : memref<65536x128xf32, #tpu.memory_space<hbm>> -> memref<128x128xf32, #tpu.memory_space<hbm>>
        tpu.wait_dma2 semaphore(%run_scoped3A : memref<!tpu.dma_semaphore, #tpu.memory_space<semaphore_mem>>) src(%arg21 : memref<128x128xf32, #tpu.memory_space<vmem>>) dst(%dma_wait3A_41 : memref<128x128xf32, #tpu.memory_space<hbm>>)
        tpu.yield
      }) : () -> ()
    }
    %scan3A_7 = arith.constant 16 : i32
    return
  }
}

module attributes {stable_mosaic.version = 14 : i64} {
  func.func @_k1_body(%arg0: i32, %arg1: i32, %arg2: memref<1x512x3xf32, #tpu.memory_space<vmem>>, %arg3: memref<1x1024x3xf32, #tpu.memory_space<vmem>>, %arg4: memref<1x128x512xf32, #tpu.memory_space<vmem>>, %arg5: memref<128x128xf32, #tpu.memory_space<vmem>>, %arg6: memref<1x128xf32, #tpu.memory_space<vmem>>, %arg7: memref<512x128xf32, #tpu.memory_space<vmem>>, %arg8: memref<512xi32, #tpu.memory_space<vmem>>, %arg9: memref<512xi32, #tpu.memory_space<vmem>>, %arg10: memref<512xi32, #tpu.memory_space<vmem>>, %arg11: memref<512xf32, #tpu.memory_space<vmem>>, %arg12: memref<512xf32, #tpu.memory_space<vmem>>, %arg13: memref<512xf32, #tpu.memory_space<vmem>>) attributes {dimension_semantics = [#tpu.dimension_semantics<arbitrary>, #tpu.dimension_semantics<arbitrary>], iteration_bounds = array<i64: 16, 8>, scalar_prefetch = 0 : i64, scratch_operands = 0 : i64, tpu.core_type = #tpu.core_type<tc>, window_params = [{transform_indices = @transform_0, window_bounds = array<i64: 1, 512, 3>}, {transform_indices = @transform_1, window_bounds = array<i64: 1, 1024, 3>}, {transform_indices = @transform_2, window_bounds = array<i64: 1, 128, 512>}, {pipeline_mode = #tpu.pipeline_mode<synchronous>, transform_indices = @transform_3, window_bounds = array<i64: 128, 128>}, {pipeline_mode = #tpu.pipeline_mode<synchronous>, transform_indices = @transform_4, window_bounds = array<i64: 1, 128>}, {transform_indices = @transform_5, window_bounds = array<i64: 512, 128>}, {transform_indices = @transform_6, window_bounds = array<i64: 512>}, {transform_indices = @transform_7, window_bounds = array<i64: 512>}, {transform_indices = @transform_8, window_bounds = array<i64: 512>}, {transform_indices = @transform_9, window_bounds = array<i64: 512>}, {transform_indices = @transform_10, window_bounds = array<i64: 512>}, {transform_indices = @transform_11, window_bounds = array<i64: 512>}]} {
    %get3A = arith.constant 0 : index
    %get3A_0 = arith.constant 0 : index
    %get3A_1 = arith.constant 0 : index
    %get3A_2 = vector.load %arg2[%get3A, %get3A_0, %get3A_1] : memref<1x512x3xf32, #tpu.memory_space<vmem>>, vector<1x512x3xf32>
    %get3A_3 = vector.shape_cast %get3A_2 : vector<1x512x3xf32> to vector<512x3xf32>
    %get3A_4 = arith.constant 0 : index
    %get3A_5 = arith.constant 0 : index
    %get3A_6 = arith.constant 0 : index
    %get3A_7 = vector.load %arg3[%get3A_4, %get3A_5, %get3A_6] : memref<1x1024x3xf32, #tpu.memory_space<vmem>>, vector<1x1024x3xf32>
    %get3A_8 = vector.shape_cast %get3A_7 : vector<1x1024x3xf32> to vector<1024x3xf32>
    %dot_general3A = arith.constant dense<0.000000e+00> : vector<512x1024xf32>
    %dot_general3A_9 = tpu.matmul %get3A_3, %get3A_8, %dot_general3A {dimension_numbers = #tpu.dot_dimension_numbers<[1], [1], [0], [0], [0, 0, 1, 0], [], []>, transpose_lhs_hint = false} : vector<512x3xf32>, vector<1024x3xf32>, vector<512x1024xf32> -> vector<512x1024xf32>
    %mul3A = arith.constant -2.000000e+00 : f32
    %mul3A_10 = vector.broadcast %mul3A : f32 to vector<512x1024xf32>
    %mul3A_11 = arith.mulf %mul3A_10, %dot_general3A_9 : vector<512x1024xf32>
    %mul3A_12 = arith.mulf %get3A_3, %get3A_3 : vector<512x3xf32>
    %reduce_sum3A = arith.constant dense<0.000000e+00> : vector<512xf32>
    %reduce_sum3A_13 = vector.multi_reduction <add>, %mul3A_12, %reduce_sum3A [1] : vector<512x3xf32> to vector<512xf32>
    %broadcast_in_dim3A = vector.shape_cast %reduce_sum3A_13 : vector<512xf32> to vector<512x1xf32>
    %add3A = vector.broadcast %broadcast_in_dim3A : vector<512x1xf32> to vector<512x1024xf32>
    %add3A_14 = arith.addf %mul3A_11, %add3A : vector<512x1024xf32>
    %mul3A_15 = arith.mulf %get3A_8, %get3A_8 : vector<1024x3xf32>
    %reduce_sum3A_16 = arith.constant dense<0.000000e+00> : vector<1024xf32>
    %reduce_sum3A_17 = vector.multi_reduction <add>, %mul3A_15, %reduce_sum3A_16 [1] : vector<1024x3xf32> to vector<1024xf32>
    %broadcast_in_dim3A_18 = vector.shape_cast %reduce_sum3A_17 : vector<1024xf32> to vector<1x1024xf32>
    %add3A_19 = vector.broadcast %broadcast_in_dim3A_18 : vector<1x1024xf32> to vector<512x1024xf32>
    %add3A_20 = arith.addf %add3A_14, %add3A_19 : vector<512x1024xf32>
    %transpose3A = tpu.transpose %add3A_20, [1, 0] : vector<512x1024xf32> -> vector<1024x512xf32>
    %iota3A = tpu.iota {dimensions = array<i32: 0>} : vector<1024x512xi32>
    %reduce_min3A = arith.constant dense<0x7F800000> : vector<512xf32>
    %reduce_min3A_21 = vector.multi_reduction <minimumf>, %transpose3A, %reduce_min3A [0] : vector<1024x512xf32> to vector<512xf32>
    %broadcast_in_dim3A_22 = vector.shape_cast %reduce_min3A_21 : vector<512xf32> to vector<1x512xf32>
    %eq3A = vector.broadcast %broadcast_in_dim3A_22 : vector<1x512xf32> to vector<1024x512xf32>
    %eq3A_23 = arith.cmpf oeq, %transpose3A, %eq3A : vector<1024x512xf32>
    %jit3A = arith.constant 1024 : i32
    %broadcast_in_dim3A_24 = vector.broadcast %jit3A : i32 to vector<1024x512xi32>
    %select_n3A = arith.select %eq3A_23, %iota3A, %broadcast_in_dim3A_24 : vector<1024x512xi1>, vector<1024x512xi32>
    %reduce_min3A_25 = arith.constant dense<2147483647> : vector<512xi32>
    %reduce_min3A_26 = vector.multi_reduction <minsi>, %select_n3A, %reduce_min3A_25 [0] : vector<1024x512xi32> to vector<512xi32>
    %broadcast_in_dim3A_27 = vector.shape_cast %reduce_min3A_26 : vector<512xi32> to vector<1x512xi32>
    %eq3A_28 = vector.broadcast %broadcast_in_dim3A_27 : vector<1x512xi32> to vector<1024x512xi32>
    %eq3A_29 = arith.cmpi eq, %iota3A, %eq3A_28 : vector<1024x512xi32>
    %jit3A_30 = arith.constant 0x7F800000 : f32
    %broadcast_in_dim3A_31 = vector.broadcast %jit3A_30 : f32 to vector<1024x512xf32>
    %select_n3A_32 = arith.select %eq3A_29, %broadcast_in_dim3A_31, %transpose3A : vector<1024x512xi1>, vector<1024x512xf32>
    %add3A_33 = arith.constant 9.99999993E-9 : f32
    %add3A_34 = vector.broadcast %add3A_33 : f32 to vector<512xf32>
    %add3A_35 = arith.addf %reduce_min3A_21, %add3A_34 : vector<512xf32>
    %div3A = arith.constant 1.000000e+00 : f32
    %div3A_36 = vector.broadcast %div3A : f32 to vector<512xf32>
    %div3A_37 = arith.divf %div3A_36, %add3A_35 : vector<512xf32>
    %reduce_min3A_38 = arith.constant dense<0x7F800000> : vector<512xf32>
    %reduce_min3A_39 = vector.multi_reduction <minimumf>, %select_n3A_32, %reduce_min3A_38 [0] : vector<1024x512xf32> to vector<512xf32>
    %broadcast_in_dim3A_40 = vector.shape_cast %reduce_min3A_39 : vector<512xf32> to vector<1x512xf32>
    %eq3A_41 = vector.broadcast %broadcast_in_dim3A_40 : vector<1x512xf32> to vector<1024x512xf32>
    %eq3A_42 = arith.cmpf oeq, %select_n3A_32, %eq3A_41 : vector<1024x512xf32>
    %jit3A_43 = arith.constant 1024 : i32
    %broadcast_in_dim3A_44 = vector.broadcast %jit3A_43 : i32 to vector<1024x512xi32>
    %select_n3A_45 = arith.select %eq3A_42, %iota3A, %broadcast_in_dim3A_44 : vector<1024x512xi1>, vector<1024x512xi32>
    %reduce_min3A_46 = arith.constant dense<2147483647> : vector<512xi32>
    %reduce_min3A_47 = vector.multi_reduction <minsi>, %select_n3A_45, %reduce_min3A_46 [0] : vector<1024x512xi32> to vector<512xi32>
    %broadcast_in_dim3A_48 = vector.shape_cast %reduce_min3A_47 : vector<512xi32> to vector<1x512xi32>
    %eq3A_49 = vector.broadcast %broadcast_in_dim3A_48 : vector<1x512xi32> to vector<1024x512xi32>
    %eq3A_50 = arith.cmpi eq, %iota3A, %eq3A_49 : vector<1024x512xi32>
    %jit3A_51 = arith.constant 0x7F800000 : f32
    %broadcast_in_dim3A_52 = vector.broadcast %jit3A_51 : f32 to vector<1024x512xf32>
    %select_n3A_53 = arith.select %eq3A_50, %broadcast_in_dim3A_52, %select_n3A_32 : vector<1024x512xi1>, vector<1024x512xf32>
    %add3A_54 = arith.constant 9.99999993E-9 : f32
    %add3A_55 = vector.broadcast %add3A_54 : f32 to vector<512xf32>
    %add3A_56 = arith.addf %reduce_min3A_39, %add3A_55 : vector<512xf32>
    %div3A_57 = arith.constant 1.000000e+00 : f32
    %div3A_58 = vector.broadcast %div3A_57 : f32 to vector<512xf32>
    %div3A_59 = arith.divf %div3A_58, %add3A_56 : vector<512xf32>
    %reduce_min3A_60 = arith.constant dense<0x7F800000> : vector<512xf32>
    %reduce_min3A_61 = vector.multi_reduction <minimumf>, %select_n3A_53, %reduce_min3A_60 [0] : vector<1024x512xf32> to vector<512xf32>
    %broadcast_in_dim3A_62 = vector.shape_cast %reduce_min3A_61 : vector<512xf32> to vector<1x512xf32>
    %eq3A_63 = vector.broadcast %broadcast_in_dim3A_62 : vector<1x512xf32> to vector<1024x512xf32>
    %eq3A_64 = arith.cmpf oeq, %select_n3A_53, %eq3A_63 : vector<1024x512xf32>
    %jit3A_65 = arith.constant 1024 : i32
    %broadcast_in_dim3A_66 = vector.broadcast %jit3A_65 : i32 to vector<1024x512xi32>
    %select_n3A_67 = arith.select %eq3A_64, %iota3A, %broadcast_in_dim3A_66 : vector<1024x512xi1>, vector<1024x512xi32>
    %reduce_min3A_68 = arith.constant dense<2147483647> : vector<512xi32>
    %reduce_min3A_69 = vector.multi_reduction <minsi>, %select_n3A_67, %reduce_min3A_68 [0] : vector<1024x512xi32> to vector<512xi32>
    %add3A_70 = arith.constant 9.99999993E-9 : f32
    %add3A_71 = vector.broadcast %add3A_70 : f32 to vector<512xf32>
    %add3A_72 = arith.addf %reduce_min3A_61, %add3A_71 : vector<512xf32>
    %div3A_73 = arith.constant 1.000000e+00 : f32
    %div3A_74 = vector.broadcast %div3A_73 : f32 to vector<512xf32>
    %div3A_75 = arith.divf %div3A_74, %add3A_72 : vector<512xf32>
    %add3A_76 = arith.addf %div3A_37, %div3A_59 : vector<512xf32>
    %add3A_77 = arith.addf %add3A_76, %div3A_75 : vector<512xf32>
    %mul3A_78 = arith.constant 1024 : i32
    %mul3A_79 = arith.muli %arg0, %mul3A_78 : i32
    %add3A_80 = vector.broadcast %mul3A_79 : i32 to vector<512xi32>
    %add3A_81 = arith.addi %reduce_min3A_26, %add3A_80 : vector<512xi32>
    %swap3A = arith.constant 0 : index
    %swap3A_82 = vector.load %arg8[%swap3A] : memref<512xi32, #tpu.memory_space<vmem>>, vector<512xi32>
    tpu.vector_store %arg8[%swap3A], %add3A_81 {strides = array<i32>} : memref<512xi32, #tpu.memory_space<vmem>>, vector<512xi32>,
    %div3A_83 = arith.divf %div3A_37, %add3A_77 : vector<512xf32>
    %swap3A_84 = arith.constant 0 : index
    %swap3A_85 = vector.load %arg11[%swap3A_84] : memref<512xf32, #tpu.memory_space<vmem>>, vector<512xf32>
    tpu.vector_store %arg11[%swap3A_84], %div3A_83 {strides = array<i32>} : memref<512xf32, #tpu.memory_space<vmem>>, vector<512xf32>,
    %mul3A_86 = arith.constant 1024 : i32
    %mul3A_87 = arith.muli %arg0, %mul3A_86 : i32
    %add3A_88 = vector.broadcast %mul3A_87 : i32 to vector<512xi32>
    %add3A_89 = arith.addi %reduce_min3A_47, %add3A_88 : vector<512xi32>
    %swap3A_90 = arith.constant 0 : index
    %swap3A_91 = vector.load %arg9[%swap3A_90] : memref<512xi32, #tpu.memory_space<vmem>>, vector<512xi32>
    tpu.vector_store %arg9[%swap3A_90], %add3A_89 {strides = array<i32>} : memref<512xi32, #tpu.memory_space<vmem>>, vector<512xi32>,
    %div3A_92 = arith.divf %div3A_59, %add3A_77 : vector<512xf32>
    %swap3A_93 = arith.constant 0 : index
    %swap3A_94 = vector.load %arg12[%swap3A_93] : memref<512xf32, #tpu.memory_space<vmem>>, vector<512xf32>
    tpu.vector_store %arg12[%swap3A_93], %div3A_92 {strides = array<i32>} : memref<512xf32, #tpu.memory_space<vmem>>, vector<512xf32>,
    %mul3A_95 = arith.constant 1024 : i32
    %mul3A_96 = arith.muli %arg0, %mul3A_95 : i32
    %add3A_97 = vector.broadcast %mul3A_96 : i32 to vector<512xi32>
    %add3A_98 = arith.addi %reduce_min3A_69, %add3A_97 : vector<512xi32>
    %swap3A_99 = arith.constant 0 : index
    %swap3A_100 = vector.load %arg10[%swap3A_99] : memref<512xi32, #tpu.memory_space<vmem>>, vector<512xi32>
    tpu.vector_store %arg10[%swap3A_99], %add3A_98 {strides = array<i32>} : memref<512xi32, #tpu.memory_space<vmem>>, vector<512xi32>,
    %div3A_101 = arith.divf %div3A_75, %add3A_77 : vector<512xf32>
    %swap3A_102 = arith.constant 0 : index
    %swap3A_103 = vector.load %arg13[%swap3A_102] : memref<512xf32, #tpu.memory_space<vmem>>, vector<512xf32>
    tpu.vector_store %arg13[%swap3A_102], %div3A_101 {strides = array<i32>} : memref<512xf32, #tpu.memory_space<vmem>>, vector<512xf32>,
    %get3A_104 = arith.constant 0 : index
    %get3A_105 = arith.constant 0 : index
    %get3A_106 = arith.constant 0 : index
    %get3A_107 = vector.load %arg4[%get3A_104, %get3A_105, %get3A_106] : memref<1x128x512xf32, #tpu.memory_space<vmem>>, vector<1x128x512xf32>
    %get3A_108 = vector.shape_cast %get3A_107 : vector<1x128x512xf32> to vector<128x512xf32>
    %get3A_109 = arith.constant 0 : index
    %get3A_110 = arith.constant 0 : index
    %get3A_111 = vector.load %arg5[%get3A_109, %get3A_110] : memref<128x128xf32, #tpu.memory_space<vmem>>, vector<128x128xf32>
    %dot_general3A_112 = arith.constant dense<0.000000e+00> : vector<512x128xf32>
    %dot_general3A_113 = tpu.matmul %get3A_108, %get3A_111, %dot_general3A_112 {dimension_numbers = #tpu.dot_dimension_numbers<[0], [1], [1], [0], [0, 1, 1, 0], [], []>, transpose_lhs_hint = false} : vector<128x512xf32>, vector<128x128xf32>, vector<512x128xf32> -> vector<512x128xf32>
    %get3A_114 = arith.constant 0 : index
    %get3A_115 = arith.constant 0 : index
    %get3A_116 = vector.load %arg6[%get3A_114, %get3A_115] : memref<1x128xf32, #tpu.memory_space<vmem>>, vector<1x128xf32>
    %add3A_117 = vector.broadcast %get3A_116 : vector<1x128xf32> to vector<512x128xf32>
    %add3A_118 = arith.addf %dot_general3A_113, %add3A_117 : vector<512x128xf32>
    %swap3A_119 = arith.constant 0 : index
    %swap3A_120 = arith.constant 0 : index
    %swap3A_121 = vector.load %arg7[%swap3A_119, %swap3A_120] : memref<512x128xf32, #tpu.memory_space<vmem>>, vector<512x128xf32>
    tpu.vector_store %arg7[%swap3A_119, %swap3A_120], %add3A_118 {strides = array<i32>} : memref<512x128xf32, #tpu.memory_space<vmem>>, vector<512x128xf32>,
    return
  }
  func.func @transform_0(%arg0: i32, %arg1: i32) -> (i32, i32, i32) {
    %c0_i32 = arith.constant 0 : i32
    %c0_i32_0 = arith.constant 0 : i32
    return %arg0, %arg1, %c0_i32 : i32, i32, i32
  }
  func.func @transform_1(%arg0: i32, %arg1: i32) -> (i32, i32, i32) {
    %c0_i32 = arith.constant 0 : i32
    %c0_i32_0 = arith.constant 0 : i32
    %c0_i32_1 = arith.constant 0 : i32
    return %arg0, %c0_i32, %c0_i32_0 : i32, i32, i32
  }
  func.func @transform_2(%arg0: i32, %arg1: i32) -> (i32, i32, i32) {
    %c0_i32 = arith.constant 0 : i32
    %c0_i32_0 = arith.constant 0 : i32
    return %arg0, %c0_i32, %arg1 : i32, i32, i32
  }
  func.func @transform_3(%arg0: i32, %arg1: i32) -> (i32, i32) {
    %c0_i32 = arith.constant 0 : i32
    %c0_i32_0 = arith.constant 0 : i32
    %c0_i32_1 = arith.constant 0 : i32
    return %c0_i32, %c0_i32_0 : i32, i32
  }
  func.func @transform_4(%arg0: i32, %arg1: i32) -> (i32, i32) {
    %c0_i32 = arith.constant 0 : i32
    %c0_i32_0 = arith.constant 0 : i32
    %c0_i32_1 = arith.constant 0 : i32
    return %c0_i32, %c0_i32_0 : i32, i32
  }
  func.func @transform_5(%arg0: i32, %arg1: i32) -> (i32, i32) {
    %mul3A = arith.constant 8 : i32
    %mul3A_0 = arith.muli %arg0, %mul3A : i32
    %add3A = arith.addi %mul3A_0, %arg1 : i32
    %c0_i32 = arith.constant 0 : i32
    %c0_i32_1 = arith.constant 0 : i32
    return %add3A, %c0_i32 : i32, i32
  }
  func.func @transform_6(%arg0: i32, %arg1: i32) -> i32 {
    %mul3A = arith.constant 8 : i32
    %mul3A_0 = arith.muli %arg0, %mul3A : i32
    %add3A = arith.addi %mul3A_0, %arg1 : i32
    %c0_i32 = arith.constant 0 : i32
    return %add3A : i32
  }
  func.func @transform_7(%arg0: i32, %arg1: i32) -> i32 {
    %mul3A = arith.constant 8 : i32
    %mul3A_0 = arith.muli %arg0, %mul3A : i32
    %add3A = arith.addi %mul3A_0, %arg1 : i32
    %c0_i32 = arith.constant 0 : i32
    return %add3A : i32
  }
  func.func @transform_8(%arg0: i32, %arg1: i32) -> i32 {
    %mul3A = arith.constant 8 : i32
    %mul3A_0 = arith.muli %arg0, %mul3A : i32
    %add3A = arith.addi %mul3A_0, %arg1 : i32
    %c0_i32 = arith.constant 0 : i32
    return %add3A : i32
  }
  func.func @transform_9(%arg0: i32, %arg1: i32) -> i32 {
    %mul3A = arith.constant 8 : i32
    %mul3A_0 = arith.muli %arg0, %mul3A : i32
    %add3A = arith.addi %mul3A_0, %arg1 : i32
    %c0_i32 = arith.constant 0 : i32
    return %add3A : i32
  }
  func.func @transform_10(%arg0: i32, %arg1: i32) -> i32 {
    %mul3A = arith.constant 8 : i32
    %mul3A_0 = arith.muli %arg0, %mul3A : i32
    %add3A = arith.addi %mul3A_0, %arg1 : i32
    %c0_i32 = arith.constant 0 : i32
    return %add3A : i32
  }
  func.func @transform_11(%arg0: i32, %arg1: i32) -> i32 {
    %mul3A = arith.constant 8 : i32
    %mul3A_0 = arith.muli %arg0, %mul3A : i32
    %add3A = arith.addi %mul3A_0, %arg1 : i32
    %c0_i32 = arith.constant 0 : i32
    return %add3A : i32
  }
}

module attributes {stable_mosaic.version = 14 : i64} {
  func.func @_k0_body(%arg0: i32, %arg1: memref<1x256x1024xf32, #tpu.memory_space<vmem>>, %arg2: memref<128x256xf32, #tpu.memory_space<vmem>>, %arg3: memref<1x1024x128xf32, #tpu.memory_space<vmem>>) attributes {dimension_semantics = [#tpu.dimension_semantics<arbitrary>], iteration_bounds = array<i64: 16>, scalar_prefetch = 0 : i64, scratch_operands = 0 : i64, tpu.core_type = #tpu.core_type<tc>, window_params = [{transform_indices = @transform_0, window_bounds = array<i64: 1, 256, 1024>}, {pipeline_mode = #tpu.pipeline_mode<synchronous>, transform_indices = @transform_1, window_bounds = array<i64: 128, 256>}, {transform_indices = @transform_2, window_bounds = array<i64: 1, 1024, 128>}]} {
    %get3A = arith.constant 0 : index
    %get3A_0 = arith.constant 0 : index
    %get3A_1 = arith.constant 0 : index
    %get3A_2 = vector.load %arg1[%get3A, %get3A_0, %get3A_1] : memref<1x256x1024xf32, #tpu.memory_space<vmem>>, vector<1x256x1024xf32>
    %get3A_3 = vector.shape_cast %get3A_2 : vector<1x256x1024xf32> to vector<256x1024xf32>
    %get3A_4 = arith.constant 0 : index
    %get3A_5 = arith.constant 0 : index
    %get3A_6 = vector.load %arg2[%get3A_4, %get3A_5] : memref<128x256xf32, #tpu.memory_space<vmem>>, vector<128x256xf32>
    %dot_general3A = arith.constant dense<0.000000e+00> : vector<1024x128xf32>
    %dot_general3A_7 = tpu.matmul %get3A_3, %get3A_6, %dot_general3A {dimension_numbers = #tpu.dot_dimension_numbers<[0], [1], [1], [0], [0, 1, 1, 0], [], []>, transpose_lhs_hint = false} : vector<256x1024xf32>, vector<128x256xf32>, vector<1024x128xf32> -> vector<1024x128xf32>
    %swap3A = arith.constant 0 : index
    %swap3A_8 = arith.constant 0 : index
    %swap3A_9 = arith.constant 0 : index
    %swap3A_10 = vector.load %arg3[%swap3A, %swap3A_8, %swap3A_9] : memref<1x1024x128xf32, #tpu.memory_space<vmem>>, vector<1x1024x128xf32>
    %swap3A_11 = vector.shape_cast %swap3A_10 : vector<1x1024x128xf32> to vector<1024x128xf32>
    %swap3A_12 = vector.shape_cast %dot_general3A_7 : vector<1024x128xf32> to vector<1x1024x128xf32>
    tpu.vector_store %arg3[%swap3A, %swap3A_8, %swap3A_9], %swap3A_12 {strides = array<i32>} : memref<1x1024x128xf32, #tpu.memory_space<vmem>>, vector<1x1024x128xf32>,
    return
  }
  func.func @transform_0(%arg0: i32) -> (i32, i32, i32) {
    %c0_i32 = arith.constant 0 : i32
    %c0_i32_0 = arith.constant 0 : i32
    %c0_i32_1 = arith.constant 0 : i32
    return %arg0, %c0_i32, %c0_i32_0 : i32, i32, i32
  }
  func.func @transform_1(%arg0: i32) -> (i32, i32) {
    %c0_i32 = arith.constant 0 : i32
    %c0_i32_0 = arith.constant 0 : i32
    %c0_i32_1 = arith.constant 0 : i32
    return %c0_i32, %c0_i32_0 : i32, i32
  }
  func.func @transform_2(%arg0: i32) -> (i32, i32, i32) {
    %c0_i32 = arith.constant 0 : i32
    %c0_i32_0 = arith.constant 0 : i32
    %c0_i32_1 = arith.constant 0 : i32
    return %arg0, %c0_i32, %c0_i32_0 : i32, i32, i32
  }
}

module attributes {stable_mosaic.version = 14 : i64} {
  func.func @_kst_body(%arg0: i32, %arg1: memref<512x128xf32, #tpu.memory_space<vmem>>, %arg2: memref<8x128xf32, #tpu.memory_space<vmem>>) attributes {dimension_semantics = [#tpu.dimension_semantics<arbitrary>], iteration_bounds = array<i64: 128>, scalar_prefetch = 0 : i64, scratch_operands = 0 : i64, tpu.core_type = #tpu.core_type<tc>, window_params = [{transform_indices = @transform_0, window_bounds = array<i64: 512, 128>}, {pipeline_mode = #tpu.pipeline_mode<synchronous>, transform_indices = @transform_1, window_bounds = array<i64: 8, 128>}]} {
    %eq3A = arith.constant 0 : i32
    %eq3A_0 = arith.cmpi eq, %arg0, %eq3A : i32
    %convert_element_type3A = arith.extui %eq3A_0 : i1 to i32
    %cond3A = arith.constant 0 : i32
    %cond3A_1 = arith.cmpi ne, %convert_element_type3A, %cond3A : i32
    scf.if %cond3A_1 {
      %broadcast_in_dim3A_20 = arith.constant 0.000000e+00 : f32
      %broadcast_in_dim3A_21 = vector.broadcast %broadcast_in_dim3A_20 : f32 to vector<8x128xf32>
      %swap3A_22 = arith.constant 0 : index
      %swap3A_23 = arith.constant 0 : index
      %swap3A_24 = vector.load %arg2[%swap3A_22, %swap3A_23] : memref<8x128xf32, #tpu.memory_space<vmem>>, vector<8x128xf32>
      tpu.vector_store %arg2[%swap3A_22, %swap3A_23], %broadcast_in_dim3A_21 {strides = array<i32>} : memref<8x128xf32, #tpu.memory_space<vmem>>, vector<8x128xf32>,
    } else {
    }
    %get3A = arith.constant 0 : index
    %get3A_2 = arith.constant 0 : index
    %get3A_3 = vector.load %arg1[%get3A, %get3A_2] : memref<512x128xf32, #tpu.memory_space<vmem>>, vector<512x128xf32>
    %get3A_4 = arith.constant 0 : index
    %get3A_5 = arith.constant 0 : index
    %get3A_6 = vector.load %arg2[%get3A_4, %get3A_5] : memref<8x128xf32, #tpu.memory_space<vmem>>, vector<1x128xf32>
    %reduce_sum3A = arith.constant dense<0.000000e+00> : vector<128xf32>
    %reduce_sum3A_7 = vector.multi_reduction <add>, %get3A_3, %reduce_sum3A [0] : vector<512x128xf32> to vector<128xf32>
    %broadcast_in_dim3A = vector.shape_cast %reduce_sum3A_7 : vector<128xf32> to vector<1x128xf32>
    %add3A = arith.addf %get3A_6, %broadcast_in_dim3A : vector<1x128xf32>
    %swap3A = arith.constant 0 : index
    %swap3A_8 = arith.constant 0 : index
    %swap3A_9 = vector.load %arg2[%swap3A, %swap3A_8] : memref<8x128xf32, #tpu.memory_space<vmem>>, vector<1x128xf32>
    tpu.vector_store %arg2[%swap3A, %swap3A_8], %add3A {strides = array<i32>} : memref<8x128xf32, #tpu.memory_space<vmem>>, vector<1x128xf32>,
    %get3A_10 = arith.constant 1 : index
    %get3A_11 = arith.constant 0 : index
    %get3A_12 = vector.load %arg2[%get3A_10, %get3A_11] : memref<8x128xf32, #tpu.memory_space<vmem>>, vector<1x128xf32>
    %mul3A = arith.mulf %get3A_3, %get3A_3 : vector<512x128xf32>
    %reduce_sum3A_13 = arith.constant dense<0.000000e+00> : vector<128xf32>
    %reduce_sum3A_14 = vector.multi_reduction <add>, %mul3A, %reduce_sum3A_13 [0] : vector<512x128xf32> to vector<128xf32>
    %broadcast_in_dim3A_15 = vector.shape_cast %reduce_sum3A_14 : vector<128xf32> to vector<1x128xf32>
    %add3A_16 = arith.addf %get3A_12, %broadcast_in_dim3A_15 : vector<1x128xf32>
    %swap3A_17 = arith.constant 1 : index
    %swap3A_18 = arith.constant 0 : index
    %swap3A_19 = vector.load %arg2[%swap3A_17, %swap3A_18] : memref<8x128xf32, #tpu.memory_space<vmem>>, vector<1x128xf32>
    tpu.vector_store %arg2[%swap3A_17, %swap3A_18], %add3A_16 {strides = array<i32>} : memref<8x128xf32, #tpu.memory_space<vmem>>, vector<1x128xf32>,
    return
  }
  func.func @transform_0(%arg0: i32) -> (i32, i32) {
    %c0_i32 = arith.constant 0 : i32
    %c0_i32_0 = arith.constant 0 : i32
    return %arg0, %c0_i32 : i32, i32
  }
  func.func @transform_1(%arg0: i32) -> (i32, i32) {
    %c0_i32 = arith.constant 0 : i32
    %c0_i32_0 = arith.constant 0 : i32
    %c0_i32_1 = arith.constant 0 : i32
    return %c0_i32, %c0_i32_0 : i32, i32
  }
}

module attributes {stable_mosaic.version = 14 : i64} {
  func.func @_k2_body(%arg0: i32, %arg1: memref<512x128xf32, #tpu.memory_space<vmem>>, %arg2: memref<8x128xf32, #tpu.memory_space<vmem>>, %arg3: memref<1x128xf32, #tpu.memory_space<vmem>>, %arg4: memref<1x128xf32, #tpu.memory_space<vmem>>, %arg5: memref<128x128xf32, #tpu.memory_space<vmem>>, %arg6: memref<1x128xf32, #tpu.memory_space<vmem>>, %arg7: memref<512x128xf32, #tpu.memory_space<vmem>>, %arg8: memref<512x128xf32, #tpu.memory_space<vmem>>, %arg9: memref<8x128xf32, #tpu.memory_space<vmem>>) attributes {dimension_semantics = [#tpu.dimension_semantics<arbitrary>], iteration_bounds = array<i64: 128>, scalar_prefetch = 0 : i64, scratch_operands = 0 : i64, tpu.core_type = #tpu.core_type<tc>, window_params = [{transform_indices = @transform_0, window_bounds = array<i64: 512, 128>}, {pipeline_mode = #tpu.pipeline_mode<synchronous>, transform_indices = @transform_1, window_bounds = array<i64: 8, 128>}, {pipeline_mode = #tpu.pipeline_mode<synchronous>, transform_indices = @transform_2, window_bounds = array<i64: 1, 128>}, {pipeline_mode = #tpu.pipeline_mode<synchronous>, transform_indices = @transform_3, window_bounds = array<i64: 1, 128>}, {pipeline_mode = #tpu.pipeline_mode<synchronous>, transform_indices = @transform_4, window_bounds = array<i64: 128, 128>}, {pipeline_mode = #tpu.pipeline_mode<synchronous>, transform_indices = @transform_5, window_bounds = array<i64: 1, 128>}, {transform_indices = @transform_6, window_bounds = array<i64: 512, 128>}, {transform_indices = @transform_7, window_bounds = array<i64: 512, 128>}, {pipeline_mode = #tpu.pipeline_mode<synchronous>, transform_indices = @transform_8, window_bounds = array<i64: 8, 128>}]} {
    %get3A = arith.constant 0 : index
    %get3A_0 = arith.constant 0 : index
    %get3A_1 = vector.load %arg2[%get3A, %get3A_0] : memref<8x128xf32, #tpu.memory_space<vmem>>, vector<8x128xf32>
    %get3A_2 = arith.constant 0 : index
    %get3A_3 = arith.constant 0 : index
    %get3A_4 = vector.load %arg3[%get3A_2, %get3A_3] : memref<1x128xf32, #tpu.memory_space<vmem>>, vector<1x128xf32>
    %get3A_5 = arith.constant 0 : index
    %get3A_6 = arith.constant 0 : index
    %get3A_7 = vector.load %arg4[%get3A_5, %get3A_6] : memref<1x128xf32, #tpu.memory_space<vmem>>, vector<1x128xf32>
    %slice3A = vector.extract_strided_slice %get3A_1 {offsets = [0, 0], sizes = [1, 128], strides = [1, 1]} : vector<8x128xf32> to vector<1x128xf32>
    %div3A = arith.constant 6.553600e+04 : f32
    %div3A_8 = vector.broadcast %div3A : f32 to vector<1x128xf32>
    %div3A_9 = arith.divf %slice3A, %div3A_8 : vector<1x128xf32>
    %slice3A_10 = vector.extract_strided_slice %get3A_1 {offsets = [1, 0], sizes = [1, 128], strides = [1, 1]} : vector<8x128xf32> to vector<1x128xf32>
    %div3A_11 = arith.constant 6.553600e+04 : f32
    %div3A_12 = vector.broadcast %div3A_11 : f32 to vector<1x128xf32>
    %div3A_13 = arith.divf %slice3A_10, %div3A_12 : vector<1x128xf32>
    %mul3A = arith.mulf %div3A_9, %div3A_9 : vector<1x128xf32>
    %sub3A = arith.subf %div3A_13, %mul3A : vector<1x128xf32>
    %add3A = arith.constant 9.99999974E-6 : f32
    %add3A_14 = vector.broadcast %add3A : f32 to vector<1x128xf32>
    %add3A_15 = arith.addf %sub3A, %add3A_14 : vector<1x128xf32>
    %sqrt3A = math.sqrt %add3A_15 : vector<1x128xf32>
    %div3A_16 = arith.divf %get3A_4, %sqrt3A : vector<1x128xf32>
    %mul3A_17 = arith.mulf %div3A_9, %div3A_16 : vector<1x128xf32>
    %sub3A_18 = arith.subf %get3A_7, %mul3A_17 : vector<1x128xf32>
    %get3A_19 = arith.constant 0 : index
    %get3A_20 = arith.constant 0 : index
    %get3A_21 = vector.load %arg1[%get3A_19, %get3A_20] : memref<512x128xf32, #tpu.memory_space<vmem>>, vector<512x128xf32>
    %mul3A_22 = vector.broadcast %div3A_16 : vector<1x128xf32> to vector<512x128xf32>
    %mul3A_23 = arith.mulf %get3A_21, %mul3A_22 : vector<512x128xf32>
    %add3A_24 = vector.broadcast %sub3A_18 : vector<1x128xf32> to vector<512x128xf32>
    %add3A_25 = arith.addf %mul3A_23, %add3A_24 : vector<512x128xf32>
    %max3A = arith.constant 0.000000e+00 : f32
    %max3A_26 = vector.broadcast %max3A : f32 to vector<512x128xf32>
    %max3A_27 = arith.maximumf %add3A_25, %max3A_26 : vector<512x128xf32>
    %swap3A = arith.constant 0 : index
    %swap3A_28 = arith.constant 0 : index
    %swap3A_29 = vector.load %arg7[%swap3A, %swap3A_28] : memref<512x128xf32, #tpu.memory_space<vmem>>, vector<512x128xf32>
    tpu.vector_store %arg7[%swap3A, %swap3A_28], %max3A_27 {strides = array<i32>} : memref<512x128xf32, #tpu.memory_space<vmem>>, vector<512x128xf32>,
    %get3A_30 = arith.constant 0 : index
    %get3A_31 = arith.constant 0 : index
    %get3A_32 = vector.load %arg5[%get3A_30, %get3A_31] : memref<128x128xf32, #tpu.memory_space<vmem>>, vector<128x128xf32>
    %dot_general3A = arith.constant dense<0.000000e+00> : vector<512x128xf32>
    %dot_general3A_33 = tpu.matmul %max3A_27, %get3A_32, %dot_general3A {dimension_numbers = #tpu.dot_dimension_numbers<[1], [1], [0], [0], [0, 0, 1, 0], [], []>, transpose_lhs_hint = false} : vector<512x128xf32>, vector<128x128xf32>, vector<512x128xf32> -> vector<512x128xf32>
    %get3A_34 = arith.constant 0 : index
    %get3A_35 = arith.constant 0 : index
    %get3A_36 = vector.load %arg6[%get3A_34, %get3A_35] : memref<1x128xf32, #tpu.memory_space<vmem>>, vector<1x128xf32>
    %add3A_37 = vector.broadcast %get3A_36 : vector<1x128xf32> to vector<512x128xf32>
    %add3A_38 = arith.addf %dot_general3A_33, %add3A_37 : vector<512x128xf32>
    %swap3A_39 = arith.constant 0 : index
    %swap3A_40 = arith.constant 0 : index
    %swap3A_41 = vector.load %arg8[%swap3A_39, %swap3A_40] : memref<512x128xf32, #tpu.memory_space<vmem>>, vector<512x128xf32>
    tpu.vector_store %arg8[%swap3A_39, %swap3A_40], %add3A_38 {strides = array<i32>} : memref<512x128xf32, #tpu.memory_space<vmem>>, vector<512x128xf32>,
    %eq3A = arith.constant 0 : i32
    %eq3A_42 = arith.cmpi eq, %arg0, %eq3A : i32
    %convert_element_type3A = arith.extui %eq3A_42 : i1 to i32
    %cond3A = arith.constant 0 : i32
    %cond3A_43 = arith.cmpi ne, %convert_element_type3A, %cond3A : i32
    scf.if %cond3A_43 {
      %broadcast_in_dim3A_63 = arith.constant 0.000000e+00 : f32
      %broadcast_in_dim3A_64 = vector.broadcast %broadcast_in_dim3A_63 : f32 to vector<8x128xf32>
      %swap3A_65 = arith.constant 0 : index
      %swap3A_66 = arith.constant 0 : index
      %swap3A_67 = vector.load %arg9[%swap3A_65, %swap3A_66] : memref<8x128xf32, #tpu.memory_space<vmem>>, vector<8x128xf32>
      tpu.vector_store %arg9[%swap3A_65, %swap3A_66], %broadcast_in_dim3A_64 {strides = array<i32>} : memref<8x128xf32, #tpu.memory_space<vmem>>, vector<8x128xf32>,
    } else {
    }
    %get3A_44 = arith.constant 0 : index
    %get3A_45 = arith.constant 0 : index
    %get3A_46 = vector.load %arg9[%get3A_44, %get3A_45] : memref<8x128xf32, #tpu.memory_space<vmem>>, vector<1x128xf32>
    %reduce_sum3A = arith.constant dense<0.000000e+00> : vector<128xf32>
    %reduce_sum3A_47 = vector.multi_reduction <add>, %add3A_38, %reduce_sum3A [0] : vector<512x128xf32> to vector<128xf32>
    %broadcast_in_dim3A = vector.shape_cast %reduce_sum3A_47 : vector<128xf32> to vector<1x128xf32>
    %add3A_48 = arith.addf %get3A_46, %broadcast_in_dim3A : vector<1x128xf32>
    %swap3A_49 = arith.constant 0 : index
    %swap3A_50 = arith.constant 0 : index
    %swap3A_51 = vector.load %arg9[%swap3A_49, %swap3A_50] : memref<8x128xf32, #tpu.memory_space<vmem>>, vector<1x128xf32>
    tpu.vector_store %arg9[%swap3A_49, %swap3A_50], %add3A_48 {strides = array<i32>} : memref<8x128xf32, #tpu.memory_space<vmem>>, vector<1x128xf32>,
    %get3A_52 = arith.constant 1 : index
    %get3A_53 = arith.constant 0 : index
    %get3A_54 = vector.load %arg9[%get3A_52, %get3A_53] : memref<8x128xf32, #tpu.memory_space<vmem>>, vector<1x128xf32>
    %mul3A_55 = arith.mulf %add3A_38, %add3A_38 : vector<512x128xf32>
    %reduce_sum3A_56 = arith.constant dense<0.000000e+00> : vector<128xf32>
    %reduce_sum3A_57 = vector.multi_reduction <add>, %mul3A_55, %reduce_sum3A_56 [0] : vector<512x128xf32> to vector<128xf32>
    %broadcast_in_dim3A_58 = vector.shape_cast %reduce_sum3A_57 : vector<128xf32> to vector<1x128xf32>
    %add3A_59 = arith.addf %get3A_54, %broadcast_in_dim3A_58 : vector<1x128xf32>
    %swap3A_60 = arith.constant 1 : index
    %swap3A_61 = arith.constant 0 : index
    %swap3A_62 = vector.load %arg9[%swap3A_60, %swap3A_61] : memref<8x128xf32, #tpu.memory_space<vmem>>, vector<1x128xf32>
    tpu.vector_store %arg9[%swap3A_60, %swap3A_61], %add3A_59 {strides = array<i32>} : memref<8x128xf32, #tpu.memory_space<vmem>>, vector<1x128xf32>,
    return
  }
  func.func @transform_0(%arg0: i32) -> (i32, i32) {
    %c0_i32 = arith.constant 0 : i32
    %c0_i32_0 = arith.constant 0 : i32
    return %arg0, %c0_i32 : i32, i32
  }
  func.func @transform_1(%arg0: i32) -> (i32, i32) {
    %c0_i32 = arith.constant 0 : i32
    %c0_i32_0 = arith.constant 0 : i32
    %c0_i32_1 = arith.constant 0 : i32
    return %c0_i32, %c0_i32_0 : i32, i32
  }
  func.func @transform_2(%arg0: i32) -> (i32, i32) {
    %c0_i32 = arith.constant 0 : i32
    %c0_i32_0 = arith.constant 0 : i32
    %c0_i32_1 = arith.constant 0 : i32
    return %c0_i32, %c0_i32_0 : i32, i32
  }
  func.func @transform_3(%arg0: i32) -> (i32, i32) {
    %c0_i32 = arith.constant 0 : i32
    %c0_i32_0 = arith.constant 0 : i32
    %c0_i32_1 = arith.constant 0 : i32
    return %c0_i32, %c0_i32_0 : i32, i32
  }
  func.func @transform_4(%arg0: i32) -> (i32, i32) {
    %c0_i32 = arith.constant 0 : i32
    %c0_i32_0 = arith.constant 0 : i32
    %c0_i32_1 = arith.constant 0 : i32
    return %c0_i32, %c0_i32_0 : i32, i32
  }
  func.func @transform_5(%arg0: i32) -> (i32, i32) {
    %c0_i32 = arith.constant 0 : i32
    %c0_i32_0 = arith.constant 0 : i32
    %c0_i32_1 = arith.constant 0 : i32
    return %c0_i32, %c0_i32_0 : i32, i32
  }
  func.func @transform_6(%arg0: i32) -> (i32, i32) {
    %c0_i32 = arith.constant 0 : i32
    %c0_i32_0 = arith.constant 0 : i32
    return %arg0, %c0_i32 : i32, i32
  }
  func.func @transform_7(%arg0: i32) -> (i32, i32) {
    %c0_i32 = arith.constant 0 : i32
    %c0_i32_0 = arith.constant 0 : i32
    return %arg0, %c0_i32 : i32, i32
  }
  func.func @transform_8(%arg0: i32) -> (i32, i32) {
    %c0_i32 = arith.constant 0 : i32
    %c0_i32_0 = arith.constant 0 : i32
    %c0_i32_1 = arith.constant 0 : i32
    return %c0_i32, %c0_i32_0 : i32, i32
  }
}

module attributes {stable_mosaic.version = 14 : i64} {
  func.func @_k3_body(%arg0: i32, %arg1: memref<512x128xf32, #tpu.memory_space<vmem>>, %arg2: memref<8x128xf32, #tpu.memory_space<vmem>>, %arg3: memref<1x128xf32, #tpu.memory_space<vmem>>, %arg4: memref<1x128xf32, #tpu.memory_space<vmem>>, %arg5: memref<128x128xf32, #tpu.memory_space<vmem>>, %arg6: memref<1x128xf32, #tpu.memory_space<vmem>>, %arg7: memref<512x128xf32, #tpu.memory_space<vmem>>, %arg8: memref<8x128xf32, #tpu.memory_space<vmem>>) attributes {dimension_semantics = [#tpu.dimension_semantics<arbitrary>], iteration_bounds = array<i64: 128>, scalar_prefetch = 0 : i64, scratch_operands = 0 : i64, tpu.core_type = #tpu.core_type<tc>, window_params = [{transform_indices = @transform_0, window_bounds = array<i64: 512, 128>}, {pipeline_mode = #tpu.pipeline_mode<synchronous>, transform_indices = @transform_1, window_bounds = array<i64: 8, 128>}, {pipeline_mode = #tpu.pipeline_mode<synchronous>, transform_indices = @transform_2, window_bounds = array<i64: 1, 128>}, {pipeline_mode = #tpu.pipeline_mode<synchronous>, transform_indices = @transform_3, window_bounds = array<i64: 1, 128>}, {pipeline_mode = #tpu.pipeline_mode<synchronous>, transform_indices = @transform_4, window_bounds = array<i64: 128, 128>}, {pipeline_mode = #tpu.pipeline_mode<synchronous>, transform_indices = @transform_5, window_bounds = array<i64: 1, 128>}, {transform_indices = @transform_6, window_bounds = array<i64: 512, 128>}, {pipeline_mode = #tpu.pipeline_mode<synchronous>, transform_indices = @transform_7, window_bounds = array<i64: 8, 128>}]} {
    %get3A = arith.constant 0 : index
    %get3A_0 = arith.constant 0 : index
    %get3A_1 = vector.load %arg2[%get3A, %get3A_0] : memref<8x128xf32, #tpu.memory_space<vmem>>, vector<8x128xf32>
    %get3A_2 = arith.constant 0 : index
    %get3A_3 = arith.constant 0 : index
    %get3A_4 = vector.load %arg3[%get3A_2, %get3A_3] : memref<1x128xf32, #tpu.memory_space<vmem>>, vector<1x128xf32>
    %get3A_5 = arith.constant 0 : index
    %get3A_6 = arith.constant 0 : index
    %get3A_7 = vector.load %arg4[%get3A_5, %get3A_6] : memref<1x128xf32, #tpu.memory_space<vmem>>, vector<1x128xf32>
    %slice3A = vector.extract_strided_slice %get3A_1 {offsets = [0, 0], sizes = [1, 128], strides = [1, 1]} : vector<8x128xf32> to vector<1x128xf32>
    %div3A = arith.constant 6.553600e+04 : f32
    %div3A_8 = vector.broadcast %div3A : f32 to vector<1x128xf32>
    %div3A_9 = arith.divf %slice3A, %div3A_8 : vector<1x128xf32>
    %slice3A_10 = vector.extract_strided_slice %get3A_1 {offsets = [1, 0], sizes = [1, 128], strides = [1, 1]} : vector<8x128xf32> to vector<1x128xf32>
    %div3A_11 = arith.constant 6.553600e+04 : f32
    %div3A_12 = vector.broadcast %div3A_11 : f32 to vector<1x128xf32>
    %div3A_13 = arith.divf %slice3A_10, %div3A_12 : vector<1x128xf32>
    %mul3A = arith.mulf %div3A_9, %div3A_9 : vector<1x128xf32>
    %sub3A = arith.subf %div3A_13, %mul3A : vector<1x128xf32>
    %add3A = arith.constant 9.99999974E-6 : f32
    %add3A_14 = vector.broadcast %add3A : f32 to vector<1x128xf32>
    %add3A_15 = arith.addf %sub3A, %add3A_14 : vector<1x128xf32>
    %sqrt3A = math.sqrt %add3A_15 : vector<1x128xf32>
    %div3A_16 = arith.divf %get3A_4, %sqrt3A : vector<1x128xf32>
    %mul3A_17 = arith.mulf %div3A_9, %div3A_16 : vector<1x128xf32>
    %sub3A_18 = arith.subf %get3A_7, %mul3A_17 : vector<1x128xf32>
    %get3A_19 = arith.constant 0 : index
    %get3A_20 = arith.constant 0 : index
    %get3A_21 = vector.load %arg1[%get3A_19, %get3A_20] : memref<512x128xf32, #tpu.memory_space<vmem>>, vector<512x128xf32>
    %mul3A_22 = vector.broadcast %div3A_16 : vector<1x128xf32> to vector<512x128xf32>
    %mul3A_23 = arith.mulf %get3A_21, %mul3A_22 : vector<512x128xf32>
    %add3A_24 = vector.broadcast %sub3A_18 : vector<1x128xf32> to vector<512x128xf32>
    %add3A_25 = arith.addf %mul3A_23, %add3A_24 : vector<512x128xf32>
    %max3A = arith.constant 0.000000e+00 : f32
    %max3A_26 = vector.broadcast %max3A : f32 to vector<512x128xf32>
    %max3A_27 = arith.maximumf %add3A_25, %max3A_26 : vector<512x128xf32>
    %get3A_28 = arith.constant 0 : index
    %get3A_29 = arith.constant 0 : index
    %get3A_30 = vector.load %arg5[%get3A_28, %get3A_29] : memref<128x128xf32, #tpu.memory_space<vmem>>, vector<128x128xf32>
    %dot_general3A = arith.constant dense<0.000000e+00> : vector<512x128xf32>
    %dot_general3A_31 = tpu.matmul %max3A_27, %get3A_30, %dot_general3A {dimension_numbers = #tpu.dot_dimension_numbers<[1], [1], [0], [0], [0, 0, 1, 0], [], []>, transpose_lhs_hint = false} : vector<512x128xf32>, vector<128x128xf32>, vector<512x128xf32> -> vector<512x128xf32>
    %get3A_32 = arith.constant 0 : index
    %get3A_33 = arith.constant 0 : index
    %get3A_34 = vector.load %arg6[%get3A_32, %get3A_33] : memref<1x128xf32, #tpu.memory_space<vmem>>, vector<1x128xf32>
    %add3A_35 = vector.broadcast %get3A_34 : vector<1x128xf32> to vector<512x128xf32>
    %add3A_36 = arith.addf %dot_general3A_31, %add3A_35 : vector<512x128xf32>
    %swap3A = arith.constant 0 : index
    %swap3A_37 = arith.constant 0 : index
    %swap3A_38 = vector.load %arg7[%swap3A, %swap3A_37] : memref<512x128xf32, #tpu.memory_space<vmem>>, vector<512x128xf32>
    tpu.vector_store %arg7[%swap3A, %swap3A_37], %add3A_36 {strides = array<i32>} : memref<512x128xf32, #tpu.memory_space<vmem>>, vector<512x128xf32>,
    %eq3A = arith.constant 0 : i32
    %eq3A_39 = arith.cmpi eq, %arg0, %eq3A : i32
    %convert_element_type3A = arith.extui %eq3A_39 : i1 to i32
    %cond3A = arith.constant 0 : i32
    %cond3A_40 = arith.cmpi ne, %convert_element_type3A, %cond3A : i32
    scf.if %cond3A_40 {
      %broadcast_in_dim3A_60 = arith.constant 0.000000e+00 : f32
      %broadcast_in_dim3A_61 = vector.broadcast %broadcast_in_dim3A_60 : f32 to vector<8x128xf32>
      %swap3A_62 = arith.constant 0 : index
      %swap3A_63 = arith.constant 0 : index
      %swap3A_64 = vector.load %arg8[%swap3A_62, %swap3A_63] : memref<8x128xf32, #tpu.memory_space<vmem>>, vector<8x128xf32>
      tpu.vector_store %arg8[%swap3A_62, %swap3A_63], %broadcast_in_dim3A_61 {strides = array<i32>} : memref<8x128xf32, #tpu.memory_space<vmem>>, vector<8x128xf32>,
    } else {
    }
    %get3A_41 = arith.constant 0 : index
    %get3A_42 = arith.constant 0 : index
    %get3A_43 = vector.load %arg8[%get3A_41, %get3A_42] : memref<8x128xf32, #tpu.memory_space<vmem>>, vector<1x128xf32>
    %reduce_sum3A = arith.constant dense<0.000000e+00> : vector<128xf32>
    %reduce_sum3A_44 = vector.multi_reduction <add>, %add3A_36, %reduce_sum3A [0] : vector<512x128xf32> to vector<128xf32>
    %broadcast_in_dim3A = vector.shape_cast %reduce_sum3A_44 : vector<128xf32> to vector<1x128xf32>
    %add3A_45 = arith.addf %get3A_43, %broadcast_in_dim3A : vector<1x128xf32>
    %swap3A_46 = arith.constant 0 : index
    %swap3A_47 = arith.constant 0 : index
    %swap3A_48 = vector.load %arg8[%swap3A_46, %swap3A_47] : memref<8x128xf32, #tpu.memory_space<vmem>>, vector<1x128xf32>
    tpu.vector_store %arg8[%swap3A_46, %swap3A_47], %add3A_45 {strides = array<i32>} : memref<8x128xf32, #tpu.memory_space<vmem>>, vector<1x128xf32>,
    %get3A_49 = arith.constant 1 : index
    %get3A_50 = arith.constant 0 : index
    %get3A_51 = vector.load %arg8[%get3A_49, %get3A_50] : memref<8x128xf32, #tpu.memory_space<vmem>>, vector<1x128xf32>
    %mul3A_52 = arith.mulf %add3A_36, %add3A_36 : vector<512x128xf32>
    %reduce_sum3A_53 = arith.constant dense<0.000000e+00> : vector<128xf32>
    %reduce_sum3A_54 = vector.multi_reduction <add>, %mul3A_52, %reduce_sum3A_53 [0] : vector<512x128xf32> to vector<128xf32>
    %broadcast_in_dim3A_55 = vector.shape_cast %reduce_sum3A_54 : vector<128xf32> to vector<1x128xf32>
    %add3A_56 = arith.addf %get3A_51, %broadcast_in_dim3A_55 : vector<1x128xf32>
    %swap3A_57 = arith.constant 1 : index
    %swap3A_58 = arith.constant 0 : index
    %swap3A_59 = vector.load %arg8[%swap3A_57, %swap3A_58] : memref<8x128xf32, #tpu.memory_space<vmem>>, vector<1x128xf32>
    tpu.vector_store %arg8[%swap3A_57, %swap3A_58], %add3A_56 {strides = array<i32>} : memref<8x128xf32, #tpu.memory_space<vmem>>, vector<1x128xf32>,
    return
  }
  func.func @transform_0(%arg0: i32) -> (i32, i32) {
    %c0_i32 = arith.constant 0 : i32
    %c0_i32_0 = arith.constant 0 : i32
    return %arg0, %c0_i32 : i32, i32
  }
  func.func @transform_1(%arg0: i32) -> (i32, i32) {
    %c0_i32 = arith.constant 0 : i32
    %c0_i32_0 = arith.constant 0 : i32
    %c0_i32_1 = arith.constant 0 : i32
    return %c0_i32, %c0_i32_0 : i32, i32
  }
  func.func @transform_2(%arg0: i32) -> (i32, i32) {
    %c0_i32 = arith.constant 0 : i32
    %c0_i32_0 = arith.constant 0 : i32
    %c0_i32_1 = arith.constant 0 : i32
    return %c0_i32, %c0_i32_0 : i32, i32
  }
  func.func @transform_3(%arg0: i32) -> (i32, i32) {
    %c0_i32 = arith.constant 0 : i32
    %c0_i32_0 = arith.constant 0 : i32
    %c0_i32_1 = arith.constant 0 : i32
    return %c0_i32, %c0_i32_0 : i32, i32
  }
  func.func @transform_4(%arg0: i32) -> (i32, i32) {
    %c0_i32 = arith.constant 0 : i32
    %c0_i32_0 = arith.constant 0 : i32
    %c0_i32_1 = arith.constant 0 : i32
    return %c0_i32, %c0_i32_0 : i32, i32
  }
  func.func @transform_5(%arg0: i32) -> (i32, i32) {
    %c0_i32 = arith.constant 0 : i32
    %c0_i32_0 = arith.constant 0 : i32
    %c0_i32_1 = arith.constant 0 : i32
    return %c0_i32, %c0_i32_0 : i32, i32
  }
  func.func @transform_6(%arg0: i32) -> (i32, i32) {
    %c0_i32 = arith.constant 0 : i32
    %c0_i32_0 = arith.constant 0 : i32
    return %arg0, %c0_i32 : i32, i32
  }
  func.func @transform_7(%arg0: i32) -> (i32, i32) {
    %c0_i32 = arith.constant 0 : i32
    %c0_i32_0 = arith.constant 0 : i32
    %c0_i32_1 = arith.constant 0 : i32
    return %c0_i32, %c0_i32_0 : i32, i32
  }
}

module attributes {stable_mosaic.version = 14 : i64} {
  func.func @_k4_body(%arg0: i32, %arg1: i32, %arg2: memref<512x128xf32, #tpu.memory_space<vmem>>, %arg3: memref<512x128xf32, #tpu.memory_space<vmem>>, %arg4: memref<8x128xf32, #tpu.memory_space<vmem>>, %arg5: memref<1x128xf32, #tpu.memory_space<vmem>>, %arg6: memref<1x128xf32, #tpu.memory_space<vmem>>, %arg7: memref<1x128x512xf32, #tpu.memory_space<vmem>>) attributes {dimension_semantics = [#tpu.dimension_semantics<arbitrary>, #tpu.dimension_semantics<arbitrary>], iteration_bounds = array<i64: 16, 8>, scalar_prefetch = 0 : i64, scratch_operands = 0 : i64, tpu.core_type = #tpu.core_type<tc>, window_params = [{transform_indices = @transform_0, window_bounds = array<i64: 512, 128>}, {transform_indices = @transform_1, window_bounds = array<i64: 512, 128>}, {pipeline_mode = #tpu.pipeline_mode<synchronous>, transform_indices = @transform_2, window_bounds = array<i64: 8, 128>}, {pipeline_mode = #tpu.pipeline_mode<synchronous>, transform_indices = @transform_3, window_bounds = array<i64: 1, 128>}, {pipeline_mode = #tpu.pipeline_mode<synchronous>, transform_indices = @transform_4, window_bounds = array<i64: 1, 128>}, {transform_indices = @transform_5, window_bounds = array<i64: 1, 128, 512>}]} {
    %get3A = arith.constant 0 : index
    %get3A_0 = arith.constant 0 : index
    %get3A_1 = vector.load %arg4[%get3A, %get3A_0] : memref<8x128xf32, #tpu.memory_space<vmem>>, vector<8x128xf32>
    %get3A_2 = arith.constant 0 : index
    %get3A_3 = arith.constant 0 : index
    %get3A_4 = vector.load %arg5[%get3A_2, %get3A_3] : memref<1x128xf32, #tpu.memory_space<vmem>>, vector<1x128xf32>
    %get3A_5 = arith.constant 0 : index
    %get3A_6 = arith.constant 0 : index
    %get3A_7 = vector.load %arg6[%get3A_5, %get3A_6] : memref<1x128xf32, #tpu.memory_space<vmem>>, vector<1x128xf32>
    %slice3A = vector.extract_strided_slice %get3A_1 {offsets = [0, 0], sizes = [1, 128], strides = [1, 1]} : vector<8x128xf32> to vector<1x128xf32>
    %div3A = arith.constant 6.553600e+04 : f32
    %div3A_8 = vector.broadcast %div3A : f32 to vector<1x128xf32>
    %div3A_9 = arith.divf %slice3A, %div3A_8 : vector<1x128xf32>
    %slice3A_10 = vector.extract_strided_slice %get3A_1 {offsets = [1, 0], sizes = [1, 128], strides = [1, 1]} : vector<8x128xf32> to vector<1x128xf32>
    %div3A_11 = arith.constant 6.553600e+04 : f32
    %div3A_12 = vector.broadcast %div3A_11 : f32 to vector<1x128xf32>
    %div3A_13 = arith.divf %slice3A_10, %div3A_12 : vector<1x128xf32>
    %mul3A = arith.mulf %div3A_9, %div3A_9 : vector<1x128xf32>
    %sub3A = arith.subf %div3A_13, %mul3A : vector<1x128xf32>
    %add3A = arith.constant 9.99999974E-6 : f32
    %add3A_14 = vector.broadcast %add3A : f32 to vector<1x128xf32>
    %add3A_15 = arith.addf %sub3A, %add3A_14 : vector<1x128xf32>
    %sqrt3A = math.sqrt %add3A_15 : vector<1x128xf32>
    %div3A_16 = arith.divf %get3A_4, %sqrt3A : vector<1x128xf32>
    %mul3A_17 = arith.mulf %div3A_9, %div3A_16 : vector<1x128xf32>
    %sub3A_18 = arith.subf %get3A_7, %mul3A_17 : vector<1x128xf32>
    %get3A_19 = arith.constant 0 : index
    %get3A_20 = arith.constant 0 : index
    %get3A_21 = vector.load %arg2[%get3A_19, %get3A_20] : memref<512x128xf32, #tpu.memory_space<vmem>>, vector<512x128xf32>
    %mul3A_22 = vector.broadcast %div3A_16 : vector<1x128xf32> to vector<512x128xf32>
    %mul3A_23 = arith.mulf %get3A_21, %mul3A_22 : vector<512x128xf32>
    %add3A_24 = vector.broadcast %sub3A_18 : vector<1x128xf32> to vector<512x128xf32>
    %add3A_25 = arith.addf %mul3A_23, %add3A_24 : vector<512x128xf32>
    %get3A_26 = arith.constant 0 : index
    %get3A_27 = arith.constant 0 : index
    %get3A_28 = vector.load %arg3[%get3A_26, %get3A_27] : memref<512x128xf32, #tpu.memory_space<vmem>>, vector<512x128xf32>
    %add3A_29 = arith.addf %add3A_25, %get3A_28 : vector<512x128xf32>
    %max3A = arith.constant 0.000000e+00 : f32
    %max3A_30 = vector.broadcast %max3A : f32 to vector<512x128xf32>
    %max3A_31 = arith.maximumf %add3A_29, %max3A_30 : vector<512x128xf32>
    %transpose3A = tpu.transpose %max3A_31, [1, 0] : vector<512x128xf32> -> vector<128x512xf32>
    %swap3A = arith.constant 0 : index
    %swap3A_32 = arith.constant 0 : index
    %swap3A_33 = arith.constant 0 : index
    %swap3A_34 = vector.load %arg7[%swap3A, %swap3A_32, %swap3A_33] : memref<1x128x512xf32, #tpu.memory_space<vmem>>, vector<1x128x512xf32>
    %swap3A_35 = vector.shape_cast %swap3A_34 : vector<1x128x512xf32> to vector<128x512xf32>
    %swap3A_36 = vector.shape_cast %transpose3A : vector<128x512xf32> to vector<1x128x512xf32>
    tpu.vector_store %arg7[%swap3A, %swap3A_32, %swap3A_33], %swap3A_36 {strides = array<i32>} : memref<1x128x512xf32, #tpu.memory_space<vmem>>, vector<1x128x512xf32>,
    return
  }
  func.func @transform_0(%arg0: i32, %arg1: i32) -> (i32, i32) {
    %mul3A = arith.constant 8 : i32
    %mul3A_0 = arith.muli %arg0, %mul3A : i32
    %add3A = arith.addi %mul3A_0, %arg1 : i32
    %c0_i32 = arith.constant 0 : i32
    %c0_i32_1 = arith.constant 0 : i32
    return %add3A, %c0_i32 : i32, i32
  }
  func.func @transform_1(%arg0: i32, %arg1: i32) -> (i32, i32) {
    %mul3A = arith.constant 8 : i32
    %mul3A_0 = arith.muli %arg0, %mul3A : i32
    %add3A = arith.addi %mul3A_0, %arg1 : i32
    %c0_i32 = arith.constant 0 : i32
    %c0_i32_1 = arith.constant 0 : i32
    return %add3A, %c0_i32 : i32, i32
  }
  func.func @transform_2(%arg0: i32, %arg1: i32) -> (i32, i32) {
    %c0_i32 = arith.constant 0 : i32
    %c0_i32_0 = arith.constant 0 : i32
    %c0_i32_1 = arith.constant 0 : i32
    return %c0_i32, %c0_i32_0 : i32, i32
  }
  func.func @transform_3(%arg0: i32, %arg1: i32) -> (i32, i32) {
    %c0_i32 = arith.constant 0 : i32
    %c0_i32_0 = arith.constant 0 : i32
    %c0_i32_1 = arith.constant 0 : i32
    return %c0_i32, %c0_i32_0 : i32, i32
  }
  func.func @transform_4(%arg0: i32, %arg1: i32) -> (i32, i32) {
    %c0_i32 = arith.constant 0 : i32
    %c0_i32_0 = arith.constant 0 : i32
    %c0_i32_1 = arith.constant 0 : i32
    return %c0_i32, %c0_i32_0 : i32, i32
  }
  func.func @transform_5(%arg0: i32, %arg1: i32) -> (i32, i32, i32) {
    %c0_i32 = arith.constant 0 : i32
    %c0_i32_0 = arith.constant 0 : i32
    return %arg0, %c0_i32, %arg1 : i32, i32, i32
  }
}

</mosaic_0001>

<sc_bundles>
// kernel: kernel.9.cloned.1.call-start
scs
__scs_entry_jumppad:
0x0: {  	(pc) =	sbr.rel $0x88, $3  }
0x1: {  	(tag) =	ssettag $0x0;
	lr =	simm.s32 $0x1  }
0x2: {  	[smem:$0x3F91] =	sst lr;
	_ =	strace $0xD0000000  }
0x3: {  	_ = 	snop  }
0x4: {  	_ = 	snop  }
0x5: {  	_ = 	snop  }
0x6: {  	_ = 	snop  }
0x7: {  	_ = 	snop  }
__scs_overlays_trampoline_lowered:
0x8: {  	[smem:$0x3FA0] =	sst s0  }
0x9: {  	[smem:$0x3FA1] =	sst s1  }
0xa: {  	[smem:$0x3FA2] =	sst s2  }
0xb: {  	[smem:$0x3FA3] =	sst s3  }
0xc: {  	[smem:$0x3FA4] =	sst s4  }
0xd: {  	[smem:$0x3FA5] =	sst s5  }
0xe: {  	[smem:$0x3FA6] =	sst s6  }
0xf: {  	[smem:$0x3FA7] =	sst s7  }
0x10: {  	[smem:$0x3FA8] =	sst s8  }
0x11: {  	[smem:$0x3FA9] =	sst s9;
	s0 =	simm.s32 @!p0 $0x0  }
0x12: {  	s1 =	sld [smem:$0x3F8F];
	s0 =	simm.s32 @p0 $0x1  }
0x13: {  	[smem:$0x3FAA] =	sst s0;
	s0 =	simm.s32 @!p1 $0x0  }
0x14: {  	s2 =	sld [smem:$0x3F8E];
	s0 =	simm.s32 @p1 $0x1  }
0x15: {  	[smem:$0x3FAB] =	sst s0;
	s0 =	simm.s32 @!p2 $0x0  }
0x16: {  	s3 =	sld [smem:$0x3FDB];
	s0 =	simm.s32 @p2 $0x1  }
0x17: {  	s4 =	simm.s32 $0x1BF5;
	[smem:$0x3FAD] =	sst s0  }
0x18: {  	s0 =	sld [smem:$0x3F90];
	_ =	swait.ge [sflag:s4], $0x0  }
0x19: {  	s7 =	sld [smem:$0x3F91]  }
0x1a: {  	s8 =	sadd.s32 $0xFFFFE003, lr  }
0x1b: {  	s9 =	sadd.s32 $0xFFFFFEF7, lr;
	s5 =	simm.s32 $0xFFFFFFFF;
	p2 =	slt.u32 s8, $0xFFFFF086  }
0x1c: {  	p1 =	slt.u32 s9, $0xF7A;
	s5 =	simm.s32 @!p2 $0x0  }
0x1d: {  	s5 =	simm.s32 @p1 $0x1;
	p0 =	seq.s32 s7, s2  }
0x1e: {  	s7 =	smul.u32 @!p0 $0xF7A, s2;
	p2 =	seq.s32 @!p0 s5, $0x0  }
0x1f: {  	s9 =	smul.u32 $0xF7A, s1;
	s8 =	simm.s32 @!p0 $0x1BF5;
	p2 =	por !p2, p0  }
0x20: {  	[sflag:s8] =	ssyncset.s32 @!p0 $0xFFFFF086;
	s6 =	sadd.s32 @!p0 s3, s7;
	s7 =	simm.s32 @!p0 $0x108  }
0x21: {  	s3 =	sadd.s32 s3, s9;
	s6 =	sadd.s32 @!p0 $0x88, s6;
	s7 =	simm.s32 @p2 $0x1082  }
0x22: {  	[simem:s7], [sflag:s8] =	dma.local @!p0 [hbm:s6], $0xF7A  }
0x23: {  	s9 =	sor.u32 $0xD0000000, s2;
	s6 =	simm.s32 $0x108;
	_ =	swait.ge @!p0 [sflag:s8], $0x0  }
0x24: {  	s3 =	sadd.s32 $0x88, s3;
	s6 =	simm.s32 @!p1 $0x1082;
	[sflag:s4] =	ssyncset.s32 $0xFFFFF086  }
0x25: {  	[simem:s6], [sflag:s4] =	dma.local [hbm:s3], $0xF7A  }
0x26: {  	[smem:$0x3F91] =	sst s1;
	(tag) =	ssettag s2;
	_ =	strace s9  }
0x27: {  	s1 =	sld [smem:$0x3FA1]  }
0x28: {  	s2 =	sld [smem:$0x3FA2]  }
0x29: {  	s4 =	sld [smem:$0x3FA4]  }
0x2a: {  	p0 =	seq.s32 s5, $0x0;
	s5 =	sld [smem:$0x3FA5]  }
0x2b: {  	s6 =	sld [smem:$0x3FA6]  }
0x2c: {  	s7 =	sld [smem:$0x3FA7]  }
0x2d: {  	s3 =	simm.s32 $0x108;
	s8 =	sld [smem:$0x3FA8]  }
0x2e: {  	s3 =	simm.s32 @!p0 $0x1082;
	s9 =	sld [smem:$0x3FA9]  }
0x2f: {  	lr =	sadd.s32 s0, s3;
	s0 =	sld [smem:$0x3FA0]  }
0x30: {  	s3 =	sld [smem:$0x3FA3]  }
0x31: {  	[smem:$0x3FAC] =	sst s10  }
0x32: {  	s10 =	sld [smem:$0x3FAA];
	_ =	sdelay $0x3  }
0x33: {  	p0 =	seq.s32 s10, $0x1;
	s10 =	sld [smem:$0x3FAC];
	_ =	sdelay $0x3  }
0x34: {  	[smem:$0x3FAC] =	sst s10  }
0x35: {  	s10 =	sld [smem:$0x3FAB];
	_ =	sdelay $0x3  }
0x36: {  	p1 =	seq.s32 s10, $0x1;
	s10 =	sld [smem:$0x3FAC];
	_ =	sdelay $0x3  }
0x37: {  	[smem:$0x3FAC] =	sst s10  }
0x38: {  	s10 =	sld [smem:$0x3FAD]  }
0x39: {  	_ = 	snop;
	(pc) =	sbr.ind lr, $3  }
0x3a: {  	_ = 	snop  }
0x3b: {  	_ = 	snop  }
0x3c: {  	p2 =	seq.s32 s10, $0x1;
	s10 =	sld [smem:$0x3FAC]  }
0x3d: {  	_ =	shalt  }
0x3e: {  	_ =	shalt  }
0x3f: {  	_ =	shalt  }
0x40: {  	_ =	shalt  }
0x41: {  	_ =	shalt  }
0x42: {  	_ =	shalt  }
0x43: {  	_ =	shalt  }
0x44: {  	_ =	shalt  }
0x45: {  	_ =	shalt  }
0x46: {  	_ =	shalt  }
0x47: {  	_ =	shalt  }
0x48: {  	_ =	shalt  }
0x49: {  	_ =	shalt  }
0x4a: {  	_ =	shalt  }
0x4b: {  	_ =	shalt  }
0x4c: {  	_ =	shalt  }
0x4d: {  	_ =	shalt  }
0x4e: {  	_ =	shalt  }
0x4f: {  	_ =	shalt  }
0x50: {  	_ =	shalt  }
0x51: {  	_ =	shalt  }
0x52: {  	_ =	shalt  }
0x53: {  	_ =	shalt  }
0x54: {  	_ =	shalt  }
0x55: {  	_ =	shalt  }
0x56: {  	_ =	shalt  }
0x57: {  	_ =	shalt  }
0x58: {  	_ =	shalt  }
0x59: {  	_ =	shalt  }
0x5a: {  	_ =	shalt  }
0x5b: {  	_ =	shalt  }
0x5c: {  	_ =	shalt  }
0x5d: {  	_ =	shalt  }
0x5e: {  	_ =	shalt  }
0x5f: {  	_ =	shalt  }
0x60: {  	_ =	shalt  }
0x61: {  	_ =	shalt  }
0x62: {  	_ =	shalt  }
0x63: {  	_ =	shalt  }
0x64: {  	_ =	shalt  }
0x65: {  	_ =	shalt  }
0x66: {  	_ =	shalt  }
0x67: {  	_ =	shalt  }
0x68: {  	_ =	shalt  }
0x69: {  	_ =	shalt  }
0x6a: {  	_ =	shalt  }
0x6b: {  	_ =	shalt  }
0x6c: {  	_ =	shalt  }
0x6d: {  	_ =	shalt  }
0x6e: {  	_ =	shalt  }
0x6f: {  	_ =	shalt  }
0x70: {  	_ =	shalt  }
0x71: {  	_ =	shalt  }
0x72: {  	_ =	shalt  }
0x73: {  	_ =	shalt  }
0x74: {  	_ =	shalt  }
0x75: {  	_ =	shalt  }
0x76: {  	_ =	shalt  }
0x77: {  	_ =	shalt  }
0x78: {  	_ =	shalt  }
0x79: {  	_ =	shalt  }
0x7a: {  	_ =	shalt  }
0x7b: {  	_ =	shalt  }
0x7c: {  	_ =	shalt  }
0x7d: {  	_ =	shalt  }
0x7e: {  	_ =	shalt  }
0x7f: {  	_ =	shalt  }
0x80: {  	_ =	shalt  }
0x81: {  	_ =	shalt  }
0x82: {  	_ =	shalt  }
0x83: {  	_ =	shalt  }
0x84: {  	_ =	shalt  }
0x85: {  	_ =	shalt  }
0x86: {  	_ =	shalt  }
0x87: {  	_ =	shalt  }
.Lfunc_end0:
.L_simem_size_0:
called_computation_lowered:
.L_overlay_start_0:
0x88: {  	s2 =	sld [smem:$0x3FD9]  }
0x89: {  	s3 =	sld [smem:$0x3FFE];
	_ =	sdelay $0x1  }
0x8a: {  	s1 =	srdreg.scid  }
0x8b: {  	s0 =	sand.u32 $0x1, s1  }
0x8c: {  	s17 =	sshll.u32 s0, $0xA;
	s2 =	sadd.s32 s3, s2  }
0x8d: {  	s2 =	sadd.s32 s2, s17  }
0x8e: {  	[smem:$0x3FB8] =	sst s2  }
0x8f: {  	_ = 	snop  }
0x90: {  	s2 =	sld [smem:$0x3FD0];
	(tm) =	ssettm $0x1  }
0x91: {  	s18 =	sld [smem:$0x3FFB];
	_ =	sdelay $0x3  }
0x92: {  	_ =	strace s18  }
0x93: {  	s3 =	sld [smem:$0x3FFC];
	_ =	sdelay $0x3  }
0x94: {  	_ =	strace s3  }
0x95: {  	s3 =	sld [smem:$0x3FFD];
	_ =	sdelay $0x3  }
0x96: {  	_ =	strace s3  }
0x97: {  	_ =	strace $0x8FFFFFFF  }
0x98: {  	s19 =	sld [smem:$0x3FDB];
	_ =	sdelay $0x1  }
0x99: {  	s4 =	simm.s32 $_scs_section_size  }
0x9a: {  	s5 =	simm.s32 $_size__tile_overlayer_lowered;
	s6 =	simm.s32 $_tile_overlayer_lowered  }
0x9b: {  	s22 =	simm.s32 $0x1BFF;
	s21 =	sshll.u32 s6, $0x1;
	s3 =	sadd.s32 s4, s19  }
0x9c: {  	s7 =	simm.s32 $0x0;
	s20 =	sshll.u32 s5, $0x1;
	s5 =	sadd.s32 s21, s3  }
0x9d: {  	[timem:s7], [sflag:s22] =	dma.local [hbm:s5], s20  }
0x9e: {  	_ =	swait.ge [sflag:s22], s20  }
0x9f: {  	s4 =	ssub.s32 $0x0, s20;
	[sflag:s22] =	ssyncset.done $0x0  }
0xa0: {  	[sflag:s22] =	ssyncadd.s32 s4;
	_ =	sdelay $0x1  }
0xa1: {  	s23 =	simm.s32 $0x1B8B  }
0xa2: {  	_ =	swait.ge [sflag:s23], $0x1  }
0xa3: {  	[sflag:s23] =	ssyncset.done $0x0  }
0xa4: {  	s25 =	simm.s32 $0x1B8E;
	s24 =	sld [smem:$0x3FFE];
	[sflag:s23] =	ssyncadd.s32 $0xFFFFFFFF  }
0xa5: {  	s26 =	simm.s32 $execute0_lowered;
	[smem:$0x3FD2] =	sst s25  }
0xa6: {  	s5 =	sshll.u32 s26, $0x1;
	_ =	strace $0x80000046;
	[dreg:$0x1] =	wrdreg $0xFFFFFFFF  }
0xa7: {  	s28 =	simm.s32 $_size_execute0_lowered;
	s3 =	sadd.s32 s3, s5;
	[dreg:$0x0] =	wrdreg $0x0  }
0xa8: {  	s5 =	sshll.u32 s28, $0x1;
	[dreg:$0x2] =	wrdreg s3  }
0xa9: {  	[dreg:$0x3] =	wrdreg s5  }
0xaa: {  	[dreg:$0x4] =	wrdreg $0xC0  }
0xab: {  	_ =	task [dreg:s7], $0x5FFFF  }
0xac: {  	[dreg:$0x1] =	wrdreg $0xFFFFFFFF  }
0xad: {  	[dreg:$0x0] =	wrdreg $0x60  }
0xae: {  	[dreg:$0x2] =	wrdreg s24  }
0xaf: {  	[dreg:$0x3] =	wrdreg s2  }
0xb0: {  	[dreg:$0x4] =	wrdreg $0x9  }
0xb1: {  	_ =	task.clear_ibuf [dreg:s7], $0x5FFFF;
	_ =	strace $0x90000046  }
0xb2: {  	s29 =	simm.s32 $0x9;
	_ =	strace $0x80000048  }
0xb3: {  	_ =	swait.ge [sflag:s29], $0x1  }
0xb4: {  	[sflag:s29] =	ssyncadd.s32 $0xFFFFFFFF  }
0xb5: {  	_ =	strace $0x90000048  }
0xb6: {  	_ =	sfence  }
0xb7: {  	s30 =	sld [smem:$0x0];
	_ =	sdelay $0x2  }
0xb8: {  	s31 =	sshll.u32 s1, $0xD;
	s1 =	sshrl.u32 s1, $0x2  }
0xb9: {  	s3 =	sand.u32 $0x4000, s31;
	s1 =	sadd.s32 s1, s30  }
0xba: {  	s0 =	sor.u32 s3, s0;
	s1 =	sshll.u32 s1, $0x11  }
0xbb: {  	s0 =	sor.u32 s1, s0  }
0xbc: {  	s0 =	sadd.s32 $0x8F2B, s0  }
0xbd: {  	[sflag:s0] =	ssyncadd.remote.s32 $0x1  }
0xbe: {  	_ =	sfence.sel $0xFFFF  }
0xbf: {  	[dreg:$0x0] =	wrdreg $0xFFFFFFFF;
	(pc) =	sbr.abs _section_cstart, $3  }
0xc0: {  	[dreg:$0x1] =	wrdreg $0xFFFFFFFF  }
0xc1: {  	_ =	task.clear_ibuf [dreg:s7], $0x2FFFF;
	_ =	strace $0x9FFFFFFF  }
0xc2: {  	(tm) =	ssettm $0x7FFFFFFF  }
0xc3: {  	_ =	shalt  }
tec
execute0_lowered:
.L_overlay_start_1:
0x0: {  	(tag) =	ssettag $0x1  }
0x1: {  	s8 =	rddreg [dreg:$0x0]  }
0x2: {  	s1 =	rddreg [dreg:$0x1];
	s2 =	simm.s32 $0x0  }
0x3: {  	s9 =	srdreg.scid;
	s15 =	simm.s32 $0x80;
	s16 =	simm.s32 $0x100  }
0x4: {  	s17 =	simm.s32 $0x180;
	s18 =	simm.s32 $0x200;
	s19 =	simm.s32 $0x280  }
0x5: {  	s20 =	simm.s32 $0xC300;
	s21 =	simm.s32 $0x300;
	s22 =	simm.s32 $0x4300  }
0x6: {  	s23 =	simm.s32 $0x8300;
	s24 =	simm.s32 $0x1;
	s25 =	simm.s32 $0x10300  }
0x7: {  	[smem:$0x7FF] =	sst s2;
	s3 =	sadd.s32 $0x42E00, s8;
	s4 =	sadd.s32 $0x142E00, s8  }
0x8: {  	s26 =	simm.s32 $0x0;
	s5 =	sadd.s32 $0x144E00, s8;
	s6 =	sadd.s32 $0x146E00, s8  }
0x9: {  	s7 =	sadd.s32 $0x148E00, s8;
	s12 =	sand.u32 $0x1, s9;
	s9 =	sadd.s32 $0x14AE00, s8  }
0xa: {  	s10 =	sadd.s32 $0x2E00, s8;
	s11 =	sadd.s32 $0x14CE00, s8;
	s13 =	ssub.s32 $0x2, s12  }
0xb: {  	s8 =	stileid.u32;
	_ =	strace $0x80000047;
	s14 =	sshrl.u32 s13, $0x1  }
0xc: {  	s31 =	sshll.u32 s8, $0xC;
	s12 =	sshll.u32 s12, $0xB;
	s13 =	ssub.s32 s13, s14  }
0xd: {  	s12 =	sor.u32 s12, s31;
	s14 =	simm.s32 $0x2;
	s13 =	smax.u32 s13, $0x1  }
.LBB2_1:
0xe: {  	s28 =	simm.s32 $0x0  }
.LBB2_2:
0xf: {  	s29 =	sshll.u32 s28, $0x7  }
0x10: {  	s30 =	sadd.s32 s12, s29  }
0x11: {  	s31 =	sshrl.u32 s30, $0x3  }
0x12: {  	s29 =	simm.s32 $0x0;
	s0 =	sadd.s32 s1, s31  }
0x13: {  	[tilespmem:s29], [sflag:$0x2] =	stream.linear.gather [hbm4b:s0+s29], $0x80, $0x38;
	[tilespmem:$0x14300] =	vst v63  }
0x14: {  	_ =	swait.ge [sflag:s14], $0x80  }
0x15: {  	[sflag:s14] =	ssyncset.done $0x0  }
0x16: {  	s0 =	sadd.s32 s4, s31;
	[sflag:s14] =	ssyncadd.s32 $0xFFFFFF80  }
0x17: {  	[tilespmem:s15], [sflag:$0x2] =	stream.linear.gather [hbm4b:s0+s29], $0x80, $0x38;
	[tilespmem:$0x14300] =	vst v63  }
0x18: {  	_ =	swait.ge [sflag:s14], $0x80  }
0x19: {  	[sflag:s14] =	ssyncset.done $0x0  }
0x1a: {  	s0 =	sadd.s32 s5, s31;
	[sflag:s14] =	ssyncadd.s32 $0xFFFFFF80  }
0x1b: {  	[tilespmem:s16], [sflag:$0x2] =	stream.linear.gather [hbm4b:s0+s29], $0x80, $0x38;
	[tilespmem:$0x14300] =	vst v63  }
0x1c: {  	_ =	swait.ge [sflag:s14], $0x80  }
0x1d: {  	[sflag:s14] =	ssyncset.done $0x0  }
0x1e: {  	s0 =	sadd.s32 s6, s31;
	[sflag:s14] =	ssyncadd.s32 $0xFFFFFF80  }
0x1f: {  	[tilespmem:s17], [sflag:$0x2] =	stream.linear.gather [hbm4b:s0+s29], $0x80, $0x38;
	[tilespmem:$0x14300] =	vst v63  }
0x20: {  	_ =	swait.ge [sflag:s14], $0x80  }
0x21: {  	[sflag:s14] =	ssyncset.done $0x0  }
0x22: {  	s0 =	sadd.s32 s7, s31;
	[sflag:s14] =	ssyncadd.s32 $0xFFFFFF80  }
0x23: {  	[tilespmem:s18], [sflag:$0x2] =	stream.linear.gather [hbm4b:s0+s29], $0x80, $0x38;
	[tilespmem:$0x14300] =	vst v63  }
0x24: {  	_ =	swait.ge [sflag:s14], $0x80  }
0x25: {  	[sflag:s14] =	ssyncset.done $0x0  }
0x26: {  	s31 =	sadd.s32 s9, s31;
	[sflag:s14] =	ssyncadd.s32 $0xFFFFFF80  }
0x27: {  	[tilespmem:s19], [sflag:$0x2] =	stream.linear.gather [hbm4b:s31+s29], $0x80, $0x38;
	[tilespmem:$0x14300] =	vst v63  }
0x28: {  	_ =	swait.ge [sflag:s14], $0x80  }
0x29: {  	s30 =	sshll.u32 s30, $0x4;
	[sflag:s14] =	ssyncset.done $0x0  }
0x2a: {  	s31 =	sadd.s32 s3, s30;
	[sflag:s14] =	ssyncadd.s32 $0xFFFFFF80  }
0x2b: {  	[tilespmem:s20], [sflag:$0x2] =	stream.linear.gather [hbm4b:s31+s29], $0x4000, $0x38;
	[tilespmem:$0x14300] =	vst v63  }
0x2c: {  	_ =	swait.ge [sflag:s14], $0x4000  }
0x2d: {  	[sflag:s14] =	ssyncset.done $0x0  }
0x2e: {  	[sflag:s14] =	ssyncadd.s32 $0xFFFFC000  }
0x2f: {  	[tilespmem:s21], [sflag:$0x1] =	stream.indirect.gather [hbm4b:s10+s15], $0x80, s29, s15, $0xb8;
	[tilespmem:$0x14300] =	vst v63  }
0x30: {  	_ = 	snop  }
0x31: {  	[tilespmem:s22], [sflag:$0x1] =	stream.indirect.gather [hbm4b:s10+s15], $0x80, s15, s15, $0xb8;
	[tilespmem:$0x14300] =	vst v63  }
0x32: {  	_ = 	snop  }
0x33: {  	[tilespmem:s23], [sflag:$0x1] =	stream.indirect.gather [hbm4b:s10+s15], $0x80, s16, s15, $0xb8;
	[tilespmem:$0x14300] =	vst v63  }
0x34: {  	_ =	swait.ge [sflag:s24], $0x4000  }
0x35: {  	[sflag:s24] =	ssyncset.done $0x0  }
0x36: {  	[sflag:s24] =	ssyncadd.s32 $0xFFFFC000  }
0x37: {  	_ =	swait.ge [sflag:s24], $0x4000  }
0x38: {  	[sflag:s24] =	ssyncset.done $0x0  }
0x39: {  	[sflag:s24] =	ssyncadd.s32 $0xFFFFC000  }
0x3a: {  	_ =	swait.ge [sflag:s24], $0x4000  }
0x3b: {  	[sflag:s24] =	ssyncset.done $0x0  }
0x3c: {  	[sflag:s24] =	ssyncadd.s32 $0xFFFFC000  }
.LBB2_3:
0x3d: {  	s0 =	sshll.u32 s29, $0x4  }
0x3e: {  	v6 =	vld [tilespmem:s0+$0x180]  }
0x3f: {  	v5 =	vld [tilespmem:s0+$0x200]  }
0x40: {  	s31 =	sshll.u32 s29, $0xB;
	v3 =	vld [tilespmem:s0+$0x280]  }
0x41: {  	v0 =	vld [tilespmem:s31+$0xC300]  }
0x42: {  	v1 =	vld [tilespmem:s31+$0x300]  }
0x43: {  	v2 =	vld [tilespmem:s31+$0x4300]  }
0x44: {  	v4 =	vld [tilespmem:s31+$0x8300]  }
0x45: {  	v7 =	vld [tilespmem:s31+$0xC310]  }
0x46: {  	v8 =	vld [tilespmem:s31+$0x310]  }
0x47: {  	v9 =	vld [tilespmem:s31+$0x4310]  }
0x48: {  	v10 =	vld [tilespmem:s31+$0x8310]  }
0x49: {  	v11 =	vld [tilespmem:s31+$0xC320]  }
0x4a: {  	v12 =	vld [tilespmem:s31+$0x320]  }
0x4b: {  	v13 =	vld [tilespmem:s31+$0x4320]  }
0x4c: {  	v14 =	vld [tilespmem:s31+$0x8320]  }
0x4d: {  	v15 =	vld [tilespmem:s31+$0xC330]  }
0x4e: {  	v16 =	vld [tilespmem:s31+$0x330]  }
0x4f: {  	v17 =	vld [tilespmem:s31+$0x4330]  }
0x50: {  	v18 =	vld [tilespmem:s31+$0x8330]  }
0x51: {  	v19 =	vld [tilespmem:s31+$0xC340]  }
0x52: {  	v20 =	vld [tilespmem:s31+$0x340]  }
0x53: {  	v21 =	vld [tilespmem:s31+$0x4340]  }
0x54: {  	v22 =	vld [tilespmem:s31+$0x8340]  }
0x55: {  	v23 =	vld [tilespmem:s31+$0xC350]  }
0x56: {  	v24 =	vld [tilespmem:s31+$0x350]  }
0x57: {  	v25 =	vld [tilespmem:s31+$0x4350]  }
0x58: {  	v26 =	vld [tilespmem:s31+$0x8350]  }
0x59: {  	v27 =	vld [tilespmem:s31+$0xC360]  }
0x5a: {  	v28 =	vld [tilespmem:s31+$0x360]  }
0x5b: {  	v29 =	vld [tilespmem:s31+$0x4360]  }
0x5c: {  	v30 =	vld [tilespmem:s31+$0x8360]  }
0x5d: {  	v31 =	vld [tilespmem:s31+$0xC370]  }
0x5e: {  	v32 =	vld [tilespmem:s31+$0x370]  }
0x5f: {  	v33 =	vld [tilespmem:s31+$0x4370]  }
0x60: {  	v34 =	vld [tilespmem:s31+$0x8370]  }
0x61: {  	v35 =	vld [tilespmem:s31+$0xC380]  }
0x62: {  	v36 =	vld [tilespmem:s31+$0x380]  }
0x63: {  	v37 =	vld [tilespmem:s31+$0x4380]  }
0x64: {  	v38 =	vld [tilespmem:s31+$0x8380]  }
0x65: {  	v39 =	vld [tilespmem:s31+$0xC390]  }
0x66: {  	v40 =	vld [tilespmem:s31+$0x390]  }
0x67: {  	v41 =	vld [tilespmem:s31+$0x4390]  }
0x68: {  	v42 =	vld [tilespmem:s31+$0x8390]  }
0x69: {  	v43 =	vld [tilespmem:s31+$0xC3A0]  }
0x6a: {  	v44 =	vld [tilespmem:s31+$0x3A0]  }
0x6b: {  	v45 =	vld [tilespmem:s31+$0x43A0]  }
0x6c: {  	v46 =	vld [tilespmem:s31+$0x83A0]  }
0x6d: {  	v47 =	vld [tilespmem:s31+$0xC3B0]  }
0x6e: {  	v48 =	vld [tilespmem:s31+$0x3B0]  }
0x6f: {  	v49 =	vld [tilespmem:s31+$0x43B0]  }
0x70: {  	v50 =	vld [tilespmem:s31+$0x83B0]  }
0x71: {  	v51 =	vld [tilespmem:s31+$0xC3C0]  }
0x72: {  	v52 =	vld [tilespmem:s31+$0x3C0]  }
0x73: {  	v53 =	vld [tilespmem:s31+$0x43C0]  }
0x74: {  	v54 =	vld [tilespmem:s31+$0x83C0]  }
0x75: {  	v55 =	vld [tilespmem:s31+$0xC3D0]  }
0x76: {  	v57 =	vld [tilespmem:s31+$0x3D0]  }
0x77: {  	v58 =	vld [tilespmem:s31+$0x43D0];
	v56 =	vbroadcast v6, $0x0  }
0x78: {  	v60 =	vld [tilespmem:s31+$0x83D0]  }
0x79: {  	v61 =	vld [tilespmem:s31+$0xC3E0];
	v59 =	vbroadcast v5, $0x0;
	v1 =	vmul.f32 v1, v56  }
0x7a: {  	v63 =	vld [tilespmem:s31+$0x43E0];
	v8 =	vmul.f32 v8, v56  }
0x7b: {  	v62 =	vbroadcast v3, $0x0;
	v0 =	vadd.f32 v1, v0;
	v1 =	vmul.f32 v2, v59;
	v2 =	vld [tilespmem:s31+$0x3E0]  }
0x7c: {  	v7 =	vadd.f32 v8, v7;
	v8 =	vmul.f32 v9, v59;
	v9 =	vld [tilespmem:s31+$0xC3F0]  }
0x7d: {  	v0 =	vadd.f32 v1, v0;
	v1 =	vmul.f32 v4, v62;
	v4 =	vld [tilespmem:s31+$0x83E0]  }
0x7e: {  	v7 =	vadd.f32 v8, v7;
	v8 =	vmul.f32 v10, v62;
	v10 =	vmul.f32 v16, v56;
	v16 =	vld [tilespmem:s31+$0x43F0]  }
0x7f: {  	v0 =	vadd.f32 v1, v0;
	v1 =	vmul.f32 v12, v56;
	v12 =	vld [tilespmem:s31+$0x3F0]  }
0x80: {  	v7 =	vadd.f32 v8, v7;
	v8 =	vadd.f32 v10, v15;
	v15 =	vld [tilespmem:s31+$0xC400]  }
0x81: {  	v18 =	vmul.f32 v18, v62;
	v10 =	vmul.f32 v17, v59;
	v17 =	vld [tilespmem:s31+$0x400]  }
0x82: {  	v1 =	vadd.f32 v1, v11;
	v11 =	vmul.f32 v13, v59;
	v13 =	vmul.f32 v20, v56;
	v20 =	vld [tilespmem:s31+$0x83F0]  }
0x83: {  	v8 =	vadd.f32 v10, v8;
	v10 =	vmul.f32 v24, v56;
	v24 =	vmul.f32 v22, v62;
	v22 =	vld [tilespmem:s31+$0xC410]  }
0x84: {  	v28 =	vmul.f32 v28, v56;
	v1 =	vadd.f32 v11, v1;
	v11 =	vadd.f32 v13, v19;
	v19 =	vld [tilespmem:s31+$0x4400]  }
0x85: {  	v21 =	vmul.f32 v21, v59;
	v14 =	vmul.f32 v14, v62;
	v8 =	vadd.f32 v18, v8;
	v18 =	vld [tilespmem:s31+$0x410]  }
0x86: {  	v25 =	vmul.f32 v25, v59;
	v10 =	vadd.f32 v10, v23;
	v13 =	vadd.f32 v28, v27;
	v27 =	vld [tilespmem:s31+$0x8410]  }
0x87: {  	v32 =	vmul.f32 v32, v56;
	v23 =	vbroadcast v6, $0x1;
	v11 =	vadd.f32 v21, v11;
	v21 =	vld [tilespmem:s31+$0x8400]  }
0x88: {  	v1 =	vadd.f32 v14, v1;
	v10 =	vadd.f32 v25, v10;
	v25 =	vmul.f32 v29, v59;
	v29 =	vld [tilespmem:s31+$0xC420]  }
0x89: {  	v14 =	vmul.f32 v26, v62;
	v56 =	vmul.f32 v36, v23;
	v11 =	vadd.f32 v24, v11;
	v24 =	vld [tilespmem:s31+$0x4410]  }
0x8a: {  	v36 =	vmul.f32 v33, v59;
	v13 =	vadd.f32 v25, v13;
	v25 =	vadd.f32 v32, v31;
	v31 =	vld [tilespmem:s31+$0x420]  }
0x8b: {  	v10 =	vadd.f32 v14, v10;
	v14 =	vbroadcast v5, $0x1;
	v28 =	vadd.f32 v56, v35;
	v35 =	vld [tilespmem:s31+$0x4420]  }
0x8c: {  	v30 =	vmul.f32 v30, v62;
	v32 =	vbroadcast v3, $0x1;
	v25 =	vadd.f32 v36, v25;
	v36 =	vld [tilespmem:s31+$0x8420]  }
0x8d: {  	v34 =	vmul.f32 v34, v62;
	v56 =	vmul.f32 v37, v14;
	v37 =	vld [tilespmem:s31+$0xC430]  }
0x8e: {  	v59 =	vmul.f32 v40, v23;
	v40 =	vmul.f32 v38, v32;
	v38 =	vld [tilespmem:s31+$0x430]  }
0x8f: {  	v62 =	vmul.f32 v48, v23;
	v48 =	vmul.f32 v45, v14;
	v45 =	vld [tilespmem:s31+$0x4440]  }
0x90: {  	v26 =	vadd.f32 v59, v39;
	v59 =	vmul.f32 v42, v32;
	v42 =	vld [tilespmem:s31+$0x4450]  }
0x91: {  	v28 =	vadd.f32 v56, v28;
	v25 =	vadd.f32 v34, v25;
	v34 =	vld [tilespmem:s31+$0x4430]  }
0x92: {  	v41 =	vmul.f32 v41, v14;
	v56 =	vmul.f32 v44, v23;
	v44 =	vld [tilespmem:s31+$0x440]  }
0x93: {  	v28 =	vadd.f32 v40, v28;
	v40 =	vld [tilespmem:s31+$0x8430]  }
0x94: {  	v26 =	vadd.f32 v41, v26;
	v33 =	vadd.f32 v56, v43;
	v43 =	vld [tilespmem:s31+$0xC440]  }
0x95: {  	v52 =	vmul.f32 v52, v23;
	v2 =	vmul.f32 v2, v23;
	v56 =	vadd.f32 v62, v47;
	v47 =	vld [tilespmem:s31+$0x8440]  }
0x96: {  	v12 =	vmul.f32 v12, v23;
	v26 =	vadd.f32 v59, v26;
	v59 =	vmul.f32 v49, v14;
	v49 =	vld [tilespmem:s31+$0xC450]  }
0x97: {  	v62 =	vadd.f32 v52, v51;
	v52 =	vmul.f32 v53, v14;
	v53 =	vmul.f32 v57, v23;
	v23 =	vld [tilespmem:s31+$0x8450]  }
0x98: {  	[tilespmem:s31+$0x10370] =	vst v25;
	v25 =	vld [tilespmem:s31+$0x4510]  }
0x99: {  	v13 =	vadd.f32 v30, v13;
	v30 =	vadd.f32 v59, v56;
	v56 =	vmul.f32 v50, v32;
	v50 =	vld [tilespmem:s31+$0x450]  }
0x9a: {  	v63 =	vmul.f32 v63, v14;
	v57 =	vmul.f32 v54, v32;
	v41 =	vadd.f32 v52, v62;
	v52 =	vld [tilespmem:s31+$0xC460]  }
0x9b: {  	v9 =	vadd.f32 v12, v9;
	v54 =	vmul.f32 v16, v14;
	v59 =	vmul.f32 v58, v14;
	v14 =	vld [tilespmem:s31+$0x460]  }
0x9c: {  	v16 =	vbroadcast v5, $0x2;
	v39 =	vadd.f32 v53, v55;
	v55 =	vmul.f32 v20, v32;
	v20 =	vld [tilespmem:s31+$0x8460]  }
0x9d: {  	v2 =	vadd.f32 v2, v61;
	v9 =	vadd.f32 v54, v9;
	v54 =	vld [tilespmem:s31+$0xC490]  }
0x9e: {  	v46 =	vmul.f32 v46, v32;
	v53 =	vmul.f32 v45, v16;
	v45 =	vld [tilespmem:s31+$0x84A0]  }
0x9f: {  	v4 =	vmul.f32 v4, v32;
	v2 =	vadd.f32 v63, v2;
	v33 =	vadd.f32 v48, v33;
	[tilespmem:s31+$0x10380] =	vst v28;
	v28 =	vld [tilespmem:s31+$0x84F0]  }
0xa0: {  	v51 =	vbroadcast v6, $0x2;
	[tilespmem:s31+$0x10390] =	vst v26;
	v26 =	vld [tilespmem:s31+$0x530]  }
0xa1: {  	[tilespmem:s31+$0x10300] =	vst v0;
	v0 =	vadd.f32 v4, v2;
	v33 =	vadd.f32 v46, v33;
	v46 =	vld [tilespmem:s31+$0x4460]  }
0xa2: {  	v17 =	vmul.f32 v17, v51;
	v30 =	vadd.f32 v56, v30;
	v56 =	vmul.f32 v19, v16;
	v19 =	vld [tilespmem:s31+$0xC470]  }
0xa3: {  	v62 =	vmul.f32 v60, v32;
	v32 =	vbroadcast v3, $0x2;
	v4 =	vadd.f32 v55, v9;
	v9 =	vld [tilespmem:s31+$0x470]  }
0xa4: {  	v15 =	vadd.f32 v17, v15;
	v17 =	vld [tilespmem:s31+$0x4470]  }
0xa5: {  	v63 =	vmul.f32 v38, v51;
	v39 =	vadd.f32 v59, v39;
	v59 =	vmul.f32 v21, v32;
	v21 =	vld [tilespmem:s31+$0x8470]  }
0xa6: {  	v41 =	vadd.f32 v57, v41;
	v57 =	vmul.f32 v18, v51;
	v18 =	vld [tilespmem:s31+$0x480]  }
0xa7: {  	v60 =	vmul.f32 v31, v51;
	v31 =	vadd.f32 v63, v37;
	v63 =	vld [tilespmem:s31+$0xC4A0]  }
0xa8: {  	v37 =	vmul.f32 v44, v51;
	v44 =	vmul.f32 v40, v32;
	v40 =	vld [tilespmem:s31+$0xC4B0]  }
0xa9: {  	v58 =	vadd.f32 v56, v15;
	v15 =	vld [tilespmem:s31+$0xC480]  }
0xaa: {  	v61 =	vadd.f32 v57, v22;
	v22 =	vld [tilespmem:s31+$0x4480]  }
0xab: {  	v56 =	vld [tilespmem:s31+$0x490]  }
0xac: {  	v39 =	vadd.f32 v62, v39;
	v62 =	vmul.f32 v24, v16;
	v24 =	vadd.f32 v60, v29;
	v60 =	vld [tilespmem:s31+$0x8490]  }
0xad: {  	v34 =	vmul.f32 v34, v16;
	[tilespmem:s31+$0x103A0] =	vst v33;
	v33 =	vld [tilespmem:s31+$0x4A0]  }
0xae: {  	[tilespmem:s31+$0x103B0] =	vst v30;
	v30 =	vld [tilespmem:s31+$0xC520]  }
0xaf: {  	v2 =	vadd.f32 v34, v31;
	v34 =	vmul.f32 v23, v32;
	v23 =	vld [tilespmem:s31+$0x520]  }
0xb0: {  	v29 =	vmul.f32 v35, v16;
	v31 =	vld [tilespmem:s31+$0xC530]  }
0xb1: {  	v38 =	vmul.f32 v36, v32;
	v36 =	vmul.f32 v20, v32;
	v20 =	vld [tilespmem:s31+$0x84E0]  }
0xb2: {  	[tilespmem:s31+$0x10330] =	vst v8;
	v8 =	vadd.f32 v29, v24;
	v24 =	vld [tilespmem:s31+$0x8480]  }
0xb3: {  	[tilespmem:s31+$0x10310] =	vst v7;
	v7 =	vadd.f32 v59, v58;
	v58 =	vld [tilespmem:s31+$0x4490]  }
0xb4: {  	v59 =	vmul.f32 v42, v16;
	v42 =	vld [tilespmem:s31+$0x44B0]  }
0xb5: {  	v35 =	vmul.f32 v27, v32;
	v29 =	vld [tilespmem:s31+$0x4500]  }
0xb6: {  	[tilespmem:s31+$0x10320] =	vst v1;
	v48 =	vadd.f32 v37, v43;
	v1 =	vadd.f32 v62, v61;
	v37 =	vmul.f32 v21, v32;
	v21 =	vld [tilespmem:s31+$0x44F0]  }
0xb7: {  	v57 =	vmul.f32 v47, v32;
	v32 =	vld [tilespmem:s31+$0x4530]  }
0xb8: {  	[tilespmem:s31+$0x10350] =	vst v10;
	v10 =	vadd.f32 v35, v1;
	v35 =	vld [tilespmem:s31+$0x44A0]  }
0xb9: {  	[tilespmem:s31+$0x10340] =	vst v11;
	v11 =	vadd.f32 v44, v2;
	v8 =	vadd.f32 v38, v8;
	v38 =	vld [tilespmem:s31+$0x4B0]  }
0xba: {  	v55 =	vmul.f32 v50, v51;
	v14 =	vmul.f32 v14, v51;
	v1 =	vadd.f32 v53, v48;
	v48 =	vld [tilespmem:s31+$0x84B0]  }
0xbb: {  	v9 =	vmul.f32 v9, v51;
	[tilespmem:s31+$0x10430] =	vst v11;
	v11 =	vld [tilespmem:s31+$0xC4C0]  }
0xbc: {  	v2 =	vadd.f32 v55, v49;
	v61 =	vadd.f32 v14, v52;
	v62 =	vmul.f32 v46, v16;
	[tilespmem:s31+$0x10400] =	vst v7;
	v7 =	vld [tilespmem:s31+$0x4C0]  }
0xbd: {  	v16 =	vmul.f32 v17, v16;
	v9 =	vadd.f32 v9, v19;
	v19 =	vld [tilespmem:s31+$0x500]  }
0xbe: {  	v27 =	vadd.f32 v59, v2;
	v14 =	vadd.f32 v62, v61;
	v61 =	vld [tilespmem:s31+$0x8580]  }
0xbf: {  	[tilespmem:s31+$0x103E0] =	vst v0;
	v0 =	vbroadcast v3, $0x3;
	v9 =	vadd.f32 v16, v9;
	v16 =	vld [tilespmem:s31+$0x84D0]  }
0xc0: {  	[tilespmem:s31+$0x103D0] =	vst v39;
	v39 =	vadd.f32 v34, v27;
	v27 =	vld [tilespmem:s31+$0xC500]  }
0xc1: {  	v49 =	vmul.f32 v24, v0;
	v24 =	vld [tilespmem:s31+$0xC510]  }
0xc2: {  	[tilespmem:s31+$0x103C0] =	vst v41;
	v2 =	vbroadcast v6, $0x3;
	v41 =	vadd.f32 v36, v14;
	v36 =	vld [tilespmem:s31+$0x8510]  }
0xc3: {  	v34 =	vld [tilespmem:s31+$0x540]  }
0xc4: {  	v12 =	vadd.f32 v57, v1;
	v1 =	vbroadcast v5, $0x3;
	v17 =	vmul.f32 v33, v2;
	v33 =	vld [tilespmem:s31+$0x550]  }
0xc5: {  	[tilespmem:s31+$0x10360] =	vst v13;
	v13 =	vmul.f32 v56, v2;
	v56 =	vmul.f32 v45, v0;
	v45 =	vld [tilespmem:s31+$0xC560]  }
0xc6: {  	[tilespmem:s31+$0x10440] =	vst v12;
	v12 =	vld [tilespmem:s31+$0x44C0]  }
0xc7: {  	v44 =	vmul.f32 v22, v1;
	v22 =	vld [tilespmem:s31+$0xC4F0]  }
0xc8: {  	v14 =	vmul.f32 v42, v1;
	v42 =	vld [tilespmem:s31+$0x8530]  }
0xc9: {  	v51 =	vadd.f32 v17, v63;
	v17 =	vld [tilespmem:s31+$0x84C0]  }
0xca: {  	v18 =	vmul.f32 v18, v2;
	v46 =	vadd.f32 v13, v54;
	v13 =	vld [tilespmem:s31+$0x44E0]  }
0xcb: {  	v9 =	vadd.f32 v37, v9;
	v37 =	vld [tilespmem:s31+$0x8500]  }
0xcc: {  	v43 =	vadd.f32 v18, v15;
	v18 =	vld [tilespmem:s31+$0x510]  }
0xcd: {  	v52 =	vmul.f32 v35, v1;
	v35 =	vld [tilespmem:s31+$0x4520]  }
0xce: {  	[tilespmem:s31+$0x10450] =	vst v39;
	v39 =	vld [tilespmem:s31+$0xC540]  }
0xcf: {  	v50 =	vmul.f32 v38, v2;
	v38 =	vld [tilespmem:s31+$0x4550]  }
0xd0: {  	v47 =	vmul.f32 v58, v1;
	v58 =	vmul.f32 v48, v0;
	v48 =	vld [tilespmem:s31+$0x8550]  }
0xd1: {  	[tilespmem:s31+$0x10460] =	vst v41;
	v41 =	vld [tilespmem:s31+$0x560]  }
0xd2: {  	v63 =	vld [tilespmem:s31+$0x4580]  }
0xd3: {  	[tilespmem:s31+$0x10470] =	vst v9;
	v9 =	vld [tilespmem:s31+$0x44D0]  }
0xd4: {  	[tilespmem:s31+$0x10410] =	vst v10;
	v10 =	vadd.f32 v44, v43;
	v44 =	vld [tilespmem:s31+$0x8520]  }
0xd5: {  	v43 =	vld [tilespmem:s31+$0x4540]  }
0xd6: {  	v15 =	vadd.f32 v50, v40;
	v40 =	vld [tilespmem:s31+$0xC550]  }
0xd7: {  	[tilespmem:s31+$0x10420] =	vst v8;
	v8 =	vadd.f32 v47, v46;
	v46 =	vld [tilespmem:s31+$0x4560]  }
0xd8: {  	v55 =	vadd.f32 v52, v51;
	v52 =	vld [tilespmem:s31+$0x8560]  }
0xd9: {  	v47 =	vld [tilespmem:s31+$0x570]  }
0xda: {  	v51 =	vld [tilespmem:s31+$0x580]  }
0xdb: {  	v53 =	vmul.f32 v60, v0;
	v54 =	vadd.f32 v49, v10;
	v10 =	vld [tilespmem:s31+$0xC4D0]  }
0xdc: {  	v57 =	vadd.f32 v14, v15;
	v15 =	vld [tilespmem:s31+$0xC4E0]  }
0xdd: {  	[tilespmem:s31+$0x103F0] =	vst v4;
	v4 =	vadd.f32 v53, v8;
	v8 =	vld [tilespmem:s31+$0x4E0]  }
0xde: {  	v14 =	vld [tilespmem:s31+$0x4F0]  }
0xdf: {  	v49 =	vld [tilespmem:s31+$0x8540]  }
0xe0: {  	v53 =	vld [tilespmem:s31+$0x4570]  }
0xe1: {  	v59 =	vadd.f32 v56, v55;
	[tilespmem:s31+$0x10490] =	vst v4;
	v4 =	vld [tilespmem:s31+$0x4D0]  }
0xe2: {  	[tilespmem:s31+$0x10480] =	vst v54;
	v54 =	vld [tilespmem:s31+$0xC570]  }
0xe3: {  	v60 =	vadd.f32 v58, v57;
	[tilespmem:s31+$0x104A0] =	vst v59;
	v59 =	vld [tilespmem:s31+$0xC580]  }
0xe4: {  	[tilespmem:$0x1EEC0] =	vst v61;
	v57 =	vld [tilespmem:s31+$0xC590]  }
0xe5: {  	[tilespmem:s31+$0x104B0] =	vst v60;
	v60 =	vld [tilespmem:s31+$0x8570]  }
0xe6: {  	v50 =	vld [tilespmem:s31+$0x590]  }
0xe7: {  	v61 =	vld [tilespmem:s31+$0xC5A0];
	_ =	sdelay $0x4  }
0xe8: {  	[tilespmem:$0x1EEB0] =	vst v61;
	v61 =	vld [tilespmem:s31+$0x85A0];
	_ =	sdelay $0x4  }
0xe9: {  	[tilespmem:$0x1EF30] =	vst v61;
	v61 =	vld [tilespmem:s31+$0x85B0];
	_ =	sdelay $0x4  }
0xea: {  	[tilespmem:$0x1EF40] =	vst v61;
	v61 =	vld [tilespmem:s31+$0xC5C0];
	_ =	sdelay $0x4  }
0xeb: {  	[tilespmem:$0x1EF20] =	vst v61;
	v61 =	vld [tilespmem:s31+$0x5C0];
	_ =	sdelay $0x4  }
0xec: {  	[tilespmem:$0x1EF00] =	vst v61;
	v61 =	vld [tilespmem:s31+$0x45C0];
	_ =	sdelay $0x4  }
0xed: {  	[tilespmem:$0x1EF60] =	vst v61;
	v61 =	vld [tilespmem:s31+$0x85C0];
	_ =	sdelay $0x4  }
0xee: {  	[tilespmem:$0x1EF90] =	vst v61;
	v61 =	vld [tilespmem:s31+$0xC5D0];
	_ =	sdelay $0x4  }
0xef: {  	[tilespmem:$0x1EF50] =	vst v61;
	v61 =	vld [tilespmem:s31+$0x5D0];
	_ =	sdelay $0x4  }
0xf0: {  	[tilespmem:$0x1EF10] =	vst v61;
	v61 =	vld [tilespmem:s31+$0x45D0];
	_ =	sdelay $0x4  }
0xf1: {  	[tilespmem:$0x1EF70] =	vst v61;
	v61 =	vld [tilespmem:s31+$0x85D0];
	_ =	sdelay $0x4  }
0xf2: {  	[tilespmem:$0x1EFB0] =	vst v61;
	v61 =	vld [tilespmem:s31+$0xC5E0];
	_ =	sdelay $0x4  }
0xf3: {  	[tilespmem:$0x1EFA0] =	vst v61;
	v61 =	vld [tilespmem:s31+$0x5E0];
	_ =	sdelay $0x4  }
0xf4: {  	[tilespmem:$0x1EF80] =	vst v61;
	v61 =	vld [tilespmem:s31+$0x45E0];
	_ =	sdelay $0x4  }
0xf5: {  	[tilespmem:$0x1EFC0] =	vst v61;
	v61 =	vld [tilespmem:s31+$0x85E0];
	_ =	sdelay $0x4  }
0xf6: {  	[tilespmem:$0x1EFE0] =	vst v61;
	v61 =	vld [tilespmem:s31+$0xC5F0];
	_ =	sdelay $0x4  }
0xf7: {  	[tilespmem:$0x1EFF0] =	vst v61;
	v61 =	vld [tilespmem:s31+$0x5F0];
	_ =	sdelay $0x4  }
0xf8: {  	[tilespmem:$0x1EFD0] =	vst v61;
	v61 =	vld [tilespmem:s31+$0x45F0];
	_ =	sdelay $0x4  }
0xf9: {  	[tilespmem:$0x1F000] =	vst v61;
	v61 =	vld [tilespmem:s31+$0x85F0];
	_ =	sdelay $0x4  }
0xfa: {  	[tilespmem:$0x1F030] =	vst v61;
	v61 =	vld [tilespmem:s31+$0xC600];
	_ =	sdelay $0x4  }
0xfb: {  	[tilespmem:$0x1F040] =	vst v61;
	v61 =	vld [tilespmem:s31+$0x600];
	_ =	sdelay $0x4  }
0xfc: {  	[tilespmem:$0x1F010] =	vst v61;
	v61 =	vld [tilespmem:s31+$0x4600];
	_ =	sdelay $0x4  }
0xfd: {  	[tilespmem:$0x1F060] =	vst v61;
	v61 =	vld [tilespmem:s31+$0x8600];
	_ =	sdelay $0x4  }
0xfe: {  	[tilespmem:$0x1F0B0] =	vst v61;
	v61 =	vld [tilespmem:s31+$0xC610];
	_ =	sdelay $0x4  }
0xff: {  	[tilespmem:$0x1F050] =	vst v61;
	v61 =	vld [tilespmem:s31+$0x610];
	_ =	sdelay $0x4  }
0x100: {  	[tilespmem:$0x1F020] =	vst v61;
	v61 =	vld [tilespmem:s31+$0x4610];
	_ =	sdelay $0x4  }
0x101: {  	[tilespmem:$0x1F070] =	vst v61;
	v61 =	vld [tilespmem:s31+$0x8610];
	_ =	sdelay $0x4  }
0x102: {  	[tilespmem:$0x1F0C0] =	vst v61;
	v61 =	vld [tilespmem:s31+$0xC620];
	_ =	sdelay $0x4  }
0x103: {  	[tilespmem:$0x1F0A0] =	vst v61;
	v61 =	vld [tilespmem:s31+$0x620];
	_ =	sdelay $0x4  }
0x104: {  	[tilespmem:$0x1F080] =	vst v61;
	v61 =	vld [tilespmem:s31+$0x4620];
	_ =	sdelay $0x4  }
0x105: {  	[tilespmem:$0x1F0E0] =	vst v61;
	v61 =	vld [tilespmem:s31+$0x8620];
	_ =	sdelay $0x4  }
0x106: {  	[tilespmem:$0x1F130] =	vst v61;
	v61 =	vld [tilespmem:s31+$0xC630];
	_ =	sdelay $0x4  }
0x107: {  	[tilespmem:$0x1F0D0] =	vst v61;
	v61 =	vld [tilespmem:s31+$0x630];
	_ =	sdelay $0x4  }
0x108: {  	[tilespmem:$0x1F090] =	vst v61;
	v61 =	vld [tilespmem:s31+$0x4630];
	_ =	sdelay $0x4  }
0x109: {  	[tilespmem:$0x1F0F0] =	vst v61;
	v61 =	vld [tilespmem:s31+$0x8630];
	_ =	sdelay $0x4  }
0x10a: {  	[tilespmem:$0x1F140] =	vst v61;
	v61 =	vld [tilespmem:s31+$0xC640];
	_ =	sdelay $0x4  }
0x10b: {  	[tilespmem:$0x1F120] =	vst v61;
	v61 =	vld [tilespmem:s31+$0x640];
	_ =	sdelay $0x4  }
0x10c: {  	[tilespmem:$0x1F100] =	vst v61;
	v61 =	vld [tilespmem:s31+$0x4640];
	_ =	sdelay $0x4  }
0x10d: {  	[tilespmem:$0x1F160] =	vst v61;
	v61 =	vld [tilespmem:s31+$0x8640];
	_ =	sdelay $0x4  }
0x10e: {  	[tilespmem:$0x1F190] =	vst v61;
	v61 =	vld [tilespmem:s31+$0xC650];
	_ =	sdelay $0x4  }
0x10f: {  	[tilespmem:$0x1F150] =	vst v61;
	v61 =	vld [tilespmem:s31+$0x650];
	_ =	sdelay $0x4  }
0x110: {  	[tilespmem:$0x1F110] =	vst v61;
	v61 =	vld [tilespmem:s31+$0x4650];
	_ =	sdelay $0x4  }
0x111: {  	[tilespmem:$0x1F170] =	vst v61;
	v61 =	vld [tilespmem:s31+$0x8650];
	_ =	sdelay $0x4  }
0x112: {  	[tilespmem:$0x1F1B0] =	vst v61;
	v61 =	vld [tilespmem:s31+$0xC660];
	_ =	sdelay $0x4  }
0x113: {  	[tilespmem:$0x1F1A0] =	vst v61;
	v61 =	vld [tilespmem:s31+$0x660];
	_ =	sdelay $0x4  }
0x114: {  	[tilespmem:$0x1F180] =	vst v61;
	v61 =	vld [tilespmem:s31+$0x4660];
	_ =	sdelay $0x4  }
0x115: {  	[tilespmem:$0x1F1C0] =	vst v61;
	v61 =	vld [tilespmem:s31+$0x8660];
	_ =	sdelay $0x4  }
0x116: {  	[tilespmem:$0x1F1E0] =	vst v61;
	v61 =	vld [tilespmem:s31+$0xC670];
	_ =	sdelay $0x4  }
0x117: {  	[tilespmem:$0x1F1F0] =	vst v61;
	v61 =	vld [tilespmem:s31+$0x670];
	_ =	sdelay $0x4  }
0x118: {  	[tilespmem:$0x1F1D0] =	vst v61;
	v61 =	vld [tilespmem:s31+$0x4670];
	_ =	sdelay $0x4  }
0x119: {  	[tilespmem:$0x1F200] =	vst v61;
	v61 =	vld [tilespmem:s31+$0x8670];
	_ =	sdelay $0x4  }
0x11a: {  	[tilespmem:$0x1F230] =	vst v61;
	v61 =	vld [tilespmem:s31+$0xC680];
	_ =	sdelay $0x4  }
0x11b: {  	[tilespmem:$0x1F240] =	vst v61;
	v61 =	vld [tilespmem:s31+$0x680];
	_ =	sdelay $0x4  }
0x11c: {  	[tilespmem:$0x1F210] =	vst v61;
	v61 =	vld [tilespmem:s31+$0x4680];
	_ =	sdelay $0x4  }
0x11d: {  	[tilespmem:$0x1F260] =	vst v61;
	v61 =	vld [tilespmem:s31+$0x8680];
	_ =	sdelay $0x4  }
0x11e: {  	[tilespmem:$0x1F2B0] =	vst v61;
	v61 =	vld [tilespmem:s31+$0xC690];
	_ =	sdelay $0x4  }
0x11f: {  	[tilespmem:$0x1F250] =	vst v61;
	v61 =	vld [tilespmem:s31+$0x690];
	_ =	sdelay $0x4  }
0x120: {  	[tilespmem:$0x1F220] =	vst v61;
	v61 =	vld [tilespmem:s31+$0x4690];
	_ =	sdelay $0x4  }
0x121: {  	[tilespmem:$0x1F270] =	vst v61;
	v61 =	vld [tilespmem:s31+$0x8690];
	_ =	sdelay $0x4  }
0x122: {  	[tilespmem:$0x1F2C0] =	vst v61;
	v61 =	vld [tilespmem:s31+$0xC6A0];
	_ =	sdelay $0x4  }
0x123: {  	[tilespmem:$0x1F2A0] =	vst v61;
	v61 =	vld [tilespmem:s31+$0x6A0];
	_ =	sdelay $0x4  }
0x124: {  	[tilespmem:$0x1F280] =	vst v61;
	v61 =	vld [tilespmem:s31+$0x46A0];
	_ =	sdelay $0x4  }
0x125: {  	[tilespmem:$0x1F2E0] =	vst v61;
	v61 =	vld [tilespmem:s31+$0x86A0];
	_ =	sdelay $0x4  }
0x126: {  	[tilespmem:$0x1F330] =	vst v61;
	v61 =	vld [tilespmem:s31+$0xC6B0];
	_ =	sdelay $0x4  }
0x127: {  	[tilespmem:$0x1F2D0] =	vst v61;
	v61 =	vld [tilespmem:s31+$0x6B0];
	_ =	sdelay $0x4  }
0x128: {  	[tilespmem:$0x1F290] =	vst v61;
	v61 =	vld [tilespmem:s31+$0x46B0];
	_ =	sdelay $0x4  }
0x129: {  	[tilespmem:$0x1F2F0] =	vst v61;
	v61 =	vld [tilespmem:s31+$0x86B0];
	_ =	sdelay $0x4  }
0x12a: {  	[tilespmem:$0x1F340] =	vst v61;
	v61 =	vld [tilespmem:s31+$0xC6C0];
	_ =	sdelay $0x4  }
0x12b: {  	[tilespmem:$0x1F320] =	vst v61;
	v61 =	vld [tilespmem:s31+$0x6C0];
	_ =	sdelay $0x4  }
0x12c: {  	[tilespmem:$0x1F300] =	vst v61;
	v61 =	vld [tilespmem:s31+$0x46C0];
	_ =	sdelay $0x4  }
0x12d: {  	[tilespmem:$0x1F360] =	vst v61;
	v61 =	vld [tilespmem:s31+$0x86C0];
	_ =	sdelay $0x4  }
0x12e: {  	[tilespmem:$0x1F390] =	vst v61;
	v61 =	vld [tilespmem:s31+$0xC6D0];
	_ =	sdelay $0x4  }
0x12f: {  	[tilespmem:$0x1F350] =	vst v61;
	v61 =	vld [tilespmem:s31+$0x6D0];
	_ =	sdelay $0x4  }
0x130: {  	[tilespmem:$0x1F310] =	vst v61;
	v61 =	vld [tilespmem:s31+$0x46D0];
	_ =	sdelay $0x4  }
0x131: {  	[tilespmem:$0x1F370] =	vst v61;
	v61 =	vld [tilespmem:s31+$0x86D0];
	_ =	sdelay $0x4  }
0x132: {  	[tilespmem:$0x1F3B0] =	vst v61;
	v61 =	vld [tilespmem:s31+$0xC6E0];
	_ =	sdelay $0x4  }
0x133: {  	[tilespmem:$0x1F3A0] =	vst v61;
	v61 =	vld [tilespmem:s31+$0x6E0];
	_ =	sdelay $0x4  }
0x134: {  	[tilespmem:$0x1F380] =	vst v61;
	v61 =	vld [tilespmem:s31+$0x46E0];
	_ =	sdelay $0x4  }
0x135: {  	[tilespmem:$0x1F3C0] =	vst v61;
	v61 =	vld [tilespmem:s31+$0x86E0];
	_ =	sdelay $0x4  }
0x136: {  	[tilespmem:$0x1F3E0] =	vst v61;
	v61 =	vld [tilespmem:s31+$0xC6F0];
	_ =	sdelay $0x4  }
0x137: {  	[tilespmem:$0x1F3F0] =	vst v61;
	v61 =	vld [tilespmem:s31+$0x6F0];
	_ =	sdelay $0x4  }
0x138: {  	[tilespmem:$0x1F3D0] =	vst v61;
	v61 =	vld [tilespmem:s31+$0x46F0];
	_ =	sdelay $0x4  }
0x139: {  	[tilespmem:$0x1F400] =	vst v61;
	v61 =	vld [tilespmem:s31+$0x86F0];
	_ =	sdelay $0x4  }
0x13a: {  	[tilespmem:$0x1F430] =	vst v61;
	v61 =	vld [tilespmem:s31+$0xC700];
	_ =	sdelay $0x4  }
0x13b: {  	[tilespmem:$0x1F440] =	vst v61;
	v61 =	vld [tilespmem:s31+$0x700];
	_ =	sdelay $0x4  }
0x13c: {  	[tilespmem:$0x1F410] =	vst v61;
	v61 =	vld [tilespmem:s31+$0x4700];
	_ =	sdelay $0x4  }
0x13d: {  	[tilespmem:$0x1F460] =	vst v61;
	v61 =	vld [tilespmem:s31+$0x8700];
	_ =	sdelay $0x4  }
0x13e: {  	[tilespmem:$0x1F4B0] =	vst v61;
	v61 =	vld [tilespmem:s31+$0xC710];
	_ =	sdelay $0x4  }
0x13f: {  	[tilespmem:$0x1F450] =	vst v61;
	v61 =	vld [tilespmem:s31+$0x710];
	_ =	sdelay $0x4  }
0x140: {  	[tilespmem:$0x1F420] =	vst v61;
	v61 =	vld [tilespmem:s31+$0x4710];
	_ =	sdelay $0x4  }
0x141: {  	[tilespmem:$0x1F470] =	vst v61;
	v61 =	vld [tilespmem:s31+$0x8710];
	_ =	sdelay $0x2  }
0x142: {  	v55 =	vld [tilespmem:s31+$0x4590]  }
0x143: {  	v62 =	vld [tilespmem:s31+$0x8590]  }
0x144: {  	[tilespmem:$0x1F4C0] =	vst v61;
	v61 =	vld [tilespmem:s31+$0xC720]  }
0x145: {  	v56 =	vld [tilespmem:s31+$0x5A0]  }
0x146: {  	v7 =	vmul.f32 v7, v2;
	v58 =	vld [tilespmem:s31+$0x5B0];
	v4 =	vmul.f32 v4, v2  }
0x147: {  	v8 =	vmul.f32 v8, v2;
	v2 =	vmul.f32 v14, v2;
	v14 =	vld [tilespmem:s31+$0x47D0]  }
0x148: {  	v7 =	vadd.f32 v7, v11;
	v4 =	vadd.f32 v4, v10;
	v10 =	vmul.f32 v12, v1;
	v12 =	vld [tilespmem:s31+$0x47C0]  }
0x149: {  	v11 =	vmul.f32 v13, v1;
	v8 =	vadd.f32 v8, v15;
	[tilespmem:$0x1F4A0] =	vst v61;
	v61 =	vld [tilespmem:s31+$0x720]  }
0x14a: {  	v9 =	vmul.f32 v9, v1;
	v1 =	vmul.f32 v21, v1;
	v21 =	vld [tilespmem:s31+$0x47E0];
	v7 =	vadd.f32 v10, v7  }
0x14b: {  	[tilespmem:$0x1EED0] =	vst v62;
	v62 =	vld [tilespmem:s31+$0x45A0];
	v10 =	vmul.f32 v16, v0;
	v16 =	vadd.f32 v11, v8;
	v8 =	vbroadcast v5, $0x4  }
0x14c: {  	v4 =	vadd.f32 v9, v4;
	v9 =	vmul.f32 v17, v0;
	v17 =	vld [tilespmem:s31+$0x7D0]  }
0x14d: {  	v2 =	vadd.f32 v2, v22;
	v22 =	vmul.f32 v29, v8;
	v29 =	vld [tilespmem:s31+$0x800]  }
0x14e: {  	[tilespmem:$0x1F480] =	vst v61;
	v61 =	vld [tilespmem:s31+$0x4720]  }
0x14f: {  	[tilespmem:$0x1F760] =	vst v14;
	v14 =	vadd.f32 v10, v4;
	v10 =	vld [tilespmem:s31+$0x4850]  }
0x150: {  	v15 =	vadd.f32 v9, v7;
	v7 =	vbroadcast v6, $0x4;
	[tilespmem:$0x1F750] =	vst v12;
	v12 =	vld [tilespmem:s31+$0x87C0]  }
0x151: {  	[tilespmem:$0x1EEF0] =	vst v62;
	v62 =	vld [tilespmem:s31+$0xC5B0]  }
0x152: {  	v13 =	vmul.f32 v19, v7;
	v19 =	vld [tilespmem:s31+$0x7E0]  }
0x153: {  	v20 =	vmul.f32 v20, v0;
	[tilespmem:$0x1F4E0] =	vst v61;
	v61 =	vld [tilespmem:s31+$0x8720]  }
0x154: {  	v0 =	vmul.f32 v28, v0;
	v28 =	vmul.f32 v33, v7;
	v33 =	vld [tilespmem:s31+$0x8800]  }
0x155: {  	v18 =	vmul.f32 v18, v7;
	[tilespmem:$0x1F700] =	vst v17;
	v17 =	vld [tilespmem:s31+$0xC7E0]  }
0x156: {  	v16 =	vadd.f32 v20, v16;
	v20 =	vadd.f32 v13, v27;
	v27 =	vld [tilespmem:s31+$0x87E0]  }
0x157: {  	v4 =	vadd.f32 v18, v24;
	v18 =	vld [tilespmem:s31+$0xC7F0]  }
0x158: {  	[tilespmem:$0x1F530] =	vst v61;
	v61 =	vld [tilespmem:s31+$0xC730]  }
0x159: {  	v24 =	vmul.f32 v32, v8;
	v32 =	vld [tilespmem:s31+$0x87F0]  }
0x15a: {  	[tilespmem:$0x1F7E0] =	vst v29;
	v29 =	vld [tilespmem:s31+$0x810]  }
0x15b: {  	[tilespmem:$0x1F850] =	vst v10;
	v10 =	vld [tilespmem:s31+$0x4860]  }
0x15c: {  	[tilespmem:$0x1F780] =	vst v12;
	v12 =	vld [tilespmem:s31+$0xC7D0]  }
0x15d: {  	v1 =	vadd.f32 v1, v2;
	[tilespmem:$0x1F4D0] =	vst v61;
	v61 =	vld [tilespmem:s31+$0x730]  }
0x15e: {  	v13 =	vmul.f32 v23, v7;
	v2 =	vadd.f32 v22, v20;
	v20 =	vld [tilespmem:s31+$0x7F0];
	[tilespmem:$0x1EEE0] =	vst v62  }
0x15f: {  	v62 =	vld [tilespmem:s31+$0x45B0];
	[tilespmem:$0x1F790] =	vst v17;
	v17 =	vadd.f32 v0, v1;
	v1 =	vbroadcast v3, $0x4  }
0x160: {  	[tilespmem:$0x1F7B0] =	vst v21;
	v0 =	vadd.f32 v13, v30;
	v13 =	vld [tilespmem:$0x1EEB0]  }
0x161: {  	[tilespmem:$0x1F770] =	vst v19;
	v21 =	vmul.f32 v37, v1;
	v37 =	vld [tilespmem:s31+$0x47F0]  }
0x162: {  	v19 =	vmul.f32 v26, v7;
	[tilespmem:$0x1F490] =	vst v61;
	v61 =	vld [tilespmem:s31+$0x4730]  }
0x163: {  	v22 =	vmul.f32 v36, v1;
	v36 =	vmul.f32 v43, v8;
	v43 =	vld [tilespmem:s31+$0xC810]  }
0x164: {  	v9 =	vadd.f32 v19, v31;
	v31 =	vmul.f32 v42, v1;
	v42 =	vld [tilespmem:s31+$0x8810]  }
0x165: {  	[tilespmem:$0x1F7F0] =	vst v29;
	v29 =	vld [tilespmem:$0x1EEE0]  }
0x166: {  	v23 =	vmul.f32 v35, v8;
	v30 =	vmul.f32 v44, v1;
	v44 =	vld [tilespmem:s31+$0x840]  }
0x167: {  	[tilespmem:$0x1F4F0] =	vst v61;
	v61 =	vld [tilespmem:s31+$0x8730]  }
0x168: {  	v0 =	vadd.f32 v23, v0;
	[tilespmem:$0x1F740] =	vst v12;
	v12 =	vld [tilespmem:s31+$0x87D0]  }
0x169: {  	v26 =	vadd.f32 v24, v9;
	v9 =	vadd.f32 v28, v40;
	v28 =	vmul.f32 v49, v1;
	v49 =	vld [tilespmem:s31+$0x4820]  }
0x16a: {  	v40 =	vld [tilespmem:s31+$0x8820]  }
0x16b: {  	v19 =	vadd.f32 v21, v2;
	v21 =	vadd.f32 v30, v0;
	v30 =	vmul.f32 v48, v1;
	v48 =	vld [tilespmem:s31+$0x4810]  }
0x16c: {  	v24 =	vmul.f32 v38, v8;
	[tilespmem:$0x1F540] =	vst v61;
	v61 =	vld [tilespmem:s31+$0xC740]  }
0x16d: {  	[tilespmem:$0x1F7C0] =	vst v20;
	v20 =	vadd.f32 v31, v26;
	v31 =	vmul.f32 v46, v8;
	v46 =	vld [tilespmem:s31+$0xC820]  }
0x16e: {  	v26 =	vadd.f32 v24, v9;
	v24 =	vld [tilespmem:$0x1EEC0];
	[tilespmem:$0x1F7A0] =	vst v12;
	v12 =	vmul.f32 v25, v8;
	v25 =	vmul.f32 v34, v7  }
0x16f: {  	v34 =	vld [tilespmem:s31+$0xC800]  }
0x170: {  	v2 =	vadd.f32 v25, v39;
	v39 =	vld [tilespmem:s31+$0x4800]  }
0x171: {  	[tilespmem:$0x1F520] =	vst v61;
	v61 =	vld [tilespmem:s31+$0x740]  }
0x172: {  	v25 =	vmul.f32 v41, v7;
	v41 =	vmul.f32 v52, v1;
	v52 =	vld [tilespmem:s31+$0x820]  }
0x173: {  	v1 =	vmul.f32 v60, v1;
	v60 =	vld [tilespmem:s31+$0xC830]  }
0x174: {  	v35 =	vmul.f32 v47, v7;
	v4 =	vadd.f32 v12, v4;
	v12 =	vld [tilespmem:s31+$0x4830]  }
0x175: {  	v7 =	vbroadcast v6, $0x5;
	v2 =	vadd.f32 v36, v2;
	v36 =	vmovc v6;
	v6 =	vadd.f32 v30, v26;
	v26 =	vld [tilespmem:$0x1EED0]  }
0x176: {  	[tilespmem:$0x1F500] =	vst v61;
	v61 =	vld [tilespmem:s31+$0x4740]  }
0x177: {  	v0 =	vadd.f32 v25, v45;
	v45 =	vmul.f32 v51, v7;
	v51 =	vld [tilespmem:s31+$0x8830]  }
0x178: {  	[tilespmem:$0x1F7D0] =	vst v18;
	v18 =	vadd.f32 v22, v4;
	v4 =	vbroadcast v5, $0x5;
	v30 =	vld [tilespmem:$0x1EEF0]  }
0x179: {  	v8 =	vmul.f32 v53, v8;
	v22 =	vadd.f32 v28, v2;
	v53 =	vadd.f32 v45, v59;
	v59 =	vld [tilespmem:s31+$0x830]  }
0x17a: {  	v2 =	vadd.f32 v35, v54;
	v54 =	vmul.f32 v63, v4;
	v63 =	vmul.f32 v58, v7;
	v58 =	vld [tilespmem:s31+$0xC840]  }
0x17b: {  	v0 =	vadd.f32 v31, v0;
	[tilespmem:$0x1F560] =	vst v61;
	v61 =	vld [tilespmem:s31+$0x8740]  }
0x17c: {  	v35 =	vmul.f32 v62, v4;
	v62 =	vld [tilespmem:s31+$0x4840]  }
0x17d: {  	v47 =	vmul.f32 v50, v7;
	v23 =	vadd.f32 v41, v0;
	v41 =	vld [tilespmem:$0x1EF00]  }
0x17e: {  	v2 =	vadd.f32 v8, v2;
	v8 =	vadd.f32 v54, v53;
	v53 =	vld [tilespmem:s31+$0xC850]  }
0x17f: {  	v0 =	vadd.f32 v47, v57;
	v57 =	vmul.f32 v56, v7;
	v56 =	vld [tilespmem:s31+$0x850]  }
0x180: {  	[tilespmem:$0x1F590] =	vst v61;
	v61 =	vld [tilespmem:s31+$0xC750]  }
0x181: {  	v38 =	vmov v5;
	v5 =	vadd.f32 v1, v2;
	v1 =	vadd.f32 v57, v13;
	v57 =	vld [tilespmem:$0x1EF20]  }
0x182: {  	v55 =	vmul.f32 v55, v4;
	v2 =	vbroadcast v3, $0x5;
	v13 =	vld [tilespmem:$0x1EF40]  }
0x183: {  	v47 =	vld [tilespmem:$0x1EF10]  }
0x184: {  	v0 =	vadd.f32 v55, v0;
	[tilespmem:$0x1F800] =	vst v59;
	v59 =	vld [tilespmem:$0x1EF30];
	v28 =	vmul.f32 v26, v2  }
0x185: {  	v9 =	vadd.f32 v63, v29;
	v25 =	vmul.f32 v24, v2;
	[tilespmem:$0x1F550] =	vst v61;
	v61 =	vld [tilespmem:s31+$0x750]  }
0x186: {  	v24 =	vadd.f32 v28, v0;
	v0 =	vmul.f32 v41, v7;
	v41 =	vld [tilespmem:$0x1EF60]  }
0x187: {  	v25 =	vadd.f32 v25, v8;
	v8 =	vadd.f32 v35, v9;
	v35 =	vld [tilespmem:$0x1EF50]  }
0x188: {  	v50 =	vmul.f32 v47, v7;
	v47 =	vld [tilespmem:$0x1EF70]  }
0x189: {  	v63 =	vmul.f32 v59, v2;
	v59 =	vld [tilespmem:$0x1EF90]  }
0x18a: {  	[tilespmem:$0x1F510] =	vst v61;
	v61 =	vld [tilespmem:s31+$0x4750]  }
0x18b: {  	[tilespmem:$0x1F820] =	vst v44;
	v44 =	vmul.f32 v41, v4;
	v41 =	vld [tilespmem:s31+$0x8850]  }
0x18c: {  	[tilespmem:$0x1F810] =	vst v12;
	v12 =	vld [tilespmem:$0x1EFB0]  }
0x18d: {  	v9 =	vadd.f32 v50, v35;
	v50 =	vmul.f32 v47, v4;
	v47 =	vld [tilespmem:s31+$0xC860]  }
0x18e: {  	v54 =	vld [tilespmem:$0x1EF80]  }
0x18f: {  	v31 =	vmul.f32 v30, v4;
	[tilespmem:$0x1F570] =	vst v61;
	v61 =	vld [tilespmem:s31+$0x8750]  }
0x190: {  	v11 =	vld [tilespmem:$0x1EFA0]  }
0x191: {  	v1 =	vadd.f32 v31, v1;
	v26 =	vmul.f32 v13, v2;
	v13 =	vmul.f32 v12, v2;
	v12 =	vld [tilespmem:s31+$0x8860]  }
0x192: {  	v31 =	vld [tilespmem:$0x1EFC0]  }
0x193: {  	v0 =	vadd.f32 v0, v57;
	v28 =	vadd.f32 v63, v1;
	v1 =	vmul.f32 v54, v7;
	v54 =	vld [tilespmem:s31+$0x860]  }
0x194: {  	[tilespmem:$0x1F5B0] =	vst v61;
	v61 =	vld [tilespmem:s31+$0xC760]  }
0x195: {  	v0 =	vadd.f32 v44, v0;
	v44 =	vld [tilespmem:$0x1EFD0]  }
0x196: {  	v57 =	vadd.f32 v50, v9;
	v50 =	vld [tilespmem:$0x1EFE0]  }
0x197: {  	[tilespmem:$0x1F830] =	vst v56;
	v56 =	vld [tilespmem:$0x1EFF0]  }
0x198: {  	v63 =	vmul.f32 v59, v2;
	v29 =	vadd.f32 v13, v57;
	v57 =	vld [tilespmem:$0x1F000]  }
0x199: {  	[tilespmem:$0x1F5A0] =	vst v61;
	v61 =	vld [tilespmem:s31+$0x760]  }
0x19a: {  	v30 =	vadd.f32 v63, v0;
	v0 =	vmul.f32 v44, v7;
	v44 =	vld [tilespmem:s31+$0xC870]  }
0x19b: {  	v1 =	vadd.f32 v1, v11;
	v35 =	vmul.f32 v31, v4;
	v59 =	vld [tilespmem:$0x1F010]  }
0x19c: {  	v13 =	vld [tilespmem:$0x1F030]  }
0x19d: {  	v1 =	vadd.f32 v35, v1;
	v35 =	vld [tilespmem:$0x1F040]  }
0x19e: {  	v7 =	vbroadcast v36, $0x6;
	[tilespmem:$0x1F580] =	vst v61;
	v61 =	vld [tilespmem:s31+$0x4760]  }
0x19f: {  	v4 =	vmul.f32 v57, v4;
	v57 =	vld [tilespmem:s31+$0x870]  }
0x1a0: {  	[tilespmem:$0x1F840] =	vst v53;
	v53 =	vmul.f32 v50, v2;
	v63 =	vmul.f32 v59, v7;
	v50 =	vld [tilespmem:$0x1F060]  }
0x1a1: {  	v2 =	vmul.f32 v13, v2;
	v13 =	vld [tilespmem:s31+$0x8870]  }
0x1a2: {  	[tilespmem:$0x1F880] =	vst v41;
	v41 =	vadd.f32 v63, v35;
	v63 =	vld [tilespmem:s31+$0x4870]  }
0x1a3: {  	v26 =	vadd.f32 v26, v8;
	v8 =	vbroadcast v38, $0x6;
	[tilespmem:$0x1F5C0] =	vst v61;
	v61 =	vld [tilespmem:s31+$0x8760]  }
0x1a4: {  	[tilespmem:$0x1F8C0] =	vst v44;
	v44 =	vld [tilespmem:$0x1F0B0]  }
0x1a5: {  	v31 =	vadd.f32 v53, v1;
	v53 =	vmul.f32 v50, v8;
	v50 =	vld [tilespmem:s31+$0xC880]  }
0x1a6: {  	v11 =	vld [tilespmem:$0x1F020]  }
0x1a7: {  	[tilespmem:$0x1F860] =	vst v54;
	v0 =	vadd.f32 v0, v56;
	v54 =	vld [tilespmem:$0x1F070]  }
0x1a8: {  	[tilespmem:$0x1F5E0] =	vst v61;
	v61 =	vld [tilespmem:s31+$0xC770]  }
0x1a9: {  	[tilespmem:$0x1F870] =	vst v47;
	v0 =	vadd.f32 v4, v0;
	v47 =	vld [tilespmem:$0x1F050]  }
0x1aa: {  	v45 =	vmov v3;
	v59 =	vld [tilespmem:$0x1F080]  }
0x1ab: {  	v35 =	vadd.f32 v2, v0;
	v2 =	vbroadcast v45, $0x6;
	v4 =	vadd.f32 v53, v41;
	v41 =	vld [tilespmem:$0x1F0A0]  }
0x1ac: {  	v1 =	vmul.f32 v11, v7;
	v56 =	vmul.f32 v54, v8;
	v54 =	vld [tilespmem:$0x1F0E0]  }
0x1ad: {  	[tilespmem:$0x1F5F0] =	vst v61;
	v61 =	vld [tilespmem:s31+$0x770]  }
0x1ae: {  	[tilespmem:$0x1F8D0] =	vst v63;
	v63 =	vld [tilespmem:s31+$0x880];
	v1 =	vadd.f32 v1, v47;
	v47 =	vmul.f32 v44, v2  }
0x1af: {  	v0 =	vmul.f32 v59, v7;
	v11 =	vld [tilespmem:$0x1F090]  }
0x1b0: {  	v44 =	vadd.f32 v47, v4;
	v47 =	vld [tilespmem:s31+$0x8880]  }
0x1b1: {  	v1 =	vadd.f32 v56, v1;
	v0 =	vadd.f32 v0, v41;
	v56 =	vmul.f32 v54, v8;
	v53 =	vld [tilespmem:$0x1F0D0]  }
0x1b2: {  	[tilespmem:$0x1F5D0] =	vst v61;
	v61 =	vld [tilespmem:s31+$0x4770]  }
0x1b3: {  	[tilespmem:$0x1F8B0] =	vst v12;
	v0 =	vadd.f32 v56, v0;
	v56 =	vld [tilespmem:s31+$0xC890]  }
0x1b4: {  	[tilespmem:$0x1F8A0] =	vst v57;
	v12 =	vmul.f32 v11, v7;
	v57 =	vld [tilespmem:$0x1F0F0]  }
0x1b5: {  	[tilespmem:$0x1F900] =	vst v13;
	v13 =	vld [tilespmem:$0x1F0C0]  }
0x1b6: {  	v9 =	vadd.f32 v12, v53;
	v53 =	vld [tilespmem:$0x1F130]  }
0x1b7: {  	[tilespmem:$0x1F600] =	vst v61;
	v61 =	vld [tilespmem:s31+$0x8770]  }
0x1b8: {  	[tilespmem:$0x1F890] =	vst v10;
	v10 =	vld [tilespmem:$0x1F100]  }
0x1b9: {  	[tilespmem:$0x1F920] =	vst v56;
	v56 =	vld [tilespmem:s31+$0x4890];
	v59 =	vmul.f32 v57, v8  }
0x1ba: {  	v11 =	vld [tilespmem:s31+$0x4880]  }
0x1bb: {  	v41 =	vmul.f32 v13, v2;
	v4 =	vadd.f32 v59, v9;
	v59 =	vld [tilespmem:$0x1F160]  }
0x1bc: {  	[tilespmem:$0x1F630] =	vst v61;
	v61 =	vld [tilespmem:s31+$0xC780]  }
0x1bd: {  	v41 =	vadd.f32 v41, v1;
	v1 =	vmul.f32 v10, v7;
	v10 =	vmul.f32 v53, v2;
	v53 =	vld [tilespmem:s31+$0x890]  }
0x1be: {  	v54 =	vld [tilespmem:$0x1F140]  }
0x1bf: {  	[tilespmem:$0x1F910] =	vst v50;
	v50 =	vld [tilespmem:$0x1F120]  }
0x1c0: {  	[tilespmem:$0x1F8E0] =	vst v63;
	v63 =	vmul.f32 v59, v8;
	v59 =	vld [tilespmem:$0x1F190]  }
0x1c1: {  	[tilespmem:$0x1F640] =	vst v61;
	v61 =	vld [tilespmem:s31+$0x780]  }
0x1c2: {  	[tilespmem:$0x1F8F0] =	vst v53;
	v53 =	vadd.f32 v10, v0;
	v10 =	vld [tilespmem:s31+$0x8890]  }
0x1c3: {  	v12 =	vld [tilespmem:$0x1F110]  }
0x1c4: {  	[tilespmem:$0x1F980] =	vst v47;
	v47 =	vld [tilespmem:$0x1F170]  }
0x1c5: {  	v1 =	vadd.f32 v1, v50;
	v57 =	vld [tilespmem:$0x1F150]  }
0x1c6: {  	[tilespmem:$0x1F610] =	vst v61;
	v61 =	vld [tilespmem:s31+$0x4780]  }
0x1c7: {  	[tilespmem:$0x1F930] =	vst v11;
	v11 =	vmul.f32 v54, v2;
	v1 =	vadd.f32 v63, v1;
	v63 =	vmul.f32 v59, v2;
	v59 =	vld [tilespmem:s31+$0xC8A0]  }
0x1c8: {  	v13 =	vmul.f32 v12, v7;
	v12 =	vld [tilespmem:$0x1F1B0]  }
0x1c9: {  	v50 =	vmul.f32 v47, v8;
	v47 =	vadd.f32 v11, v4;
	v11 =	vld [tilespmem:$0x1F1A0]  }
0x1ca: {  	v9 =	vadd.f32 v13, v57;
	v54 =	vld [tilespmem:$0x1F180]  }
0x1cb: {  	[tilespmem:$0x1F660] =	vst v61;
	v61 =	vld [tilespmem:s31+$0x8780]  }
0x1cc: {  	v57 =	vadd.f32 v50, v9;
	v50 =	vld [tilespmem:$0x1F1C0]  }
0x1cd: {  	[tilespmem:$0x1F990] =	vst v10;
	v10 =	vld [tilespmem:s31+$0x88A0]  }
0x1ce: {  	v13 =	vmul.f32 v12, v2;
	v12 =	vld [tilespmem:$0x1F1E0]  }
0x1cf: {  	v1 =	vadd.f32 v63, v1;
	v0 =	vmul.f32 v54, v7;
	v63 =	vld [tilespmem:$0x1F1D0]  }
0x1d0: {  	[tilespmem:$0x1F6B0] =	vst v61;
	v61 =	vld [tilespmem:s31+$0xC790]  }
0x1d1: {  	v0 =	vadd.f32 v0, v11;
	v54 =	vmul.f32 v50, v8;
	v50 =	vld [tilespmem:s31+$0x48A0]  }
0x1d2: {  	[tilespmem:$0x1F970] =	vst v59;
	v59 =	vadd.f32 v13, v57;
	v57 =	vld [tilespmem:$0x1F210]  }
0x1d3: {  	[tilespmem:$0x1F940] =	vst v56;
	v0 =	vadd.f32 v54, v0;
	v54 =	vld [tilespmem:$0x1F1F0]  }
0x1d4: {  	[tilespmem:$0x1FA70] =	vst v1;
	v56 =	vld [tilespmem:$0x1F200]  }
0x1d5: {  	v1 =	vmul.f32 v63, v7;
	v7 =	vbroadcast v36, $0x7;
	[tilespmem:$0x1F650] =	vst v61;
	v61 =	vld [tilespmem:s31+$0x790]  }
0x1d6: {  	v13 =	vmul.f32 v12, v2;
	[tilespmem:$0x1F9B0] =	vst v50;
	v50 =	vld [tilespmem:$0x1F240]  }
0x1d7: {  	v63 =	vmul.f32 v57, v7;
	v57 =	vld [tilespmem:$0x1F260]  }
0x1d8: {  	v0 =	vadd.f32 v13, v0;
	v13 =	vld [tilespmem:$0x1F230]  }
0x1d9: {  	v12 =	vld [tilespmem:s31+$0xC8B0]  }
0x1da: {  	v4 =	vbroadcast v38, $0x7;
	v1 =	vadd.f32 v1, v54;
	v8 =	vmul.f32 v56, v8;
	[tilespmem:$0x1F620] =	vst v61;
	v61 =	vld [tilespmem:s31+$0x4790]  }
0x1db: {  	v54 =	vld [tilespmem:s31+$0x8B0]  }
0x1dc: {  	v1 =	vadd.f32 v8, v1;
	v8 =	vadd.f32 v63, v50;
	v63 =	vmul.f32 v57, v4;
	v11 =	vld [tilespmem:$0x1F220]  }
0x1dd: {  	v2 =	vmul.f32 v13, v2;
	v13 =	vld [tilespmem:s31+$0x48B0]  }
0x1de: {  	v8 =	vadd.f32 v63, v8;
	v63 =	vld [tilespmem:s31+$0xC8C0]  }
0x1df: {  	[tilespmem:$0x1F670] =	vst v61;
	v61 =	vld [tilespmem:s31+$0x8790]  }
0x1e0: {  	v56 =	vld [tilespmem:$0x1F250]  }
0x1e1: {  	[tilespmem:$0x1FAC0] =	vst v0;
	v0 =	vmul.f32 v11, v7;
	v11 =	vld [tilespmem:$0x1F270]  }
0x1e2: {  	v9 =	vld [tilespmem:s31+$0x8A0];
	[tilespmem:$0x1F9A0] =	vst v12  }
0x1e3: {  	[tilespmem:$0x1F960] =	vst v54;
	v54 =	vld [tilespmem:s31+$0x88B0]  }
0x1e4: {  	[tilespmem:$0x1F6C0] =	vst v61;
	v61 =	vld [tilespmem:s31+$0xC7A0]  }
0x1e5: {  	[tilespmem:$0x1F9C0] =	vst v13;
	v13 =	vld [tilespmem:s31+$0x8C0]  }
0x1e6: {  	[tilespmem:$0x1F9F0] =	vst v63;
	v63 =	vld [tilespmem:s31+$0x48C0];
	v0 =	vadd.f32 v0, v56;
	v12 =	vmul.f32 v11, v4  }
0x1e7: {  	v11 =	vld [tilespmem:$0x1F2B0]  }
0x1e8: {  	v0 =	vadd.f32 v12, v0;
	v12 =	vld [tilespmem:$0x1F2C0]  }
0x1e9: {  	[tilespmem:$0x1F6A0] =	vst v61;
	v61 =	vld [tilespmem:s31+$0x7A0]  }
0x1ea: {  	v50 =	vld [tilespmem:$0x1F280]  }
0x1eb: {  	[tilespmem:$0x1FA00] =	vst v10;
	v1 =	vadd.f32 v2, v1;
	v10 =	vld [tilespmem:$0x1F2A0]  }
0x1ec: {  	[tilespmem:$0x1FA10] =	vst v54;
	v54 =	vld [tilespmem:$0x1F2E0]  }
0x1ed: {  	[tilespmem:$0x1FAE0] =	vst v1;
	v56 =	vld [tilespmem:$0x1F290]  }
0x1ee: {  	[tilespmem:$0x1F680] =	vst v61;
	v61 =	vld [tilespmem:s31+$0x47A0]  }
0x1ef: {  	v2 =	vbroadcast v45, $0x7;
	[tilespmem:$0x1F9D0] =	vst v13;
	v13 =	vld [tilespmem:s31+$0x8D0];
	v1 =	vmul.f32 v50, v7  }
0x1f0: {  	[tilespmem:$0x1FA30] =	vst v63;
	v63 =	vld [tilespmem:s31+$0xC8D0]  }
0x1f1: {  	v1 =	vadd.f32 v1, v10;
	v10 =	vmul.f32 v11, v2;
	v50 =	vld [tilespmem:$0x1F2D0]  }
0x1f2: {  	v11 =	vmul.f32 v12, v2;
	v57 =	vmul.f32 v56, v7;
	v56 =	vld [tilespmem:$0x1F2F0]  }
0x1f3: {  	v12 =	vmul.f32 v54, v4;
	[tilespmem:$0x1F6E0] =	vst v61;
	v61 =	vld [tilespmem:s31+$0x87A0]  }
0x1f4: {  	v0 =	vadd.f32 v11, v0;
	v11 =	vld [tilespmem:$0x1F330]  }
0x1f5: {  	v1 =	vadd.f32 v12, v1;
	v12 =	vld [tilespmem:$0x1F340]  }
0x1f6: {  	[tilespmem:$0x1F950] =	vst v9;
	v9 =	vadd.f32 v57, v50;
	v50 =	vld [tilespmem:$0x1F300]  }
0x1f7: {  	v10 =	vadd.f32 v10, v8;
	v57 =	vmul.f32 v56, v4;
	v56 =	vld [tilespmem:$0x1F310]  }
0x1f8: {  	[tilespmem:$0x1F720] =	vst v61;
	v61 =	vld [tilespmem:s31+$0xC7B0]  }
0x1f9: {  	[tilespmem:$0x1FB20] =	vst v10;
	v10 =	vld [tilespmem:$0x1F320]  }
0x1fa: {  	v54 =	vld [tilespmem:s31+$0x88C0]  }
0x1fb: {  	[tilespmem:$0x1FB40] =	vst v0;
	v0 =	vmul.f32 v50, v7;
	v50 =	vld [tilespmem:$0x1F350]  }
0x1fc: {  	v8 =	vadd.f32 v57, v9;
	v57 =	vmul.f32 v56, v7;
	v56 =	vld [tilespmem:$0x1F370]  }
0x1fd: {  	[tilespmem:$0x1F6D0] =	vst v61;
	v61 =	vld [tilespmem:s31+$0x7B0]  }
0x1fe: {  	[tilespmem:$0x1FA20] =	vst v63;
	v63 =	vld [tilespmem:s31+$0x48D0];
	v0 =	vadd.f32 v0, v10;
	v10 =	vmul.f32 v11, v2;
	v11 =	vmul.f32 v12, v2  }
0x1ff: {  	[tilespmem:$0x1FA60] =	vst v54;
	v54 =	vld [tilespmem:$0x1F360]  }
0x200: {  	v9 =	vadd.f32 v57, v50;
	v50 =	vadd.f32 v11, v8;
	v11 =	vld [tilespmem:s31+$0xC8E0]  }
0x201: {  	v57 =	vmul.f32 v56, v4;
	v56 =	vld [tilespmem:s31+$0x88D0]  }
0x202: {  	[tilespmem:$0x1F690] =	vst v61;
	v61 =	vld [tilespmem:s31+$0x47B0]  }
0x203: {  	[tilespmem:$0x1F9E0] =	vst v13;
	v13 =	vld [tilespmem:$0x1F3B0]  }
0x204: {  	v1 =	vadd.f32 v10, v1;
	v8 =	vadd.f32 v57, v9;
	v57 =	vld [tilespmem:$0x1F390]  }
0x205: {  	[tilespmem:$0x1FA40] =	vst v63;
	v9 =	vld [tilespmem:s31+$0x48E0]  }
0x206: {  	v12 =	vmul.f32 v54, v4;
	[tilespmem:$0x1FB70] =	vst v1;
	v54 =	vld [tilespmem:$0x1F380]  }
0x207: {  	[tilespmem:$0x1F6F0] =	vst v61;
	v61 =	vld [tilespmem:s31+$0x87B0]  }
0x208: {  	v0 =	vadd.f32 v12, v0;
	[tilespmem:$0x1FBB0] =	vst v50;
	v12 =	vld [tilespmem:$0x1F3A0]  }
0x209: {  	[tilespmem:$0x1FA80] =	vst v11;
	v50 =	vmul.f32 v13, v2;
	v13 =	vld [tilespmem:s31+$0x88E0]  }
0x20a: {  	[tilespmem:$0x1FA90] =	vst v56;
	v63 =	vmul.f32 v57, v2;
	v57 =	vld [tilespmem:s31+$0x8E0]  }
0x20b: {  	[tilespmem:$0x1FAA0] =	vst v9;
	v10 =	vadd.f32 v50, v8;
	v1 =	vmul.f32 v54, v7;
	v54 =	vld [tilespmem:$0x1F3C0]  }
0x20c: {  	[tilespmem:$0x1F730] =	vst v61;
	v61 =	vld [tilespmem:s31+$0xC7C0]  }
0x20d: {  	v55 =	vld [tilespmem:s31+$0x8840];
	v0 =	vadd.f32 v63, v0;
	[tilespmem:$0x1FBE0] =	vst v10  }
0x20e: {  	[tilespmem:$0x1FAD0] =	vst v13;
	v11 =	vld [tilespmem:$0x1F3E0]  }
0x20f: {  	[tilespmem:$0x1FBD0] =	vst v0;
	v63 =	vld [tilespmem:$0x1F3D0]  }
0x210: {  	[tilespmem:$0x1FA50] =	vst v57;
	v50 =	vld [tilespmem:$0x1F3F0]  }
0x211: {  	v1 =	vadd.f32 v1, v12;
	v56 =	vmul.f32 v54, v4;
	[tilespmem:$0x1F710] =	vst v61;
	v61 =	vld [tilespmem:s31+$0x7C0]  }
0x212: {  	v54 =	vld [tilespmem:$0x1F400]  }
0x213: {  	v1 =	vadd.f32 v56, v1;
	v56 =	vld [tilespmem:$0x1F410]  }
0x214: {  	v0 =	vmul.f32 v63, v7;
	v63 =	vld [tilespmem:s31+$0xC8F0]  }
0x215: {  	v8 =	vld [tilespmem:$0x1F420]  }
0x216: {  	v10 =	vld [tilespmem:s31+$0x8F0]  }
0x217: {  	v12 =	vmul.f32 v11, v2;
	v11 =	vld [tilespmem:$0x1F430]  }
0x218: {  	v13 =	vld [tilespmem:s31+$0x48F0]  }
0x219: {  	v1 =	vadd.f32 v12, v1;
	v12 =	vld [tilespmem:$0x1F440]  }
0x21a: {  	v0 =	vadd.f32 v0, v50;
	v50 =	vld [tilespmem:$0x1F450]  }
0x21b: {  	[tilespmem:s31+$0x104C0] =	vst v15;
	v15 =	vld [tilespmem:$0x1F8D0]  }
0x21c: {  	v7 =	vbroadcast v36, $0x8;
	v4 =	vmul.f32 v54, v4;
	v54 =	vld [tilespmem:$0x1F460]  }
0x21d: {  	[tilespmem:$0x1FB00] =	vst v13;
	v13 =	vld [tilespmem:$0x1F480]  }
0x21e: {  	v57 =	vmul.f32 v56, v7;
	[tilespmem:$0x1FAB0] =	vst v10;
	v10 =	vld [tilespmem:$0x1F4B0]  }
0x21f: {  	v2 =	vmul.f32 v11, v2;
	v11 =	vld [tilespmem:$0x1F4C0]  }
0x220: {  	[tilespmem:$0x1FC20] =	vst v1;
	v1 =	vmul.f32 v8, v7;
	v0 =	vadd.f32 v4, v0;
	v4 =	vadd.f32 v57, v12;
	v57 =	vld [tilespmem:$0x1F470]  }
0x221: {  	v12 =	vld [tilespmem:s31+$0x88F0]  }
0x222: {  	v1 =	vadd.f32 v1, v50;
	v50 =	vld [tilespmem:s31+$0xC900]  }
0x223: {  	v8 =	vbroadcast v38, $0x8;
	[tilespmem:s31+$0x104E0] =	vst v16;
	v16 =	vld [tilespmem:s31+$0xC9A0]  }
0x224: {  	[tilespmem:s31+$0x104D0] =	vst v14;
	v14 =	vld [tilespmem:$0x1F8C0];
	v0 =	vadd.f32 v2, v0  }
0x225: {  	v56 =	vmul.f32 v54, v8;
	v54 =	vld [tilespmem:$0x1F490]  }
0x226: {  	[tilespmem:$0x1FC60] =	vst v0;
	v0 =	vmul.f32 v13, v7;
	v13 =	vld [tilespmem:$0x1F4D0]  }
0x227: {  	[tilespmem:$0x1FAF0] =	vst v63;
	v63 =	vmul.f32 v57, v8;
	v57 =	vld [tilespmem:s31+$0x900]  }
0x228: {  	v2 =	vbroadcast v45, $0x8;
	[tilespmem:$0x1FB50] =	vst v12;
	v12 =	vld [tilespmem:s31+$0x4900]  }
0x229: {  	[tilespmem:$0x1FB60] =	vst v50;
	v50 =	vld [tilespmem:$0x1F4E0]  }
0x22a: {  	v10 =	vmul.f32 v10, v2;
	v4 =	vadd.f32 v56, v4;
	[tilespmem:s31+$0x104F0] =	vst v17;
	v17 =	vld [tilespmem:$0x1F840]  }
0x22b: {  	v11 =	vmul.f32 v11, v2;
	[tilespmem:$0x1FE70] =	vst v16;
	v16 =	vld [tilespmem:$0x1F8E0];
	v1 =	vadd.f32 v63, v1  }
0x22c: {  	v63 =	vld [tilespmem:$0x1F4A0];
	v10 =	vadd.f32 v10, v4  }
0x22d: {  	v56 =	vmul.f32 v54, v7;
	v1 =	vadd.f32 v11, v1;
	v11 =	vld [tilespmem:$0x1F500]  }
0x22e: {  	[tilespmem:$0x1FC80] =	vst v10;
	v10 =	vld [tilespmem:$0x1F530]  }
0x22f: {  	v9 =	vadd.f32 v56, v13;
	v56 =	vld [tilespmem:$0x1F4F0]  }
0x230: {  	v54 =	vmul.f32 v50, v8;
	v50 =	vld [tilespmem:s31+$0xC910]  }
0x231: {  	[tilespmem:$0x1FB90] =	vst v12;
	v12 =	vld [tilespmem:s31+$0x4910]  }
0x232: {  	v13 =	vld [tilespmem:$0x1F550]  }
0x233: {  	v0 =	vadd.f32 v0, v63;
	v63 =	vld [tilespmem:s31+$0x8900]  }
0x234: {  	[tilespmem:s31+$0x10510] =	vst v18;
	v18 =	vld [tilespmem:s31+$0x89B0]  }
0x235: {  	[tilespmem:s31+$0x10520] =	vst v21;
	v21 =	vld [tilespmem:$0x1F900]  }
0x236: {  	[tilespmem:$0x1FB10] =	vst v57;
	v0 =	vadd.f32 v54, v0;
	v54 =	vld [tilespmem:$0x1F510]  }
0x237: {  	[tilespmem:$0x1FC90] =	vst v1;
	v1 =	vmul.f32 v11, v7;
	v11 =	vld [tilespmem:$0x1F540]  }
0x238: {  	v10 =	vmul.f32 v10, v2;
	[tilespmem:$0x1FB80] =	vst v50;
	v50 =	vld [tilespmem:$0x1F560]  }
0x239: {  	v57 =	vmul.f32 v56, v8;
	[tilespmem:$0x1FBA0] =	vst v12;
	v12 =	vld [tilespmem:$0x1F590]  }
0x23a: {  	v0 =	vadd.f32 v10, v0;
	v10 =	vld [tilespmem:$0x1F580]  }
0x23b: {  	v4 =	vadd.f32 v57, v9;
	v57 =	vld [tilespmem:s31+$0x910]  }
0x23c: {  	[tilespmem:$0x1FC00] =	vst v63;
	v63 =	vld [tilespmem:$0x1F520]  }
0x23d: {  	[tilespmem:s31+$0x10530] =	vst v20;
	v20 =	vld [tilespmem:s31+$0xC9C0]  }
0x23e: {  	[tilespmem:s31+$0x10540] =	vst v22;
	v22 =	vld [tilespmem:$0x1F910]  }
0x23f: {  	[tilespmem:$0x1FF10] =	vst v18;
	v18 =	vld [tilespmem:$0x1F9B0];
	v56 =	vmul.f32 v54, v7  }
0x240: {  	v11 =	vmul.f32 v11, v2;
	v54 =	vmul.f32 v50, v8;
	v50 =	vld [tilespmem:$0x1F5A0]  }
0x241: {  	v9 =	vadd.f32 v56, v13;
	v56 =	vld [tilespmem:$0x1F570]  }
0x242: {  	v4 =	vadd.f32 v11, v4;
	v11 =	vld [tilespmem:s31+$0xC920]  }
0x243: {  	v13 =	vld [tilespmem:s31+$0x920]  }
0x244: {  	[tilespmem:$0x1FCD0] =	vst v0;
	v0 =	vmul.f32 v10, v7;
	v10 =	vld [tilespmem:s31+$0xC930]  }
0x245: {  	v1 =	vadd.f32 v1, v63;
	v63 =	vld [tilespmem:s31+$0x8910]  }
0x246: {  	[tilespmem:$0x1FF00] =	vst v20;
	v20 =	vld [tilespmem:$0x1F9C0]  }
0x247: {  	v1 =	vadd.f32 v54, v1;
	v54 =	vld [tilespmem:$0x1F5B0]  }
0x248: {  	[tilespmem:$0x1FB30] =	vst v57;
	v0 =	vadd.f32 v0, v50;
	v50 =	vld [tilespmem:s31+$0x8920]  }
0x249: {  	[tilespmem:$0x1FBC0] =	vst v13;
	v13 =	vld [tilespmem:$0x1F5D0]  }
0x24a: {  	v57 =	vmul.f32 v56, v8;
	[tilespmem:$0x1FBF0] =	vst v11;
	v11 =	vld [tilespmem:$0x1F5F0]  }
0x24b: {  	[tilespmem:$0x1FC30] =	vst v10;
	v10 =	vld [tilespmem:$0x1F650]  }
0x24c: {  	[tilespmem:$0x1FD00] =	vst v4;
	v4 =	vadd.f32 v57, v9;
	v57 =	vld [tilespmem:$0x1F5C0]  }
0x24d: {  	v9 =	vmul.f32 v12, v2;
	v12 =	vld [tilespmem:s31+$0x4920]  }
0x24e: {  	[tilespmem:s31+$0x10590] =	vst v24;
	v24 =	vld [tilespmem:$0x1F920]  }
0x24f: {  	[tilespmem:s31+$0x10580] =	vst v25;
	v25 =	vld [tilespmem:$0x1F930]  }
0x250: {  	[tilespmem:s31+$0x105A0] =	vst v28;
	v28 =	vld [tilespmem:$0x1F9F0];
	v56 =	vmul.f32 v54, v2  }
0x251: {  	v1 =	vadd.f32 v9, v1;
	v9 =	vld [tilespmem:s31+$0x8930]  }
0x252: {  	[tilespmem:$0x1FC10] =	vst v63;
	v54 =	vadd.f32 v56, v4;
	v56 =	vld [tilespmem:$0x1F5E0]  }
0x253: {  	[tilespmem:$0x1FD10] =	vst v1;
	v1 =	vmul.f32 v13, v7;
	v13 =	vld [tilespmem:$0x1F610]  }
0x254: {  	[tilespmem:$0x1FC40] =	vst v12;
	v12 =	vld [tilespmem:$0x1F600]  }
0x255: {  	v63 =	vmul.f32 v57, v8;
	[tilespmem:$0x1FD30] =	vst v54;
	v54 =	vld [tilespmem:$0x1F620]  }
0x256: {  	v1 =	vadd.f32 v1, v11;
	v11 =	vld [tilespmem:$0x1F660]  }
0x257: {  	v0 =	vadd.f32 v63, v0;
	v63 =	vld [tilespmem:s31+$0x930]  }
0x258: {  	v7 =	vbroadcast v36, $0x9;
	v57 =	vmul.f32 v56, v2;
	v56 =	vld [tilespmem:s31+$0x4930]  }
0x259: {  	[tilespmem:s31+$0x105B0] =	vst v26;
	v26 =	vld [tilespmem:$0x1F9E0]  }
0x25a: {  	[tilespmem:$0x1FCB0] =	vst v50;
	v4 =	vbroadcast v38, $0x9;
	v50 =	vmul.f32 v13, v7;
	v13 =	vld [tilespmem:$0x1F670]  }
0x25b: {  	v8 =	vmul.f32 v12, v8;
	v0 =	vadd.f32 v57, v0;
	v57 =	vld [tilespmem:$0x1F630]  }
0x25c: {  	v12 =	vmul.f32 v11, v4;
	v11 =	vld [tilespmem:$0x1F690]  }
0x25d: {  	v1 =	vadd.f32 v8, v1;
	v8 =	vld [tilespmem:$0x1F640]  }
0x25e: {  	[tilespmem:$0x1FD70] =	vst v0;
	v0 =	vmul.f32 v54, v7;
	v54 =	vld [tilespmem:s31+$0xC940]  }
0x25f: {  	[tilespmem:s31+$0x105D0] =	vst v29;
	v29 =	vld [tilespmem:$0x1FA00]  }
0x260: {  	[tilespmem:$0x1FC50] =	vst v56;
	v56 =	vld [tilespmem:$0x1F680]  }
0x261: {  	v2 =	vmul.f32 v57, v2;
	v57 =	vld [tilespmem:s31+$0x940]  }
0x262: {  	[tilespmem:s31+$0x105E0] =	vst v31;
	v31 =	vld [tilespmem:$0x1FA10]  }
0x263: {  	v8 =	vadd.f32 v50, v8;
	v50 =	vmul.f32 v13, v4;
	v13 =	vld [tilespmem:$0x1F6A0]  }
0x264: {  	v0 =	vadd.f32 v0, v10;
	[tilespmem:$0x1FCA0] =	vst v54;
	v54 =	vld [tilespmem:$0x1F6C0]  }
0x265: {  	v1 =	vadd.f32 v2, v1;
	v8 =	vadd.f32 v12, v8;
	v12 =	vld [tilespmem:s31+$0x4940]  }
0x266: {  	v0 =	vadd.f32 v50, v0;
	v50 =	vld [tilespmem:$0x1F6B0]  }
0x267: {  	[tilespmem:$0x1FD80] =	vst v1;
	v1 =	vmul.f32 v56, v7;
	v56 =	vld [tilespmem:s31+$0x8940]  }
0x268: {  	[tilespmem:$0x1FC70] =	vst v57;
	v57 =	vld [tilespmem:$0x1F6D0]  }
0x269: {  	v1 =	vadd.f32 v1, v13;
	v13 =	vld [tilespmem:$0x1F6F0]  }
0x26a: {  	v2 =	vbroadcast v45, $0x9;
	[tilespmem:$0x1FCF0] =	vst v12;
	v12 =	vld [tilespmem:$0x1F6E0]  }
0x26b: {  	[tilespmem:s31+$0x10600] =	vst v44;
	v44 =	vld [tilespmem:$0x1FA40]  }
0x26c: {  	[tilespmem:$0x1FCC0] =	vst v9;
	v9 =	vmul.f32 v11, v7;
	v11 =	vmul.f32 v54, v2;
	v54 =	vld [tilespmem:s31+$0xC950]  }
0x26d: {  	[tilespmem:s31+$0x10610] =	vst v41;
	v41 =	vld [tilespmem:s31+$0x49E0];
	v10 =	vmul.f32 v50, v2  }
0x26e: {  	v0 =	vadd.f32 v11, v0;
	v11 =	vld [tilespmem:$0x1F700];
	v9 =	vadd.f32 v9, v57;
	v50 =	vmul.f32 v13, v4  }
0x26f: {  	v13 =	vld [tilespmem:$0x1F720];
	v12 =	vmul.f32 v12, v4  }
0x270: {  	[tilespmem:$0x1FD20] =	vst v56;
	v56 =	vadd.f32 v10, v8;
	v8 =	vadd.f32 v50, v9;
	v50 =	vld [tilespmem:$0x1F730]  }
0x271: {  	v1 =	vadd.f32 v12, v1;
	v12 =	vld [tilespmem:$0x1F710]  }
0x272: {  	v57 =	vmul.f32 v61, v7;
	v61 =	vld [tilespmem:s31+$0x4950]  }
0x273: {  	[tilespmem:$0x1FCE0] =	vst v54;
	v54 =	vld [tilespmem:s31+$0x950]  }
0x274: {  	[tilespmem:$0x1FDA0] =	vst v56;
	v56 =	vld [tilespmem:s31+$0x8950]  }
0x275: {  	v10 =	vmul.f32 v13, v2;
	v13 =	vld [tilespmem:$0x1F760]  }
0x276: {  	[tilespmem:$0x1FDD0] =	vst v0;
	v9 =	vmul.f32 v11, v7;
	v11 =	vmul.f32 v50, v2;
	v0 =	vadd.f32 v57, v12;
	v57 =	vld [tilespmem:$0x1F740]  }
0x277: {  	v12 =	vld [tilespmem:$0x1F750]  }
0x278: {  	v1 =	vadd.f32 v10, v1;
	v10 =	vadd.f32 v11, v8;
	v11 =	vld [tilespmem:$0x1F770]  }
0x279: {  	[tilespmem:s31+$0x10630] =	vst v47;
	v47 =	vld [tilespmem:$0x1FAF0]  }
0x27a: {  	[tilespmem:$0x1FD50] =	vst v56;
	v56 =	vld [tilespmem:s31+$0x4960]  }
0x27b: {  	[tilespmem:$0x1FE10] =	vst v10;
	v10 =	vld [tilespmem:$0x1F790]  }
0x27c: {  	v50 =	vmul.f32 v13, v4;
	v9 =	vadd.f32 v9, v57;
	v57 =	vld [tilespmem:s31+$0xC960]  }
0x27d: {  	[tilespmem:$0x1FDE0] =	vst v1;
	v12 =	vmul.f32 v12, v4;
	v1 =	vmul.f32 v11, v7;
	v11 =	vld [tilespmem:$0x1F7A0]  }
0x27e: {  	v8 =	vadd.f32 v50, v9;
	v50 =	vld [tilespmem:$0x1F780]  }
0x27f: {  	v0 =	vadd.f32 v12, v0;
	v12 =	vld [tilespmem:$0x1F7B0]  }
0x280: {  	[tilespmem:$0x1FD60] =	vst v56;
	v56 =	vld [tilespmem:$0x1F7C0]  }
0x281: {  	[tilespmem:$0x1FD40] =	vst v57;
	v57 =	vld [tilespmem:s31+$0x960]  }
0x282: {  	v1 =	vadd.f32 v1, v10;
	v10 =	vmul.f32 v11, v2;
	v11 =	vld [tilespmem:$0x1FBB0]  }
0x283: {  	v9 =	vmul.f32 v50, v2;
	v50 =	vld [tilespmem:s31+$0x8960]  }
0x284: {  	v13 =	vmul.f32 v12, v4;
	v4 =	vmul.f32 v37, v4;
	v37 =	vld [tilespmem:$0x1F7E0]  }
0x285: {  	v12 =	vadd.f32 v10, v8;
	v0 =	vadd.f32 v9, v0;
	v9 =	vld [tilespmem:s31+$0xC970]  }
0x286: {  	v8 =	vbroadcast v38, $0xA;
	v1 =	vadd.f32 v13, v1;
	v13 =	vmul.f32 v27, v2;
	v27 =	vld [tilespmem:$0x1F7D0]  }
0x287: {  	[tilespmem:$0x1FE50] =	vst v12;
	v12 =	vld [tilespmem:s31+$0x4970]  }
0x288: {  	[tilespmem:s31+$0x10500] =	vst v19;
	v19 =	vmul.f32 v62, v8;
	v1 =	vadd.f32 v13, v1;
	v13 =	vld [tilespmem:$0x1F7F0]  }
0x289: {  	v62 =	vld [tilespmem:s31+$0x9A0];
	[tilespmem:$0x1FE40] =	vst v0;
	v0 =	vmul.f32 v56, v7;
	v7 =	vbroadcast v36, $0xA  }
0x28a: {  	v56 =	vld [tilespmem:s31+$0x970]  }
0x28b: {  	[tilespmem:$0x1FD90] =	vst v50;
	v50 =	vmul.f32 v37, v7;
	v0 =	vadd.f32 v0, v27;
	v27 =	vld [tilespmem:s31+$0x8970]  }
0x28c: {  	[tilespmem:$0x1FDC0] =	vst v12;
	v12 =	vld [tilespmem:s31+$0xC980]  }
0x28d: {  	[tilespmem:$0x1FE60] =	vst v1;
	v37 =	vadd.f32 v50, v34;
	v50 =	vld [tilespmem:s31+$0x980];
	v1 =	vmul.f32 v13, v7;
	v13 =	vmul.f32 v39, v8  }
0x28e: {  	v34 =	vld [tilespmem:s31+$0x4980]  }
0x28f: {  	v0 =	vadd.f32 v4, v0;
	v4 =	vadd.f32 v13, v37;
	v37 =	vld [tilespmem:$0x1F800]  }
0x290: {  	v2 =	vmul.f32 v32, v2;
	v1 =	vadd.f32 v1, v43;
	v43 =	vld [tilespmem:s31+$0x8980]  }
0x291: {  	v32 =	vmul.f32 v52, v7;
	v13 =	vld [tilespmem:s31+$0xC990]  }
0x292: {  	v0 =	vadd.f32 v2, v0;
	v2 =	vbroadcast v45, $0xA;
	[tilespmem:$0x1FDF0] =	vst v27;
	v27 =	vmul.f32 v48, v8;
	v48 =	vld [tilespmem:s31+$0x990]  }
0x293: {  	[tilespmem:$0x1FE00] =	vst v12;
	v12 =	vld [tilespmem:$0x1F8B0]  }
0x294: {  	[tilespmem:$0x1FEA0] =	vst v0;
	v0 =	vadd.f32 v32, v46;
	v46 =	vmul.f32 v33, v2;
	v32 =	vld [tilespmem:$0x1F810]  }
0x295: {  	v52 =	vmul.f32 v42, v2;
	v42 =	vld [tilespmem:$0x1F830]  }
0x296: {  	[tilespmem:$0x1FE30] =	vst v34;
	v1 =	vadd.f32 v27, v1;
	v34 =	vadd.f32 v46, v4;
	v46 =	vld [tilespmem:s31+$0x8990]  }
0x297: {  	v27 =	vmul.f32 v49, v8;
	v39 =	vmul.f32 v37, v7;
	v37 =	vld [tilespmem:$0x1F820]  }
0x298: {  	v1 =	vadd.f32 v52, v1;
	v52 =	vld [tilespmem:s31+$0x4990]  }
0x299: {  	v0 =	vadd.f32 v27, v0;
	v27 =	vld [tilespmem:$0x1F850]  }
0x29a: {  	[tilespmem:$0x1FED0] =	vst v34;
	v34 =	vld [tilespmem:$0x1F860]  }
0x29b: {  	[tilespmem:$0x1FE20] =	vst v13;
	v13 =	vmul.f32 v12, v2;
	v12 =	vld [tilespmem:$0x1FB00]  }
0x29c: {  	v49 =	vmul.f32 v40, v2;
	[tilespmem:$0x1FE80] =	vst v43;
	v43 =	vmul.f32 v42, v7;
	v42 =	vld [tilespmem:$0x1F870]  }
0x29d: {  	[tilespmem:$0x1FDB0] =	vst v9;
	v9 =	vadd.f32 v39, v60;
	v33 =	vmul.f32 v32, v8;
	v60 =	vld [tilespmem:s31+$0xC9B0]  }
0x29e: {  	v0 =	vadd.f32 v49, v0;
	v49 =	vld [tilespmem:s31+$0x9B0]  }
0x29f: {  	v39 =	vadd.f32 v33, v9;
	v9 =	vadd.f32 v43, v17;
	v43 =	vld [tilespmem:$0x1F880]  }
0x2a0: {  	[tilespmem:$0x1FEE0] =	vst v1;
	v1 =	vmul.f32 v37, v7;
	v37 =	vld [tilespmem:s31+$0x49A0]  }
0x2a1: {  	[tilespmem:$0x1FEF0] =	vst v0;
	v0 =	vmul.f32 v34, v7;
	v34 =	vld [tilespmem:s31+$0x49C0]  }
0x2a2: {  	v1 =	vadd.f32 v1, v58;
	v58 =	vmul.f32 v51, v2;
	v51 =	vld [tilespmem:$0x1F890]  }
0x2a3: {  	v32 =	vmul.f32 v27, v8;
	[tilespmem:$0x1FEB0] =	vst v60;
	v60 =	vld [tilespmem:s31+$0x49B0]  }
0x2a4: {  	v33 =	vadd.f32 v58, v39;
	v58 =	vld [tilespmem:s31+$0x89A0]  }
0x2a5: {  	v39 =	vadd.f32 v32, v9;
	v9 =	vld [tilespmem:$0x1F8A0]  }
0x2a6: {  	v1 =	vadd.f32 v19, v1;
	v19 =	vld [tilespmem:$0x1F8F0]  }
0x2a7: {  	v32 =	vld [tilespmem:$0x1F940]  }
0x2a8: {  	[tilespmem:$0x1FE90] =	vst v46;
	v46 =	vmul.f32 v43, v2;
	v43 =	vld [tilespmem:$0x1F970]  }
0x2a9: {  	v40 =	vmul.f32 v55, v2;
	[tilespmem:$0x1FEC0] =	vst v37;
	v37 =	vld [tilespmem:$0x1F950]  }
0x2aa: {  	v10 =	vadd.f32 v46, v39;
	v39 =	vld [tilespmem:s31+$0x89C0]  }
0x2ab: {  	v1 =	vadd.f32 v40, v1;
	v40 =	vld [tilespmem:$0x1F960]  }
0x2ac: {  	v46 =	vld [tilespmem:$0x1F980]  }
0x2ad: {  	[tilespmem:$0x1FF30] =	vst v34;
	v34 =	vld [tilespmem:$0x1FA30]  }
0x2ae: {  	v55 =	vmul.f32 v51, v8;
	v51 =	vld [tilespmem:s31+$0xC9D0]  }
0x2af: {  	v0 =	vadd.f32 v0, v42;
	v8 =	vmul.f32 v15, v8;
	v15 =	vld [tilespmem:$0x1F990]  }
0x2b0: {  	[tilespmem:$0x1FF50] =	vst v10;
	v10 =	vld [tilespmem:$0x1FC80]  }
0x2b1: {  	v4 =	vbroadcast v38, $0xB;
	[tilespmem:$0x1FF40] =	vst v1;
	v1 =	vmul.f32 v9, v7;
	v0 =	vadd.f32 v55, v0;
	v55 =	vld [tilespmem:s31+$0x9C0]  }
0x2b2: {  	v7 =	vbroadcast v36, $0xB;
	[tilespmem:$0x1FF60] =	vst v39;
	v39 =	vld [tilespmem:s31+$0x9D0]  }
0x2b3: {  	[tilespmem:s31+$0x105F0] =	vst v35;
	v1 =	vadd.f32 v1, v14;
	v35 =	vmul.f32 v34, v4;
	v34 =	vld [tilespmem:s31+$0x49F0]  }
0x2b4: {  	v17 =	vmul.f32 v16, v7;
	v0 =	vadd.f32 v13, v0;
	v42 =	vmul.f32 v40, v7;
	v40 =	vld [tilespmem:s31+$0x89F0]  }
0x2b5: {  	[tilespmem:s31+$0x10560] =	vst v23;
	v27 =	vmul.f32 v25, v4;
	v13 =	vld [tilespmem:$0x1FB10]  }
0x2b6: {  	v2 =	vmul.f32 v21, v2;
	[tilespmem:$0x1FF70] =	vst v0;
	v1 =	vadd.f32 v8, v1;
	v23 =	vadd.f32 v17, v22;
	v17 =	vld [tilespmem:$0x1F9A0]  }
0x2b7: {  	v0 =	vmul.f32 v19, v7;
	[tilespmem:s31+$0x10700] =	vst v10;
	v10 =	vld [tilespmem:$0x1FD00]  }
0x2b8: {  	v1 =	vadd.f32 v2, v1;
	v2 =	vbroadcast v45, $0xB;
	v8 =	vadd.f32 v27, v23;
	v23 =	vld [tilespmem:$0x1F9D0]  }
0x2b9: {  	[tilespmem:s31+$0x10550] =	vst v6;
	v0 =	vadd.f32 v0, v24;
	v24 =	vld [tilespmem:s31+$0x89D0]  }
0x2ba: {  	[tilespmem:$0x1FF20] =	vst v33;
	v33 =	vmul.f32 v32, v4;
	v6 =	vmul.f32 v46, v2;
	v46 =	vld [tilespmem:s31+$0xC9E0]  }
0x2bb: {  	[tilespmem:$0x1FF90] =	vst v1;
	v1 =	vmul.f32 v37, v7;
	v37 =	vld [tilespmem:s31+$0x9E0]  }
0x2bc: {  	v0 =	vadd.f32 v33, v0;
	v33 =	vld [tilespmem:$0x1FA20]  }
0x2bd: {  	v16 =	vmul.f32 v15, v2;
	v15 =	vld [tilespmem:$0x1FB20]  }
0x2be: {  	v9 =	vadd.f32 v42, v17;
	v17 =	vld [tilespmem:$0x1FA50]  }
0x2bf: {  	v42 =	vld [tilespmem:s31+$0xC9F0]  }
0x2c0: {  	[tilespmem:s31+$0x10730] =	vst v10;
	v10 =	vld [tilespmem:$0x1FD80]  }
0x2c1: {  	v21 =	vmul.f32 v20, v4;
	v1 =	vadd.f32 v1, v43;
	v43 =	vld [tilespmem:s31+$0x49D0]  }
0x2c2: {  	v19 =	vmul.f32 v18, v4;
	v22 =	vadd.f32 v6, v8;
	v6 =	vmul.f32 v44, v4;
	v44 =	vld [tilespmem:s31+$0x89E0]  }
0x2c3: {  	v25 =	vadd.f32 v21, v9;
	v21 =	vld [tilespmem:$0x1FA70]  }
0x2c4: {  	v0 =	vadd.f32 v16, v0;
	v1 =	vadd.f32 v19, v1;
	v19 =	vld [tilespmem:$0x1FA60]  }
0x2c5: {  	v32 =	vmul.f32 v31, v2;
	[tilespmem:$0x1FFA0] =	vst v22;
	v22 =	vld [tilespmem:$0x1FA80]  }
0x2c6: {  	v27 =	vmul.f32 v26, v7;
	[tilespmem:$0x1FFB0] =	vst v0;
	v0 =	vmul.f32 v23, v7;
	v23 =	vld [tilespmem:$0x1FA90]  }
0x2c7: {  	v16 =	vadd.f32 v32, v25;
	v25 =	vld [tilespmem:$0x1FAA0]  }
0x2c8: {  	v9 =	vadd.f32 v27, v33;
	v33 =	vld [tilespmem:s31+$0x9F0]  }
0x2c9: {  	v8 =	vbroadcast v36, $0xC;
	v27 =	vld [tilespmem:$0x1FAB0]  }
0x2ca: {  	[tilespmem:s31+$0x105C0] =	vst v30;
	v32 =	vld [tilespmem:s31+$0x4A00]  }
0x2cb: {  	v30 =	vmul.f32 v29, v2;
	[tilespmem:s31+$0x10680] =	vst v15;
	v15 =	vmul.f32 v63, v8;
	v63 =	vld [tilespmem:$0x1FC60]  }
0x2cc: {  	v0 =	vadd.f32 v0, v28;
	v28 =	vld [tilespmem:$0x1FAC0]  }
0x2cd: {  	v1 =	vadd.f32 v30, v1;
	v30 =	vld [tilespmem:$0x1FAD0]  }
0x2ce: {  	[tilespmem:s31+$0x10770] =	vst v10;
	v10 =	vld [tilespmem:$0x1FDD0]  }
0x2cf: {  	[tilespmem:$0x1FFD0] =	vst v16;
	v16 =	vld [tilespmem:$0x1FB30]  }
0x2d0: {  	v18 =	vadd.f32 v6, v9;
	v9 =	vld [tilespmem:$0x1FC70]  }
0x2d1: {  	v0 =	vadd.f32 v35, v0;
	v35 =	vld [tilespmem:$0x1FAE0]  }
0x2d2: {  	[tilespmem:$0x1FFC0] =	vst v1;
	v1 =	vmul.f32 v17, v7;
	v17 =	vld [tilespmem:$0x1FB40]  }
0x2d3: {  	[tilespmem:s31+$0x10640] =	vst v21;
	v21 =	vld [tilespmem:$0x1FB70]  }
0x2d4: {  	v20 =	vmul.f32 v19, v2;
	v19 =	vld [tilespmem:$0x1FB60]  }
0x2d5: {  	[tilespmem:$0x1FF80] =	vst v24;
	v24 =	vmul.f32 v23, v2;
	v23 =	vld [tilespmem:$0x1FB90]  }
0x2d6: {  	v1 =	vadd.f32 v1, v22;
	v22 =	vld [tilespmem:$0x1FB80]  }
0x2d7: {  	v26 =	vmul.f32 v25, v4;
	v25 =	vld [tilespmem:$0x1FBA0]  }
0x2d8: {  	v4 =	vmul.f32 v12, v4;
	v12 =	vld [tilespmem:$0x1FBC0]  }
0x2d9: {  	v31 =	vmul.f32 v30, v2;
	v30 =	vld [tilespmem:s31+$0xA00]  }
0x2da: {  	v29 =	vadd.f32 v24, v18;
	v18 =	vld [tilespmem:$0x1FB50]  }
0x2db: {  	[tilespmem:s31+$0x10660] =	vst v28;
	v28 =	vld [tilespmem:s31+$0x8A10]  }
0x2dc: {  	[tilespmem:s31+$0x10670] =	vst v35;
	v35 =	vld [tilespmem:s31+$0xCA00]  }
0x2dd: {  	v0 =	vadd.f32 v20, v0;
	[tilespmem:$0x1FFF0] =	vst v29;
	v29 =	vld [tilespmem:s31+$0xCA10]  }
0x2de: {  	v14 =	vmul.f32 v13, v8;
	[tilespmem:s31+$0x106A0] =	vst v21;
	v21 =	vld [tilespmem:s31+$0xA10]  }
0x2df: {  	[tilespmem:$0x1FFE0] =	vst v0;
	v0 =	vmul.f32 v27, v7;
	v27 =	vld [tilespmem:$0x1FCD0]  }
0x2e0: {  	v1 =	vadd.f32 v26, v1;
	v20 =	vadd.f32 v14, v19;
	v14 =	vld [tilespmem:$0x1FBD0]  }
0x2e1: {  	v19 =	vld [tilespmem:$0x1FC30]  }
0x2e2: {  	[tilespmem:s31+$0x10650] =	vst v59;
	v59 =	vadd.f32 v31, v1;
	v31 =	vld [tilespmem:$0x1FC50]  }
0x2e3: {  	[tilespmem:s31+$0x10620] =	vst v53;
	v1 =	vbroadcast v38, $0xC;
	v53 =	vadd.f32 v0, v47;
	v0 =	vmul.f32 v16, v8;
	v16 =	vld [tilespmem:$0x1FC10]  }
0x2e4: {  	v13 =	vmul.f32 v12, v8;
	v12 =	vld [tilespmem:$0x1FC90]  }
0x2e5: {  	v24 =	vmul.f32 v23, v1;
	v23 =	vld [tilespmem:$0x1FBE0]  }
0x2e6: {  	v26 =	vmul.f32 v25, v1;
	v25 =	vld [tilespmem:$0x1FC00]  }
0x2e7: {  	v2 =	vmul.f32 v18, v2;
	v18 =	vld [tilespmem:$0x1FC20]  }
0x2e8: {  	v4 =	vadd.f32 v4, v53;
	v53 =	vld [tilespmem:s31+$0x8A00]  }
0x2e9: {  	[tilespmem:s31+$0x10720] =	vst v27;
	v27 =	vld [tilespmem:s31+$0x8A20]  }
0x2ea: {  	v47 =	vadd.f32 v2, v4;
	v4 =	vadd.f32 v24, v20;
	v24 =	vld [tilespmem:$0x1FBF0]  }
0x2eb: {  	v20 =	vld [tilespmem:$0x1FC40]  }
0x2ec: {  	v7 =	vadd.f32 v15, v19;
	v19 =	vld [tilespmem:s31+$0xA20]  }
0x2ed: {  	[tilespmem:s31+$0x106C0] =	vst v14;
	v14 =	vld [tilespmem:$0x1FCA0]  }
0x2ee: {  	[tilespmem:s31+$0x10690] =	vst v17;
	v3 =	vadd.f32 v0, v22;
	v0 =	vbroadcast v45, $0xC;
	v15 =	vld [tilespmem:$0x1FCB0]  }
0x2ef: {  	v2 =	vmul.f32 v31, v1;
	[tilespmem:s31+$0x10710] =	vst v12;
	v12 =	vld [tilespmem:s31+$0xA30]  }
0x2f0: {  	v3 =	vadd.f32 v26, v3;
	v17 =	vmul.f32 v16, v0;
	[tilespmem:s31+$0x106D0] =	vst v23;
	v23 =	vld [tilespmem:s31+$0x4A10]  }
0x2f1: {  	v6 =	vadd.f32 v2, v7;
	v7 =	vld [tilespmem:$0x1FD60]  }
0x2f2: {  	[tilespmem:s31+$0x106F0] =	vst v63;
	v26 =	vmul.f32 v25, v0;
	v63 =	vadd.f32 v17, v3;
	v17 =	vld [tilespmem:$0x1FCC0]  }
0x2f3: {  	v3 =	vmul.f32 v9, v8;
	v9 =	vld [tilespmem:$0x1FCF0]  }
0x2f4: {  	v31 =	vadd.f32 v26, v4;
	v26 =	vld [tilespmem:s31+$0xCA20]  }
0x2f5: {  	v4 =	vld [tilespmem:$0x1FCE0]  }
0x2f6: {  	[tilespmem:s31+$0x10570] =	vst v5;
	v16 =	vmul.f32 v15, v0;
	v15 =	vld [tilespmem:$0x1FD10]  }
0x2f7: {  	[tilespmem:s31+$0x106B0] =	vst v11;
	v22 =	vmul.f32 v20, v1;
	v20 =	vld [tilespmem:$0x1FD30]  }
0x2f8: {  	[tilespmem:s31+$0x106E0] =	vst v18;
	v5 =	vadd.f32 v13, v24;
	v3 =	vadd.f32 v3, v14;
	v14 =	vld [tilespmem:s31+$0x4A30]  }
0x2f9: {  	v11 =	vmul.f32 v54, v8;
	[tilespmem:s31+$0x10900] =	vst v31;
	v31 =	vld [tilespmem:s31+$0x4AA0];
	v18 =	vmul.f32 v17, v0  }
0x2fa: {  	v13 =	vadd.f32 v22, v5;
	v5 =	vld [tilespmem:$0x1FD40]  }
0x2fb: {  	v2 =	vadd.f32 v11, v4;
	v4 =	vmul.f32 v9, v1;
	v25 =	vadd.f32 v18, v6;
	v6 =	vld [tilespmem:$0x1FD50]  }
0x2fc: {  	v56 =	vmul.f32 v56, v8;
	v11 =	vmul.f32 v57, v8;
	v8 =	vld [tilespmem:$0x1FDC0]  }
0x2fd: {  	v4 =	vadd.f32 v4, v3;
	v3 =	vmul.f32 v7, v1;
	v7 =	vld [tilespmem:$0x1FDB0]  }
0x2fe: {  	v61 =	vmul.f32 v61, v1;
	v22 =	vld [tilespmem:s31+$0x4A20]  }
0x2ff: {  	v17 =	vld [tilespmem:s31+$0xCA30]  }
0x300: {  	v24 =	vadd.f32 v16, v13;
	v16 =	vld [tilespmem:$0x1FD20];
	v61 =	vadd.f32 v61, v2;
	v2 =	vmul.f32 v6, v0  }
0x301: {  	v9 =	vld [tilespmem:$0x1FD70];
	v54 =	vadd.f32 v11, v5  }
0x302: {  	[tilespmem:s31+$0x10750] =	vst v20;
	v11 =	vld [tilespmem:$0x1FD90];
	v56 =	vadd.f32 v56, v7;
	v20 =	vadd.f32 v2, v61;
	v2 =	vmul.f32 v8, v1  }
0x303: {  	v8 =	vld [tilespmem:$0x1FE30]  }
0x304: {  	v2 =	vadd.f32 v2, v56;
	v56 =	vld [tilespmem:$0x1FDF0]  }
0x305: {  	[tilespmem:s31+$0x10740] =	vst v15;
	v15 =	vld [tilespmem:$0x1FDE0]  }
0x306: {  	[tilespmem:s31+$0x10920] =	vst v24;
	v24 =	vld [tilespmem:s31+$0xCAB0];
	v18 =	vmul.f32 v16, v0  }
0x307: {  	v5 =	vld [tilespmem:$0x1FE00];
	v1 =	vbroadcast v38, $0xD  }
0x308: {  	v16 =	vld [tilespmem:s31+$0xCA40];
	v57 =	vadd.f32 v18, v4;
	v4 =	vbroadcast v36, $0xD;
	v13 =	vmul.f32 v11, v0  }
0x309: {  	v56 =	vmul.f32 v56, v0;
	v0 =	vmul.f32 v8, v1;
	v8 =	vld [tilespmem:$0x1FE70]  }
0x30a: {  	[tilespmem:s31+$0x10760] =	vst v9;
	v6 =	vld [tilespmem:$0x1FDA0];
	v9 =	vmul.f32 v50, v4  }
0x30b: {  	v54 =	vadd.f32 v3, v54;
	[tilespmem:s31+$0x107A0] =	vst v15;
	v15 =	vld [tilespmem:s31+$0x8A40]  }
0x30c: {  	[tilespmem:s31+$0x10790] =	vst v10;
	v10 =	vmul.f32 v62, v4;
	v3 =	vadd.f32 v9, v5;
	v9 =	vld [tilespmem:$0x1FE40]  }
0x30d: {  	v18 =	vld [tilespmem:s31+$0x8A30];
	v54 =	vadd.f32 v13, v54  }
0x30e: {  	v13 =	vadd.f32 v56, v2;
	v56 =	vadd.f32 v10, v8;
	v8 =	vld [tilespmem:$0x1FEB0]  }
0x30f: {  	v7 =	vld [tilespmem:$0x1FE20]  }
0x310: {  	v5 =	vld [tilespmem:$0x1FE50]  }
0x311: {  	v49 =	vmul.f32 v49, v4;
	[tilespmem:s31+$0x107C0] =	vst v9;
	v9 =	vld [tilespmem:$0x1FE80]  }
0x312: {  	v50 =	vld [tilespmem:s31+$0xA40];
	v11 =	vmul.f32 v48, v4  }
0x313: {  	v49 =	vadd.f32 v49, v8;
	v8 =	vld [tilespmem:$0x1FED0]  }
0x314: {  	v48 =	vld [tilespmem:s31+$0x4A40];
	v62 =	vbroadcast v45, $0xD;
	v52 =	vmul.f32 v52, v1;
	v61 =	vadd.f32 v11, v7  }
0x315: {  	[tilespmem:s31+$0x10940] =	vst v57;
	v57 =	vld [tilespmem:s31+$0xAD0]  }
0x316: {  	[tilespmem:s31+$0x107D0] =	vst v5;
	v5 =	vadd.f32 v0, v3;
	v3 =	vadd.f32 v52, v61;
	v10 =	vld [tilespmem:$0x1FE90];
	v61 =	vmul.f32 v9, v62  }
0x317: {  	[tilespmem:s31+$0x10950] =	vst v20;
	v20 =	vld [tilespmem:s31+$0x4AB0]  }
0x318: {  	[tilespmem:s31+$0x10800] =	vst v8;
	v8 =	vadd.f32 v61, v5;
	v5 =	vld [tilespmem:$0x1FEE0]  }
0x319: {  	[tilespmem:s31+$0x10780] =	vst v6;
	v6 =	vld [tilespmem:$0x1FE10]  }
0x31a: {  	v11 =	vld [tilespmem:s31+$0xCA50]  }
0x31b: {  	v37 =	vmul.f32 v37, v4;
	v0 =	vmul.f32 v10, v62;
	v10 =	vld [tilespmem:$0x1FEC0]  }
0x31c: {  	v61 =	vld [tilespmem:$0x1FF00]  }
0x31d: {  	v41 =	vmul.f32 v41, v1;
	v37 =	vadd.f32 v37, v46;
	[tilespmem:s31+$0x10810] =	vst v5;
	v5 =	vld [tilespmem:$0x1FF10]  }
0x31e: {  	v7 =	vld [tilespmem:$0x1FE60]  }
0x31f: {  	v60 =	vmul.f32 v60, v1;
	[tilespmem:s31+$0x10960] =	vst v54;
	v54 =	vld [tilespmem:s31+$0xCAD0];
	v37 =	vadd.f32 v41, v37;
	v41 =	vmul.f32 v44, v62  }
0x320: {  	v44 =	vld [tilespmem:s31+$0xA80];
	v2 =	vmul.f32 v10, v1;
	v10 =	vadd.f32 v0, v3;
	v3 =	vmul.f32 v55, v4  }
0x321: {  	v49 =	vadd.f32 v60, v49;
	v60 =	vld [tilespmem:$0x1FEF0]  }
0x322: {  	[tilespmem:s31+$0x107B0] =	vst v6;
	v6 =	vld [tilespmem:s31+$0xA50];
	v3 =	vadd.f32 v3, v61;
	v61 =	vmul.f32 v5, v62  }
0x323: {  	v52 =	vld [tilespmem:s31+$0x4A50]  }
0x324: {  	v49 =	vadd.f32 v61, v49;
	v61 =	vld [tilespmem:$0x1FF50]  }
0x325: {  	[tilespmem:s31+$0x107E0] =	vst v7;
	v7 =	vld [tilespmem:$0x1FEA0]  }
0x326: {  	[tilespmem:s31+$0x10820] =	vst v60;
	v60 =	vmul.f32 v58, v62;
	v58 =	vld [tilespmem:$0x1FF20]  }
0x327: {  	[tilespmem:s31+$0x10970] =	vst v13;
	v13 =	vld [tilespmem:s31+$0x8AC0]  }
0x328: {  	v9 =	vld [tilespmem:s31+$0x8A50]  }
0x329: {  	[tilespmem:s31+$0x10850] =	vst v61;
	v61 =	vld [tilespmem:$0x1FF70]  }
0x32a: {  	[tilespmem:s31+$0x107F0] =	vst v7;
	v7 =	vld [tilespmem:s31+$0xCA60]  }
0x32b: {  	[tilespmem:s31+$0x10830] =	vst v58;
	v58 =	vld [tilespmem:$0x1FF30]  }
0x32c: {  	v55 =	vld [tilespmem:s31+$0xA60]  }
0x32d: {  	v0 =	vld [tilespmem:s31+$0xCA70]  }
0x32e: {  	v39 =	vmul.f32 v39, v4;
	[tilespmem:s31+$0x10860] =	vst v61;
	v61 =	vld [tilespmem:$0x1FF90]  }
0x32f: {  	v4 =	vmul.f32 v33, v4;
	v2 =	vadd.f32 v2, v56;
	v56 =	vld [tilespmem:s31+$0x4A60]  }
0x330: {  	v39 =	vadd.f32 v39, v51;
	v33 =	vbroadcast v36, $0xE;
	v51 =	vmul.f32 v58, v1;
	v58 =	vld [tilespmem:$0x1FF40]  }
0x331: {  	v4 =	vadd.f32 v4, v42;
	v42 =	vld [tilespmem:s31+$0x8A80]  }
0x332: {  	[tilespmem:s31+$0x108E0] =	vst v59;
	v59 =	vmul.f32 v50, v33;
	v50 =	vld [tilespmem:s31+$0x4AC0]  }
0x333: {  	[tilespmem:s31+$0x10870] =	vst v61;
	v61 =	vld [tilespmem:$0x1FFA0]  }
0x334: {  	v30 =	vmul.f32 v30, v33;
	v2 =	vadd.f32 v60, v2;
	v60 =	vld [tilespmem:s31+$0xA70]  }
0x335: {  	v21 =	vmul.f32 v21, v33;
	[tilespmem:s31+$0x10840] =	vst v58;
	v58 =	vld [tilespmem:$0x1FF60]  }
0x336: {  	v37 =	vadd.f32 v41, v37;
	v30 =	vadd.f32 v30, v35;
	v35 =	vld [tilespmem:s31+$0xCA90]  }
0x337: {  	v41 =	vbroadcast v38, $0xE;
	v19 =	vmul.f32 v19, v33;
	v21 =	vadd.f32 v21, v29;
	v29 =	vld [tilespmem:s31+$0xA90]  }
0x338: {  	v43 =	vmul.f32 v43, v1;
	[tilespmem:s31+$0x10880] =	vst v61;
	v61 =	vld [tilespmem:$0x1FFB0]  }
0x339: {  	v32 =	vmul.f32 v32, v41;
	v12 =	vmul.f32 v12, v33;
	v19 =	vadd.f32 v19, v26;
	v26 =	vld [tilespmem:s31+$0xCAA0]  }
0x33a: {  	v39 =	vadd.f32 v43, v39;
	v6 =	vmul.f32 v6, v33;
	v43 =	vmul.f32 v58, v62;
	v58 =	vld [tilespmem:$0x1FF80]  }
0x33b: {  	v23 =	vmul.f32 v23, v41;
	v12 =	vadd.f32 v12, v17;
	v17 =	vld [tilespmem:s31+$0xAA0];
	v1 =	vmul.f32 v34, v1  }
0x33c: {  	[tilespmem:s31+$0x10910] =	vst v63;
	v22 =	vmul.f32 v22, v41;
	v14 =	vmul.f32 v14, v41;
	v6 =	vadd.f32 v6, v11;
	v11 =	vld [tilespmem:s31+$0x8AB0]  }
0x33d: {  	v63 =	vmul.f32 v52, v41;
	v1 =	vadd.f32 v1, v4;
	v4 =	vbroadcast v45, $0xE;
	[tilespmem:s31+$0x10890] =	vst v61;
	v61 =	vld [tilespmem:$0x1FFD0]  }
0x33e: {  	[tilespmem:s31+$0x108F0] =	vst v47;
	v16 =	vadd.f32 v59, v16;
	v21 =	vadd.f32 v23, v21;
	v23 =	vld [tilespmem:s31+$0x8A90];
	v47 =	vmul.f32 v60, v33  }
0x33f: {  	v30 =	vadd.f32 v32, v30;
	v60 =	vld [tilespmem:s31+$0x4AD0];
	v28 =	vmul.f32 v28, v4;
	v46 =	vmul.f32 v58, v62  }
0x340: {  	v19 =	vadd.f32 v22, v19;
	v12 =	vadd.f32 v14, v12;
	[tilespmem:s31+$0x109A0] =	vst v2;
	v2 =	vbroadcast v45, $0xF;
	v5 =	vld [tilespmem:s31+$0x8A60]  }
0x341: {  	v21 =	vadd.f32 v28, v21;
	v28 =	vmul.f32 v55, v33;
	v39 =	vadd.f32 v46, v39;
	v46 =	vld [tilespmem:$0x1FFC0]  }
0x342: {  	v6 =	vadd.f32 v63, v6;
	v32 =	vmul.f32 v56, v41;
	[tilespmem:s31+$0x108B0] =	vst v61;
	v61 =	vmul.f32 v40, v62;
	v62 =	vld [tilespmem:$0x1FFE0]  }
0x343: {  	v11 =	vmul.f32 v11, v2;
	v0 =	vadd.f32 v47, v0;
	v34 =	vld [tilespmem:s31+$0x4A80];
	v7 =	vadd.f32 v28, v7  }
0x344: {  	[tilespmem:s31+$0x10930] =	vst v25;
	v23 =	vmul.f32 v23, v2;
	v3 =	vadd.f32 v51, v3;
	v51 =	vld [tilespmem:s31+$0x4A70];
	v53 =	vmul.f32 v53, v4  }
0x345: {  	[tilespmem:s31+$0x109E0] =	vst v37;
	v18 =	vmul.f32 v18, v4;
	v5 =	vmul.f32 v5, v4;
	v7 =	vadd.f32 v32, v7;
	v58 =	vld [tilespmem:s31+$0x8A70]  }
0x346: {  	v15 =	vmul.f32 v15, v4;
	[tilespmem:s31+$0x108A0] =	vst v46;
	v46 =	vld [tilespmem:$0x1FFF0];
	v1 =	vadd.f32 v61, v1;
	v61 =	vmul.f32 v27, v4  }
0x347: {  	v5 =	vadd.f32 v5, v7;
	v7 =	vbroadcast v38, $0xF;
	v40 =	vld [tilespmem:s31+$0x4A90];
	[tilespmem:s31+$0x108C0] =	vst v62;
	v62 =	vmul.f32 v48, v41  }
0x348: {  	[tilespmem:s31+$0x10980] =	vst v8;
	v9 =	vmul.f32 v9, v4;
	v30 =	vadd.f32 v53, v30;
	v19 =	vadd.f32 v61, v19;
	v61 =	vld [tilespmem:s31+$0x8AD0]  }
0x349: {  	[tilespmem:s31+$0x10990] =	vst v10;
	v51 =	vmul.f32 v51, v41;
	v37 =	vmul.f32 v31, v7;
	v27 =	vld [tilespmem:s31+$0xAB0];
	v16 =	vadd.f32 v62, v16  }
0x34a: {  	[tilespmem:s31+$0x109B0] =	vst v49;
	v3 =	vadd.f32 v43, v3;
	v20 =	vmul.f32 v20, v7;
	v47 =	vmul.f32 v60, v7;
	v48 =	vld [tilespmem:s31+$0xAC0]  }
0x34b: {  	v43 =	vld [tilespmem:s31+$0xCA80];
	v55 =	vmul.f32 v58, v4;
	[tilespmem:s31+$0x108D0] =	vst v46;
	v46 =	vadd.f32 v15, v16;
	v16 =	vbroadcast v36, $0xF  }
0x34c: {  	v12 =	vadd.f32 v18, v12;
	v18 =	vld [tilespmem:s31+$0xCAC0];
	[tilespmem:s31+$0x10A00] =	vst v30;
	v58 =	vmul.f32 v34, v7;
	v59 =	vmul.f32 v40, v7  }
0x34d: {  	[tilespmem:s31+$0x10A10] =	vst v21;
	v0 =	vadd.f32 v51, v0;
	v38 =	vld [tilespmem:s31+$0x4AE0];
	v60 =	vmul.f32 v61, v2;
	v52 =	vmul.f32 v44, v16  }
0x34e: {  	v14 =	vld [tilespmem:s31+$0x8AA0];
	v6 =	vadd.f32 v9, v6;
	[tilespmem:s31+$0x10A30] =	vst v12;
	v53 =	vmul.f32 v29, v16;
	v17 =	vmul.f32 v17, v16  }
0x34f: {  	v45 =	vld [tilespmem:s31+$0x4AF0];
	[tilespmem:s31+$0x109D0] =	vst v39;
	v0 =	vadd.f32 v55, v0;
	v33 =	vmul.f32 v27, v16;
	v39 =	vmul.f32 v48, v16  }
0x350: {  	[tilespmem:s31+$0x10A50] =	vst v6;
	v36 =	vld [tilespmem:s31+$0xAE0];
	v4 =	vmul.f32 v57, v16;
	v56 =	vadd.f32 v52, v43;
	v15 =	vadd.f32 v53, v35  }
0x351: {  	v40 =	vld [tilespmem:s31+$0xAF0];
	[tilespmem:s31+$0x10A40] =	vst v46;
	v46 =	vmul.f32 v50, v7;
	v17 =	vadd.f32 v17, v26;
	v10 =	vadd.f32 v33, v24  }
0x352: {  	[tilespmem:s31+$0x109C0] =	vst v3;
	v34 =	vld [tilespmem:s31+$0xCAE0];
	v57 =	vmul.f32 v38, v7;
	v44 =	vadd.f32 v39, v18;
	v4 =	vadd.f32 v4, v54  }
0x353: {  	[tilespmem:s31+$0x10A60] =	vst v5;
	v35 =	vmul.f32 v42, v2;
	v42 =	vld [tilespmem:s31+$0xCAF0];
	v62 =	vadd.f32 v58, v56;
	v63 =	vadd.f32 v59, v15  }
0x354: {  	[tilespmem:s31+$0x10A70] =	vst v0;
	v48 =	vld [tilespmem:s31+$0x8AE0];
	v43 =	vmul.f32 v14, v2;
	v41 =	vadd.f32 v37, v17;
	v10 =	vadd.f32 v20, v10  }
0x355: {  	[tilespmem:s31+$0x109F0] =	vst v1;
	v52 =	vld [tilespmem:s31+$0x8AF0];
	v51 =	vmul.f32 v36, v16;
	v53 =	vadd.f32 v46, v44;
	v1 =	vadd.f32 v35, v62  }
0x356: {  	[tilespmem:s31+$0x10A20] =	vst v19;
	v54 =	vmul.f32 v40, v16;
	v4 =	vadd.f32 v47, v4;
	v3 =	vadd.f32 v23, v63  }
0x357: {  	v56 =	vmul.f32 v13, v2;
	v55 =	vadd.f32 v51, v34;
	v49 =	vadd.f32 v43, v41;
	[tilespmem:s31+$0x10A80] =	vst v1  }
0x358: {  	v59 =	vmul.f32 v45, v7;
	v50 =	vadd.f32 v11, v10;
	v58 =	vadd.f32 v54, v42;
	[tilespmem:s31+$0x10A90] =	vst v3  }
0x359: {  	p0 =	sne.s32 s29, $0x7;
	v61 =	vmul.f32 v48, v2;
	v0 =	vadd.f32 v56, v53;
	[tilespmem:s31+$0x10AA0] =	vst v49;
	v1 =	vadd.f32 v57, v55  }
.Ltmp0:
0x35a: {  	v4 =	vadd.f32 v60, v4;
	v2 =	vmul.f32 v52, v2;
	[tilespmem:s31+$0x10AB0] =	vst v50;
	v3 =	vadd.f32 v59, v58;
	(pc) =	sbr.rel @p0 .LBB2_3-.Ltmp0, $4  }
0x35b: {  	[tilespmem:s31+$0x10AC0] =	vst v0;
	v62 =	vadd.f32 v61, v1  }
0x35c: {  	[tilespmem:s31+$0x10AD0] =	vst v4;
	v63 =	vadd.f32 v2, v3  }
0x35d: {  	[tilespmem:s31+$0x10AE0] =	vst v62  }
0x35e: {  	s29 =	sadd.s32 $0x1, s29;
	[tilespmem:s31+$0x10AF0] =	vst v63  }
0x35f: {  	s28 =	sadd.s32 $0x1, s28  }
0x360: {  	p0 =	sne.s32 s28, $0x10  }
.Ltmp1:
0x361: {  	s0 =	sadd.s32 s11, s30;
	(pc) =	sbr.rel @p0 .LBB2_2-.Ltmp1, $4  }
0x362: {  	[hbm4b:s0+s2] =	stream.linear.scatter [tilespmem:s25], [sflag:$0x2], $0x4000, $0x38;
	[tilespmem:$0x14300] =	vst v63  }
0x363: {  	_ =	swait.ge [sflag:s14], $0x4000  }
0x364: {  	[sflag:s14] =	ssyncset.done $0x0  }
0x365: {  	[sflag:s14] =	ssyncadd.s32 $0xFFFFC000  }
0x366: {  	s26 =	sadd.s32 $0x1, s26  }
0x367: {  	p0 =	sne.s32 s26, s13  }
.Ltmp2:
0x368: {  	_ = 	snop;
	(pc) =	sbr.rel @p0 .LBB2_1-.Ltmp2, $1  }
0x369: {  	_ =	sdelay $0x3  }
0x36a: {  	_ =	sfence.sel $0x180000  }
0x36b: {  	[bflag:$0x0] =	sbarrier.arrive $0xFFFF  }
0x36c: {  	_ =	strace $0x90000047  }
0x36d: {  	[bflag:$0x2] =	sbarrier.arrive $0xFFFF  }
0x36e: {  	p0 =	sne.s32 s8, $0x0;
	s0 =	rddreg [dreg:$0x2]  }
0x36f: {  	s0 =	sadd.s32 @!p0 $0x100000, s0  }
0x370: {  	[sflag:s0] =	ssyncadd.tile.s32 @!p0 $0x1;
	_ =	shalt  }
.Lfunc_end2:
_tile_overlayer_lowered:
.L_overlay_start_2:
0x371: {  	(tag) =	ssettag $0x2  }
0x372: {  	s0 =	rddreg [dreg:$0x0];
	s2 =	stileid.u32  }
0x373: {  	s1 =	rddreg [dreg:$0x1];
	p0 =	sne.s32 s2, $0x0  }
0x374: {  	s3 =	rddreg [dreg:$0x2];
	[bflag:$0x3] =	sbarrier.arrive $0xFFFF;
	s2 =	simm.s32 @!p0 $0x1C02  }
0x375: {  	[timem:s3], [sflag:s2] =	dma.local @!p0 [hbm:s0], s1  }
0x376: {  	s0 =	simm.s32 @!p0 $0x2  }
0x377: {  	_ =	swait.ge @!p0 [sflag:s0], s1  }
0x378: {  	s1 =	ssub.s32 @!p0 $0x0, s1;
	[sflag:s0] =	ssyncset.done @!p0 $0x0  }
0x379: {  	[sflag:s0] =	ssyncadd.s32 @!p0 s1  }
0x37a: {  	[bflag:$0x3] =	sbarrier.arrive $0xFFFF  }
0x37b: {  	_ =	shalt  }

</sc_bundles>
